<compile_context>
chip_gen: v7x
topology: tpu7x:2x2x1
jax: 0.10.2.dev20260603
libtpu: 0.0.44.dev20260713+nightly
codegen_flags: <defaults>
</compile_context>

<pallas_src>
import functools

import jax
import jax.numpy as jnp
from jax import lax
from jax.experimental import pallas as pl
from jax.experimental.pallas import tpu as pltpu
from jax.experimental.pallas import tpu_sc as plsc

N = 10000
E = 320000
D_IN = 128
H = 16
L_EXTRA = 4

NC = 2
NS = 16
NW = NC * NS
PER_W = 10240
E_PAD = NW * PER_W
N_PAD = 10112
ROWS_PER_TILE = N_PAD // NS


def _make_sc_agg(F, chunk, split=False):
    per_w = (E_PAD // NS) if split else PER_W
    nchunk = per_w // chunk
    zrows = ROWS_PER_TILE
    groups = F // H

    def body(h_hbm, src_hbm, dst_hbm, out_hbm,
             srcv0, srcv1, dstv0, dstv1, rows0, rows1, acc,
             gsem0, gsem1, ssem0, ssem1):
        cid = lax.axis_index("c")
        sid = lax.axis_index("s")
        srcv = (srcv0, srcv1)
        dstv = (dstv0, dstv1)
        rows = (rows0, rows1)
        gsem = (gsem0, gsem1)
        ssem = (ssem0, ssem1)

        zr = min(chunk, zrows)

        def _z(i, _):
            for g in range(groups):
                rows0[i, pl.ds(g * H, H)] = jnp.zeros((H,), jnp.float32)
            return 0

        lax.fori_loop(0, zr, _z, 0)
        off = 0
        while off < zrows:
            t = min(zr, zrows - off)
            pltpu.sync_copy(rows0.at[pl.ds(0, t)],
                            acc.at[pl.ds(sid * zrows + off, t)])
            off += t
        plsc.subcore_barrier()

        base = sid * per_w if split else (cid * NS + sid) * per_w

        def load_idx(j):
            b = j % 2
            o = base + j * chunk
            so = cid * E_PAD + o if split else o
            pltpu.sync_copy(src_hbm.at[pl.ds(so, chunk)], srcv[b])
            pltpu.sync_copy(dst_hbm.at[pl.ds(o, chunk)], dstv[b])

        def start_gather(j):
            b = j % 2
            return pltpu.async_copy(h_hbm.at[srcv[b]], rows[b], gsem[b])

        load_idx(0)
        g = [None] * nchunk
        s = [None] * nchunk
        g[0] = start_gather(0)
        for j in range(nchunk):
            b = j % 2
            g[j].wait()
            s[j] = pltpu.async_copy(rows[b], acc.at[dstv[b]], ssem[b], add=True)
            if j + 1 < nchunk:
                if j - 1 >= 0:
                    s[j - 1].wait()
                load_idx(j + 1)
                g[j + 1] = start_gather(j + 1)
        if nchunk >= 2:
            s[nchunk - 2].wait()
        s[nchunk - 1].wait()

        plsc.subcore_barrier()

        if split:
            pltpu.sync_copy(
                acc.at[pl.ds(sid * zrows, zrows)],
                out_hbm.at[pl.ds(sid * zrows, zrows), pl.ds(cid * F, F)],
            )
        else:
            pltpu.sync_copy(
                acc.at[pl.ds(sid * zrows, zrows)],
                out_hbm.at[cid, pl.ds(sid * zrows, zrows)],
            )

    out_shape = (N_PAD, NC * F) if split else (NC, N_PAD, F)
    return functools.partial(
        pl.kernel,
        out_type=jax.ShapeDtypeStruct(out_shape, jnp.float32),
        mesh=plsc.VectorSubcoreMesh(core_axis_name="c", subcore_axis_name="s",
                                    num_cores=NC, num_subcores=NS),
        scratch_types=[
            pltpu.VMEM((chunk,), jnp.int32),
            pltpu.VMEM((chunk,), jnp.int32),
            pltpu.VMEM((chunk,), jnp.int32),
            pltpu.VMEM((chunk,), jnp.int32),
            pltpu.VMEM((chunk, F), jnp.float32),
            pltpu.VMEM((chunk, F), jnp.float32),
            pltpu.VMEM_SHARED((N_PAD, F), jnp.float32),
            pltpu.SemaphoreType.DMA,
            pltpu.SemaphoreType.DMA,
            pltpu.SemaphoreType.DMA,
            pltpu.SemaphoreType.DMA,
        ],
        compiler_params=pltpu.CompilerParams(use_tc_tiling_on_sc=False),
    )(body)


_sc_agg_wide = _make_sc_agg(D_IN // 2, 640, split=True)
_sc_agg_narrow = _make_sc_agg(H, 2560)


NPK = N // 8


def _fold16(v128):
    out = v128[:, 0:H]
    for g in range(1, 8):
        out = out + v128[:, g * H : (g + 1) * H]
    return out


def _tile128(v16):
    return jnp.concatenate([v16] * 8, axis=1)


def _mlp_bn_packed(hin, bd1, b1t, bd2, b2t, gt, bt):
    a = jnp.dot(hin, bd1, preferred_element_type=jnp.float32) + b1t
    a = jnp.maximum(a, 0.0)
    h = jnp.dot(a, bd2, preferred_element_type=jnp.float32) + b2t
    h = jnp.maximum(h, 0.0)
    m = _tile128(_fold16(jnp.sum(h, axis=0, keepdims=True))) * (1.0 / N)
    c = h - m
    v = _tile128(_fold16(jnp.sum(c * c, axis=0, keepdims=True))) * (1.0 / N)
    return c * lax.rsqrt(v + 1e-5) * gt + bt


def _conv_body(h_ref, p_ref, w1_ref, b1_ref, w2_ref, b2_ref, g_ref, be_ref, o_ref):
    hin = h_ref[...] + p_ref[0, :NPK] + p_ref[1, :NPK]
    o_ref[...] = _mlp_bn_packed(hin, w1_ref[...], b1_ref[...], w2_ref[...],
                                b2_ref[...], g_ref[...], be_ref[...])


def _conv1_body(x_ref, s_ref, w1_ref, b1_ref, w2_ref, b2_ref, g_ref,
                be_ref, o_ref):
    hin = x_ref[...] + s_ref[:NPK]
    o_ref[...] = _mlp_bn_packed(hin, w1_ref[...], b1_ref[...], w2_ref[...],
                                b2_ref[...], g_ref[...], be_ref[...])


def _conv_last_body(h_ref, p_ref, w1_ref, b1_ref, w2_ref, b2_ref, g_ref, be_ref,
                    ones_ref, o_ref):
    hin = h_ref[...] + p_ref[0, :NPK] + p_ref[1, :NPK]
    z = _mlp_bn_packed(hin, w1_ref[...], b1_ref[...], w2_ref[...], b2_ref[...],
                       g_ref[...], be_ref[...])
    e = jnp.exp(z)
    gsum = jnp.dot(e, ones_ref[...], preferred_element_type=jnp.float32)
    o_ref[...] = z - jnp.log(gsum)


def _conv(hp, parts, w1, b1, w2, b2, g, beta, last=False):
    kr = lambda w: jnp.kron(jnp.eye(8, dtype=jnp.float32), w)
    t = lambda v: jnp.concatenate([v.reshape(1, H)] * 8, axis=1)
    args = [hp, parts, kr(w1), t(b1), kr(w2), t(b2), t(g), t(beta)]
    if last:
        args.append(kr(jnp.ones((H, H), jnp.float32)))
    return pl.pallas_call(
        _conv_last_body if last else _conv_body,
        out_shape=jax.ShapeDtypeStruct((NPK, 8 * H), jnp.float32),
    )(*args)


def kernel(x, edge_index, W1a, b1a, W2a, b2a, ga, ba, Ws1, bs1, Ws2, bs2, gs, bs):
    src = edge_index[0].astype(jnp.int32)
    dst = edge_index[1].astype(jnp.int32)
    pad = E_PAD - E
    ar = jnp.arange(pad, dtype=jnp.int32)
    src = jnp.concatenate([src, ar % N])
    dst = jnp.concatenate([dst, N + ar % (N_PAD - N)])

    xs = jnp.concatenate([x[:, : D_IN // 2], x[:, D_IN // 2 :]], axis=0)
    src2 = jnp.concatenate([src, src + N])
    p = _sc_agg_wide(xs, src2, dst)
    s_r = p.reshape(N_PAD // 8, 8 * D_IN)
    x_r = x.reshape(NPK, 8 * D_IN)
    kr = lambda w: jnp.kron(jnp.eye(8, dtype=jnp.float32), w)
    t = lambda v: jnp.concatenate([v.reshape(1, H)] * 8, axis=1)
    hp = pl.pallas_call(
        _conv1_body,
        out_shape=jax.ShapeDtypeStruct((NPK, 8 * H), jnp.float32),
    )(x_r, s_r, kr(W1a), t(b1a), kr(W2a), t(b2a), t(ga), t(ba))
    for i in range(L_EXTRA):
        table = hp.reshape(N, H)
        parts = _sc_agg_narrow(table, src, dst).reshape(2, N_PAD // 8, 8 * H)
        hp = _conv(hp, parts, Ws1[i], bs1[i], Ws2[i], bs2[i], gs[i],
                   bs[i], last=(i == L_EXTRA - 1))
    return hp.reshape(N, H)

# --- scband reference (transcript-rebuilt; emitter-appended) ---
"""Pipeline reference for scband-gin-43310450213482 (READ-ONLY COPY).

The authoritative reference and input builder live on the scoring server;
editing this copy changes nothing except your own understanding.
"""

import jax, jax.numpy as jnp
import numpy as np

N = 10000
E = 320000
D_IN = 128
H = 16
L_EXTRA = 4  # hidden_layers - 1


def setup_inputs(seed: int = 0) -> dict:
    key = jax.random.key(seed)
    ks = jax.random.split(key, 16)
    x = jax.random.normal(ks[0], (N, D_IN), dtype=jnp.float32)
    edge_index = jax.random.randint(ks[1], (2, E), 0, N, dtype=jnp.int64)
    # conv1 MLP params: Linear(D_IN,H) -> ReLU -> Linear(H,H) -> ReLU -> BatchNorm1d(H)
    W1a = jax.random.normal(ks[2], (D_IN, H), dtype=jnp.float32) * (1.0 / np.sqrt(D_IN))
    b1a = jnp.zeros((H,), dtype=jnp.float32)
    W2a = jax.random.normal(ks[3], (H, H), dtype=jnp.float32) * (1.0 / np.sqrt(H))
    b2a = jnp.zeros((H,), dtype=jnp.float32)
    ga = jnp.ones((H,), dtype=jnp.float32)
    ba = jnp.zeros((H,), dtype=jnp.float32)
    # remaining (hidden_layers-1) convs, stacked
    Ws1 = jax.random.normal(ks[4], (L_EXTRA, H, H), dtype=jnp.float32) * (1.0 / np.sqrt(H))
    bs1 = jnp.zeros((L_EXTRA, H), dtype=jnp.float32)
    Ws2 = jax.random.normal(ks[5], (L_EXTRA, H, H), dtype=jnp.float32) * (1.0 / np.sqrt(H))
    bs2 = jnp.zeros((L_EXTRA, H), dtype=jnp.float32)
    gs = jnp.ones((L_EXTRA, H), dtype=jnp.float32)
    bs = jnp.zeros((L_EXTRA, H), dtype=jnp.float32)
    return {"x": x, "edge_index": edge_index,
            "W1a": W1a, "b1a": b1a, "W2a": W2a, "b2a": b2a, "ga": ga, "ba": ba,
            "Ws1": Ws1, "bs1": bs1, "Ws2": Ws2, "bs2": bs2, "gs": gs, "bs": bs}


def _gin_conv(x, src, dst, W1, b1, W2, b2, g, beta):
    # GIN aggregation: (1 + eps) * x + sum_{j in N(i)} x_j, eps = 0 (default)
    agg = jnp.zeros((x.shape[0], x.shape[1]), dtype=x.dtype).at[dst].add(x[src])
    h = x + agg
    # MLP: Linear -> ReLU -> Linear -> ReLU -> BatchNorm1d (training-mode batch stats)
    h = jax.nn.relu(h @ W1 + b1)
    h = jax.nn.relu(h @ W2 + b2)
    mean = h.mean(axis=0)
    var = h.var(axis=0)
    h = (h - mean) / jnp.sqrt(var + 1e-5) * g + beta
    return h


def reference(x, edge_index, W1a, b1a, W2a, b2a, ga, ba, Ws1, bs1, Ws2, bs2, gs, bs):
    src = edge_index[0]
    dst = edge_index[1]
    h = _gin_conv(x, src, dst, W1a, b1a, W2a, b2a, ga, ba)
    for i in range(L_EXTRA):
        h = _gin_conv(h, src, dst, Ws1[i], bs1[i], Ws2[i], bs2[i], gs[i], bs[i])
    return jax.nn.log_softmax(h, axis=1)

if __name__ == "__main__":
    import jax
    _d = setup_inputs()
    print(jax.jit(kernel)(*tuple(_d.values())))

</pallas_src>

<mosaic_0001>
#map = affine_map<(d0, d1) -> (0, 0)>
#map1 = affine_map<(d0, d1) -> (0)>
module attributes {stable_mosaic.version = 14 : i64} {
  func.func @body(%arg0: i32, %arg1: i32, %arg2: memref<20000x64xf32, #tpu.memory_space<hbm>>, %arg3: memref<655360xi32, #tpu.memory_space<hbm>>, %arg4: memref<327680xi32, #tpu.memory_space<hbm>>, %arg5: memref<10112x128xf32, #tpu.memory_space<hbm>>, %arg6: memref<640xi32, #tpu.memory_space<vmem>>, %arg7: memref<640xi32, #tpu.memory_space<vmem>>, %arg8: memref<640xi32, #tpu.memory_space<vmem>>, %arg9: memref<640xi32, #tpu.memory_space<vmem>>, %arg10: memref<640x64xf32, #tpu.memory_space<vmem>>, %arg11: memref<640x64xf32, #tpu.memory_space<vmem>>, %arg12: memref<10112x64xf32, #tpu.memory_space<vmem_shared>>, %arg13: memref<!tpu.dma_semaphore, #tpu.memory_space<semaphore_mem>>, %arg14: memref<!tpu.dma_semaphore, #tpu.memory_space<semaphore_mem>>, %arg15: memref<!tpu.dma_semaphore, #tpu.memory_space<semaphore_mem>>, %arg16: memref<!tpu.dma_semaphore, #tpu.memory_space<semaphore_mem>>) attributes {dimension_semantics = [#tpu.dimension_semantics<core_parallel>, #tpu.dimension_semantics<subcore_parallel>], iteration_bounds = array<i64: 2, 16>, scalar_prefetch = 0 : i64, scratch_operands = 11 : i64, tpu.core_type = #tpu.core_type<sc_vector_subcore>, window_params = [{transform_indices = #map}, {transform_indices = #map1}, {transform_indices = #map1}, {transform_indices = #map}]} {
    %scan3A = arith.constant 0 : i32
    %scan3A_0 = arith.constant 0 : i32
    %scan3A_1 = arith.constant 632 : i32
    %scan3A_2 = arith.addi %scan3A_0, %scan3A_1 : i32
    %scan3A_3 = arith.constant 1 : i32
    %scan3A_4 = scf.for %scan3A_559 = %scan3A_0 to %scan3A_2 step %scan3A_3 iter_args(%scan3A_560 = %scan3A) -> (i32)  : i32 {
      %broadcast_in_dim3A = arith.constant 0.000000e+00 : f32
      %broadcast_in_dim3A_561 = vector.broadcast %broadcast_in_dim3A : f32 to vector<16xf32>
      %swap3A = arith.index_cast %scan3A_559 : i32 to index
      %swap3A_562 = arith.constant 0 : index
      %swap3A_563 = tpu.vector_load %arg10[%swap3A, %swap3A_562] {strides = array<i32>} : memref<640x64xf32, #tpu.memory_space<vmem>>, vector<1x16xf32>,
      %swap3A_564 = vector.shape_cast %swap3A_563 : vector<1x16xf32> to vector<16xf32>
      %swap3A_565 = vector.shape_cast %broadcast_in_dim3A_561 : vector<16xf32> to vector<1x16xf32>
      tpu.vector_store %arg10[%swap3A, %swap3A_562], %swap3A_565 {strides = array<i32>} : memref<640x64xf32, #tpu.memory_space<vmem>>, vector<1x16xf32>,
      %broadcast_in_dim3A_566 = arith.constant 0.000000e+00 : f32
      %broadcast_in_dim3A_567 = vector.broadcast %broadcast_in_dim3A_566 : f32 to vector<16xf32>
      %swap3A_568 = arith.index_cast %scan3A_559 : i32 to index
      %swap3A_569 = arith.constant 16 : index
      %swap3A_570 = tpu.vector_load %arg10[%swap3A_568, %swap3A_569] {strides = array<i32>} : memref<640x64xf32, #tpu.memory_space<vmem>>, vector<1x16xf32>,
      %swap3A_571 = vector.shape_cast %swap3A_570 : vector<1x16xf32> to vector<16xf32>
      %swap3A_572 = vector.shape_cast %broadcast_in_dim3A_567 : vector<16xf32> to vector<1x16xf32>
      tpu.vector_store %arg10[%swap3A_568, %swap3A_569], %swap3A_572 {strides = array<i32>} : memref<640x64xf32, #tpu.memory_space<vmem>>, vector<1x16xf32>,
      %broadcast_in_dim3A_573 = arith.constant 0.000000e+00 : f32
      %broadcast_in_dim3A_574 = vector.broadcast %broadcast_in_dim3A_573 : f32 to vector<16xf32>
      %swap3A_575 = arith.index_cast %scan3A_559 : i32 to index
      %swap3A_576 = arith.constant 32 : index
      %swap3A_577 = tpu.vector_load %arg10[%swap3A_575, %swap3A_576] {strides = array<i32>} : memref<640x64xf32, #tpu.memory_space<vmem>>, vector<1x16xf32>,
      %swap3A_578 = vector.shape_cast %swap3A_577 : vector<1x16xf32> to vector<16xf32>
      %swap3A_579 = vector.shape_cast %broadcast_in_dim3A_574 : vector<16xf32> to vector<1x16xf32>
      tpu.vector_store %arg10[%swap3A_575, %swap3A_576], %swap3A_579 {strides = array<i32>} : memref<640x64xf32, #tpu.memory_space<vmem>>, vector<1x16xf32>,
      %broadcast_in_dim3A_580 = arith.constant 0.000000e+00 : f32
      %broadcast_in_dim3A_581 = vector.broadcast %broadcast_in_dim3A_580 : f32 to vector<16xf32>
      %swap3A_582 = arith.index_cast %scan3A_559 : i32 to index
      %swap3A_583 = arith.constant 48 : index
      %swap3A_584 = tpu.vector_load %arg10[%swap3A_582, %swap3A_583] {strides = array<i32>} : memref<640x64xf32, #tpu.memory_space<vmem>>, vector<1x16xf32>,
      %swap3A_585 = vector.shape_cast %swap3A_584 : vector<1x16xf32> to vector<16xf32>
      %swap3A_586 = vector.shape_cast %broadcast_in_dim3A_581 : vector<16xf32> to vector<1x16xf32>
      tpu.vector_store %arg10[%swap3A_582, %swap3A_583], %swap3A_586 {strides = array<i32>} : memref<640x64xf32, #tpu.memory_space<vmem>>, vector<1x16xf32>,
      %scan3A_587 = arith.constant 0 : i32
      scf.yield %scan3A_587 : i32
    }
    %scan3A_5 = arith.constant 632 : i32
    %mul3A = arith.constant 632 : i32
    %mul3A_6 = arith.muli %arg1, %mul3A : i32
    %add3A = arith.constant 0 : i32
    %add3A_7 = arith.addi %mul3A_6, %add3A : i32
    "tpu.region"() ({
      %run_scoped3A = tpu.sem_alloc : memref<!tpu.dma_semaphore, #tpu.memory_space<semaphore_mem>>
      %dma_start3A_559 = arith.constant 0 : i32
      %dma_start3A_560 = arith.constant 0 : i32
      %dma_start3A_561 = tpu.memref_slice %arg10[%dma_start3A_559, %dma_start3A_560] : memref<640x64xf32, #tpu.memory_space<vmem>> -> memref<632x64xf32, #tpu.memory_space<vmem>>
      %dma_start3A_562 = arith.constant 0 : i32
      %dma_start3A_563 = tpu.memref_slice %arg12[%add3A_7, %dma_start3A_562] : memref<10112x64xf32, #tpu.memory_space<vmem_shared>> -> memref<632x64xf32, #tpu.memory_space<vmem_shared>>
      %dma_start3A_564 = arith.constant 0 : i32
      %dma_start3A_565 = tpu.memref_slice %arg12[%add3A_7, %dma_start3A_564] : memref<10112x64xf32, #tpu.memory_space<vmem_shared>> -> memref<632x64xf32, #tpu.memory_space<vmem_shared>>
      %dma_start3A_566 = arith.constant 0 : i32
      %dma_start3A_567 = arith.constant 0 : i32
      %dma_start3A_568 = tpu.memref_slice %arg10[%dma_start3A_566, %dma_start3A_567] : memref<640x64xf32, #tpu.memory_space<vmem>> -> memref<632x64xf32, #tpu.memory_space<vmem>>
      tpu.enqueue_dma source(%dma_start3A_568 : memref<632x64xf32, #tpu.memory_space<vmem>>) target(%dma_start3A_565 : memref<632x64xf32, #tpu.memory_space<vmem_shared>>) target_semaphore(%run_scoped3A : memref<!tpu.dma_semaphore, #tpu.memory_space<semaphore_mem>>)
      %dma_wait3A_569 = arith.constant 0 : i32
      %dma_wait3A_570 = arith.constant 0 : i32
      %dma_wait3A_571 = tpu.memref_slice %arg10[%dma_wait3A_569, %dma_wait3A_570] : memref<640x64xf32, #tpu.memory_space<vmem>> -> memref<632x64xf32, #tpu.memory_space<vmem>>
      %dma_wait3A_572 = arith.constant 0 : i32
      %dma_wait3A_573 = tpu.memref_slice %arg12[%add3A_7, %dma_wait3A_572] : memref<10112x64xf32, #tpu.memory_space<vmem_shared>> -> memref<632x64xf32, #tpu.memory_space<vmem_shared>>
      %dma_wait3A_574 = arith.constant 0 : i32
      %dma_wait3A_575 = tpu.memref_slice %arg12[%add3A_7, %dma_wait3A_574] : memref<10112x64xf32, #tpu.memory_space<vmem_shared>> -> memref<632x64xf32, #tpu.memory_space<vmem_shared>>
      %dma_wait3A_576 = arith.constant 0 : i32
      %dma_wait3A_577 = arith.constant 0 : i32
      %dma_wait3A_578 = tpu.memref_slice %arg10[%dma_wait3A_576, %dma_wait3A_577] : memref<640x64xf32, #tpu.memory_space<vmem>> -> memref<632x64xf32, #tpu.memory_space<vmem>>
      tpu.wait_dma2 semaphore(%run_scoped3A : memref<!tpu.dma_semaphore, #tpu.memory_space<semaphore_mem>>) src(%dma_wait3A_578 : memref<632x64xf32, #tpu.memory_space<vmem>>) dst(%dma_wait3A_575 : memref<632x64xf32, #tpu.memory_space<vmem_shared>>)
      tpu.yield
    }) : () -> ()
    %barrier3A = arith.constant 0 : index
    tpu.barrier barrier_id(%barrier3A)
    %mul3A_8 = arith.constant 20480 : i32
    %mul3A_9 = arith.muli %arg1, %mul3A_8 : i32
    %add3A_10 = arith.constant 0 : i32
    %add3A_11 = arith.addi %mul3A_9, %add3A_10 : i32
    %mul3A_12 = arith.constant 327680 : i32
    %mul3A_13 = arith.muli %arg0, %mul3A_12 : i32
    %add3A_14 = arith.addi %mul3A_13, %add3A_11 : i32
    "tpu.region"() ({
      %run_scoped3A = tpu.sem_alloc : memref<!tpu.dma_semaphore, #tpu.memory_space<semaphore_mem>>
      %dma_start3A_559 = tpu.memref_slice %arg3[%add3A_14] : memref<655360xi32, #tpu.memory_space<hbm>> -> memref<640xi32, #tpu.memory_space<hbm>>
      %dma_start3A_560 = tpu.memref_slice %arg3[%add3A_14] : memref<655360xi32, #tpu.memory_space<hbm>> -> memref<640xi32, #tpu.memory_space<hbm>>
      tpu.enqueue_dma source(%dma_start3A_560 : memref<640xi32, #tpu.memory_space<hbm>>) target(%arg6 : memref<640xi32, #tpu.memory_space<vmem>>) target_semaphore(%run_scoped3A : memref<!tpu.dma_semaphore, #tpu.memory_space<semaphore_mem>>)
      %dma_wait3A_561 = tpu.memref_slice %arg3[%add3A_14] : memref<655360xi32, #tpu.memory_space<hbm>> -> memref<640xi32, #tpu.memory_space<hbm>>
      %dma_wait3A_562 = tpu.memref_slice %arg3[%add3A_14] : memref<655360xi32, #tpu.memory_space<hbm>> -> memref<640xi32, #tpu.memory_space<hbm>>
      tpu.wait_dma2 semaphore(%run_scoped3A : memref<!tpu.dma_semaphore, #tpu.memory_space<semaphore_mem>>) src(%dma_wait3A_562 : memref<640xi32, #tpu.memory_space<hbm>>) dst(%arg6 : memref<640xi32, #tpu.memory_space<vmem>>)
      tpu.yield
    }) : () -> ()
    "tpu.region"() ({
      %run_scoped3A = tpu.sem_alloc : memref<!tpu.dma_semaphore, #tpu.memory_space<semaphore_mem>>
      %dma_start3A_559 = tpu.memref_slice %arg4[%add3A_11] : memref<327680xi32, #tpu.memory_space<hbm>> -> memref<640xi32, #tpu.memory_space<hbm>>
      %dma_start3A_560 = tpu.memref_slice %arg4[%add3A_11] : memref<327680xi32, #tpu.memory_space<hbm>> -> memref<640xi32, #tpu.memory_space<hbm>>
      tpu.enqueue_dma source(%dma_start3A_560 : memref<640xi32, #tpu.memory_space<hbm>>) target(%arg8 : memref<640xi32, #tpu.memory_space<vmem>>) target_semaphore(%run_scoped3A : memref<!tpu.dma_semaphore, #tpu.memory_space<semaphore_mem>>)
      %dma_wait3A_561 = tpu.memref_slice %arg4[%add3A_11] : memref<327680xi32, #tpu.memory_space<hbm>> -> memref<640xi32, #tpu.memory_space<hbm>>
      %dma_wait3A_562 = tpu.memref_slice %arg4[%add3A_11] : memref<327680xi32, #tpu.memory_space<hbm>> -> memref<640xi32, #tpu.memory_space<hbm>>
      tpu.wait_dma2 semaphore(%run_scoped3A : memref<!tpu.dma_semaphore, #tpu.memory_space<semaphore_mem>>) src(%dma_wait3A_562 : memref<640xi32, #tpu.memory_space<hbm>>) dst(%arg8 : memref<640xi32, #tpu.memory_space<vmem>>)
      tpu.yield
    }) : () -> ()
    %dma_start3A = arith.constant 0 : i32
    %dma_start3A_15 = arith.constant 0 : i32
    %dma_start3A_16 = tpu.memref_slice %arg2[%dma_start3A, %dma_start3A_15] : memref<20000x64xf32, #tpu.memory_space<hbm>> -> memref<20000x64xf32, #tpu.memory_space<hbm>>
    tpu.enqueue_indirect_dma source(%dma_start3A_16 : memref<20000x64xf32, #tpu.memory_space<hbm>>) target(%arg10 : memref<640x64xf32, #tpu.memory_space<vmem>>) offsets(%arg6 : memref<640xi32, #tpu.memory_space<vmem>>) semaphore(%arg13 : memref<!tpu.dma_semaphore, #tpu.memory_space<semaphore_mem>>)
    %dma_wait3A = arith.constant 0 : i32
    %dma_wait3A_17 = arith.constant 0 : i32
    %dma_wait3A_18 = tpu.memref_slice %arg2[%dma_wait3A, %dma_wait3A_17] : memref<20000x64xf32, #tpu.memory_space<hbm>> -> memref<20000x64xf32, #tpu.memory_space<hbm>>
    tpu.wait_indirect_dma semaphore(%arg13 : memref<!tpu.dma_semaphore, #tpu.memory_space<semaphore_mem>>) src(%dma_wait3A_18 : memref<20000x64xf32, #tpu.memory_space<hbm>>) dst(%arg10 : memref<640x64xf32, #tpu.memory_space<vmem>>)
    %dma_start3A_19 = arith.constant 0 : i32
    %dma_start3A_20 = arith.constant 0 : i32
    %dma_start3A_21 = tpu.memref_slice %arg12[%dma_start3A_19, %dma_start3A_20] : memref<10112x64xf32, #tpu.memory_space<vmem_shared>> -> memref<10112x64xf32, #tpu.memory_space<vmem_shared>>
    tpu.enqueue_indirect_dma source(%arg10 : memref<640x64xf32, #tpu.memory_space<vmem>>) target(%dma_start3A_21 : memref<10112x64xf32, #tpu.memory_space<vmem_shared>>) offsets(%arg8 : memref<640xi32, #tpu.memory_space<vmem>>) semaphore(%arg15 : memref<!tpu.dma_semaphore, #tpu.memory_space<semaphore_mem>>) {add = true}
    %add3A_22 = arith.constant 640 : i32
    %add3A_23 = arith.addi %mul3A_9, %add3A_22 : i32
    %mul3A_24 = arith.constant 327680 : i32
    %mul3A_25 = arith.muli %arg0, %mul3A_24 : i32
    %add3A_26 = arith.addi %mul3A_25, %add3A_23 : i32
    "tpu.region"() ({
      %run_scoped3A = tpu.sem_alloc : memref<!tpu.dma_semaphore, #tpu.memory_space<semaphore_mem>>
      %dma_start3A_559 = tpu.memref_slice %arg3[%add3A_26] : memref<655360xi32, #tpu.memory_space<hbm>> -> memref<640xi32, #tpu.memory_space<hbm>>
      %dma_start3A_560 = tpu.memref_slice %arg3[%add3A_26] : memref<655360xi32, #tpu.memory_space<hbm>> -> memref<640xi32, #tpu.memory_space<hbm>>
      tpu.enqueue_dma source(%dma_start3A_560 : memref<640xi32, #tpu.memory_space<hbm>>) target(%arg7 : memref<640xi32, #tpu.memory_space<vmem>>) target_semaphore(%run_scoped3A : memref<!tpu.dma_semaphore, #tpu.memory_space<semaphore_mem>>)
      %dma_wait3A_561 = tpu.memref_slice %arg3[%add3A_26] : memref<655360xi32, #tpu.memory_space<hbm>> -> memref<640xi32, #tpu.memory_space<hbm>>
      %dma_wait3A_562 = tpu.memref_slice %arg3[%add3A_26] : memref<655360xi32, #tpu.memory_space<hbm>> -> memref<640xi32, #tpu.memory_space<hbm>>
      tpu.wait_dma2 semaphore(%run_scoped3A : memref<!tpu.dma_semaphore, #tpu.memory_space<semaphore_mem>>) src(%dma_wait3A_562 : memref<640xi32, #tpu.memory_space<hbm>>) dst(%arg7 : memref<640xi32, #tpu.memory_space<vmem>>)
      tpu.yield
    }) : () -> ()
    "tpu.region"() ({
      %run_scoped3A = tpu.sem_alloc : memref<!tpu.dma_semaphore, #tpu.memory_space<semaphore_mem>>
      %dma_start3A_559 = tpu.memref_slice %arg4[%add3A_23] : memref<327680xi32, #tpu.memory_space<hbm>> -> memref<640xi32, #tpu.memory_space<hbm>>
      %dma_start3A_560 = tpu.memref_slice %arg4[%add3A_23] : memref<327680xi32, #tpu.memory_space<hbm>> -> memref<640xi32, #tpu.memory_space<hbm>>
      tpu.enqueue_dma source(%dma_start3A_560 : memref<640xi32, #tpu.memory_space<hbm>>) target(%arg9 : memref<640xi32, #tpu.memory_space<vmem>>) target_semaphore(%run_scoped3A : memref<!tpu.dma_semaphore, #tpu.memory_space<semaphore_mem>>)
      %dma_wait3A_561 = tpu.memref_slice %arg4[%add3A_23] : memref<327680xi32, #tpu.memory_space<hbm>> -> memref<640xi32, #tpu.memory_space<hbm>>
      %dma_wait3A_562 = tpu.memref_slice %arg4[%add3A_23] : memref<327680xi32, #tpu.memory_space<hbm>> -> memref<640xi32, #tpu.memory_space<hbm>>
      tpu.wait_dma2 semaphore(%run_scoped3A : memref<!tpu.dma_semaphore, #tpu.memory_space<semaphore_mem>>) src(%dma_wait3A_562 : memref<640xi32, #tpu.memory_space<hbm>>) dst(%arg9 : memref<640xi32, #tpu.memory_space<vmem>>)
      tpu.yield
    }) : () -> ()
    %dma_start3A_27 = arith.constant 0 : i32
    %dma_start3A_28 = arith.constant 0 : i32
    %dma_start3A_29 = tpu.memref_slice %arg2[%dma_start3A_27, %dma_start3A_28] : memref<20000x64xf32, #tpu.memory_space<hbm>> -> memref<20000x64xf32, #tpu.memory_space<hbm>>
    tpu.enqueue_indirect_dma source(%dma_start3A_29 : memref<20000x64xf32, #tpu.memory_space<hbm>>) target(%arg11 : memref<640x64xf32, #tpu.memory_space<vmem>>) offsets(%arg7 : memref<640xi32, #tpu.memory_space<vmem>>) semaphore(%arg14 : memref<!tpu.dma_semaphore, #tpu.memory_space<semaphore_mem>>)
    %dma_wait3A_30 = arith.constant 0 : i32
    %dma_wait3A_31 = arith.constant 0 : i32
    %dma_wait3A_32 = tpu.memref_slice %arg2[%dma_wait3A_30, %dma_wait3A_31] : memref<20000x64xf32, #tpu.memory_space<hbm>> -> memref<20000x64xf32, #tpu.memory_space<hbm>>
    tpu.wait_indirect_dma semaphore(%arg14 : memref<!tpu.dma_semaphore, #tpu.memory_space<semaphore_mem>>) src(%dma_wait3A_32 : memref<20000x64xf32, #tpu.memory_space<hbm>>) dst(%arg11 : memref<640x64xf32, #tpu.memory_space<vmem>>)
    %dma_start3A_33 = arith.constant 0 : i32
    %dma_start3A_34 = arith.constant 0 : i32
    %dma_start3A_35 = tpu.memref_slice %arg12[%dma_start3A_33, %dma_start3A_34] : memref<10112x64xf32, #tpu.memory_space<vmem_shared>> -> memref<10112x64xf32, #tpu.memory_space<vmem_shared>>
    tpu.enqueue_indirect_dma source(%arg11 : memref<640x64xf32, #tpu.memory_space<vmem>>) target(%dma_start3A_35 : memref<10112x64xf32, #tpu.memory_space<vmem_shared>>) offsets(%arg9 : memref<640xi32, #tpu.memory_space<vmem>>) semaphore(%arg16 : memref<!tpu.dma_semaphore, #tpu.memory_space<semaphore_mem>>) {add = true}
    %dma_wait3A_36 = arith.constant 0 : i32
    %dma_wait3A_37 = arith.constant 0 : i32
    %dma_wait3A_38 = tpu.memref_slice %arg12[%dma_wait3A_36, %dma_wait3A_37] : memref<10112x64xf32, #tpu.memory_space<vmem_shared>> -> memref<10112x64xf32, #tpu.memory_space<vmem_shared>>
    tpu.wait_indirect_dma semaphore(%arg15 : memref<!tpu.dma_semaphore, #tpu.memory_space<semaphore_mem>>) src(%arg10 : memref<640x64xf32, #tpu.memory_space<vmem>>) dst(%dma_wait3A_38 : memref<10112x64xf32, #tpu.memory_space<vmem_shared>>)
    %add3A_39 = arith.constant 1280 : i32
    %add3A_40 = arith.addi %mul3A_9, %add3A_39 : i32
    %mul3A_41 = arith.constant 327680 : i32
    %mul3A_42 = arith.muli %arg0, %mul3A_41 : i32
    %add3A_43 = arith.addi %mul3A_42, %add3A_40 : i32
    "tpu.region"() ({
      %run_scoped3A = tpu.sem_alloc : memref<!tpu.dma_semaphore, #tpu.memory_space<semaphore_mem>>
      %dma_start3A_559 = tpu.memref_slice %arg3[%add3A_43] : memref<655360xi32, #tpu.memory_space<hbm>> -> memref<640xi32, #tpu.memory_space<hbm>>
      %dma_start3A_560 = tpu.memref_slice %arg3[%add3A_43] : memref<655360xi32, #tpu.memory_space<hbm>> -> memref<640xi32, #tpu.memory_space<hbm>>
      tpu.enqueue_dma source(%dma_start3A_560 : memref<640xi32, #tpu.memory_space<hbm>>) target(%arg6 : memref<640xi32, #tpu.memory_space<vmem>>) target_semaphore(%run_scoped3A : memref<!tpu.dma_semaphore, #tpu.memory_space<semaphore_mem>>)
      %dma_wait3A_561 = tpu.memref_slice %arg3[%add3A_43] : memref<655360xi32, #tpu.memory_space<hbm>> -> memref<640xi32, #tpu.memory_space<hbm>>
      %dma_wait3A_562 = tpu.memref_slice %arg3[%add3A_43] : memref<655360xi32, #tpu.memory_space<hbm>> -> memref<640xi32, #tpu.memory_space<hbm>>
      tpu.wait_dma2 semaphore(%run_scoped3A : memref<!tpu.dma_semaphore, #tpu.memory_space<semaphore_mem>>) src(%dma_wait3A_562 : memref<640xi32, #tpu.memory_space<hbm>>) dst(%arg6 : memref<640xi32, #tpu.memory_space<vmem>>)
      tpu.yield
    }) : () -> ()
    "tpu.region"() ({
      %run_scoped3A = tpu.sem_alloc : memref<!tpu.dma_semaphore, #tpu.memory_space<semaphore_mem>>
      %dma_start3A_559 = tpu.memref_slice %arg4[%add3A_40] : memref<327680xi32, #tpu.memory_space<hbm>> -> memref<640xi32, #tpu.memory_space<hbm>>
      %dma_start3A_560 = tpu.memref_slice %arg4[%add3A_40] : memref<327680xi32, #tpu.memory_space<hbm>> -> memref<640xi32, #tpu.memory_space<hbm>>
      tpu.enqueue_dma source(%dma_start3A_560 : memref<640xi32, #tpu.memory_space<hbm>>) target(%arg8 : memref<640xi32, #tpu.memory_space<vmem>>) target_semaphore(%run_scoped3A : memref<!tpu.dma_semaphore, #tpu.memory_space<semaphore_mem>>)
      %dma_wait3A_561 = tpu.memref_slice %arg4[%add3A_40] : memref<327680xi32, #tpu.memory_space<hbm>> -> memref<640xi32, #tpu.memory_space<hbm>>
      %dma_wait3A_562 = tpu.memref_slice %arg4[%add3A_40] : memref<327680xi32, #tpu.memory_space<hbm>> -> memref<640xi32, #tpu.memory_space<hbm>>
      tpu.wait_dma2 semaphore(%run_scoped3A : memref<!tpu.dma_semaphore, #tpu.memory_space<semaphore_mem>>) src(%dma_wait3A_562 : memref<640xi32, #tpu.memory_space<hbm>>) dst(%arg8 : memref<640xi32, #tpu.memory_space<vmem>>)
      tpu.yield
    }) : () -> ()
    %dma_start3A_44 = arith.constant 0 : i32
    %dma_start3A_45 = arith.constant 0 : i32
    %dma_start3A_46 = tpu.memref_slice %arg2[%dma_start3A_44, %dma_start3A_45] : memref<20000x64xf32, #tpu.memory_space<hbm>> -> memref<20000x64xf32, #tpu.memory_space<hbm>>
    tpu.enqueue_indirect_dma source(%dma_start3A_46 : memref<20000x64xf32, #tpu.memory_space<hbm>>) target(%arg10 : memref<640x64xf32, #tpu.memory_space<vmem>>) offsets(%arg6 : memref<640xi32, #tpu.memory_space<vmem>>) semaphore(%arg13 : memref<!tpu.dma_semaphore, #tpu.memory_space<semaphore_mem>>)
    %dma_wait3A_47 = arith.constant 0 : i32
    %dma_wait3A_48 = arith.constant 0 : i32
    %dma_wait3A_49 = tpu.memref_slice %arg2[%dma_wait3A_47, %dma_wait3A_48] : memref<20000x64xf32, #tpu.memory_space<hbm>> -> memref<20000x64xf32, #tpu.memory_space<hbm>>
    tpu.wait_indirect_dma semaphore(%arg13 : memref<!tpu.dma_semaphore, #tpu.memory_space<semaphore_mem>>) src(%dma_wait3A_49 : memref<20000x64xf32, #tpu.memory_space<hbm>>) dst(%arg10 : memref<640x64xf32, #tpu.memory_space<vmem>>)
    %dma_start3A_50 = arith.constant 0 : i32
    %dma_start3A_51 = arith.constant 0 : i32
    %dma_start3A_52 = tpu.memref_slice %arg12[%dma_start3A_50, %dma_start3A_51] : memref<10112x64xf32, #tpu.memory_space<vmem_shared>> -> memref<10112x64xf32, #tpu.memory_space<vmem_shared>>
    tpu.enqueue_indirect_dma source(%arg10 : memref<640x64xf32, #tpu.memory_space<vmem>>) target(%dma_start3A_52 : memref<10112x64xf32, #tpu.memory_space<vmem_shared>>) offsets(%arg8 : memref<640xi32, #tpu.memory_space<vmem>>) semaphore(%arg15 : memref<!tpu.dma_semaphore, #tpu.memory_space<semaphore_mem>>) {add = true}
    %dma_wait3A_53 = arith.constant 0 : i32
    %dma_wait3A_54 = arith.constant 0 : i32
    %dma_wait3A_55 = tpu.memref_slice %arg12[%dma_wait3A_53, %dma_wait3A_54] : memref<10112x64xf32, #tpu.memory_space<vmem_shared>> -> memref<10112x64xf32, #tpu.memory_space<vmem_shared>>
    tpu.wait_indirect_dma semaphore(%arg16 : memref<!tpu.dma_semaphore, #tpu.memory_space<semaphore_mem>>) src(%arg11 : memref<640x64xf32, #tpu.memory_space<vmem>>) dst(%dma_wait3A_55 : memref<10112x64xf32, #tpu.memory_space<vmem_shared>>)
    %add3A_56 = arith.constant 1920 : i32
    %add3A_57 = arith.addi %mul3A_9, %add3A_56 : i32
    %mul3A_58 = arith.constant 327680 : i32
    %mul3A_59 = arith.muli %arg0, %mul3A_58 : i32
    %add3A_60 = arith.addi %mul3A_59, %add3A_57 : i32
    "tpu.region"() ({
      %run_scoped3A = tpu.sem_alloc : memref<!tpu.dma_semaphore, #tpu.memory_space<semaphore_mem>>
      %dma_start3A_559 = tpu.memref_slice %arg3[%add3A_60] : memref<655360xi32, #tpu.memory_space<hbm>> -> memref<640xi32, #tpu.memory_space<hbm>>
      %dma_start3A_560 = tpu.memref_slice %arg3[%add3A_60] : memref<655360xi32, #tpu.memory_space<hbm>> -> memref<640xi32, #tpu.memory_space<hbm>>
      tpu.enqueue_dma source(%dma_start3A_560 : memref<640xi32, #tpu.memory_space<hbm>>) target(%arg7 : memref<640xi32, #tpu.memory_space<vmem>>) target_semaphore(%run_scoped3A : memref<!tpu.dma_semaphore, #tpu.memory_space<semaphore_mem>>)
      %dma_wait3A_561 = tpu.memref_slice %arg3[%add3A_60] : memref<655360xi32, #tpu.memory_space<hbm>> -> memref<640xi32, #tpu.memory_space<hbm>>
      %dma_wait3A_562 = tpu.memref_slice %arg3[%add3A_60] : memref<655360xi32, #tpu.memory_space<hbm>> -> memref<640xi32, #tpu.memory_space<hbm>>
      tpu.wait_dma2 semaphore(%run_scoped3A : memref<!tpu.dma_semaphore, #tpu.memory_space<semaphore_mem>>) src(%dma_wait3A_562 : memref<640xi32, #tpu.memory_space<hbm>>) dst(%arg7 : memref<640xi32, #tpu.memory_space<vmem>>)
      tpu.yield
    }) : () -> ()
    "tpu.region"() ({
      %run_scoped3A = tpu.sem_alloc : memref<!tpu.dma_semaphore, #tpu.memory_space<semaphore_mem>>
      %dma_start3A_559 = tpu.memref_slice %arg4[%add3A_57] : memref<327680xi32, #tpu.memory_space<hbm>> -> memref<640xi32, #tpu.memory_space<hbm>>
      %dma_start3A_560 = tpu.memref_slice %arg4[%add3A_57] : memref<327680xi32, #tpu.memory_space<hbm>> -> memref<640xi32, #tpu.memory_space<hbm>>
      tpu.enqueue_dma source(%dma_start3A_560 : memref<640xi32, #tpu.memory_space<hbm>>) target(%arg9 : memref<640xi32, #tpu.memory_space<vmem>>) target_semaphore(%run_scoped3A : memref<!tpu.dma_semaphore, #tpu.memory_space<semaphore_mem>>)
      %dma_wait3A_561 = tpu.memref_slice %arg4[%add3A_57] : memref<327680xi32, #tpu.memory_space<hbm>> -> memref<640xi32, #tpu.memory_space<hbm>>
      %dma_wait3A_562 = tpu.memref_slice %arg4[%add3A_57] : memref<327680xi32, #tpu.memory_space<hbm>> -> memref<640xi32, #tpu.memory_space<hbm>>
      tpu.wait_dma2 semaphore(%run_scoped3A : memref<!tpu.dma_semaphore, #tpu.memory_space<semaphore_mem>>) src(%dma_wait3A_562 : memref<640xi32, #tpu.memory_space<hbm>>) dst(%arg9 : memref<640xi32, #tpu.memory_space<vmem>>)
      tpu.yield
    }) : () -> ()
    %dma_start3A_61 = arith.constant 0 : i32
    %dma_start3A_62 = arith.constant 0 : i32
    %dma_start3A_63 = tpu.memref_slice %arg2[%dma_start3A_61, %dma_start3A_62] : memref<20000x64xf32, #tpu.memory_space<hbm>> -> memref<20000x64xf32, #tpu.memory_space<hbm>>
    tpu.enqueue_indirect_dma source(%dma_start3A_63 : memref<20000x64xf32, #tpu.memory_space<hbm>>) target(%arg11 : memref<640x64xf32, #tpu.memory_space<vmem>>) offsets(%arg7 : memref<640xi32, #tpu.memory_space<vmem>>) semaphore(%arg14 : memref<!tpu.dma_semaphore, #tpu.memory_space<semaphore_mem>>)
    %dma_wait3A_64 = arith.constant 0 : i32
    %dma_wait3A_65 = arith.constant 0 : i32
    %dma_wait3A_66 = tpu.memref_slice %arg2[%dma_wait3A_64, %dma_wait3A_65] : memref<20000x64xf32, #tpu.memory_space<hbm>> -> memref<20000x64xf32, #tpu.memory_space<hbm>>
    tpu.wait_indirect_dma semaphore(%arg14 : memref<!tpu.dma_semaphore, #tpu.memory_space<semaphore_mem>>) src(%dma_wait3A_66 : memref<20000x64xf32, #tpu.memory_space<hbm>>) dst(%arg11 : memref<640x64xf32, #tpu.memory_space<vmem>>)
    %dma_start3A_67 = arith.constant 0 : i32
    %dma_start3A_68 = arith.constant 0 : i32
    %dma_start3A_69 = tpu.memref_slice %arg12[%dma_start3A_67, %dma_start3A_68] : memref<10112x64xf32, #tpu.memory_space<vmem_shared>> -> memref<10112x64xf32, #tpu.memory_space<vmem_shared>>
    tpu.enqueue_indirect_dma source(%arg11 : memref<640x64xf32, #tpu.memory_space<vmem>>) target(%dma_start3A_69 : memref<10112x64xf32, #tpu.memory_space<vmem_shared>>) offsets(%arg9 : memref<640xi32, #tpu.memory_space<vmem>>) semaphore(%arg16 : memref<!tpu.dma_semaphore, #tpu.memory_space<semaphore_mem>>) {add = true}
    %dma_wait3A_70 = arith.constant 0 : i32
    %dma_wait3A_71 = arith.constant 0 : i32
    %dma_wait3A_72 = tpu.memref_slice %arg12[%dma_wait3A_70, %dma_wait3A_71] : memref<10112x64xf32, #tpu.memory_space<vmem_shared>> -> memref<10112x64xf32, #tpu.memory_space<vmem_shared>>
    tpu.wait_indirect_dma semaphore(%arg15 : memref<!tpu.dma_semaphore, #tpu.memory_space<semaphore_mem>>) src(%arg10 : memref<640x64xf32, #tpu.memory_space<vmem>>) dst(%dma_wait3A_72 : memref<10112x64xf32, #tpu.memory_space<vmem_shared>>)
    %add3A_73 = arith.constant 2560 : i32
    %add3A_74 = arith.addi %mul3A_9, %add3A_73 : i32
    %mul3A_75 = arith.constant 327680 : i32
    %mul3A_76 = arith.muli %arg0, %mul3A_75 : i32
    %add3A_77 = arith.addi %mul3A_76, %add3A_74 : i32
    "tpu.region"() ({
      %run_scoped3A = tpu.sem_alloc : memref<!tpu.dma_semaphore, #tpu.memory_space<semaphore_mem>>
      %dma_start3A_559 = tpu.memref_slice %arg3[%add3A_77] : memref<655360xi32, #tpu.memory_space<hbm>> -> memref<640xi32, #tpu.memory_space<hbm>>
      %dma_start3A_560 = tpu.memref_slice %arg3[%add3A_77] : memref<655360xi32, #tpu.memory_space<hbm>> -> memref<640xi32, #tpu.memory_space<hbm>>
      tpu.enqueue_dma source(%dma_start3A_560 : memref<640xi32, #tpu.memory_space<hbm>>) target(%arg6 : memref<640xi32, #tpu.memory_space<vmem>>) target_semaphore(%run_scoped3A : memref<!tpu.dma_semaphore, #tpu.memory_space<semaphore_mem>>)
      %dma_wait3A_561 = tpu.memref_slice %arg3[%add3A_77] : memref<655360xi32, #tpu.memory_space<hbm>> -> memref<640xi32, #tpu.memory_space<hbm>>
      %dma_wait3A_562 = tpu.memref_slice %arg3[%add3A_77] : memref<655360xi32, #tpu.memory_space<hbm>> -> memref<640xi32, #tpu.memory_space<hbm>>
      tpu.wait_dma2 semaphore(%run_scoped3A : memref<!tpu.dma_semaphore, #tpu.memory_space<semaphore_mem>>) src(%dma_wait3A_562 : memref<640xi32, #tpu.memory_space<hbm>>) dst(%arg6 : memref<640xi32, #tpu.memory_space<vmem>>)
      tpu.yield
    }) : () -> ()
    "tpu.region"() ({
      %run_scoped3A = tpu.sem_alloc : memref<!tpu.dma_semaphore, #tpu.memory_space<semaphore_mem>>
      %dma_start3A_559 = tpu.memref_slice %arg4[%add3A_74] : memref<327680xi32, #tpu.memory_space<hbm>> -> memref<640xi32, #tpu.memory_space<hbm>>
      %dma_start3A_560 = tpu.memref_slice %arg4[%add3A_74] : memref<327680xi32, #tpu.memory_space<hbm>> -> memref<640xi32, #tpu.memory_space<hbm>>
      tpu.enqueue_dma source(%dma_start3A_560 : memref<640xi32, #tpu.memory_space<hbm>>) target(%arg8 : memref<640xi32, #tpu.memory_space<vmem>>) target_semaphore(%run_scoped3A : memref<!tpu.dma_semaphore, #tpu.memory_space<semaphore_mem>>)
      %dma_wait3A_561 = tpu.memref_slice %arg4[%add3A_74] : memref<327680xi32, #tpu.memory_space<hbm>> -> memref<640xi32, #tpu.memory_space<hbm>>
      %dma_wait3A_562 = tpu.memref_slice %arg4[%add3A_74] : memref<327680xi32, #tpu.memory_space<hbm>> -> memref<640xi32, #tpu.memory_space<hbm>>
      tpu.wait_dma2 semaphore(%run_scoped3A : memref<!tpu.dma_semaphore, #tpu.memory_space<semaphore_mem>>) src(%dma_wait3A_562 : memref<640xi32, #tpu.memory_space<hbm>>) dst(%arg8 : memref<640xi32, #tpu.memory_space<vmem>>)
      tpu.yield
    }) : () -> ()
    %dma_start3A_78 = arith.constant 0 : i32
    %dma_start3A_79 = arith.constant 0 : i32
    %dma_start3A_80 = tpu.memref_slice %arg2[%dma_start3A_78, %dma_start3A_79] : memref<20000x64xf32, #tpu.memory_space<hbm>> -> memref<20000x64xf32, #tpu.memory_space<hbm>>
    tpu.enqueue_indirect_dma source(%dma_start3A_80 : memref<20000x64xf32, #tpu.memory_space<hbm>>) target(%arg10 : memref<640x64xf32, #tpu.memory_space<vmem>>) offsets(%arg6 : memref<640xi32, #tpu.memory_space<vmem>>) semaphore(%arg13 : memref<!tpu.dma_semaphore, #tpu.memory_space<semaphore_mem>>)
    %dma_wait3A_81 = arith.constant 0 : i32
    %dma_wait3A_82 = arith.constant 0 : i32
    %dma_wait3A_83 = tpu.memref_slice %arg2[%dma_wait3A_81, %dma_wait3A_82] : memref<20000x64xf32, #tpu.memory_space<hbm>> -> memref<20000x64xf32, #tpu.memory_space<hbm>>
    tpu.wait_indirect_dma semaphore(%arg13 : memref<!tpu.dma_semaphore, #tpu.memory_space<semaphore_mem>>) src(%dma_wait3A_83 : memref<20000x64xf32, #tpu.memory_space<hbm>>) dst(%arg10 : memref<640x64xf32, #tpu.memory_space<vmem>>)
    %dma_start3A_84 = arith.constant 0 : i32
    %dma_start3A_85 = arith.constant 0 : i32
    %dma_start3A_86 = tpu.memref_slice %arg12[%dma_start3A_84, %dma_start3A_85] : memref<10112x64xf32, #tpu.memory_space<vmem_shared>> -> memref<10112x64xf32, #tpu.memory_space<vmem_shared>>
    tpu.enqueue_indirect_dma source(%arg10 : memref<640x64xf32, #tpu.memory_space<vmem>>) target(%dma_start3A_86 : memref<10112x64xf32, #tpu.memory_space<vmem_shared>>) offsets(%arg8 : memref<640xi32, #tpu.memory_space<vmem>>) semaphore(%arg15 : memref<!tpu.dma_semaphore, #tpu.memory_space<semaphore_mem>>) {add = true}
    %dma_wait3A_87 = arith.constant 0 : i32
    %dma_wait3A_88 = arith.constant 0 : i32
    %dma_wait3A_89 = tpu.memref_slice %arg12[%dma_wait3A_87, %dma_wait3A_88] : memref<10112x64xf32, #tpu.memory_space<vmem_shared>> -> memref<10112x64xf32, #tpu.memory_space<vmem_shared>>
    tpu.wait_indirect_dma semaphore(%arg16 : memref<!tpu.dma_semaphore, #tpu.memory_space<semaphore_mem>>) src(%arg11 : memref<640x64xf32, #tpu.memory_space<vmem>>) dst(%dma_wait3A_89 : memref<10112x64xf32, #tpu.memory_space<vmem_shared>>)
    %add3A_90 = arith.constant 3200 : i32
    %add3A_91 = arith.addi %mul3A_9, %add3A_90 : i32
    %mul3A_92 = arith.constant 327680 : i32
    %mul3A_93 = arith.muli %arg0, %mul3A_92 : i32
    %add3A_94 = arith.addi %mul3A_93, %add3A_91 : i32
    "tpu.region"() ({
      %run_scoped3A = tpu.sem_alloc : memref<!tpu.dma_semaphore, #tpu.memory_space<semaphore_mem>>
      %dma_start3A_559 = tpu.memref_slice %arg3[%add3A_94] : memref<655360xi32, #tpu.memory_space<hbm>> -> memref<640xi32, #tpu.memory_space<hbm>>
      %dma_start3A_560 = tpu.memref_slice %arg3[%add3A_94] : memref<655360xi32, #tpu.memory_space<hbm>> -> memref<640xi32, #tpu.memory_space<hbm>>
      tpu.enqueue_dma source(%dma_start3A_560 : memref<640xi32, #tpu.memory_space<hbm>>) target(%arg7 : memref<640xi32, #tpu.memory_space<vmem>>) target_semaphore(%run_scoped3A : memref<!tpu.dma_semaphore, #tpu.memory_space<semaphore_mem>>)
      %dma_wait3A_561 = tpu.memref_slice %arg3[%add3A_94] : memref<655360xi32, #tpu.memory_space<hbm>> -> memref<640xi32, #tpu.memory_space<hbm>>
      %dma_wait3A_562 = tpu.memref_slice %arg3[%add3A_94] : memref<655360xi32, #tpu.memory_space<hbm>> -> memref<640xi32, #tpu.memory_space<hbm>>
      tpu.wait_dma2 semaphore(%run_scoped3A : memref<!tpu.dma_semaphore, #tpu.memory_space<semaphore_mem>>) src(%dma_wait3A_562 : memref<640xi32, #tpu.memory_space<hbm>>) dst(%arg7 : memref<640xi32, #tpu.memory_space<vmem>>)
      tpu.yield
    }) : () -> ()
    "tpu.region"() ({
      %run_scoped3A = tpu.sem_alloc : memref<!tpu.dma_semaphore, #tpu.memory_space<semaphore_mem>>
      %dma_start3A_559 = tpu.memref_slice %arg4[%add3A_91] : memref<327680xi32, #tpu.memory_space<hbm>> -> memref<640xi32, #tpu.memory_space<hbm>>
      %dma_start3A_560 = tpu.memref_slice %arg4[%add3A_91] : memref<327680xi32, #tpu.memory_space<hbm>> -> memref<640xi32, #tpu.memory_space<hbm>>
      tpu.enqueue_dma source(%dma_start3A_560 : memref<640xi32, #tpu.memory_space<hbm>>) target(%arg9 : memref<640xi32, #tpu.memory_space<vmem>>) target_semaphore(%run_scoped3A : memref<!tpu.dma_semaphore, #tpu.memory_space<semaphore_mem>>)
      %dma_wait3A_561 = tpu.memref_slice %arg4[%add3A_91] : memref<327680xi32, #tpu.memory_space<hbm>> -> memref<640xi32, #tpu.memory_space<hbm>>
      %dma_wait3A_562 = tpu.memref_slice %arg4[%add3A_91] : memref<327680xi32, #tpu.memory_space<hbm>> -> memref<640xi32, #tpu.memory_space<hbm>>
      tpu.wait_dma2 semaphore(%run_scoped3A : memref<!tpu.dma_semaphore, #tpu.memory_space<semaphore_mem>>) src(%dma_wait3A_562 : memref<640xi32, #tpu.memory_space<hbm>>) dst(%arg9 : memref<640xi32, #tpu.memory_space<vmem>>)
      tpu.yield
    }) : () -> ()
    %dma_start3A_95 = arith.constant 0 : i32
    %dma_start3A_96 = arith.constant 0 : i32
    %dma_start3A_97 = tpu.memref_slice %arg2[%dma_start3A_95, %dma_start3A_96] : memref<20000x64xf32, #tpu.memory_space<hbm>> -> memref<20000x64xf32, #tpu.memory_space<hbm>>
    tpu.enqueue_indirect_dma source(%dma_start3A_97 : memref<20000x64xf32, #tpu.memory_space<hbm>>) target(%arg11 : memref<640x64xf32, #tpu.memory_space<vmem>>) offsets(%arg7 : memref<640xi32, #tpu.memory_space<vmem>>) semaphore(%arg14 : memref<!tpu.dma_semaphore, #tpu.memory_space<semaphore_mem>>)
    %dma_wait3A_98 = arith.constant 0 : i32
    %dma_wait3A_99 = arith.constant 0 : i32
    %dma_wait3A_100 = tpu.memref_slice %arg2[%dma_wait3A_98, %dma_wait3A_99] : memref<20000x64xf32, #tpu.memory_space<hbm>> -> memref<20000x64xf32, #tpu.memory_space<hbm>>
    tpu.wait_indirect_dma semaphore(%arg14 : memref<!tpu.dma_semaphore, #tpu.memory_space<semaphore_mem>>) src(%dma_wait3A_100 : memref<20000x64xf32, #tpu.memory_space<hbm>>) dst(%arg11 : memref<640x64xf32, #tpu.memory_space<vmem>>)
    %dma_start3A_101 = arith.constant 0 : i32
    %dma_start3A_102 = arith.constant 0 : i32
    %dma_start3A_103 = tpu.memref_slice %arg12[%dma_start3A_101, %dma_start3A_102] : memref<10112x64xf32, #tpu.memory_space<vmem_shared>> -> memref<10112x64xf32, #tpu.memory_space<vmem_shared>>
    tpu.enqueue_indirect_dma source(%arg11 : memref<640x64xf32, #tpu.memory_space<vmem>>) target(%dma_start3A_103 : memref<10112x64xf32, #tpu.memory_space<vmem_shared>>) offsets(%arg9 : memref<640xi32, #tpu.memory_space<vmem>>) semaphore(%arg16 : memref<!tpu.dma_semaphore, #tpu.memory_space<semaphore_mem>>) {add = true}
    %dma_wait3A_104 = arith.constant 0 : i32
    %dma_wait3A_105 = arith.constant 0 : i32
    %dma_wait3A_106 = tpu.memref_slice %arg12[%dma_wait3A_104, %dma_wait3A_105] : memref<10112x64xf32, #tpu.memory_space<vmem_shared>> -> memref<10112x64xf32, #tpu.memory_space<vmem_shared>>
    tpu.wait_indirect_dma semaphore(%arg15 : memref<!tpu.dma_semaphore, #tpu.memory_space<semaphore_mem>>) src(%arg10 : memref<640x64xf32, #tpu.memory_space<vmem>>) dst(%dma_wait3A_106 : memref<10112x64xf32, #tpu.memory_space<vmem_shared>>)
    %add3A_107 = arith.constant 3840 : i32
    %add3A_108 = arith.addi %mul3A_9, %add3A_107 : i32
    %mul3A_109 = arith.constant 327680 : i32
    %mul3A_110 = arith.muli %arg0, %mul3A_109 : i32
    %add3A_111 = arith.addi %mul3A_110, %add3A_108 : i32
    "tpu.region"() ({
      %run_scoped3A = tpu.sem_alloc : memref<!tpu.dma_semaphore, #tpu.memory_space<semaphore_mem>>
      %dma_start3A_559 = tpu.memref_slice %arg3[%add3A_111] : memref<655360xi32, #tpu.memory_space<hbm>> -> memref<640xi32, #tpu.memory_space<hbm>>
      %dma_start3A_560 = tpu.memref_slice %arg3[%add3A_111] : memref<655360xi32, #tpu.memory_space<hbm>> -> memref<640xi32, #tpu.memory_space<hbm>>
      tpu.enqueue_dma source(%dma_start3A_560 : memref<640xi32, #tpu.memory_space<hbm>>) target(%arg6 : memref<640xi32, #tpu.memory_space<vmem>>) target_semaphore(%run_scoped3A : memref<!tpu.dma_semaphore, #tpu.memory_space<semaphore_mem>>)
      %dma_wait3A_561 = tpu.memref_slice %arg3[%add3A_111] : memref<655360xi32, #tpu.memory_space<hbm>> -> memref<640xi32, #tpu.memory_space<hbm>>
      %dma_wait3A_562 = tpu.memref_slice %arg3[%add3A_111] : memref<655360xi32, #tpu.memory_space<hbm>> -> memref<640xi32, #tpu.memory_space<hbm>>
      tpu.wait_dma2 semaphore(%run_scoped3A : memref<!tpu.dma_semaphore, #tpu.memory_space<semaphore_mem>>) src(%dma_wait3A_562 : memref<640xi32, #tpu.memory_space<hbm>>) dst(%arg6 : memref<640xi32, #tpu.memory_space<vmem>>)
      tpu.yield
    }) : () -> ()
    "tpu.region"() ({
      %run_scoped3A = tpu.sem_alloc : memref<!tpu.dma_semaphore, #tpu.memory_space<semaphore_mem>>
      %dma_start3A_559 = tpu.memref_slice %arg4[%add3A_108] : memref<327680xi32, #tpu.memory_space<hbm>> -> memref<640xi32, #tpu.memory_space<hbm>>
      %dma_start3A_560 = tpu.memref_slice %arg4[%add3A_108] : memref<327680xi32, #tpu.memory_space<hbm>> -> memref<640xi32, #tpu.memory_space<hbm>>
      tpu.enqueue_dma source(%dma_start3A_560 : memref<640xi32, #tpu.memory_space<hbm>>) target(%arg8 : memref<640xi32, #tpu.memory_space<vmem>>) target_semaphore(%run_scoped3A : memref<!tpu.dma_semaphore, #tpu.memory_space<semaphore_mem>>)
      %dma_wait3A_561 = tpu.memref_slice %arg4[%add3A_108] : memref<327680xi32, #tpu.memory_space<hbm>> -> memref<640xi32, #tpu.memory_space<hbm>>
      %dma_wait3A_562 = tpu.memref_slice %arg4[%add3A_108] : memref<327680xi32, #tpu.memory_space<hbm>> -> memref<640xi32, #tpu.memory_space<hbm>>
      tpu.wait_dma2 semaphore(%run_scoped3A : memref<!tpu.dma_semaphore, #tpu.memory_space<semaphore_mem>>) src(%dma_wait3A_562 : memref<640xi32, #tpu.memory_space<hbm>>) dst(%arg8 : memref<640xi32, #tpu.memory_space<vmem>>)
      tpu.yield
    }) : () -> ()
    %dma_start3A_112 = arith.constant 0 : i32
    %dma_start3A_113 = arith.constant 0 : i32
    %dma_start3A_114 = tpu.memref_slice %arg2[%dma_start3A_112, %dma_start3A_113] : memref<20000x64xf32, #tpu.memory_space<hbm>> -> memref<20000x64xf32, #tpu.memory_space<hbm>>
    tpu.enqueue_indirect_dma source(%dma_start3A_114 : memref<20000x64xf32, #tpu.memory_space<hbm>>) target(%arg10 : memref<640x64xf32, #tpu.memory_space<vmem>>) offsets(%arg6 : memref<640xi32, #tpu.memory_space<vmem>>) semaphore(%arg13 : memref<!tpu.dma_semaphore, #tpu.memory_space<semaphore_mem>>)
    %dma_wait3A_115 = arith.constant 0 : i32
    %dma_wait3A_116 = arith.constant 0 : i32
    %dma_wait3A_117 = tpu.memref_slice %arg2[%dma_wait3A_115, %dma_wait3A_116] : memref<20000x64xf32, #tpu.memory_space<hbm>> -> memref<20000x64xf32, #tpu.memory_space<hbm>>
    tpu.wait_indirect_dma semaphore(%arg13 : memref<!tpu.dma_semaphore, #tpu.memory_space<semaphore_mem>>) src(%dma_wait3A_117 : memref<20000x64xf32, #tpu.memory_space<hbm>>) dst(%arg10 : memref<640x64xf32, #tpu.memory_space<vmem>>)
    %dma_start3A_118 = arith.constant 0 : i32
    %dma_start3A_119 = arith.constant 0 : i32
    %dma_start3A_120 = tpu.memref_slice %arg12[%dma_start3A_118, %dma_start3A_119] : memref<10112x64xf32, #tpu.memory_space<vmem_shared>> -> memref<10112x64xf32, #tpu.memory_space<vmem_shared>>
    tpu.enqueue_indirect_dma source(%arg10 : memref<640x64xf32, #tpu.memory_space<vmem>>) target(%dma_start3A_120 : memref<10112x64xf32, #tpu.memory_space<vmem_shared>>) offsets(%arg8 : memref<640xi32, #tpu.memory_space<vmem>>) semaphore(%arg15 : memref<!tpu.dma_semaphore, #tpu.memory_space<semaphore_mem>>) {add = true}
    %dma_wait3A_121 = arith.constant 0 : i32
    %dma_wait3A_122 = arith.constant 0 : i32
    %dma_wait3A_123 = tpu.memref_slice %arg12[%dma_wait3A_121, %dma_wait3A_122] : memref<10112x64xf32, #tpu.memory_space<vmem_shared>> -> memref<10112x64xf32, #tpu.memory_space<vmem_shared>>
    tpu.wait_indirect_dma semaphore(%arg16 : memref<!tpu.dma_semaphore, #tpu.memory_space<semaphore_mem>>) src(%arg11 : memref<640x64xf32, #tpu.memory_space<vmem>>) dst(%dma_wait3A_123 : memref<10112x64xf32, #tpu.memory_space<vmem_shared>>)
    %add3A_124 = arith.constant 4480 : i32
    %add3A_125 = arith.addi %mul3A_9, %add3A_124 : i32
    %mul3A_126 = arith.constant 327680 : i32
    %mul3A_127 = arith.muli %arg0, %mul3A_126 : i32
    %add3A_128 = arith.addi %mul3A_127, %add3A_125 : i32
    "tpu.region"() ({
      %run_scoped3A = tpu.sem_alloc : memref<!tpu.dma_semaphore, #tpu.memory_space<semaphore_mem>>
      %dma_start3A_559 = tpu.memref_slice %arg3[%add3A_128] : memref<655360xi32, #tpu.memory_space<hbm>> -> memref<640xi32, #tpu.memory_space<hbm>>
      %dma_start3A_560 = tpu.memref_slice %arg3[%add3A_128] : memref<655360xi32, #tpu.memory_space<hbm>> -> memref<640xi32, #tpu.memory_space<hbm>>
      tpu.enqueue_dma source(%dma_start3A_560 : memref<640xi32, #tpu.memory_space<hbm>>) target(%arg7 : memref<640xi32, #tpu.memory_space<vmem>>) target_semaphore(%run_scoped3A : memref<!tpu.dma_semaphore, #tpu.memory_space<semaphore_mem>>)
      %dma_wait3A_561 = tpu.memref_slice %arg3[%add3A_128] : memref<655360xi32, #tpu.memory_space<hbm>> -> memref<640xi32, #tpu.memory_space<hbm>>
      %dma_wait3A_562 = tpu.memref_slice %arg3[%add3A_128] : memref<655360xi32, #tpu.memory_space<hbm>> -> memref<640xi32, #tpu.memory_space<hbm>>
      tpu.wait_dma2 semaphore(%run_scoped3A : memref<!tpu.dma_semaphore, #tpu.memory_space<semaphore_mem>>) src(%dma_wait3A_562 : memref<640xi32, #tpu.memory_space<hbm>>) dst(%arg7 : memref<640xi32, #tpu.memory_space<vmem>>)
      tpu.yield
    }) : () -> ()
    "tpu.region"() ({
      %run_scoped3A = tpu.sem_alloc : memref<!tpu.dma_semaphore, #tpu.memory_space<semaphore_mem>>
      %dma_start3A_559 = tpu.memref_slice %arg4[%add3A_125] : memref<327680xi32, #tpu.memory_space<hbm>> -> memref<640xi32, #tpu.memory_space<hbm>>
      %dma_start3A_560 = tpu.memref_slice %arg4[%add3A_125] : memref<327680xi32, #tpu.memory_space<hbm>> -> memref<640xi32, #tpu.memory_space<hbm>>
      tpu.enqueue_dma source(%dma_start3A_560 : memref<640xi32, #tpu.memory_space<hbm>>) target(%arg9 : memref<640xi32, #tpu.memory_space<vmem>>) target_semaphore(%run_scoped3A : memref<!tpu.dma_semaphore, #tpu.memory_space<semaphore_mem>>)
      %dma_wait3A_561 = tpu.memref_slice %arg4[%add3A_125] : memref<327680xi32, #tpu.memory_space<hbm>> -> memref<640xi32, #tpu.memory_space<hbm>>
      %dma_wait3A_562 = tpu.memref_slice %arg4[%add3A_125] : memref<327680xi32, #tpu.memory_space<hbm>> -> memref<640xi32, #tpu.memory_space<hbm>>
      tpu.wait_dma2 semaphore(%run_scoped3A : memref<!tpu.dma_semaphore, #tpu.memory_space<semaphore_mem>>) src(%dma_wait3A_562 : memref<640xi32, #tpu.memory_space<hbm>>) dst(%arg9 : memref<640xi32, #tpu.memory_space<vmem>>)
      tpu.yield
    }) : () -> ()
    %dma_start3A_129 = arith.constant 0 : i32
    %dma_start3A_130 = arith.constant 0 : i32
    %dma_start3A_131 = tpu.memref_slice %arg2[%dma_start3A_129, %dma_start3A_130] : memref<20000x64xf32, #tpu.memory_space<hbm>> -> memref<20000x64xf32, #tpu.memory_space<hbm>>
    tpu.enqueue_indirect_dma source(%dma_start3A_131 : memref<20000x64xf32, #tpu.memory_space<hbm>>) target(%arg11 : memref<640x64xf32, #tpu.memory_space<vmem>>) offsets(%arg7 : memref<640xi32, #tpu.memory_space<vmem>>) semaphore(%arg14 : memref<!tpu.dma_semaphore, #tpu.memory_space<semaphore_mem>>)
    %dma_wait3A_132 = arith.constant 0 : i32
    %dma_wait3A_133 = arith.constant 0 : i32
    %dma_wait3A_134 = tpu.memref_slice %arg2[%dma_wait3A_132, %dma_wait3A_133] : memref<20000x64xf32, #tpu.memory_space<hbm>> -> memref<20000x64xf32, #tpu.memory_space<hbm>>
    tpu.wait_indirect_dma semaphore(%arg14 : memref<!tpu.dma_semaphore, #tpu.memory_space<semaphore_mem>>) src(%dma_wait3A_134 : memref<20000x64xf32, #tpu.memory_space<hbm>>) dst(%arg11 : memref<640x64xf32, #tpu.memory_space<vmem>>)
    %dma_start3A_135 = arith.constant 0 : i32
    %dma_start3A_136 = arith.constant 0 : i32
    %dma_start3A_137 = tpu.memref_slice %arg12[%dma_start3A_135, %dma_start3A_136] : memref<10112x64xf32, #tpu.memory_space<vmem_shared>> -> memref<10112x64xf32, #tpu.memory_space<vmem_shared>>
    tpu.enqueue_indirect_dma source(%arg11 : memref<640x64xf32, #tpu.memory_space<vmem>>) target(%dma_start3A_137 : memref<10112x64xf32, #tpu.memory_space<vmem_shared>>) offsets(%arg9 : memref<640xi32, #tpu.memory_space<vmem>>) semaphore(%arg16 : memref<!tpu.dma_semaphore, #tpu.memory_space<semaphore_mem>>) {add = true}
    %dma_wait3A_138 = arith.constant 0 : i32
    %dma_wait3A_139 = arith.constant 0 : i32
    %dma_wait3A_140 = tpu.memref_slice %arg12[%dma_wait3A_138, %dma_wait3A_139] : memref<10112x64xf32, #tpu.memory_space<vmem_shared>> -> memref<10112x64xf32, #tpu.memory_space<vmem_shared>>
    tpu.wait_indirect_dma semaphore(%arg15 : memref<!tpu.dma_semaphore, #tpu.memory_space<semaphore_mem>>) src(%arg10 : memref<640x64xf32, #tpu.memory_space<vmem>>) dst(%dma_wait3A_140 : memref<10112x64xf32, #tpu.memory_space<vmem_shared>>)
    %add3A_141 = arith.constant 5120 : i32
    %add3A_142 = arith.addi %mul3A_9, %add3A_141 : i32
    %mul3A_143 = arith.constant 327680 : i32
    %mul3A_144 = arith.muli %arg0, %mul3A_143 : i32
    %add3A_145 = arith.addi %mul3A_144, %add3A_142 : i32
    "tpu.region"() ({
      %run_scoped3A = tpu.sem_alloc : memref<!tpu.dma_semaphore, #tpu.memory_space<semaphore_mem>>
      %dma_start3A_559 = tpu.memref_slice %arg3[%add3A_145] : memref<655360xi32, #tpu.memory_space<hbm>> -> memref<640xi32, #tpu.memory_space<hbm>>
      %dma_start3A_560 = tpu.memref_slice %arg3[%add3A_145] : memref<655360xi32, #tpu.memory_space<hbm>> -> memref<640xi32, #tpu.memory_space<hbm>>
      tpu.enqueue_dma source(%dma_start3A_560 : memref<640xi32, #tpu.memory_space<hbm>>) target(%arg6 : memref<640xi32, #tpu.memory_space<vmem>>) target_semaphore(%run_scoped3A : memref<!tpu.dma_semaphore, #tpu.memory_space<semaphore_mem>>)
      %dma_wait3A_561 = tpu.memref_slice %arg3[%add3A_145] : memref<655360xi32, #tpu.memory_space<hbm>> -> memref<640xi32, #tpu.memory_space<hbm>>
      %dma_wait3A_562 = tpu.memref_slice %arg3[%add3A_145] : memref<655360xi32, #tpu.memory_space<hbm>> -> memref<640xi32, #tpu.memory_space<hbm>>
      tpu.wait_dma2 semaphore(%run_scoped3A : memref<!tpu.dma_semaphore, #tpu.memory_space<semaphore_mem>>) src(%dma_wait3A_562 : memref<640xi32, #tpu.memory_space<hbm>>) dst(%arg6 : memref<640xi32, #tpu.memory_space<vmem>>)
      tpu.yield
    }) : () -> ()
    "tpu.region"() ({
      %run_scoped3A = tpu.sem_alloc : memref<!tpu.dma_semaphore, #tpu.memory_space<semaphore_mem>>
      %dma_start3A_559 = tpu.memref_slice %arg4[%add3A_142] : memref<327680xi32, #tpu.memory_space<hbm>> -> memref<640xi32, #tpu.memory_space<hbm>>
      %dma_start3A_560 = tpu.memref_slice %arg4[%add3A_142] : memref<327680xi32, #tpu.memory_space<hbm>> -> memref<640xi32, #tpu.memory_space<hbm>>
      tpu.enqueue_dma source(%dma_start3A_560 : memref<640xi32, #tpu.memory_space<hbm>>) target(%arg8 : memref<640xi32, #tpu.memory_space<vmem>>) target_semaphore(%run_scoped3A : memref<!tpu.dma_semaphore, #tpu.memory_space<semaphore_mem>>)
      %dma_wait3A_561 = tpu.memref_slice %arg4[%add3A_142] : memref<327680xi32, #tpu.memory_space<hbm>> -> memref<640xi32, #tpu.memory_space<hbm>>
      %dma_wait3A_562 = tpu.memref_slice %arg4[%add3A_142] : memref<327680xi32, #tpu.memory_space<hbm>> -> memref<640xi32, #tpu.memory_space<hbm>>
      tpu.wait_dma2 semaphore(%run_scoped3A : memref<!tpu.dma_semaphore, #tpu.memory_space<semaphore_mem>>) src(%dma_wait3A_562 : memref<640xi32, #tpu.memory_space<hbm>>) dst(%arg8 : memref<640xi32, #tpu.memory_space<vmem>>)
      tpu.yield
    }) : () -> ()
    %dma_start3A_146 = arith.constant 0 : i32
    %dma_start3A_147 = arith.constant 0 : i32
    %dma_start3A_148 = tpu.memref_slice %arg2[%dma_start3A_146, %dma_start3A_147] : memref<20000x64xf32, #tpu.memory_space<hbm>> -> memref<20000x64xf32, #tpu.memory_space<hbm>>
    tpu.enqueue_indirect_dma source(%dma_start3A_148 : memref<20000x64xf32, #tpu.memory_space<hbm>>) target(%arg10 : memref<640x64xf32, #tpu.memory_space<vmem>>) offsets(%arg6 : memref<640xi32, #tpu.memory_space<vmem>>) semaphore(%arg13 : memref<!tpu.dma_semaphore, #tpu.memory_space<semaphore_mem>>)
    %dma_wait3A_149 = arith.constant 0 : i32
    %dma_wait3A_150 = arith.constant 0 : i32
    %dma_wait3A_151 = tpu.memref_slice %arg2[%dma_wait3A_149, %dma_wait3A_150] : memref<20000x64xf32, #tpu.memory_space<hbm>> -> memref<20000x64xf32, #tpu.memory_space<hbm>>
    tpu.wait_indirect_dma semaphore(%arg13 : memref<!tpu.dma_semaphore, #tpu.memory_space<semaphore_mem>>) src(%dma_wait3A_151 : memref<20000x64xf32, #tpu.memory_space<hbm>>) dst(%arg10 : memref<640x64xf32, #tpu.memory_space<vmem>>)
    %dma_start3A_152 = arith.constant 0 : i32
    %dma_start3A_153 = arith.constant 0 : i32
    %dma_start3A_154 = tpu.memref_slice %arg12[%dma_start3A_152, %dma_start3A_153] : memref<10112x64xf32, #tpu.memory_space<vmem_shared>> -> memref<10112x64xf32, #tpu.memory_space<vmem_shared>>
    tpu.enqueue_indirect_dma source(%arg10 : memref<640x64xf32, #tpu.memory_space<vmem>>) target(%dma_start3A_154 : memref<10112x64xf32, #tpu.memory_space<vmem_shared>>) offsets(%arg8 : memref<640xi32, #tpu.memory_space<vmem>>) semaphore(%arg15 : memref<!tpu.dma_semaphore, #tpu.memory_space<semaphore_mem>>) {add = true}
    %dma_wait3A_155 = arith.constant 0 : i32
    %dma_wait3A_156 = arith.constant 0 : i32
    %dma_wait3A_157 = tpu.memref_slice %arg12[%dma_wait3A_155, %dma_wait3A_156] : memref<10112x64xf32, #tpu.memory_space<vmem_shared>> -> memref<10112x64xf32, #tpu.memory_space<vmem_shared>>
    tpu.wait_indirect_dma semaphore(%arg16 : memref<!tpu.dma_semaphore, #tpu.memory_space<semaphore_mem>>) src(%arg11 : memref<640x64xf32, #tpu.memory_space<vmem>>) dst(%dma_wait3A_157 : memref<10112x64xf32, #tpu.memory_space<vmem_shared>>)
    %add3A_158 = arith.constant 5760 : i32
    %add3A_159 = arith.addi %mul3A_9, %add3A_158 : i32
    %mul3A_160 = arith.constant 327680 : i32
    %mul3A_161 = arith.muli %arg0, %mul3A_160 : i32
    %add3A_162 = arith.addi %mul3A_161, %add3A_159 : i32
    "tpu.region"() ({
      %run_scoped3A = tpu.sem_alloc : memref<!tpu.dma_semaphore, #tpu.memory_space<semaphore_mem>>
      %dma_start3A_559 = tpu.memref_slice %arg3[%add3A_162] : memref<655360xi32, #tpu.memory_space<hbm>> -> memref<640xi32, #tpu.memory_space<hbm>>
      %dma_start3A_560 = tpu.memref_slice %arg3[%add3A_162] : memref<655360xi32, #tpu.memory_space<hbm>> -> memref<640xi32, #tpu.memory_space<hbm>>
      tpu.enqueue_dma source(%dma_start3A_560 : memref<640xi32, #tpu.memory_space<hbm>>) target(%arg7 : memref<640xi32, #tpu.memory_space<vmem>>) target_semaphore(%run_scoped3A : memref<!tpu.dma_semaphore, #tpu.memory_space<semaphore_mem>>)
      %dma_wait3A_561 = tpu.memref_slice %arg3[%add3A_162] : memref<655360xi32, #tpu.memory_space<hbm>> -> memref<640xi32, #tpu.memory_space<hbm>>
      %dma_wait3A_562 = tpu.memref_slice %arg3[%add3A_162] : memref<655360xi32, #tpu.memory_space<hbm>> -> memref<640xi32, #tpu.memory_space<hbm>>
      tpu.wait_dma2 semaphore(%run_scoped3A : memref<!tpu.dma_semaphore, #tpu.memory_space<semaphore_mem>>) src(%dma_wait3A_562 : memref<640xi32, #tpu.memory_space<hbm>>) dst(%arg7 : memref<640xi32, #tpu.memory_space<vmem>>)
      tpu.yield
    }) : () -> ()
    "tpu.region"() ({
      %run_scoped3A = tpu.sem_alloc : memref<!tpu.dma_semaphore, #tpu.memory_space<semaphore_mem>>
      %dma_start3A_559 = tpu.memref_slice %arg4[%add3A_159] : memref<327680xi32, #tpu.memory_space<hbm>> -> memref<640xi32, #tpu.memory_space<hbm>>
      %dma_start3A_560 = tpu.memref_slice %arg4[%add3A_159] : memref<327680xi32, #tpu.memory_space<hbm>> -> memref<640xi32, #tpu.memory_space<hbm>>
      tpu.enqueue_dma source(%dma_start3A_560 : memref<640xi32, #tpu.memory_space<hbm>>) target(%arg9 : memref<640xi32, #tpu.memory_space<vmem>>) target_semaphore(%run_scoped3A : memref<!tpu.dma_semaphore, #tpu.memory_space<semaphore_mem>>)
      %dma_wait3A_561 = tpu.memref_slice %arg4[%add3A_159] : memref<327680xi32, #tpu.memory_space<hbm>> -> memref<640xi32, #tpu.memory_space<hbm>>
      %dma_wait3A_562 = tpu.memref_slice %arg4[%add3A_159] : memref<327680xi32, #tpu.memory_space<hbm>> -> memref<640xi32, #tpu.memory_space<hbm>>
      tpu.wait_dma2 semaphore(%run_scoped3A : memref<!tpu.dma_semaphore, #tpu.memory_space<semaphore_mem>>) src(%dma_wait3A_562 : memref<640xi32, #tpu.memory_space<hbm>>) dst(%arg9 : memref<640xi32, #tpu.memory_space<vmem>>)
      tpu.yield
    }) : () -> ()
    %dma_start3A_163 = arith.constant 0 : i32
    %dma_start3A_164 = arith.constant 0 : i32
    %dma_start3A_165 = tpu.memref_slice %arg2[%dma_start3A_163, %dma_start3A_164] : memref<20000x64xf32, #tpu.memory_space<hbm>> -> memref<20000x64xf32, #tpu.memory_space<hbm>>
    tpu.enqueue_indirect_dma source(%dma_start3A_165 : memref<20000x64xf32, #tpu.memory_space<hbm>>) target(%arg11 : memref<640x64xf32, #tpu.memory_space<vmem>>) offsets(%arg7 : memref<640xi32, #tpu.memory_space<vmem>>) semaphore(%arg14 : memref<!tpu.dma_semaphore, #tpu.memory_space<semaphore_mem>>)
    %dma_wait3A_166 = arith.constant 0 : i32
    %dma_wait3A_167 = arith.constant 0 : i32
    %dma_wait3A_168 = tpu.memref_slice %arg2[%dma_wait3A_166, %dma_wait3A_167] : memref<20000x64xf32, #tpu.memory_space<hbm>> -> memref<20000x64xf32, #tpu.memory_space<hbm>>
    tpu.wait_indirect_dma semaphore(%arg14 : memref<!tpu.dma_semaphore, #tpu.memory_space<semaphore_mem>>) src(%dma_wait3A_168 : memref<20000x64xf32, #tpu.memory_space<hbm>>) dst(%arg11 : memref<640x64xf32, #tpu.memory_space<vmem>>)
    %dma_start3A_169 = arith.constant 0 : i32
    %dma_start3A_170 = arith.constant 0 : i32
    %dma_start3A_171 = tpu.memref_slice %arg12[%dma_start3A_169, %dma_start3A_170] : memref<10112x64xf32, #tpu.memory_space<vmem_shared>> -> memref<10112x64xf32, #tpu.memory_space<vmem_shared>>
    tpu.enqueue_indirect_dma source(%arg11 : memref<640x64xf32, #tpu.memory_space<vmem>>) target(%dma_start3A_171 : memref<10112x64xf32, #tpu.memory_space<vmem_shared>>) offsets(%arg9 : memref<640xi32, #tpu.memory_space<vmem>>) semaphore(%arg16 : memref<!tpu.dma_semaphore, #tpu.memory_space<semaphore_mem>>) {add = true}
    %dma_wait3A_172 = arith.constant 0 : i32
    %dma_wait3A_173 = arith.constant 0 : i32
    %dma_wait3A_174 = tpu.memref_slice %arg12[%dma_wait3A_172, %dma_wait3A_173] : memref<10112x64xf32, #tpu.memory_space<vmem_shared>> -> memref<10112x64xf32, #tpu.memory_space<vmem_shared>>
    tpu.wait_indirect_dma semaphore(%arg15 : memref<!tpu.dma_semaphore, #tpu.memory_space<semaphore_mem>>) src(%arg10 : memref<640x64xf32, #tpu.memory_space<vmem>>) dst(%dma_wait3A_174 : memref<10112x64xf32, #tpu.memory_space<vmem_shared>>)
    %add3A_175 = arith.constant 6400 : i32
    %add3A_176 = arith.addi %mul3A_9, %add3A_175 : i32
    %mul3A_177 = arith.constant 327680 : i32
    %mul3A_178 = arith.muli %arg0, %mul3A_177 : i32
    %add3A_179 = arith.addi %mul3A_178, %add3A_176 : i32
    "tpu.region"() ({
      %run_scoped3A = tpu.sem_alloc : memref<!tpu.dma_semaphore, #tpu.memory_space<semaphore_mem>>
      %dma_start3A_559 = tpu.memref_slice %arg3[%add3A_179] : memref<655360xi32, #tpu.memory_space<hbm>> -> memref<640xi32, #tpu.memory_space<hbm>>
      %dma_start3A_560 = tpu.memref_slice %arg3[%add3A_179] : memref<655360xi32, #tpu.memory_space<hbm>> -> memref<640xi32, #tpu.memory_space<hbm>>
      tpu.enqueue_dma source(%dma_start3A_560 : memref<640xi32, #tpu.memory_space<hbm>>) target(%arg6 : memref<640xi32, #tpu.memory_space<vmem>>) target_semaphore(%run_scoped3A : memref<!tpu.dma_semaphore, #tpu.memory_space<semaphore_mem>>)
      %dma_wait3A_561 = tpu.memref_slice %arg3[%add3A_179] : memref<655360xi32, #tpu.memory_space<hbm>> -> memref<640xi32, #tpu.memory_space<hbm>>
      %dma_wait3A_562 = tpu.memref_slice %arg3[%add3A_179] : memref<655360xi32, #tpu.memory_space<hbm>> -> memref<640xi32, #tpu.memory_space<hbm>>
      tpu.wait_dma2 semaphore(%run_scoped3A : memref<!tpu.dma_semaphore, #tpu.memory_space<semaphore_mem>>) src(%dma_wait3A_562 : memref<640xi32, #tpu.memory_space<hbm>>) dst(%arg6 : memref<640xi32, #tpu.memory_space<vmem>>)
      tpu.yield
    }) : () -> ()
    "tpu.region"() ({
      %run_scoped3A = tpu.sem_alloc : memref<!tpu.dma_semaphore, #tpu.memory_space<semaphore_mem>>
      %dma_start3A_559 = tpu.memref_slice %arg4[%add3A_176] : memref<327680xi32, #tpu.memory_space<hbm>> -> memref<640xi32, #tpu.memory_space<hbm>>
      %dma_start3A_560 = tpu.memref_slice %arg4[%add3A_176] : memref<327680xi32, #tpu.memory_space<hbm>> -> memref<640xi32, #tpu.memory_space<hbm>>
      tpu.enqueue_dma source(%dma_start3A_560 : memref<640xi32, #tpu.memory_space<hbm>>) target(%arg8 : memref<640xi32, #tpu.memory_space<vmem>>) target_semaphore(%run_scoped3A : memref<!tpu.dma_semaphore, #tpu.memory_space<semaphore_mem>>)
      %dma_wait3A_561 = tpu.memref_slice %arg4[%add3A_176] : memref<327680xi32, #tpu.memory_space<hbm>> -> memref<640xi32, #tpu.memory_space<hbm>>
      %dma_wait3A_562 = tpu.memref_slice %arg4[%add3A_176] : memref<327680xi32, #tpu.memory_space<hbm>> -> memref<640xi32, #tpu.memory_space<hbm>>
      tpu.wait_dma2 semaphore(%run_scoped3A : memref<!tpu.dma_semaphore, #tpu.memory_space<semaphore_mem>>) src(%dma_wait3A_562 : memref<640xi32, #tpu.memory_space<hbm>>) dst(%arg8 : memref<640xi32, #tpu.memory_space<vmem>>)
      tpu.yield
    }) : () -> ()
    %dma_start3A_180 = arith.constant 0 : i32
    %dma_start3A_181 = arith.constant 0 : i32
    %dma_start3A_182 = tpu.memref_slice %arg2[%dma_start3A_180, %dma_start3A_181] : memref<20000x64xf32, #tpu.memory_space<hbm>> -> memref<20000x64xf32, #tpu.memory_space<hbm>>
    tpu.enqueue_indirect_dma source(%dma_start3A_182 : memref<20000x64xf32, #tpu.memory_space<hbm>>) target(%arg10 : memref<640x64xf32, #tpu.memory_space<vmem>>) offsets(%arg6 : memref<640xi32, #tpu.memory_space<vmem>>) semaphore(%arg13 : memref<!tpu.dma_semaphore, #tpu.memory_space<semaphore_mem>>)
    %dma_wait3A_183 = arith.constant 0 : i32
    %dma_wait3A_184 = arith.constant 0 : i32
    %dma_wait3A_185 = tpu.memref_slice %arg2[%dma_wait3A_183, %dma_wait3A_184] : memref<20000x64xf32, #tpu.memory_space<hbm>> -> memref<20000x64xf32, #tpu.memory_space<hbm>>
    tpu.wait_indirect_dma semaphore(%arg13 : memref<!tpu.dma_semaphore, #tpu.memory_space<semaphore_mem>>) src(%dma_wait3A_185 : memref<20000x64xf32, #tpu.memory_space<hbm>>) dst(%arg10 : memref<640x64xf32, #tpu.memory_space<vmem>>)
    %dma_start3A_186 = arith.constant 0 : i32
    %dma_start3A_187 = arith.constant 0 : i32
    %dma_start3A_188 = tpu.memref_slice %arg12[%dma_start3A_186, %dma_start3A_187] : memref<10112x64xf32, #tpu.memory_space<vmem_shared>> -> memref<10112x64xf32, #tpu.memory_space<vmem_shared>>
    tpu.enqueue_indirect_dma source(%arg10 : memref<640x64xf32, #tpu.memory_space<vmem>>) target(%dma_start3A_188 : memref<10112x64xf32, #tpu.memory_space<vmem_shared>>) offsets(%arg8 : memref<640xi32, #tpu.memory_space<vmem>>) semaphore(%arg15 : memref<!tpu.dma_semaphore, #tpu.memory_space<semaphore_mem>>) {add = true}
    %dma_wait3A_189 = arith.constant 0 : i32
    %dma_wait3A_190 = arith.constant 0 : i32
    %dma_wait3A_191 = tpu.memref_slice %arg12[%dma_wait3A_189, %dma_wait3A_190] : memref<10112x64xf32, #tpu.memory_space<vmem_shared>> -> memref<10112x64xf32, #tpu.memory_space<vmem_shared>>
    tpu.wait_indirect_dma semaphore(%arg16 : memref<!tpu.dma_semaphore, #tpu.memory_space<semaphore_mem>>) src(%arg11 : memref<640x64xf32, #tpu.memory_space<vmem>>) dst(%dma_wait3A_191 : memref<10112x64xf32, #tpu.memory_space<vmem_shared>>)
    %add3A_192 = arith.constant 7040 : i32
    %add3A_193 = arith.addi %mul3A_9, %add3A_192 : i32
    %mul3A_194 = arith.constant 327680 : i32
    %mul3A_195 = arith.muli %arg0, %mul3A_194 : i32
    %add3A_196 = arith.addi %mul3A_195, %add3A_193 : i32
    "tpu.region"() ({
      %run_scoped3A = tpu.sem_alloc : memref<!tpu.dma_semaphore, #tpu.memory_space<semaphore_mem>>
      %dma_start3A_559 = tpu.memref_slice %arg3[%add3A_196] : memref<655360xi32, #tpu.memory_space<hbm>> -> memref<640xi32, #tpu.memory_space<hbm>>
      %dma_start3A_560 = tpu.memref_slice %arg3[%add3A_196] : memref<655360xi32, #tpu.memory_space<hbm>> -> memref<640xi32, #tpu.memory_space<hbm>>
      tpu.enqueue_dma source(%dma_start3A_560 : memref<640xi32, #tpu.memory_space<hbm>>) target(%arg7 : memref<640xi32, #tpu.memory_space<vmem>>) target_semaphore(%run_scoped3A : memref<!tpu.dma_semaphore, #tpu.memory_space<semaphore_mem>>)
      %dma_wait3A_561 = tpu.memref_slice %arg3[%add3A_196] : memref<655360xi32, #tpu.memory_space<hbm>> -> memref<640xi32, #tpu.memory_space<hbm>>
      %dma_wait3A_562 = tpu.memref_slice %arg3[%add3A_196] : memref<655360xi32, #tpu.memory_space<hbm>> -> memref<640xi32, #tpu.memory_space<hbm>>
      tpu.wait_dma2 semaphore(%run_scoped3A : memref<!tpu.dma_semaphore, #tpu.memory_space<semaphore_mem>>) src(%dma_wait3A_562 : memref<640xi32, #tpu.memory_space<hbm>>) dst(%arg7 : memref<640xi32, #tpu.memory_space<vmem>>)
      tpu.yield
    }) : () -> ()
    "tpu.region"() ({
      %run_scoped3A = tpu.sem_alloc : memref<!tpu.dma_semaphore, #tpu.memory_space<semaphore_mem>>
      %dma_start3A_559 = tpu.memref_slice %arg4[%add3A_193] : memref<327680xi32, #tpu.memory_space<hbm>> -> memref<640xi32, #tpu.memory_space<hbm>>
      %dma_start3A_560 = tpu.memref_slice %arg4[%add3A_193] : memref<327680xi32, #tpu.memory_space<hbm>> -> memref<640xi32, #tpu.memory_space<hbm>>
      tpu.enqueue_dma source(%dma_start3A_560 : memref<640xi32, #tpu.memory_space<hbm>>) target(%arg9 : memref<640xi32, #tpu.memory_space<vmem>>) target_semaphore(%run_scoped3A : memref<!tpu.dma_semaphore, #tpu.memory_space<semaphore_mem>>)
      %dma_wait3A_561 = tpu.memref_slice %arg4[%add3A_193] : memref<327680xi32, #tpu.memory_space<hbm>> -> memref<640xi32, #tpu.memory_space<hbm>>
      %dma_wait3A_562 = tpu.memref_slice %arg4[%add3A_193] : memref<327680xi32, #tpu.memory_space<hbm>> -> memref<640xi32, #tpu.memory_space<hbm>>
      tpu.wait_dma2 semaphore(%run_scoped3A : memref<!tpu.dma_semaphore, #tpu.memory_space<semaphore_mem>>) src(%dma_wait3A_562 : memref<640xi32, #tpu.memory_space<hbm>>) dst(%arg9 : memref<640xi32, #tpu.memory_space<vmem>>)
      tpu.yield
    }) : () -> ()
    %dma_start3A_197 = arith.constant 0 : i32
    %dma_start3A_198 = arith.constant 0 : i32
    %dma_start3A_199 = tpu.memref_slice %arg2[%dma_start3A_197, %dma_start3A_198] : memref<20000x64xf32, #tpu.memory_space<hbm>> -> memref<20000x64xf32, #tpu.memory_space<hbm>>
    tpu.enqueue_indirect_dma source(%dma_start3A_199 : memref<20000x64xf32, #tpu.memory_space<hbm>>) target(%arg11 : memref<640x64xf32, #tpu.memory_space<vmem>>) offsets(%arg7 : memref<640xi32, #tpu.memory_space<vmem>>) semaphore(%arg14 : memref<!tpu.dma_semaphore, #tpu.memory_space<semaphore_mem>>)
    %dma_wait3A_200 = arith.constant 0 : i32
    %dma_wait3A_201 = arith.constant 0 : i32
    %dma_wait3A_202 = tpu.memref_slice %arg2[%dma_wait3A_200, %dma_wait3A_201] : memref<20000x64xf32, #tpu.memory_space<hbm>> -> memref<20000x64xf32, #tpu.memory_space<hbm>>
    tpu.wait_indirect_dma semaphore(%arg14 : memref<!tpu.dma_semaphore, #tpu.memory_space<semaphore_mem>>) src(%dma_wait3A_202 : memref<20000x64xf32, #tpu.memory_space<hbm>>) dst(%arg11 : memref<640x64xf32, #tpu.memory_space<vmem>>)
    %dma_start3A_203 = arith.constant 0 : i32
    %dma_start3A_204 = arith.constant 0 : i32
    %dma_start3A_205 = tpu.memref_slice %arg12[%dma_start3A_203, %dma_start3A_204] : memref<10112x64xf32, #tpu.memory_space<vmem_shared>> -> memref<10112x64xf32, #tpu.memory_space<vmem_shared>>
    tpu.enqueue_indirect_dma source(%arg11 : memref<640x64xf32, #tpu.memory_space<vmem>>) target(%dma_start3A_205 : memref<10112x64xf32, #tpu.memory_space<vmem_shared>>) offsets(%arg9 : memref<640xi32, #tpu.memory_space<vmem>>) semaphore(%arg16 : memref<!tpu.dma_semaphore, #tpu.memory_space<semaphore_mem>>) {add = true}
    %dma_wait3A_206 = arith.constant 0 : i32
    %dma_wait3A_207 = arith.constant 0 : i32
    %dma_wait3A_208 = tpu.memref_slice %arg12[%dma_wait3A_206, %dma_wait3A_207] : memref<10112x64xf32, #tpu.memory_space<vmem_shared>> -> memref<10112x64xf32, #tpu.memory_space<vmem_shared>>
    tpu.wait_indirect_dma semaphore(%arg15 : memref<!tpu.dma_semaphore, #tpu.memory_space<semaphore_mem>>) src(%arg10 : memref<640x64xf32, #tpu.memory_space<vmem>>) dst(%dma_wait3A_208 : memref<10112x64xf32, #tpu.memory_space<vmem_shared>>)
    %add3A_209 = arith.constant 7680 : i32
    %add3A_210 = arith.addi %mul3A_9, %add3A_209 : i32
    %mul3A_211 = arith.constant 327680 : i32
    %mul3A_212 = arith.muli %arg0, %mul3A_211 : i32
    %add3A_213 = arith.addi %mul3A_212, %add3A_210 : i32
    "tpu.region"() ({
      %run_scoped3A = tpu.sem_alloc : memref<!tpu.dma_semaphore, #tpu.memory_space<semaphore_mem>>
      %dma_start3A_559 = tpu.memref_slice %arg3[%add3A_213] : memref<655360xi32, #tpu.memory_space<hbm>> -> memref<640xi32, #tpu.memory_space<hbm>>
      %dma_start3A_560 = tpu.memref_slice %arg3[%add3A_213] : memref<655360xi32, #tpu.memory_space<hbm>> -> memref<640xi32, #tpu.memory_space<hbm>>
      tpu.enqueue_dma source(%dma_start3A_560 : memref<640xi32, #tpu.memory_space<hbm>>) target(%arg6 : memref<640xi32, #tpu.memory_space<vmem>>) target_semaphore(%run_scoped3A : memref<!tpu.dma_semaphore, #tpu.memory_space<semaphore_mem>>)
      %dma_wait3A_561 = tpu.memref_slice %arg3[%add3A_213] : memref<655360xi32, #tpu.memory_space<hbm>> -> memref<640xi32, #tpu.memory_space<hbm>>
      %dma_wait3A_562 = tpu.memref_slice %arg3[%add3A_213] : memref<655360xi32, #tpu.memory_space<hbm>> -> memref<640xi32, #tpu.memory_space<hbm>>
      tpu.wait_dma2 semaphore(%run_scoped3A : memref<!tpu.dma_semaphore, #tpu.memory_space<semaphore_mem>>) src(%dma_wait3A_562 : memref<640xi32, #tpu.memory_space<hbm>>) dst(%arg6 : memref<640xi32, #tpu.memory_space<vmem>>)
      tpu.yield
    }) : () -> ()
    "tpu.region"() ({
      %run_scoped3A = tpu.sem_alloc : memref<!tpu.dma_semaphore, #tpu.memory_space<semaphore_mem>>
      %dma_start3A_559 = tpu.memref_slice %arg4[%add3A_210] : memref<327680xi32, #tpu.memory_space<hbm>> -> memref<640xi32, #tpu.memory_space<hbm>>
      %dma_start3A_560 = tpu.memref_slice %arg4[%add3A_210] : memref<327680xi32, #tpu.memory_space<hbm>> -> memref<640xi32, #tpu.memory_space<hbm>>
      tpu.enqueue_dma source(%dma_start3A_560 : memref<640xi32, #tpu.memory_space<hbm>>) target(%arg8 : memref<640xi32, #tpu.memory_space<vmem>>) target_semaphore(%run_scoped3A : memref<!tpu.dma_semaphore, #tpu.memory_space<semaphore_mem>>)
      %dma_wait3A_561 = tpu.memref_slice %arg4[%add3A_210] : memref<327680xi32, #tpu.memory_space<hbm>> -> memref<640xi32, #tpu.memory_space<hbm>>
      %dma_wait3A_562 = tpu.memref_slice %arg4[%add3A_210] : memref<327680xi32, #tpu.memory_space<hbm>> -> memref<640xi32, #tpu.memory_space<hbm>>
      tpu.wait_dma2 semaphore(%run_scoped3A : memref<!tpu.dma_semaphore, #tpu.memory_space<semaphore_mem>>) src(%dma_wait3A_562 : memref<640xi32, #tpu.memory_space<hbm>>) dst(%arg8 : memref<640xi32, #tpu.memory_space<vmem>>)
      tpu.yield
    }) : () -> ()
    %dma_start3A_214 = arith.constant 0 : i32
    %dma_start3A_215 = arith.constant 0 : i32
    %dma_start3A_216 = tpu.memref_slice %arg2[%dma_start3A_214, %dma_start3A_215] : memref<20000x64xf32, #tpu.memory_space<hbm>> -> memref<20000x64xf32, #tpu.memory_space<hbm>>
    tpu.enqueue_indirect_dma source(%dma_start3A_216 : memref<20000x64xf32, #tpu.memory_space<hbm>>) target(%arg10 : memref<640x64xf32, #tpu.memory_space<vmem>>) offsets(%arg6 : memref<640xi32, #tpu.memory_space<vmem>>) semaphore(%arg13 : memref<!tpu.dma_semaphore, #tpu.memory_space<semaphore_mem>>)
    %dma_wait3A_217 = arith.constant 0 : i32
    %dma_wait3A_218 = arith.constant 0 : i32
    %dma_wait3A_219 = tpu.memref_slice %arg2[%dma_wait3A_217, %dma_wait3A_218] : memref<20000x64xf32, #tpu.memory_space<hbm>> -> memref<20000x64xf32, #tpu.memory_space<hbm>>
    tpu.wait_indirect_dma semaphore(%arg13 : memref<!tpu.dma_semaphore, #tpu.memory_space<semaphore_mem>>) src(%dma_wait3A_219 : memref<20000x64xf32, #tpu.memory_space<hbm>>) dst(%arg10 : memref<640x64xf32, #tpu.memory_space<vmem>>)
    %dma_start3A_220 = arith.constant 0 : i32
    %dma_start3A_221 = arith.constant 0 : i32
    %dma_start3A_222 = tpu.memref_slice %arg12[%dma_start3A_220, %dma_start3A_221] : memref<10112x64xf32, #tpu.memory_space<vmem_shared>> -> memref<10112x64xf32, #tpu.memory_space<vmem_shared>>
    tpu.enqueue_indirect_dma source(%arg10 : memref<640x64xf32, #tpu.memory_space<vmem>>) target(%dma_start3A_222 : memref<10112x64xf32, #tpu.memory_space<vmem_shared>>) offsets(%arg8 : memref<640xi32, #tpu.memory_space<vmem>>) semaphore(%arg15 : memref<!tpu.dma_semaphore, #tpu.memory_space<semaphore_mem>>) {add = true}
    %dma_wait3A_223 = arith.constant 0 : i32
    %dma_wait3A_224 = arith.constant 0 : i32
    %dma_wait3A_225 = tpu.memref_slice %arg12[%dma_wait3A_223, %dma_wait3A_224] : memref<10112x64xf32, #tpu.memory_space<vmem_shared>> -> memref<10112x64xf32, #tpu.memory_space<vmem_shared>>
    tpu.wait_indirect_dma semaphore(%arg16 : memref<!tpu.dma_semaphore, #tpu.memory_space<semaphore_mem>>) src(%arg11 : memref<640x64xf32, #tpu.memory_space<vmem>>) dst(%dma_wait3A_225 : memref<10112x64xf32, #tpu.memory_space<vmem_shared>>)
    %add3A_226 = arith.constant 8320 : i32
    %add3A_227 = arith.addi %mul3A_9, %add3A_226 : i32
    %mul3A_228 = arith.constant 327680 : i32
    %mul3A_229 = arith.muli %arg0, %mul3A_228 : i32
    %add3A_230 = arith.addi %mul3A_229, %add3A_227 : i32
    "tpu.region"() ({
      %run_scoped3A = tpu.sem_alloc : memref<!tpu.dma_semaphore, #tpu.memory_space<semaphore_mem>>
      %dma_start3A_559 = tpu.memref_slice %arg3[%add3A_230] : memref<655360xi32, #tpu.memory_space<hbm>> -> memref<640xi32, #tpu.memory_space<hbm>>
      %dma_start3A_560 = tpu.memref_slice %arg3[%add3A_230] : memref<655360xi32, #tpu.memory_space<hbm>> -> memref<640xi32, #tpu.memory_space<hbm>>
      tpu.enqueue_dma source(%dma_start3A_560 : memref<640xi32, #tpu.memory_space<hbm>>) target(%arg7 : memref<640xi32, #tpu.memory_space<vmem>>) target_semaphore(%run_scoped3A : memref<!tpu.dma_semaphore, #tpu.memory_space<semaphore_mem>>)
      %dma_wait3A_561 = tpu.memref_slice %arg3[%add3A_230] : memref<655360xi32, #tpu.memory_space<hbm>> -> memref<640xi32, #tpu.memory_space<hbm>>
      %dma_wait3A_562 = tpu.memref_slice %arg3[%add3A_230] : memref<655360xi32, #tpu.memory_space<hbm>> -> memref<640xi32, #tpu.memory_space<hbm>>
      tpu.wait_dma2 semaphore(%run_scoped3A : memref<!tpu.dma_semaphore, #tpu.memory_space<semaphore_mem>>) src(%dma_wait3A_562 : memref<640xi32, #tpu.memory_space<hbm>>) dst(%arg7 : memref<640xi32, #tpu.memory_space<vmem>>)
      tpu.yield
    }) : () -> ()
    "tpu.region"() ({
      %run_scoped3A = tpu.sem_alloc : memref<!tpu.dma_semaphore, #tpu.memory_space<semaphore_mem>>
      %dma_start3A_559 = tpu.memref_slice %arg4[%add3A_227] : memref<327680xi32, #tpu.memory_space<hbm>> -> memref<640xi32, #tpu.memory_space<hbm>>
      %dma_start3A_560 = tpu.memref_slice %arg4[%add3A_227] : memref<327680xi32, #tpu.memory_space<hbm>> -> memref<640xi32, #tpu.memory_space<hbm>>
      tpu.enqueue_dma source(%dma_start3A_560 : memref<640xi32, #tpu.memory_space<hbm>>) target(%arg9 : memref<640xi32, #tpu.memory_space<vmem>>) target_semaphore(%run_scoped3A : memref<!tpu.dma_semaphore, #tpu.memory_space<semaphore_mem>>)
      %dma_wait3A_561 = tpu.memref_slice %arg4[%add3A_227] : memref<327680xi32, #tpu.memory_space<hbm>> -> memref<640xi32, #tpu.memory_space<hbm>>
      %dma_wait3A_562 = tpu.memref_slice %arg4[%add3A_227] : memref<327680xi32, #tpu.memory_space<hbm>> -> memref<640xi32, #tpu.memory_space<hbm>>
      tpu.wait_dma2 semaphore(%run_scoped3A : memref<!tpu.dma_semaphore, #tpu.memory_space<semaphore_mem>>) src(%dma_wait3A_562 : memref<640xi32, #tpu.memory_space<hbm>>) dst(%arg9 : memref<640xi32, #tpu.memory_space<vmem>>)
      tpu.yield
    }) : () -> ()
    %dma_start3A_231 = arith.constant 0 : i32
    %dma_start3A_232 = arith.constant 0 : i32
    %dma_start3A_233 = tpu.memref_slice %arg2[%dma_start3A_231, %dma_start3A_232] : memref<20000x64xf32, #tpu.memory_space<hbm>> -> memref<20000x64xf32, #tpu.memory_space<hbm>>
    tpu.enqueue_indirect_dma source(%dma_start3A_233 : memref<20000x64xf32, #tpu.memory_space<hbm>>) target(%arg11 : memref<640x64xf32, #tpu.memory_space<vmem>>) offsets(%arg7 : memref<640xi32, #tpu.memory_space<vmem>>) semaphore(%arg14 : memref<!tpu.dma_semaphore, #tpu.memory_space<semaphore_mem>>)
    %dma_wait3A_234 = arith.constant 0 : i32
    %dma_wait3A_235 = arith.constant 0 : i32
    %dma_wait3A_236 = tpu.memref_slice %arg2[%dma_wait3A_234, %dma_wait3A_235] : memref<20000x64xf32, #tpu.memory_space<hbm>> -> memref<20000x64xf32, #tpu.memory_space<hbm>>
    tpu.wait_indirect_dma semaphore(%arg14 : memref<!tpu.dma_semaphore, #tpu.memory_space<semaphore_mem>>) src(%dma_wait3A_236 : memref<20000x64xf32, #tpu.memory_space<hbm>>) dst(%arg11 : memref<640x64xf32, #tpu.memory_space<vmem>>)
    %dma_start3A_237 = arith.constant 0 : i32
    %dma_start3A_238 = arith.constant 0 : i32
    %dma_start3A_239 = tpu.memref_slice %arg12[%dma_start3A_237, %dma_start3A_238] : memref<10112x64xf32, #tpu.memory_space<vmem_shared>> -> memref<10112x64xf32, #tpu.memory_space<vmem_shared>>
    tpu.enqueue_indirect_dma source(%arg11 : memref<640x64xf32, #tpu.memory_space<vmem>>) target(%dma_start3A_239 : memref<10112x64xf32, #tpu.memory_space<vmem_shared>>) offsets(%arg9 : memref<640xi32, #tpu.memory_space<vmem>>) semaphore(%arg16 : memref<!tpu.dma_semaphore, #tpu.memory_space<semaphore_mem>>) {add = true}
    %dma_wait3A_240 = arith.constant 0 : i32
    %dma_wait3A_241 = arith.constant 0 : i32
    %dma_wait3A_242 = tpu.memref_slice %arg12[%dma_wait3A_240, %dma_wait3A_241] : memref<10112x64xf32, #tpu.memory_space<vmem_shared>> -> memref<10112x64xf32, #tpu.memory_space<vmem_shared>>
    tpu.wait_indirect_dma semaphore(%arg15 : memref<!tpu.dma_semaphore, #tpu.memory_space<semaphore_mem>>) src(%arg10 : memref<640x64xf32, #tpu.memory_space<vmem>>) dst(%dma_wait3A_242 : memref<10112x64xf32, #tpu.memory_space<vmem_shared>>)
    %add3A_243 = arith.constant 8960 : i32
    %add3A_244 = arith.addi %mul3A_9, %add3A_243 : i32
    %mul3A_245 = arith.constant 327680 : i32
    %mul3A_246 = arith.muli %arg0, %mul3A_245 : i32
    %add3A_247 = arith.addi %mul3A_246, %add3A_244 : i32
    "tpu.region"() ({
      %run_scoped3A = tpu.sem_alloc : memref<!tpu.dma_semaphore, #tpu.memory_space<semaphore_mem>>
      %dma_start3A_559 = tpu.memref_slice %arg3[%add3A_247] : memref<655360xi32, #tpu.memory_space<hbm>> -> memref<640xi32, #tpu.memory_space<hbm>>
      %dma_start3A_560 = tpu.memref_slice %arg3[%add3A_247] : memref<655360xi32, #tpu.memory_space<hbm>> -> memref<640xi32, #tpu.memory_space<hbm>>
      tpu.enqueue_dma source(%dma_start3A_560 : memref<640xi32, #tpu.memory_space<hbm>>) target(%arg6 : memref<640xi32, #tpu.memory_space<vmem>>) target_semaphore(%run_scoped3A : memref<!tpu.dma_semaphore, #tpu.memory_space<semaphore_mem>>)
      %dma_wait3A_561 = tpu.memref_slice %arg3[%add3A_247] : memref<655360xi32, #tpu.memory_space<hbm>> -> memref<640xi32, #tpu.memory_space<hbm>>
      %dma_wait3A_562 = tpu.memref_slice %arg3[%add3A_247] : memref<655360xi32, #tpu.memory_space<hbm>> -> memref<640xi32, #tpu.memory_space<hbm>>
      tpu.wait_dma2 semaphore(%run_scoped3A : memref<!tpu.dma_semaphore, #tpu.memory_space<semaphore_mem>>) src(%dma_wait3A_562 : memref<640xi32, #tpu.memory_space<hbm>>) dst(%arg6 : memref<640xi32, #tpu.memory_space<vmem>>)
      tpu.yield
    }) : () -> ()
    "tpu.region"() ({
      %run_scoped3A = tpu.sem_alloc : memref<!tpu.dma_semaphore, #tpu.memory_space<semaphore_mem>>
      %dma_start3A_559 = tpu.memref_slice %arg4[%add3A_244] : memref<327680xi32, #tpu.memory_space<hbm>> -> memref<640xi32, #tpu.memory_space<hbm>>
      %dma_start3A_560 = tpu.memref_slice %arg4[%add3A_244] : memref<327680xi32, #tpu.memory_space<hbm>> -> memref<640xi32, #tpu.memory_space<hbm>>
      tpu.enqueue_dma source(%dma_start3A_560 : memref<640xi32, #tpu.memory_space<hbm>>) target(%arg8 : memref<640xi32, #tpu.memory_space<vmem>>) target_semaphore(%run_scoped3A : memref<!tpu.dma_semaphore, #tpu.memory_space<semaphore_mem>>)
      %dma_wait3A_561 = tpu.memref_slice %arg4[%add3A_244] : memref<327680xi32, #tpu.memory_space<hbm>> -> memref<640xi32, #tpu.memory_space<hbm>>
      %dma_wait3A_562 = tpu.memref_slice %arg4[%add3A_244] : memref<327680xi32, #tpu.memory_space<hbm>> -> memref<640xi32, #tpu.memory_space<hbm>>
      tpu.wait_dma2 semaphore(%run_scoped3A : memref<!tpu.dma_semaphore, #tpu.memory_space<semaphore_mem>>) src(%dma_wait3A_562 : memref<640xi32, #tpu.memory_space<hbm>>) dst(%arg8 : memref<640xi32, #tpu.memory_space<vmem>>)
      tpu.yield
    }) : () -> ()
    %dma_start3A_248 = arith.constant 0 : i32
    %dma_start3A_249 = arith.constant 0 : i32
    %dma_start3A_250 = tpu.memref_slice %arg2[%dma_start3A_248, %dma_start3A_249] : memref<20000x64xf32, #tpu.memory_space<hbm>> -> memref<20000x64xf32, #tpu.memory_space<hbm>>
    tpu.enqueue_indirect_dma source(%dma_start3A_250 : memref<20000x64xf32, #tpu.memory_space<hbm>>) target(%arg10 : memref<640x64xf32, #tpu.memory_space<vmem>>) offsets(%arg6 : memref<640xi32, #tpu.memory_space<vmem>>) semaphore(%arg13 : memref<!tpu.dma_semaphore, #tpu.memory_space<semaphore_mem>>)
    %dma_wait3A_251 = arith.constant 0 : i32
    %dma_wait3A_252 = arith.constant 0 : i32
    %dma_wait3A_253 = tpu.memref_slice %arg2[%dma_wait3A_251, %dma_wait3A_252] : memref<20000x64xf32, #tpu.memory_space<hbm>> -> memref<20000x64xf32, #tpu.memory_space<hbm>>
    tpu.wait_indirect_dma semaphore(%arg13 : memref<!tpu.dma_semaphore, #tpu.memory_space<semaphore_mem>>) src(%dma_wait3A_253 : memref<20000x64xf32, #tpu.memory_space<hbm>>) dst(%arg10 : memref<640x64xf32, #tpu.memory_space<vmem>>)
    %dma_start3A_254 = arith.constant 0 : i32
    %dma_start3A_255 = arith.constant 0 : i32
    %dma_start3A_256 = tpu.memref_slice %arg12[%dma_start3A_254, %dma_start3A_255] : memref<10112x64xf32, #tpu.memory_space<vmem_shared>> -> memref<10112x64xf32, #tpu.memory_space<vmem_shared>>
    tpu.enqueue_indirect_dma source(%arg10 : memref<640x64xf32, #tpu.memory_space<vmem>>) target(%dma_start3A_256 : memref<10112x64xf32, #tpu.memory_space<vmem_shared>>) offsets(%arg8 : memref<640xi32, #tpu.memory_space<vmem>>) semaphore(%arg15 : memref<!tpu.dma_semaphore, #tpu.memory_space<semaphore_mem>>) {add = true}
    %dma_wait3A_257 = arith.constant 0 : i32
    %dma_wait3A_258 = arith.constant 0 : i32
    %dma_wait3A_259 = tpu.memref_slice %arg12[%dma_wait3A_257, %dma_wait3A_258] : memref<10112x64xf32, #tpu.memory_space<vmem_shared>> -> memref<10112x64xf32, #tpu.memory_space<vmem_shared>>
    tpu.wait_indirect_dma semaphore(%arg16 : memref<!tpu.dma_semaphore, #tpu.memory_space<semaphore_mem>>) src(%arg11 : memref<640x64xf32, #tpu.memory_space<vmem>>) dst(%dma_wait3A_259 : memref<10112x64xf32, #tpu.memory_space<vmem_shared>>)
    %add3A_260 = arith.constant 9600 : i32
    %add3A_261 = arith.addi %mul3A_9, %add3A_260 : i32
    %mul3A_262 = arith.constant 327680 : i32
    %mul3A_263 = arith.muli %arg0, %mul3A_262 : i32
    %add3A_264 = arith.addi %mul3A_263, %add3A_261 : i32
    "tpu.region"() ({
      %run_scoped3A = tpu.sem_alloc : memref<!tpu.dma_semaphore, #tpu.memory_space<semaphore_mem>>
      %dma_start3A_559 = tpu.memref_slice %arg3[%add3A_264] : memref<655360xi32, #tpu.memory_space<hbm>> -> memref<640xi32, #tpu.memory_space<hbm>>
      %dma_start3A_560 = tpu.memref_slice %arg3[%add3A_264] : memref<655360xi32, #tpu.memory_space<hbm>> -> memref<640xi32, #tpu.memory_space<hbm>>
      tpu.enqueue_dma source(%dma_start3A_560 : memref<640xi32, #tpu.memory_space<hbm>>) target(%arg7 : memref<640xi32, #tpu.memory_space<vmem>>) target_semaphore(%run_scoped3A : memref<!tpu.dma_semaphore, #tpu.memory_space<semaphore_mem>>)
      %dma_wait3A_561 = tpu.memref_slice %arg3[%add3A_264] : memref<655360xi32, #tpu.memory_space<hbm>> -> memref<640xi32, #tpu.memory_space<hbm>>
      %dma_wait3A_562 = tpu.memref_slice %arg3[%add3A_264] : memref<655360xi32, #tpu.memory_space<hbm>> -> memref<640xi32, #tpu.memory_space<hbm>>
      tpu.wait_dma2 semaphore(%run_scoped3A : memref<!tpu.dma_semaphore, #tpu.memory_space<semaphore_mem>>) src(%dma_wait3A_562 : memref<640xi32, #tpu.memory_space<hbm>>) dst(%arg7 : memref<640xi32, #tpu.memory_space<vmem>>)
      tpu.yield
    }) : () -> ()
    "tpu.region"() ({
      %run_scoped3A = tpu.sem_alloc : memref<!tpu.dma_semaphore, #tpu.memory_space<semaphore_mem>>
      %dma_start3A_559 = tpu.memref_slice %arg4[%add3A_261] : memref<327680xi32, #tpu.memory_space<hbm>> -> memref<640xi32, #tpu.memory_space<hbm>>
      %dma_start3A_560 = tpu.memref_slice %arg4[%add3A_261] : memref<327680xi32, #tpu.memory_space<hbm>> -> memref<640xi32, #tpu.memory_space<hbm>>
      tpu.enqueue_dma source(%dma_start3A_560 : memref<640xi32, #tpu.memory_space<hbm>>) target(%arg9 : memref<640xi32, #tpu.memory_space<vmem>>) target_semaphore(%run_scoped3A : memref<!tpu.dma_semaphore, #tpu.memory_space<semaphore_mem>>)
      %dma_wait3A_561 = tpu.memref_slice %arg4[%add3A_261] : memref<327680xi32, #tpu.memory_space<hbm>> -> memref<640xi32, #tpu.memory_space<hbm>>
      %dma_wait3A_562 = tpu.memref_slice %arg4[%add3A_261] : memref<327680xi32, #tpu.memory_space<hbm>> -> memref<640xi32, #tpu.memory_space<hbm>>
      tpu.wait_dma2 semaphore(%run_scoped3A : memref<!tpu.dma_semaphore, #tpu.memory_space<semaphore_mem>>) src(%dma_wait3A_562 : memref<640xi32, #tpu.memory_space<hbm>>) dst(%arg9 : memref<640xi32, #tpu.memory_space<vmem>>)
      tpu.yield
    }) : () -> ()
    %dma_start3A_265 = arith.constant 0 : i32
    %dma_start3A_266 = arith.constant 0 : i32
    %dma_start3A_267 = tpu.memref_slice %arg2[%dma_start3A_265, %dma_start3A_266] : memref<20000x64xf32, #tpu.memory_space<hbm>> -> memref<20000x64xf32, #tpu.memory_space<hbm>>
    tpu.enqueue_indirect_dma source(%dma_start3A_267 : memref<20000x64xf32, #tpu.memory_space<hbm>>) target(%arg11 : memref<640x64xf32, #tpu.memory_space<vmem>>) offsets(%arg7 : memref<640xi32, #tpu.memory_space<vmem>>) semaphore(%arg14 : memref<!tpu.dma_semaphore, #tpu.memory_space<semaphore_mem>>)
    %dma_wait3A_268 = arith.constant 0 : i32
    %dma_wait3A_269 = arith.constant 0 : i32
    %dma_wait3A_270 = tpu.memref_slice %arg2[%dma_wait3A_268, %dma_wait3A_269] : memref<20000x64xf32, #tpu.memory_space<hbm>> -> memref<20000x64xf32, #tpu.memory_space<hbm>>
    tpu.wait_indirect_dma semaphore(%arg14 : memref<!tpu.dma_semaphore, #tpu.memory_space<semaphore_mem>>) src(%dma_wait3A_270 : memref<20000x64xf32, #tpu.memory_space<hbm>>) dst(%arg11 : memref<640x64xf32, #tpu.memory_space<vmem>>)
    %dma_start3A_271 = arith.constant 0 : i32
    %dma_start3A_272 = arith.constant 0 : i32
    %dma_start3A_273 = tpu.memref_slice %arg12[%dma_start3A_271, %dma_start3A_272] : memref<10112x64xf32, #tpu.memory_space<vmem_shared>> -> memref<10112x64xf32, #tpu.memory_space<vmem_shared>>
    tpu.enqueue_indirect_dma source(%arg11 : memref<640x64xf32, #tpu.memory_space<vmem>>) target(%dma_start3A_273 : memref<10112x64xf32, #tpu.memory_space<vmem_shared>>) offsets(%arg9 : memref<640xi32, #tpu.memory_space<vmem>>) semaphore(%arg16 : memref<!tpu.dma_semaphore, #tpu.memory_space<semaphore_mem>>) {add = true}
    %dma_wait3A_274 = arith.constant 0 : i32
    %dma_wait3A_275 = arith.constant 0 : i32
    %dma_wait3A_276 = tpu.memref_slice %arg12[%dma_wait3A_274, %dma_wait3A_275] : memref<10112x64xf32, #tpu.memory_space<vmem_shared>> -> memref<10112x64xf32, #tpu.memory_space<vmem_shared>>
    tpu.wait_indirect_dma semaphore(%arg15 : memref<!tpu.dma_semaphore, #tpu.memory_space<semaphore_mem>>) src(%arg10 : memref<640x64xf32, #tpu.memory_space<vmem>>) dst(%dma_wait3A_276 : memref<10112x64xf32, #tpu.memory_space<vmem_shared>>)
    %add3A_277 = arith.constant 10240 : i32
    %add3A_278 = arith.addi %mul3A_9, %add3A_277 : i32
    %mul3A_279 = arith.constant 327680 : i32
    %mul3A_280 = arith.muli %arg0, %mul3A_279 : i32
    %add3A_281 = arith.addi %mul3A_280, %add3A_278 : i32
    "tpu.region"() ({
      %run_scoped3A = tpu.sem_alloc : memref<!tpu.dma_semaphore, #tpu.memory_space<semaphore_mem>>
      %dma_start3A_559 = tpu.memref_slice %arg3[%add3A_281] : memref<655360xi32, #tpu.memory_space<hbm>> -> memref<640xi32, #tpu.memory_space<hbm>>
      %dma_start3A_560 = tpu.memref_slice %arg3[%add3A_281] : memref<655360xi32, #tpu.memory_space<hbm>> -> memref<640xi32, #tpu.memory_space<hbm>>
      tpu.enqueue_dma source(%dma_start3A_560 : memref<640xi32, #tpu.memory_space<hbm>>) target(%arg6 : memref<640xi32, #tpu.memory_space<vmem>>) target_semaphore(%run_scoped3A : memref<!tpu.dma_semaphore, #tpu.memory_space<semaphore_mem>>)
      %dma_wait3A_561 = tpu.memref_slice %arg3[%add3A_281] : memref<655360xi32, #tpu.memory_space<hbm>> -> memref<640xi32, #tpu.memory_space<hbm>>
      %dma_wait3A_562 = tpu.memref_slice %arg3[%add3A_281] : memref<655360xi32, #tpu.memory_space<hbm>> -> memref<640xi32, #tpu.memory_space<hbm>>
      tpu.wait_dma2 semaphore(%run_scoped3A : memref<!tpu.dma_semaphore, #tpu.memory_space<semaphore_mem>>) src(%dma_wait3A_562 : memref<640xi32, #tpu.memory_space<hbm>>) dst(%arg6 : memref<640xi32, #tpu.memory_space<vmem>>)
      tpu.yield
    }) : () -> ()
    "tpu.region"() ({
      %run_scoped3A = tpu.sem_alloc : memref<!tpu.dma_semaphore, #tpu.memory_space<semaphore_mem>>
      %dma_start3A_559 = tpu.memref_slice %arg4[%add3A_278] : memref<327680xi32, #tpu.memory_space<hbm>> -> memref<640xi32, #tpu.memory_space<hbm>>
      %dma_start3A_560 = tpu.memref_slice %arg4[%add3A_278] : memref<327680xi32, #tpu.memory_space<hbm>> -> memref<640xi32, #tpu.memory_space<hbm>>
      tpu.enqueue_dma source(%dma_start3A_560 : memref<640xi32, #tpu.memory_space<hbm>>) target(%arg8 : memref<640xi32, #tpu.memory_space<vmem>>) target_semaphore(%run_scoped3A : memref<!tpu.dma_semaphore, #tpu.memory_space<semaphore_mem>>)
      %dma_wait3A_561 = tpu.memref_slice %arg4[%add3A_278] : memref<327680xi32, #tpu.memory_space<hbm>> -> memref<640xi32, #tpu.memory_space<hbm>>
      %dma_wait3A_562 = tpu.memref_slice %arg4[%add3A_278] : memref<327680xi32, #tpu.memory_space<hbm>> -> memref<640xi32, #tpu.memory_space<hbm>>
      tpu.wait_dma2 semaphore(%run_scoped3A : memref<!tpu.dma_semaphore, #tpu.memory_space<semaphore_mem>>) src(%dma_wait3A_562 : memref<640xi32, #tpu.memory_space<hbm>>) dst(%arg8 : memref<640xi32, #tpu.memory_space<vmem>>)
      tpu.yield
    }) : () -> ()
    %dma_start3A_282 = arith.constant 0 : i32
    %dma_start3A_283 = arith.constant 0 : i32
    %dma_start3A_284 = tpu.memref_slice %arg2[%dma_start3A_282, %dma_start3A_283] : memref<20000x64xf32, #tpu.memory_space<hbm>> -> memref<20000x64xf32, #tpu.memory_space<hbm>>
    tpu.enqueue_indirect_dma source(%dma_start3A_284 : memref<20000x64xf32, #tpu.memory_space<hbm>>) target(%arg10 : memref<640x64xf32, #tpu.memory_space<vmem>>) offsets(%arg6 : memref<640xi32, #tpu.memory_space<vmem>>) semaphore(%arg13 : memref<!tpu.dma_semaphore, #tpu.memory_space<semaphore_mem>>)
    %dma_wait3A_285 = arith.constant 0 : i32
    %dma_wait3A_286 = arith.constant 0 : i32
    %dma_wait3A_287 = tpu.memref_slice %arg2[%dma_wait3A_285, %dma_wait3A_286] : memref<20000x64xf32, #tpu.memory_space<hbm>> -> memref<20000x64xf32, #tpu.memory_space<hbm>>
    tpu.wait_indirect_dma semaphore(%arg13 : memref<!tpu.dma_semaphore, #tpu.memory_space<semaphore_mem>>) src(%dma_wait3A_287 : memref<20000x64xf32, #tpu.memory_space<hbm>>) dst(%arg10 : memref<640x64xf32, #tpu.memory_space<vmem>>)
    %dma_start3A_288 = arith.constant 0 : i32
    %dma_start3A_289 = arith.constant 0 : i32
    %dma_start3A_290 = tpu.memref_slice %arg12[%dma_start3A_288, %dma_start3A_289] : memref<10112x64xf32, #tpu.memory_space<vmem_shared>> -> memref<10112x64xf32, #tpu.memory_space<vmem_shared>>
    tpu.enqueue_indirect_dma source(%arg10 : memref<640x64xf32, #tpu.memory_space<vmem>>) target(%dma_start3A_290 : memref<10112x64xf32, #tpu.memory_space<vmem_shared>>) offsets(%arg8 : memref<640xi32, #tpu.memory_space<vmem>>) semaphore(%arg15 : memref<!tpu.dma_semaphore, #tpu.memory_space<semaphore_mem>>) {add = true}
    %dma_wait3A_291 = arith.constant 0 : i32
    %dma_wait3A_292 = arith.constant 0 : i32
    %dma_wait3A_293 = tpu.memref_slice %arg12[%dma_wait3A_291, %dma_wait3A_292] : memref<10112x64xf32, #tpu.memory_space<vmem_shared>> -> memref<10112x64xf32, #tpu.memory_space<vmem_shared>>
    tpu.wait_indirect_dma semaphore(%arg16 : memref<!tpu.dma_semaphore, #tpu.memory_space<semaphore_mem>>) src(%arg11 : memref<640x64xf32, #tpu.memory_space<vmem>>) dst(%dma_wait3A_293 : memref<10112x64xf32, #tpu.memory_space<vmem_shared>>)
    %add3A_294 = arith.constant 10880 : i32
    %add3A_295 = arith.addi %mul3A_9, %add3A_294 : i32
    %mul3A_296 = arith.constant 327680 : i32
    %mul3A_297 = arith.muli %arg0, %mul3A_296 : i32
    %add3A_298 = arith.addi %mul3A_297, %add3A_295 : i32
    "tpu.region"() ({
      %run_scoped3A = tpu.sem_alloc : memref<!tpu.dma_semaphore, #tpu.memory_space<semaphore_mem>>
      %dma_start3A_559 = tpu.memref_slice %arg3[%add3A_298] : memref<655360xi32, #tpu.memory_space<hbm>> -> memref<640xi32, #tpu.memory_space<hbm>>
      %dma_start3A_560 = tpu.memref_slice %arg3[%add3A_298] : memref<655360xi32, #tpu.memory_space<hbm>> -> memref<640xi32, #tpu.memory_space<hbm>>
      tpu.enqueue_dma source(%dma_start3A_560 : memref<640xi32, #tpu.memory_space<hbm>>) target(%arg7 : memref<640xi32, #tpu.memory_space<vmem>>) target_semaphore(%run_scoped3A : memref<!tpu.dma_semaphore, #tpu.memory_space<semaphore_mem>>)
      %dma_wait3A_561 = tpu.memref_slice %arg3[%add3A_298] : memref<655360xi32, #tpu.memory_space<hbm>> -> memref<640xi32, #tpu.memory_space<hbm>>
      %dma_wait3A_562 = tpu.memref_slice %arg3[%add3A_298] : memref<655360xi32, #tpu.memory_space<hbm>> -> memref<640xi32, #tpu.memory_space<hbm>>
      tpu.wait_dma2 semaphore(%run_scoped3A : memref<!tpu.dma_semaphore, #tpu.memory_space<semaphore_mem>>) src(%dma_wait3A_562 : memref<640xi32, #tpu.memory_space<hbm>>) dst(%arg7 : memref<640xi32, #tpu.memory_space<vmem>>)
      tpu.yield
    }) : () -> ()
    "tpu.region"() ({
      %run_scoped3A = tpu.sem_alloc : memref<!tpu.dma_semaphore, #tpu.memory_space<semaphore_mem>>
      %dma_start3A_559 = tpu.memref_slice %arg4[%add3A_295] : memref<327680xi32, #tpu.memory_space<hbm>> -> memref<640xi32, #tpu.memory_space<hbm>>
      %dma_start3A_560 = tpu.memref_slice %arg4[%add3A_295] : memref<327680xi32, #tpu.memory_space<hbm>> -> memref<640xi32, #tpu.memory_space<hbm>>
      tpu.enqueue_dma source(%dma_start3A_560 : memref<640xi32, #tpu.memory_space<hbm>>) target(%arg9 : memref<640xi32, #tpu.memory_space<vmem>>) target_semaphore(%run_scoped3A : memref<!tpu.dma_semaphore, #tpu.memory_space<semaphore_mem>>)
      %dma_wait3A_561 = tpu.memref_slice %arg4[%add3A_295] : memref<327680xi32, #tpu.memory_space<hbm>> -> memref<640xi32, #tpu.memory_space<hbm>>
      %dma_wait3A_562 = tpu.memref_slice %arg4[%add3A_295] : memref<327680xi32, #tpu.memory_space<hbm>> -> memref<640xi32, #tpu.memory_space<hbm>>
      tpu.wait_dma2 semaphore(%run_scoped3A : memref<!tpu.dma_semaphore, #tpu.memory_space<semaphore_mem>>) src(%dma_wait3A_562 : memref<640xi32, #tpu.memory_space<hbm>>) dst(%arg9 : memref<640xi32, #tpu.memory_space<vmem>>)
      tpu.yield
    }) : () -> ()
    %dma_start3A_299 = arith.constant 0 : i32
    %dma_start3A_300 = arith.constant 0 : i32
    %dma_start3A_301 = tpu.memref_slice %arg2[%dma_start3A_299, %dma_start3A_300] : memref<20000x64xf32, #tpu.memory_space<hbm>> -> memref<20000x64xf32, #tpu.memory_space<hbm>>
    tpu.enqueue_indirect_dma source(%dma_start3A_301 : memref<20000x64xf32, #tpu.memory_space<hbm>>) target(%arg11 : memref<640x64xf32, #tpu.memory_space<vmem>>) offsets(%arg7 : memref<640xi32, #tpu.memory_space<vmem>>) semaphore(%arg14 : memref<!tpu.dma_semaphore, #tpu.memory_space<semaphore_mem>>)
    %dma_wait3A_302 = arith.constant 0 : i32
    %dma_wait3A_303 = arith.constant 0 : i32
    %dma_wait3A_304 = tpu.memref_slice %arg2[%dma_wait3A_302, %dma_wait3A_303] : memref<20000x64xf32, #tpu.memory_space<hbm>> -> memref<20000x64xf32, #tpu.memory_space<hbm>>
    tpu.wait_indirect_dma semaphore(%arg14 : memref<!tpu.dma_semaphore, #tpu.memory_space<semaphore_mem>>) src(%dma_wait3A_304 : memref<20000x64xf32, #tpu.memory_space<hbm>>) dst(%arg11 : memref<640x64xf32, #tpu.memory_space<vmem>>)
    %dma_start3A_305 = arith.constant 0 : i32
    %dma_start3A_306 = arith.constant 0 : i32
    %dma_start3A_307 = tpu.memref_slice %arg12[%dma_start3A_305, %dma_start3A_306] : memref<10112x64xf32, #tpu.memory_space<vmem_shared>> -> memref<10112x64xf32, #tpu.memory_space<vmem_shared>>
    tpu.enqueue_indirect_dma source(%arg11 : memref<640x64xf32, #tpu.memory_space<vmem>>) target(%dma_start3A_307 : memref<10112x64xf32, #tpu.memory_space<vmem_shared>>) offsets(%arg9 : memref<640xi32, #tpu.memory_space<vmem>>) semaphore(%arg16 : memref<!tpu.dma_semaphore, #tpu.memory_space<semaphore_mem>>) {add = true}
    %dma_wait3A_308 = arith.constant 0 : i32
    %dma_wait3A_309 = arith.constant 0 : i32
    %dma_wait3A_310 = tpu.memref_slice %arg12[%dma_wait3A_308, %dma_wait3A_309] : memref<10112x64xf32, #tpu.memory_space<vmem_shared>> -> memref<10112x64xf32, #tpu.memory_space<vmem_shared>>
    tpu.wait_indirect_dma semaphore(%arg15 : memref<!tpu.dma_semaphore, #tpu.memory_space<semaphore_mem>>) src(%arg10 : memref<640x64xf32, #tpu.memory_space<vmem>>) dst(%dma_wait3A_310 : memref<10112x64xf32, #tpu.memory_space<vmem_shared>>)
    %add3A_311 = arith.constant 11520 : i32
    %add3A_312 = arith.addi %mul3A_9, %add3A_311 : i32
    %mul3A_313 = arith.constant 327680 : i32
    %mul3A_314 = arith.muli %arg0, %mul3A_313 : i32
    %add3A_315 = arith.addi %mul3A_314, %add3A_312 : i32
    "tpu.region"() ({
      %run_scoped3A = tpu.sem_alloc : memref<!tpu.dma_semaphore, #tpu.memory_space<semaphore_mem>>
      %dma_start3A_559 = tpu.memref_slice %arg3[%add3A_315] : memref<655360xi32, #tpu.memory_space<hbm>> -> memref<640xi32, #tpu.memory_space<hbm>>
      %dma_start3A_560 = tpu.memref_slice %arg3[%add3A_315] : memref<655360xi32, #tpu.memory_space<hbm>> -> memref<640xi32, #tpu.memory_space<hbm>>
      tpu.enqueue_dma source(%dma_start3A_560 : memref<640xi32, #tpu.memory_space<hbm>>) target(%arg6 : memref<640xi32, #tpu.memory_space<vmem>>) target_semaphore(%run_scoped3A : memref<!tpu.dma_semaphore, #tpu.memory_space<semaphore_mem>>)
      %dma_wait3A_561 = tpu.memref_slice %arg3[%add3A_315] : memref<655360xi32, #tpu.memory_space<hbm>> -> memref<640xi32, #tpu.memory_space<hbm>>
      %dma_wait3A_562 = tpu.memref_slice %arg3[%add3A_315] : memref<655360xi32, #tpu.memory_space<hbm>> -> memref<640xi32, #tpu.memory_space<hbm>>
      tpu.wait_dma2 semaphore(%run_scoped3A : memref<!tpu.dma_semaphore, #tpu.memory_space<semaphore_mem>>) src(%dma_wait3A_562 : memref<640xi32, #tpu.memory_space<hbm>>) dst(%arg6 : memref<640xi32, #tpu.memory_space<vmem>>)
      tpu.yield
    }) : () -> ()
    "tpu.region"() ({
      %run_scoped3A = tpu.sem_alloc : memref<!tpu.dma_semaphore, #tpu.memory_space<semaphore_mem>>
      %dma_start3A_559 = tpu.memref_slice %arg4[%add3A_312] : memref<327680xi32, #tpu.memory_space<hbm>> -> memref<640xi32, #tpu.memory_space<hbm>>
      %dma_start3A_560 = tpu.memref_slice %arg4[%add3A_312] : memref<327680xi32, #tpu.memory_space<hbm>> -> memref<640xi32, #tpu.memory_space<hbm>>
      tpu.enqueue_dma source(%dma_start3A_560 : memref<640xi32, #tpu.memory_space<hbm>>) target(%arg8 : memref<640xi32, #tpu.memory_space<vmem>>) target_semaphore(%run_scoped3A : memref<!tpu.dma_semaphore, #tpu.memory_space<semaphore_mem>>)
      %dma_wait3A_561 = tpu.memref_slice %arg4[%add3A_312] : memref<327680xi32, #tpu.memory_space<hbm>> -> memref<640xi32, #tpu.memory_space<hbm>>
      %dma_wait3A_562 = tpu.memref_slice %arg4[%add3A_312] : memref<327680xi32, #tpu.memory_space<hbm>> -> memref<640xi32, #tpu.memory_space<hbm>>
      tpu.wait_dma2 semaphore(%run_scoped3A : memref<!tpu.dma_semaphore, #tpu.memory_space<semaphore_mem>>) src(%dma_wait3A_562 : memref<640xi32, #tpu.memory_space<hbm>>) dst(%arg8 : memref<640xi32, #tpu.memory_space<vmem>>)
      tpu.yield
    }) : () -> ()
    %dma_start3A_316 = arith.constant 0 : i32
    %dma_start3A_317 = arith.constant 0 : i32
    %dma_start3A_318 = tpu.memref_slice %arg2[%dma_start3A_316, %dma_start3A_317] : memref<20000x64xf32, #tpu.memory_space<hbm>> -> memref<20000x64xf32, #tpu.memory_space<hbm>>
    tpu.enqueue_indirect_dma source(%dma_start3A_318 : memref<20000x64xf32, #tpu.memory_space<hbm>>) target(%arg10 : memref<640x64xf32, #tpu.memory_space<vmem>>) offsets(%arg6 : memref<640xi32, #tpu.memory_space<vmem>>) semaphore(%arg13 : memref<!tpu.dma_semaphore, #tpu.memory_space<semaphore_mem>>)
    %dma_wait3A_319 = arith.constant 0 : i32
    %dma_wait3A_320 = arith.constant 0 : i32
    %dma_wait3A_321 = tpu.memref_slice %arg2[%dma_wait3A_319, %dma_wait3A_320] : memref<20000x64xf32, #tpu.memory_space<hbm>> -> memref<20000x64xf32, #tpu.memory_space<hbm>>
    tpu.wait_indirect_dma semaphore(%arg13 : memref<!tpu.dma_semaphore, #tpu.memory_space<semaphore_mem>>) src(%dma_wait3A_321 : memref<20000x64xf32, #tpu.memory_space<hbm>>) dst(%arg10 : memref<640x64xf32, #tpu.memory_space<vmem>>)
    %dma_start3A_322 = arith.constant 0 : i32
    %dma_start3A_323 = arith.constant 0 : i32
    %dma_start3A_324 = tpu.memref_slice %arg12[%dma_start3A_322, %dma_start3A_323] : memref<10112x64xf32, #tpu.memory_space<vmem_shared>> -> memref<10112x64xf32, #tpu.memory_space<vmem_shared>>
    tpu.enqueue_indirect_dma source(%arg10 : memref<640x64xf32, #tpu.memory_space<vmem>>) target(%dma_start3A_324 : memref<10112x64xf32, #tpu.memory_space<vmem_shared>>) offsets(%arg8 : memref<640xi32, #tpu.memory_space<vmem>>) semaphore(%arg15 : memref<!tpu.dma_semaphore, #tpu.memory_space<semaphore_mem>>) {add = true}
    %dma_wait3A_325 = arith.constant 0 : i32
    %dma_wait3A_326 = arith.constant 0 : i32
    %dma_wait3A_327 = tpu.memref_slice %arg12[%dma_wait3A_325, %dma_wait3A_326] : memref<10112x64xf32, #tpu.memory_space<vmem_shared>> -> memref<10112x64xf32, #tpu.memory_space<vmem_shared>>
    tpu.wait_indirect_dma semaphore(%arg16 : memref<!tpu.dma_semaphore, #tpu.memory_space<semaphore_mem>>) src(%arg11 : memref<640x64xf32, #tpu.memory_space<vmem>>) dst(%dma_wait3A_327 : memref<10112x64xf32, #tpu.memory_space<vmem_shared>>)
    %add3A_328 = arith.constant 12160 : i32
    %add3A_329 = arith.addi %mul3A_9, %add3A_328 : i32
    %mul3A_330 = arith.constant 327680 : i32
    %mul3A_331 = arith.muli %arg0, %mul3A_330 : i32
    %add3A_332 = arith.addi %mul3A_331, %add3A_329 : i32
    "tpu.region"() ({
      %run_scoped3A = tpu.sem_alloc : memref<!tpu.dma_semaphore, #tpu.memory_space<semaphore_mem>>
      %dma_start3A_559 = tpu.memref_slice %arg3[%add3A_332] : memref<655360xi32, #tpu.memory_space<hbm>> -> memref<640xi32, #tpu.memory_space<hbm>>
      %dma_start3A_560 = tpu.memref_slice %arg3[%add3A_332] : memref<655360xi32, #tpu.memory_space<hbm>> -> memref<640xi32, #tpu.memory_space<hbm>>
      tpu.enqueue_dma source(%dma_start3A_560 : memref<640xi32, #tpu.memory_space<hbm>>) target(%arg7 : memref<640xi32, #tpu.memory_space<vmem>>) target_semaphore(%run_scoped3A : memref<!tpu.dma_semaphore, #tpu.memory_space<semaphore_mem>>)
      %dma_wait3A_561 = tpu.memref_slice %arg3[%add3A_332] : memref<655360xi32, #tpu.memory_space<hbm>> -> memref<640xi32, #tpu.memory_space<hbm>>
      %dma_wait3A_562 = tpu.memref_slice %arg3[%add3A_332] : memref<655360xi32, #tpu.memory_space<hbm>> -> memref<640xi32, #tpu.memory_space<hbm>>
      tpu.wait_dma2 semaphore(%run_scoped3A : memref<!tpu.dma_semaphore, #tpu.memory_space<semaphore_mem>>) src(%dma_wait3A_562 : memref<640xi32, #tpu.memory_space<hbm>>) dst(%arg7 : memref<640xi32, #tpu.memory_space<vmem>>)
      tpu.yield
    }) : () -> ()
    "tpu.region"() ({
      %run_scoped3A = tpu.sem_alloc : memref<!tpu.dma_semaphore, #tpu.memory_space<semaphore_mem>>
      %dma_start3A_559 = tpu.memref_slice %arg4[%add3A_329] : memref<327680xi32, #tpu.memory_space<hbm>> -> memref<640xi32, #tpu.memory_space<hbm>>
      %dma_start3A_560 = tpu.memref_slice %arg4[%add3A_329] : memref<327680xi32, #tpu.memory_space<hbm>> -> memref<640xi32, #tpu.memory_space<hbm>>
      tpu.enqueue_dma source(%dma_start3A_560 : memref<640xi32, #tpu.memory_space<hbm>>) target(%arg9 : memref<640xi32, #tpu.memory_space<vmem>>) target_semaphore(%run_scoped3A : memref<!tpu.dma_semaphore, #tpu.memory_space<semaphore_mem>>)
      %dma_wait3A_561 = tpu.memref_slice %arg4[%add3A_329] : memref<327680xi32, #tpu.memory_space<hbm>> -> memref<640xi32, #tpu.memory_space<hbm>>
      %dma_wait3A_562 = tpu.memref_slice %arg4[%add3A_329] : memref<327680xi32, #tpu.memory_space<hbm>> -> memref<640xi32, #tpu.memory_space<hbm>>
      tpu.wait_dma2 semaphore(%run_scoped3A : memref<!tpu.dma_semaphore, #tpu.memory_space<semaphore_mem>>) src(%dma_wait3A_562 : memref<640xi32, #tpu.memory_space<hbm>>) dst(%arg9 : memref<640xi32, #tpu.memory_space<vmem>>)
      tpu.yield
    }) : () -> ()
    %dma_start3A_333 = arith.constant 0 : i32
    %dma_start3A_334 = arith.constant 0 : i32
    %dma_start3A_335 = tpu.memref_slice %arg2[%dma_start3A_333, %dma_start3A_334] : memref<20000x64xf32, #tpu.memory_space<hbm>> -> memref<20000x64xf32, #tpu.memory_space<hbm>>
    tpu.enqueue_indirect_dma source(%dma_start3A_335 : memref<20000x64xf32, #tpu.memory_space<hbm>>) target(%arg11 : memref<640x64xf32, #tpu.memory_space<vmem>>) offsets(%arg7 : memref<640xi32, #tpu.memory_space<vmem>>) semaphore(%arg14 : memref<!tpu.dma_semaphore, #tpu.memory_space<semaphore_mem>>)
    %dma_wait3A_336 = arith.constant 0 : i32
    %dma_wait3A_337 = arith.constant 0 : i32
    %dma_wait3A_338 = tpu.memref_slice %arg2[%dma_wait3A_336, %dma_wait3A_337] : memref<20000x64xf32, #tpu.memory_space<hbm>> -> memref<20000x64xf32, #tpu.memory_space<hbm>>
    tpu.wait_indirect_dma semaphore(%arg14 : memref<!tpu.dma_semaphore, #tpu.memory_space<semaphore_mem>>) src(%dma_wait3A_338 : memref<20000x64xf32, #tpu.memory_space<hbm>>) dst(%arg11 : memref<640x64xf32, #tpu.memory_space<vmem>>)
    %dma_start3A_339 = arith.constant 0 : i32
    %dma_start3A_340 = arith.constant 0 : i32
    %dma_start3A_341 = tpu.memref_slice %arg12[%dma_start3A_339, %dma_start3A_340] : memref<10112x64xf32, #tpu.memory_space<vmem_shared>> -> memref<10112x64xf32, #tpu.memory_space<vmem_shared>>
    tpu.enqueue_indirect_dma source(%arg11 : memref<640x64xf32, #tpu.memory_space<vmem>>) target(%dma_start3A_341 : memref<10112x64xf32, #tpu.memory_space<vmem_shared>>) offsets(%arg9 : memref<640xi32, #tpu.memory_space<vmem>>) semaphore(%arg16 : memref<!tpu.dma_semaphore, #tpu.memory_space<semaphore_mem>>) {add = true}
    %dma_wait3A_342 = arith.constant 0 : i32
    %dma_wait3A_343 = arith.constant 0 : i32
    %dma_wait3A_344 = tpu.memref_slice %arg12[%dma_wait3A_342, %dma_wait3A_343] : memref<10112x64xf32, #tpu.memory_space<vmem_shared>> -> memref<10112x64xf32, #tpu.memory_space<vmem_shared>>
    tpu.wait_indirect_dma semaphore(%arg15 : memref<!tpu.dma_semaphore, #tpu.memory_space<semaphore_mem>>) src(%arg10 : memref<640x64xf32, #tpu.memory_space<vmem>>) dst(%dma_wait3A_344 : memref<10112x64xf32, #tpu.memory_space<vmem_shared>>)
    %add3A_345 = arith.constant 12800 : i32
    %add3A_346 = arith.addi %mul3A_9, %add3A_345 : i32
    %mul3A_347 = arith.constant 327680 : i32
    %mul3A_348 = arith.muli %arg0, %mul3A_347 : i32
    %add3A_349 = arith.addi %mul3A_348, %add3A_346 : i32
    "tpu.region"() ({
      %run_scoped3A = tpu.sem_alloc : memref<!tpu.dma_semaphore, #tpu.memory_space<semaphore_mem>>
      %dma_start3A_559 = tpu.memref_slice %arg3[%add3A_349] : memref<655360xi32, #tpu.memory_space<hbm>> -> memref<640xi32, #tpu.memory_space<hbm>>
      %dma_start3A_560 = tpu.memref_slice %arg3[%add3A_349] : memref<655360xi32, #tpu.memory_space<hbm>> -> memref<640xi32, #tpu.memory_space<hbm>>
      tpu.enqueue_dma source(%dma_start3A_560 : memref<640xi32, #tpu.memory_space<hbm>>) target(%arg6 : memref<640xi32, #tpu.memory_space<vmem>>) target_semaphore(%run_scoped3A : memref<!tpu.dma_semaphore, #tpu.memory_space<semaphore_mem>>)
      %dma_wait3A_561 = tpu.memref_slice %arg3[%add3A_349] : memref<655360xi32, #tpu.memory_space<hbm>> -> memref<640xi32, #tpu.memory_space<hbm>>
      %dma_wait3A_562 = tpu.memref_slice %arg3[%add3A_349] : memref<655360xi32, #tpu.memory_space<hbm>> -> memref<640xi32, #tpu.memory_space<hbm>>
      tpu.wait_dma2 semaphore(%run_scoped3A : memref<!tpu.dma_semaphore, #tpu.memory_space<semaphore_mem>>) src(%dma_wait3A_562 : memref<640xi32, #tpu.memory_space<hbm>>) dst(%arg6 : memref<640xi32, #tpu.memory_space<vmem>>)
      tpu.yield
    }) : () -> ()
    "tpu.region"() ({
      %run_scoped3A = tpu.sem_alloc : memref<!tpu.dma_semaphore, #tpu.memory_space<semaphore_mem>>
      %dma_start3A_559 = tpu.memref_slice %arg4[%add3A_346] : memref<327680xi32, #tpu.memory_space<hbm>> -> memref<640xi32, #tpu.memory_space<hbm>>
      %dma_start3A_560 = tpu.memref_slice %arg4[%add3A_346] : memref<327680xi32, #tpu.memory_space<hbm>> -> memref<640xi32, #tpu.memory_space<hbm>>
      tpu.enqueue_dma source(%dma_start3A_560 : memref<640xi32, #tpu.memory_space<hbm>>) target(%arg8 : memref<640xi32, #tpu.memory_space<vmem>>) target_semaphore(%run_scoped3A : memref<!tpu.dma_semaphore, #tpu.memory_space<semaphore_mem>>)
      %dma_wait3A_561 = tpu.memref_slice %arg4[%add3A_346] : memref<327680xi32, #tpu.memory_space<hbm>> -> memref<640xi32, #tpu.memory_space<hbm>>
      %dma_wait3A_562 = tpu.memref_slice %arg4[%add3A_346] : memref<327680xi32, #tpu.memory_space<hbm>> -> memref<640xi32, #tpu.memory_space<hbm>>
      tpu.wait_dma2 semaphore(%run_scoped3A : memref<!tpu.dma_semaphore, #tpu.memory_space<semaphore_mem>>) src(%dma_wait3A_562 : memref<640xi32, #tpu.memory_space<hbm>>) dst(%arg8 : memref<640xi32, #tpu.memory_space<vmem>>)
      tpu.yield
    }) : () -> ()
    %dma_start3A_350 = arith.constant 0 : i32
    %dma_start3A_351 = arith.constant 0 : i32
    %dma_start3A_352 = tpu.memref_slice %arg2[%dma_start3A_350, %dma_start3A_351] : memref<20000x64xf32, #tpu.memory_space<hbm>> -> memref<20000x64xf32, #tpu.memory_space<hbm>>
    tpu.enqueue_indirect_dma source(%dma_start3A_352 : memref<20000x64xf32, #tpu.memory_space<hbm>>) target(%arg10 : memref<640x64xf32, #tpu.memory_space<vmem>>) offsets(%arg6 : memref<640xi32, #tpu.memory_space<vmem>>) semaphore(%arg13 : memref<!tpu.dma_semaphore, #tpu.memory_space<semaphore_mem>>)
    %dma_wait3A_353 = arith.constant 0 : i32
    %dma_wait3A_354 = arith.constant 0 : i32
    %dma_wait3A_355 = tpu.memref_slice %arg2[%dma_wait3A_353, %dma_wait3A_354] : memref<20000x64xf32, #tpu.memory_space<hbm>> -> memref<20000x64xf32, #tpu.memory_space<hbm>>
    tpu.wait_indirect_dma semaphore(%arg13 : memref<!tpu.dma_semaphore, #tpu.memory_space<semaphore_mem>>) src(%dma_wait3A_355 : memref<20000x64xf32, #tpu.memory_space<hbm>>) dst(%arg10 : memref<640x64xf32, #tpu.memory_space<vmem>>)
    %dma_start3A_356 = arith.constant 0 : i32
    %dma_start3A_357 = arith.constant 0 : i32
    %dma_start3A_358 = tpu.memref_slice %arg12[%dma_start3A_356, %dma_start3A_357] : memref<10112x64xf32, #tpu.memory_space<vmem_shared>> -> memref<10112x64xf32, #tpu.memory_space<vmem_shared>>
    tpu.enqueue_indirect_dma source(%arg10 : memref<640x64xf32, #tpu.memory_space<vmem>>) target(%dma_start3A_358 : memref<10112x64xf32, #tpu.memory_space<vmem_shared>>) offsets(%arg8 : memref<640xi32, #tpu.memory_space<vmem>>) semaphore(%arg15 : memref<!tpu.dma_semaphore, #tpu.memory_space<semaphore_mem>>) {add = true}
    %dma_wait3A_359 = arith.constant 0 : i32
    %dma_wait3A_360 = arith.constant 0 : i32
    %dma_wait3A_361 = tpu.memref_slice %arg12[%dma_wait3A_359, %dma_wait3A_360] : memref<10112x64xf32, #tpu.memory_space<vmem_shared>> -> memref<10112x64xf32, #tpu.memory_space<vmem_shared>>
    tpu.wait_indirect_dma semaphore(%arg16 : memref<!tpu.dma_semaphore, #tpu.memory_space<semaphore_mem>>) src(%arg11 : memref<640x64xf32, #tpu.memory_space<vmem>>) dst(%dma_wait3A_361 : memref<10112x64xf32, #tpu.memory_space<vmem_shared>>)
    %add3A_362 = arith.constant 13440 : i32
    %add3A_363 = arith.addi %mul3A_9, %add3A_362 : i32
    %mul3A_364 = arith.constant 327680 : i32
    %mul3A_365 = arith.muli %arg0, %mul3A_364 : i32
    %add3A_366 = arith.addi %mul3A_365, %add3A_363 : i32
    "tpu.region"() ({
      %run_scoped3A = tpu.sem_alloc : memref<!tpu.dma_semaphore, #tpu.memory_space<semaphore_mem>>
      %dma_start3A_559 = tpu.memref_slice %arg3[%add3A_366] : memref<655360xi32, #tpu.memory_space<hbm>> -> memref<640xi32, #tpu.memory_space<hbm>>
      %dma_start3A_560 = tpu.memref_slice %arg3[%add3A_366] : memref<655360xi32, #tpu.memory_space<hbm>> -> memref<640xi32, #tpu.memory_space<hbm>>
      tpu.enqueue_dma source(%dma_start3A_560 : memref<640xi32, #tpu.memory_space<hbm>>) target(%arg7 : memref<640xi32, #tpu.memory_space<vmem>>) target_semaphore(%run_scoped3A : memref<!tpu.dma_semaphore, #tpu.memory_space<semaphore_mem>>)
      %dma_wait3A_561 = tpu.memref_slice %arg3[%add3A_366] : memref<655360xi32, #tpu.memory_space<hbm>> -> memref<640xi32, #tpu.memory_space<hbm>>
      %dma_wait3A_562 = tpu.memref_slice %arg3[%add3A_366] : memref<655360xi32, #tpu.memory_space<hbm>> -> memref<640xi32, #tpu.memory_space<hbm>>
      tpu.wait_dma2 semaphore(%run_scoped3A : memref<!tpu.dma_semaphore, #tpu.memory_space<semaphore_mem>>) src(%dma_wait3A_562 : memref<640xi32, #tpu.memory_space<hbm>>) dst(%arg7 : memref<640xi32, #tpu.memory_space<vmem>>)
      tpu.yield
    }) : () -> ()
    "tpu.region"() ({
      %run_scoped3A = tpu.sem_alloc : memref<!tpu.dma_semaphore, #tpu.memory_space<semaphore_mem>>
      %dma_start3A_559 = tpu.memref_slice %arg4[%add3A_363] : memref<327680xi32, #tpu.memory_space<hbm>> -> memref<640xi32, #tpu.memory_space<hbm>>
      %dma_start3A_560 = tpu.memref_slice %arg4[%add3A_363] : memref<327680xi32, #tpu.memory_space<hbm>> -> memref<640xi32, #tpu.memory_space<hbm>>
      tpu.enqueue_dma source(%dma_start3A_560 : memref<640xi32, #tpu.memory_space<hbm>>) target(%arg9 : memref<640xi32, #tpu.memory_space<vmem>>) target_semaphore(%run_scoped3A : memref<!tpu.dma_semaphore, #tpu.memory_space<semaphore_mem>>)
      %dma_wait3A_561 = tpu.memref_slice %arg4[%add3A_363] : memref<327680xi32, #tpu.memory_space<hbm>> -> memref<640xi32, #tpu.memory_space<hbm>>
      %dma_wait3A_562 = tpu.memref_slice %arg4[%add3A_363] : memref<327680xi32, #tpu.memory_space<hbm>> -> memref<640xi32, #tpu.memory_space<hbm>>
      tpu.wait_dma2 semaphore(%run_scoped3A : memref<!tpu.dma_semaphore, #tpu.memory_space<semaphore_mem>>) src(%dma_wait3A_562 : memref<640xi32, #tpu.memory_space<hbm>>) dst(%arg9 : memref<640xi32, #tpu.memory_space<vmem>>)
      tpu.yield
    }) : () -> ()
    %dma_start3A_367 = arith.constant 0 : i32
    %dma_start3A_368 = arith.constant 0 : i32
    %dma_start3A_369 = tpu.memref_slice %arg2[%dma_start3A_367, %dma_start3A_368] : memref<20000x64xf32, #tpu.memory_space<hbm>> -> memref<20000x64xf32, #tpu.memory_space<hbm>>
    tpu.enqueue_indirect_dma source(%dma_start3A_369 : memref<20000x64xf32, #tpu.memory_space<hbm>>) target(%arg11 : memref<640x64xf32, #tpu.memory_space<vmem>>) offsets(%arg7 : memref<640xi32, #tpu.memory_space<vmem>>) semaphore(%arg14 : memref<!tpu.dma_semaphore, #tpu.memory_space<semaphore_mem>>)
    %dma_wait3A_370 = arith.constant 0 : i32
    %dma_wait3A_371 = arith.constant 0 : i32
    %dma_wait3A_372 = tpu.memref_slice %arg2[%dma_wait3A_370, %dma_wait3A_371] : memref<20000x64xf32, #tpu.memory_space<hbm>> -> memref<20000x64xf32, #tpu.memory_space<hbm>>
    tpu.wait_indirect_dma semaphore(%arg14 : memref<!tpu.dma_semaphore, #tpu.memory_space<semaphore_mem>>) src(%dma_wait3A_372 : memref<20000x64xf32, #tpu.memory_space<hbm>>) dst(%arg11 : memref<640x64xf32, #tpu.memory_space<vmem>>)
    %dma_start3A_373 = arith.constant 0 : i32
    %dma_start3A_374 = arith.constant 0 : i32
    %dma_start3A_375 = tpu.memref_slice %arg12[%dma_start3A_373, %dma_start3A_374] : memref<10112x64xf32, #tpu.memory_space<vmem_shared>> -> memref<10112x64xf32, #tpu.memory_space<vmem_shared>>
    tpu.enqueue_indirect_dma source(%arg11 : memref<640x64xf32, #tpu.memory_space<vmem>>) target(%dma_start3A_375 : memref<10112x64xf32, #tpu.memory_space<vmem_shared>>) offsets(%arg9 : memref<640xi32, #tpu.memory_space<vmem>>) semaphore(%arg16 : memref<!tpu.dma_semaphore, #tpu.memory_space<semaphore_mem>>) {add = true}
    %dma_wait3A_376 = arith.constant 0 : i32
    %dma_wait3A_377 = arith.constant 0 : i32
    %dma_wait3A_378 = tpu.memref_slice %arg12[%dma_wait3A_376, %dma_wait3A_377] : memref<10112x64xf32, #tpu.memory_space<vmem_shared>> -> memref<10112x64xf32, #tpu.memory_space<vmem_shared>>
    tpu.wait_indirect_dma semaphore(%arg15 : memref<!tpu.dma_semaphore, #tpu.memory_space<semaphore_mem>>) src(%arg10 : memref<640x64xf32, #tpu.memory_space<vmem>>) dst(%dma_wait3A_378 : memref<10112x64xf32, #tpu.memory_space<vmem_shared>>)
    %add3A_379 = arith.constant 14080 : i32
    %add3A_380 = arith.addi %mul3A_9, %add3A_379 : i32
    %mul3A_381 = arith.constant 327680 : i32
    %mul3A_382 = arith.muli %arg0, %mul3A_381 : i32
    %add3A_383 = arith.addi %mul3A_382, %add3A_380 : i32
    "tpu.region"() ({
      %run_scoped3A = tpu.sem_alloc : memref<!tpu.dma_semaphore, #tpu.memory_space<semaphore_mem>>
      %dma_start3A_559 = tpu.memref_slice %arg3[%add3A_383] : memref<655360xi32, #tpu.memory_space<hbm>> -> memref<640xi32, #tpu.memory_space<hbm>>
      %dma_start3A_560 = tpu.memref_slice %arg3[%add3A_383] : memref<655360xi32, #tpu.memory_space<hbm>> -> memref<640xi32, #tpu.memory_space<hbm>>
      tpu.enqueue_dma source(%dma_start3A_560 : memref<640xi32, #tpu.memory_space<hbm>>) target(%arg6 : memref<640xi32, #tpu.memory_space<vmem>>) target_semaphore(%run_scoped3A : memref<!tpu.dma_semaphore, #tpu.memory_space<semaphore_mem>>)
      %dma_wait3A_561 = tpu.memref_slice %arg3[%add3A_383] : memref<655360xi32, #tpu.memory_space<hbm>> -> memref<640xi32, #tpu.memory_space<hbm>>
      %dma_wait3A_562 = tpu.memref_slice %arg3[%add3A_383] : memref<655360xi32, #tpu.memory_space<hbm>> -> memref<640xi32, #tpu.memory_space<hbm>>
      tpu.wait_dma2 semaphore(%run_scoped3A : memref<!tpu.dma_semaphore, #tpu.memory_space<semaphore_mem>>) src(%dma_wait3A_562 : memref<640xi32, #tpu.memory_space<hbm>>) dst(%arg6 : memref<640xi32, #tpu.memory_space<vmem>>)
      tpu.yield
    }) : () -> ()
    "tpu.region"() ({
      %run_scoped3A = tpu.sem_alloc : memref<!tpu.dma_semaphore, #tpu.memory_space<semaphore_mem>>
      %dma_start3A_559 = tpu.memref_slice %arg4[%add3A_380] : memref<327680xi32, #tpu.memory_space<hbm>> -> memref<640xi32, #tpu.memory_space<hbm>>
      %dma_start3A_560 = tpu.memref_slice %arg4[%add3A_380] : memref<327680xi32, #tpu.memory_space<hbm>> -> memref<640xi32, #tpu.memory_space<hbm>>
      tpu.enqueue_dma source(%dma_start3A_560 : memref<640xi32, #tpu.memory_space<hbm>>) target(%arg8 : memref<640xi32, #tpu.memory_space<vmem>>) target_semaphore(%run_scoped3A : memref<!tpu.dma_semaphore, #tpu.memory_space<semaphore_mem>>)
      %dma_wait3A_561 = tpu.memref_slice %arg4[%add3A_380] : memref<327680xi32, #tpu.memory_space<hbm>> -> memref<640xi32, #tpu.memory_space<hbm>>
      %dma_wait3A_562 = tpu.memref_slice %arg4[%add3A_380] : memref<327680xi32, #tpu.memory_space<hbm>> -> memref<640xi32, #tpu.memory_space<hbm>>
      tpu.wait_dma2 semaphore(%run_scoped3A : memref<!tpu.dma_semaphore, #tpu.memory_space<semaphore_mem>>) src(%dma_wait3A_562 : memref<640xi32, #tpu.memory_space<hbm>>) dst(%arg8 : memref<640xi32, #tpu.memory_space<vmem>>)
      tpu.yield
    }) : () -> ()
    %dma_start3A_384 = arith.constant 0 : i32
    %dma_start3A_385 = arith.constant 0 : i32
    %dma_start3A_386 = tpu.memref_slice %arg2[%dma_start3A_384, %dma_start3A_385] : memref<20000x64xf32, #tpu.memory_space<hbm>> -> memref<20000x64xf32, #tpu.memory_space<hbm>>
    tpu.enqueue_indirect_dma source(%dma_start3A_386 : memref<20000x64xf32, #tpu.memory_space<hbm>>) target(%arg10 : memref<640x64xf32, #tpu.memory_space<vmem>>) offsets(%arg6 : memref<640xi32, #tpu.memory_space<vmem>>) semaphore(%arg13 : memref<!tpu.dma_semaphore, #tpu.memory_space<semaphore_mem>>)
    %dma_wait3A_387 = arith.constant 0 : i32
    %dma_wait3A_388 = arith.constant 0 : i32
    %dma_wait3A_389 = tpu.memref_slice %arg2[%dma_wait3A_387, %dma_wait3A_388] : memref<20000x64xf32, #tpu.memory_space<hbm>> -> memref<20000x64xf32, #tpu.memory_space<hbm>>
    tpu.wait_indirect_dma semaphore(%arg13 : memref<!tpu.dma_semaphore, #tpu.memory_space<semaphore_mem>>) src(%dma_wait3A_389 : memref<20000x64xf32, #tpu.memory_space<hbm>>) dst(%arg10 : memref<640x64xf32, #tpu.memory_space<vmem>>)
    %dma_start3A_390 = arith.constant 0 : i32
    %dma_start3A_391 = arith.constant 0 : i32
    %dma_start3A_392 = tpu.memref_slice %arg12[%dma_start3A_390, %dma_start3A_391] : memref<10112x64xf32, #tpu.memory_space<vmem_shared>> -> memref<10112x64xf32, #tpu.memory_space<vmem_shared>>
    tpu.enqueue_indirect_dma source(%arg10 : memref<640x64xf32, #tpu.memory_space<vmem>>) target(%dma_start3A_392 : memref<10112x64xf32, #tpu.memory_space<vmem_shared>>) offsets(%arg8 : memref<640xi32, #tpu.memory_space<vmem>>) semaphore(%arg15 : memref<!tpu.dma_semaphore, #tpu.memory_space<semaphore_mem>>) {add = true}
    %dma_wait3A_393 = arith.constant 0 : i32
    %dma_wait3A_394 = arith.constant 0 : i32
    %dma_wait3A_395 = tpu.memref_slice %arg12[%dma_wait3A_393, %dma_wait3A_394] : memref<10112x64xf32, #tpu.memory_space<vmem_shared>> -> memref<10112x64xf32, #tpu.memory_space<vmem_shared>>
    tpu.wait_indirect_dma semaphore(%arg16 : memref<!tpu.dma_semaphore, #tpu.memory_space<semaphore_mem>>) src(%arg11 : memref<640x64xf32, #tpu.memory_space<vmem>>) dst(%dma_wait3A_395 : memref<10112x64xf32, #tpu.memory_space<vmem_shared>>)
    %add3A_396 = arith.constant 14720 : i32
    %add3A_397 = arith.addi %mul3A_9, %add3A_396 : i32
    %mul3A_398 = arith.constant 327680 : i32
    %mul3A_399 = arith.muli %arg0, %mul3A_398 : i32
    %add3A_400 = arith.addi %mul3A_399, %add3A_397 : i32
    "tpu.region"() ({
      %run_scoped3A = tpu.sem_alloc : memref<!tpu.dma_semaphore, #tpu.memory_space<semaphore_mem>>
      %dma_start3A_559 = tpu.memref_slice %arg3[%add3A_400] : memref<655360xi32, #tpu.memory_space<hbm>> -> memref<640xi32, #tpu.memory_space<hbm>>
      %dma_start3A_560 = tpu.memref_slice %arg3[%add3A_400] : memref<655360xi32, #tpu.memory_space<hbm>> -> memref<640xi32, #tpu.memory_space<hbm>>
      tpu.enqueue_dma source(%dma_start3A_560 : memref<640xi32, #tpu.memory_space<hbm>>) target(%arg7 : memref<640xi32, #tpu.memory_space<vmem>>) target_semaphore(%run_scoped3A : memref<!tpu.dma_semaphore, #tpu.memory_space<semaphore_mem>>)
      %dma_wait3A_561 = tpu.memref_slice %arg3[%add3A_400] : memref<655360xi32, #tpu.memory_space<hbm>> -> memref<640xi32, #tpu.memory_space<hbm>>
      %dma_wait3A_562 = tpu.memref_slice %arg3[%add3A_400] : memref<655360xi32, #tpu.memory_space<hbm>> -> memref<640xi32, #tpu.memory_space<hbm>>
      tpu.wait_dma2 semaphore(%run_scoped3A : memref<!tpu.dma_semaphore, #tpu.memory_space<semaphore_mem>>) src(%dma_wait3A_562 : memref<640xi32, #tpu.memory_space<hbm>>) dst(%arg7 : memref<640xi32, #tpu.memory_space<vmem>>)
      tpu.yield
    }) : () -> ()
    "tpu.region"() ({
      %run_scoped3A = tpu.sem_alloc : memref<!tpu.dma_semaphore, #tpu.memory_space<semaphore_mem>>
      %dma_start3A_559 = tpu.memref_slice %arg4[%add3A_397] : memref<327680xi32, #tpu.memory_space<hbm>> -> memref<640xi32, #tpu.memory_space<hbm>>
      %dma_start3A_560 = tpu.memref_slice %arg4[%add3A_397] : memref<327680xi32, #tpu.memory_space<hbm>> -> memref<640xi32, #tpu.memory_space<hbm>>
      tpu.enqueue_dma source(%dma_start3A_560 : memref<640xi32, #tpu.memory_space<hbm>>) target(%arg9 : memref<640xi32, #tpu.memory_space<vmem>>) target_semaphore(%run_scoped3A : memref<!tpu.dma_semaphore, #tpu.memory_space<semaphore_mem>>)
      %dma_wait3A_561 = tpu.memref_slice %arg4[%add3A_397] : memref<327680xi32, #tpu.memory_space<hbm>> -> memref<640xi32, #tpu.memory_space<hbm>>
      %dma_wait3A_562 = tpu.memref_slice %arg4[%add3A_397] : memref<327680xi32, #tpu.memory_space<hbm>> -> memref<640xi32, #tpu.memory_space<hbm>>
      tpu.wait_dma2 semaphore(%run_scoped3A : memref<!tpu.dma_semaphore, #tpu.memory_space<semaphore_mem>>) src(%dma_wait3A_562 : memref<640xi32, #tpu.memory_space<hbm>>) dst(%arg9 : memref<640xi32, #tpu.memory_space<vmem>>)
      tpu.yield
    }) : () -> ()
    %dma_start3A_401 = arith.constant 0 : i32
    %dma_start3A_402 = arith.constant 0 : i32
    %dma_start3A_403 = tpu.memref_slice %arg2[%dma_start3A_401, %dma_start3A_402] : memref<20000x64xf32, #tpu.memory_space<hbm>> -> memref<20000x64xf32, #tpu.memory_space<hbm>>
    tpu.enqueue_indirect_dma source(%dma_start3A_403 : memref<20000x64xf32, #tpu.memory_space<hbm>>) target(%arg11 : memref<640x64xf32, #tpu.memory_space<vmem>>) offsets(%arg7 : memref<640xi32, #tpu.memory_space<vmem>>) semaphore(%arg14 : memref<!tpu.dma_semaphore, #tpu.memory_space<semaphore_mem>>)
    %dma_wait3A_404 = arith.constant 0 : i32
    %dma_wait3A_405 = arith.constant 0 : i32
    %dma_wait3A_406 = tpu.memref_slice %arg2[%dma_wait3A_404, %dma_wait3A_405] : memref<20000x64xf32, #tpu.memory_space<hbm>> -> memref<20000x64xf32, #tpu.memory_space<hbm>>
    tpu.wait_indirect_dma semaphore(%arg14 : memref<!tpu.dma_semaphore, #tpu.memory_space<semaphore_mem>>) src(%dma_wait3A_406 : memref<20000x64xf32, #tpu.memory_space<hbm>>) dst(%arg11 : memref<640x64xf32, #tpu.memory_space<vmem>>)
    %dma_start3A_407 = arith.constant 0 : i32
    %dma_start3A_408 = arith.constant 0 : i32
    %dma_start3A_409 = tpu.memref_slice %arg12[%dma_start3A_407, %dma_start3A_408] : memref<10112x64xf32, #tpu.memory_space<vmem_shared>> -> memref<10112x64xf32, #tpu.memory_space<vmem_shared>>
    tpu.enqueue_indirect_dma source(%arg11 : memref<640x64xf32, #tpu.memory_space<vmem>>) target(%dma_start3A_409 : memref<10112x64xf32, #tpu.memory_space<vmem_shared>>) offsets(%arg9 : memref<640xi32, #tpu.memory_space<vmem>>) semaphore(%arg16 : memref<!tpu.dma_semaphore, #tpu.memory_space<semaphore_mem>>) {add = true}
    %dma_wait3A_410 = arith.constant 0 : i32
    %dma_wait3A_411 = arith.constant 0 : i32
    %dma_wait3A_412 = tpu.memref_slice %arg12[%dma_wait3A_410, %dma_wait3A_411] : memref<10112x64xf32, #tpu.memory_space<vmem_shared>> -> memref<10112x64xf32, #tpu.memory_space<vmem_shared>>
    tpu.wait_indirect_dma semaphore(%arg15 : memref<!tpu.dma_semaphore, #tpu.memory_space<semaphore_mem>>) src(%arg10 : memref<640x64xf32, #tpu.memory_space<vmem>>) dst(%dma_wait3A_412 : memref<10112x64xf32, #tpu.memory_space<vmem_shared>>)
    %add3A_413 = arith.constant 15360 : i32
    %add3A_414 = arith.addi %mul3A_9, %add3A_413 : i32
    %mul3A_415 = arith.constant 327680 : i32
    %mul3A_416 = arith.muli %arg0, %mul3A_415 : i32
    %add3A_417 = arith.addi %mul3A_416, %add3A_414 : i32
    "tpu.region"() ({
      %run_scoped3A = tpu.sem_alloc : memref<!tpu.dma_semaphore, #tpu.memory_space<semaphore_mem>>
      %dma_start3A_559 = tpu.memref_slice %arg3[%add3A_417] : memref<655360xi32, #tpu.memory_space<hbm>> -> memref<640xi32, #tpu.memory_space<hbm>>
      %dma_start3A_560 = tpu.memref_slice %arg3[%add3A_417] : memref<655360xi32, #tpu.memory_space<hbm>> -> memref<640xi32, #tpu.memory_space<hbm>>
      tpu.enqueue_dma source(%dma_start3A_560 : memref<640xi32, #tpu.memory_space<hbm>>) target(%arg6 : memref<640xi32, #tpu.memory_space<vmem>>) target_semaphore(%run_scoped3A : memref<!tpu.dma_semaphore, #tpu.memory_space<semaphore_mem>>)
      %dma_wait3A_561 = tpu.memref_slice %arg3[%add3A_417] : memref<655360xi32, #tpu.memory_space<hbm>> -> memref<640xi32, #tpu.memory_space<hbm>>
      %dma_wait3A_562 = tpu.memref_slice %arg3[%add3A_417] : memref<655360xi32, #tpu.memory_space<hbm>> -> memref<640xi32, #tpu.memory_space<hbm>>
      tpu.wait_dma2 semaphore(%run_scoped3A : memref<!tpu.dma_semaphore, #tpu.memory_space<semaphore_mem>>) src(%dma_wait3A_562 : memref<640xi32, #tpu.memory_space<hbm>>) dst(%arg6 : memref<640xi32, #tpu.memory_space<vmem>>)
      tpu.yield
    }) : () -> ()
    "tpu.region"() ({
      %run_scoped3A = tpu.sem_alloc : memref<!tpu.dma_semaphore, #tpu.memory_space<semaphore_mem>>
      %dma_start3A_559 = tpu.memref_slice %arg4[%add3A_414] : memref<327680xi32, #tpu.memory_space<hbm>> -> memref<640xi32, #tpu.memory_space<hbm>>
      %dma_start3A_560 = tpu.memref_slice %arg4[%add3A_414] : memref<327680xi32, #tpu.memory_space<hbm>> -> memref<640xi32, #tpu.memory_space<hbm>>
      tpu.enqueue_dma source(%dma_start3A_560 : memref<640xi32, #tpu.memory_space<hbm>>) target(%arg8 : memref<640xi32, #tpu.memory_space<vmem>>) target_semaphore(%run_scoped3A : memref<!tpu.dma_semaphore, #tpu.memory_space<semaphore_mem>>)
      %dma_wait3A_561 = tpu.memref_slice %arg4[%add3A_414] : memref<327680xi32, #tpu.memory_space<hbm>> -> memref<640xi32, #tpu.memory_space<hbm>>
      %dma_wait3A_562 = tpu.memref_slice %arg4[%add3A_414] : memref<327680xi32, #tpu.memory_space<hbm>> -> memref<640xi32, #tpu.memory_space<hbm>>
      tpu.wait_dma2 semaphore(%run_scoped3A : memref<!tpu.dma_semaphore, #tpu.memory_space<semaphore_mem>>) src(%dma_wait3A_562 : memref<640xi32, #tpu.memory_space<hbm>>) dst(%arg8 : memref<640xi32, #tpu.memory_space<vmem>>)
      tpu.yield
    }) : () -> ()
    %dma_start3A_418 = arith.constant 0 : i32
    %dma_start3A_419 = arith.constant 0 : i32
    %dma_start3A_420 = tpu.memref_slice %arg2[%dma_start3A_418, %dma_start3A_419] : memref<20000x64xf32, #tpu.memory_space<hbm>> -> memref<20000x64xf32, #tpu.memory_space<hbm>>
    tpu.enqueue_indirect_dma source(%dma_start3A_420 : memref<20000x64xf32, #tpu.memory_space<hbm>>) target(%arg10 : memref<640x64xf32, #tpu.memory_space<vmem>>) offsets(%arg6 : memref<640xi32, #tpu.memory_space<vmem>>) semaphore(%arg13 : memref<!tpu.dma_semaphore, #tpu.memory_space<semaphore_mem>>)
    %dma_wait3A_421 = arith.constant 0 : i32
    %dma_wait3A_422 = arith.constant 0 : i32
    %dma_wait3A_423 = tpu.memref_slice %arg2[%dma_wait3A_421, %dma_wait3A_422] : memref<20000x64xf32, #tpu.memory_space<hbm>> -> memref<20000x64xf32, #tpu.memory_space<hbm>>
    tpu.wait_indirect_dma semaphore(%arg13 : memref<!tpu.dma_semaphore, #tpu.memory_space<semaphore_mem>>) src(%dma_wait3A_423 : memref<20000x64xf32, #tpu.memory_space<hbm>>) dst(%arg10 : memref<640x64xf32, #tpu.memory_space<vmem>>)
    %dma_start3A_424 = arith.constant 0 : i32
    %dma_start3A_425 = arith.constant 0 : i32
    %dma_start3A_426 = tpu.memref_slice %arg12[%dma_start3A_424, %dma_start3A_425] : memref<10112x64xf32, #tpu.memory_space<vmem_shared>> -> memref<10112x64xf32, #tpu.memory_space<vmem_shared>>
    tpu.enqueue_indirect_dma source(%arg10 : memref<640x64xf32, #tpu.memory_space<vmem>>) target(%dma_start3A_426 : memref<10112x64xf32, #tpu.memory_space<vmem_shared>>) offsets(%arg8 : memref<640xi32, #tpu.memory_space<vmem>>) semaphore(%arg15 : memref<!tpu.dma_semaphore, #tpu.memory_space<semaphore_mem>>) {add = true}
    %dma_wait3A_427 = arith.constant 0 : i32
    %dma_wait3A_428 = arith.constant 0 : i32
    %dma_wait3A_429 = tpu.memref_slice %arg12[%dma_wait3A_427, %dma_wait3A_428] : memref<10112x64xf32, #tpu.memory_space<vmem_shared>> -> memref<10112x64xf32, #tpu.memory_space<vmem_shared>>
    tpu.wait_indirect_dma semaphore(%arg16 : memref<!tpu.dma_semaphore, #tpu.memory_space<semaphore_mem>>) src(%arg11 : memref<640x64xf32, #tpu.memory_space<vmem>>) dst(%dma_wait3A_429 : memref<10112x64xf32, #tpu.memory_space<vmem_shared>>)
    %add3A_430 = arith.constant 16000 : i32
    %add3A_431 = arith.addi %mul3A_9, %add3A_430 : i32
    %mul3A_432 = arith.constant 327680 : i32
    %mul3A_433 = arith.muli %arg0, %mul3A_432 : i32
    %add3A_434 = arith.addi %mul3A_433, %add3A_431 : i32
    "tpu.region"() ({
      %run_scoped3A = tpu.sem_alloc : memref<!tpu.dma_semaphore, #tpu.memory_space<semaphore_mem>>
      %dma_start3A_559 = tpu.memref_slice %arg3[%add3A_434] : memref<655360xi32, #tpu.memory_space<hbm>> -> memref<640xi32, #tpu.memory_space<hbm>>
      %dma_start3A_560 = tpu.memref_slice %arg3[%add3A_434] : memref<655360xi32, #tpu.memory_space<hbm>> -> memref<640xi32, #tpu.memory_space<hbm>>
      tpu.enqueue_dma source(%dma_start3A_560 : memref<640xi32, #tpu.memory_space<hbm>>) target(%arg7 : memref<640xi32, #tpu.memory_space<vmem>>) target_semaphore(%run_scoped3A : memref<!tpu.dma_semaphore, #tpu.memory_space<semaphore_mem>>)
      %dma_wait3A_561 = tpu.memref_slice %arg3[%add3A_434] : memref<655360xi32, #tpu.memory_space<hbm>> -> memref<640xi32, #tpu.memory_space<hbm>>
      %dma_wait3A_562 = tpu.memref_slice %arg3[%add3A_434] : memref<655360xi32, #tpu.memory_space<hbm>> -> memref<640xi32, #tpu.memory_space<hbm>>
      tpu.wait_dma2 semaphore(%run_scoped3A : memref<!tpu.dma_semaphore, #tpu.memory_space<semaphore_mem>>) src(%dma_wait3A_562 : memref<640xi32, #tpu.memory_space<hbm>>) dst(%arg7 : memref<640xi32, #tpu.memory_space<vmem>>)
      tpu.yield
    }) : () -> ()
    "tpu.region"() ({
      %run_scoped3A = tpu.sem_alloc : memref<!tpu.dma_semaphore, #tpu.memory_space<semaphore_mem>>
      %dma_start3A_559 = tpu.memref_slice %arg4[%add3A_431] : memref<327680xi32, #tpu.memory_space<hbm>> -> memref<640xi32, #tpu.memory_space<hbm>>
      %dma_start3A_560 = tpu.memref_slice %arg4[%add3A_431] : memref<327680xi32, #tpu.memory_space<hbm>> -> memref<640xi32, #tpu.memory_space<hbm>>
      tpu.enqueue_dma source(%dma_start3A_560 : memref<640xi32, #tpu.memory_space<hbm>>) target(%arg9 : memref<640xi32, #tpu.memory_space<vmem>>) target_semaphore(%run_scoped3A : memref<!tpu.dma_semaphore, #tpu.memory_space<semaphore_mem>>)
      %dma_wait3A_561 = tpu.memref_slice %arg4[%add3A_431] : memref<327680xi32, #tpu.memory_space<hbm>> -> memref<640xi32, #tpu.memory_space<hbm>>
      %dma_wait3A_562 = tpu.memref_slice %arg4[%add3A_431] : memref<327680xi32, #tpu.memory_space<hbm>> -> memref<640xi32, #tpu.memory_space<hbm>>
      tpu.wait_dma2 semaphore(%run_scoped3A : memref<!tpu.dma_semaphore, #tpu.memory_space<semaphore_mem>>) src(%dma_wait3A_562 : memref<640xi32, #tpu.memory_space<hbm>>) dst(%arg9 : memref<640xi32, #tpu.memory_space<vmem>>)
      tpu.yield
    }) : () -> ()
    %dma_start3A_435 = arith.constant 0 : i32
    %dma_start3A_436 = arith.constant 0 : i32
    %dma_start3A_437 = tpu.memref_slice %arg2[%dma_start3A_435, %dma_start3A_436] : memref<20000x64xf32, #tpu.memory_space<hbm>> -> memref<20000x64xf32, #tpu.memory_space<hbm>>
    tpu.enqueue_indirect_dma source(%dma_start3A_437 : memref<20000x64xf32, #tpu.memory_space<hbm>>) target(%arg11 : memref<640x64xf32, #tpu.memory_space<vmem>>) offsets(%arg7 : memref<640xi32, #tpu.memory_space<vmem>>) semaphore(%arg14 : memref<!tpu.dma_semaphore, #tpu.memory_space<semaphore_mem>>)
    %dma_wait3A_438 = arith.constant 0 : i32
    %dma_wait3A_439 = arith.constant 0 : i32
    %dma_wait3A_440 = tpu.memref_slice %arg2[%dma_wait3A_438, %dma_wait3A_439] : memref<20000x64xf32, #tpu.memory_space<hbm>> -> memref<20000x64xf32, #tpu.memory_space<hbm>>
    tpu.wait_indirect_dma semaphore(%arg14 : memref<!tpu.dma_semaphore, #tpu.memory_space<semaphore_mem>>) src(%dma_wait3A_440 : memref<20000x64xf32, #tpu.memory_space<hbm>>) dst(%arg11 : memref<640x64xf32, #tpu.memory_space<vmem>>)
    %dma_start3A_441 = arith.constant 0 : i32
    %dma_start3A_442 = arith.constant 0 : i32
    %dma_start3A_443 = tpu.memref_slice %arg12[%dma_start3A_441, %dma_start3A_442] : memref<10112x64xf32, #tpu.memory_space<vmem_shared>> -> memref<10112x64xf32, #tpu.memory_space<vmem_shared>>
    tpu.enqueue_indirect_dma source(%arg11 : memref<640x64xf32, #tpu.memory_space<vmem>>) target(%dma_start3A_443 : memref<10112x64xf32, #tpu.memory_space<vmem_shared>>) offsets(%arg9 : memref<640xi32, #tpu.memory_space<vmem>>) semaphore(%arg16 : memref<!tpu.dma_semaphore, #tpu.memory_space<semaphore_mem>>) {add = true}
    %dma_wait3A_444 = arith.constant 0 : i32
    %dma_wait3A_445 = arith.constant 0 : i32
    %dma_wait3A_446 = tpu.memref_slice %arg12[%dma_wait3A_444, %dma_wait3A_445] : memref<10112x64xf32, #tpu.memory_space<vmem_shared>> -> memref<10112x64xf32, #tpu.memory_space<vmem_shared>>
    tpu.wait_indirect_dma semaphore(%arg15 : memref<!tpu.dma_semaphore, #tpu.memory_space<semaphore_mem>>) src(%arg10 : memref<640x64xf32, #tpu.memory_space<vmem>>) dst(%dma_wait3A_446 : memref<10112x64xf32, #tpu.memory_space<vmem_shared>>)
    %add3A_447 = arith.constant 16640 : i32
    %add3A_448 = arith.addi %mul3A_9, %add3A_447 : i32
    %mul3A_449 = arith.constant 327680 : i32
    %mul3A_450 = arith.muli %arg0, %mul3A_449 : i32
    %add3A_451 = arith.addi %mul3A_450, %add3A_448 : i32
    "tpu.region"() ({
      %run_scoped3A = tpu.sem_alloc : memref<!tpu.dma_semaphore, #tpu.memory_space<semaphore_mem>>
      %dma_start3A_559 = tpu.memref_slice %arg3[%add3A_451] : memref<655360xi32, #tpu.memory_space<hbm>> -> memref<640xi32, #tpu.memory_space<hbm>>
      %dma_start3A_560 = tpu.memref_slice %arg3[%add3A_451] : memref<655360xi32, #tpu.memory_space<hbm>> -> memref<640xi32, #tpu.memory_space<hbm>>
      tpu.enqueue_dma source(%dma_start3A_560 : memref<640xi32, #tpu.memory_space<hbm>>) target(%arg6 : memref<640xi32, #tpu.memory_space<vmem>>) target_semaphore(%run_scoped3A : memref<!tpu.dma_semaphore, #tpu.memory_space<semaphore_mem>>)
      %dma_wait3A_561 = tpu.memref_slice %arg3[%add3A_451] : memref<655360xi32, #tpu.memory_space<hbm>> -> memref<640xi32, #tpu.memory_space<hbm>>
      %dma_wait3A_562 = tpu.memref_slice %arg3[%add3A_451] : memref<655360xi32, #tpu.memory_space<hbm>> -> memref<640xi32, #tpu.memory_space<hbm>>
      tpu.wait_dma2 semaphore(%run_scoped3A : memref<!tpu.dma_semaphore, #tpu.memory_space<semaphore_mem>>) src(%dma_wait3A_562 : memref<640xi32, #tpu.memory_space<hbm>>) dst(%arg6 : memref<640xi32, #tpu.memory_space<vmem>>)
      tpu.yield
    }) : () -> ()
    "tpu.region"() ({
      %run_scoped3A = tpu.sem_alloc : memref<!tpu.dma_semaphore, #tpu.memory_space<semaphore_mem>>
      %dma_start3A_559 = tpu.memref_slice %arg4[%add3A_448] : memref<327680xi32, #tpu.memory_space<hbm>> -> memref<640xi32, #tpu.memory_space<hbm>>
      %dma_start3A_560 = tpu.memref_slice %arg4[%add3A_448] : memref<327680xi32, #tpu.memory_space<hbm>> -> memref<640xi32, #tpu.memory_space<hbm>>
      tpu.enqueue_dma source(%dma_start3A_560 : memref<640xi32, #tpu.memory_space<hbm>>) target(%arg8 : memref<640xi32, #tpu.memory_space<vmem>>) target_semaphore(%run_scoped3A : memref<!tpu.dma_semaphore, #tpu.memory_space<semaphore_mem>>)
      %dma_wait3A_561 = tpu.memref_slice %arg4[%add3A_448] : memref<327680xi32, #tpu.memory_space<hbm>> -> memref<640xi32, #tpu.memory_space<hbm>>
      %dma_wait3A_562 = tpu.memref_slice %arg4[%add3A_448] : memref<327680xi32, #tpu.memory_space<hbm>> -> memref<640xi32, #tpu.memory_space<hbm>>
      tpu.wait_dma2 semaphore(%run_scoped3A : memref<!tpu.dma_semaphore, #tpu.memory_space<semaphore_mem>>) src(%dma_wait3A_562 : memref<640xi32, #tpu.memory_space<hbm>>) dst(%arg8 : memref<640xi32, #tpu.memory_space<vmem>>)
      tpu.yield
    }) : () -> ()
    %dma_start3A_452 = arith.constant 0 : i32
    %dma_start3A_453 = arith.constant 0 : i32
    %dma_start3A_454 = tpu.memref_slice %arg2[%dma_start3A_452, %dma_start3A_453] : memref<20000x64xf32, #tpu.memory_space<hbm>> -> memref<20000x64xf32, #tpu.memory_space<hbm>>
    tpu.enqueue_indirect_dma source(%dma_start3A_454 : memref<20000x64xf32, #tpu.memory_space<hbm>>) target(%arg10 : memref<640x64xf32, #tpu.memory_space<vmem>>) offsets(%arg6 : memref<640xi32, #tpu.memory_space<vmem>>) semaphore(%arg13 : memref<!tpu.dma_semaphore, #tpu.memory_space<semaphore_mem>>)
    %dma_wait3A_455 = arith.constant 0 : i32
    %dma_wait3A_456 = arith.constant 0 : i32
    %dma_wait3A_457 = tpu.memref_slice %arg2[%dma_wait3A_455, %dma_wait3A_456] : memref<20000x64xf32, #tpu.memory_space<hbm>> -> memref<20000x64xf32, #tpu.memory_space<hbm>>
    tpu.wait_indirect_dma semaphore(%arg13 : memref<!tpu.dma_semaphore, #tpu.memory_space<semaphore_mem>>) src(%dma_wait3A_457 : memref<20000x64xf32, #tpu.memory_space<hbm>>) dst(%arg10 : memref<640x64xf32, #tpu.memory_space<vmem>>)
    %dma_start3A_458 = arith.constant 0 : i32
    %dma_start3A_459 = arith.constant 0 : i32
    %dma_start3A_460 = tpu.memref_slice %arg12[%dma_start3A_458, %dma_start3A_459] : memref<10112x64xf32, #tpu.memory_space<vmem_shared>> -> memref<10112x64xf32, #tpu.memory_space<vmem_shared>>
    tpu.enqueue_indirect_dma source(%arg10 : memref<640x64xf32, #tpu.memory_space<vmem>>) target(%dma_start3A_460 : memref<10112x64xf32, #tpu.memory_space<vmem_shared>>) offsets(%arg8 : memref<640xi32, #tpu.memory_space<vmem>>) semaphore(%arg15 : memref<!tpu.dma_semaphore, #tpu.memory_space<semaphore_mem>>) {add = true}
    %dma_wait3A_461 = arith.constant 0 : i32
    %dma_wait3A_462 = arith.constant 0 : i32
    %dma_wait3A_463 = tpu.memref_slice %arg12[%dma_wait3A_461, %dma_wait3A_462] : memref<10112x64xf32, #tpu.memory_space<vmem_shared>> -> memref<10112x64xf32, #tpu.memory_space<vmem_shared>>
    tpu.wait_indirect_dma semaphore(%arg16 : memref<!tpu.dma_semaphore, #tpu.memory_space<semaphore_mem>>) src(%arg11 : memref<640x64xf32, #tpu.memory_space<vmem>>) dst(%dma_wait3A_463 : memref<10112x64xf32, #tpu.memory_space<vmem_shared>>)
    %add3A_464 = arith.constant 17280 : i32
    %add3A_465 = arith.addi %mul3A_9, %add3A_464 : i32
    %mul3A_466 = arith.constant 327680 : i32
    %mul3A_467 = arith.muli %arg0, %mul3A_466 : i32
    %add3A_468 = arith.addi %mul3A_467, %add3A_465 : i32
    "tpu.region"() ({
      %run_scoped3A = tpu.sem_alloc : memref<!tpu.dma_semaphore, #tpu.memory_space<semaphore_mem>>
      %dma_start3A_559 = tpu.memref_slice %arg3[%add3A_468] : memref<655360xi32, #tpu.memory_space<hbm>> -> memref<640xi32, #tpu.memory_space<hbm>>
      %dma_start3A_560 = tpu.memref_slice %arg3[%add3A_468] : memref<655360xi32, #tpu.memory_space<hbm>> -> memref<640xi32, #tpu.memory_space<hbm>>
      tpu.enqueue_dma source(%dma_start3A_560 : memref<640xi32, #tpu.memory_space<hbm>>) target(%arg7 : memref<640xi32, #tpu.memory_space<vmem>>) target_semaphore(%run_scoped3A : memref<!tpu.dma_semaphore, #tpu.memory_space<semaphore_mem>>)
      %dma_wait3A_561 = tpu.memref_slice %arg3[%add3A_468] : memref<655360xi32, #tpu.memory_space<hbm>> -> memref<640xi32, #tpu.memory_space<hbm>>
      %dma_wait3A_562 = tpu.memref_slice %arg3[%add3A_468] : memref<655360xi32, #tpu.memory_space<hbm>> -> memref<640xi32, #tpu.memory_space<hbm>>
      tpu.wait_dma2 semaphore(%run_scoped3A : memref<!tpu.dma_semaphore, #tpu.memory_space<semaphore_mem>>) src(%dma_wait3A_562 : memref<640xi32, #tpu.memory_space<hbm>>) dst(%arg7 : memref<640xi32, #tpu.memory_space<vmem>>)
      tpu.yield
    }) : () -> ()
    "tpu.region"() ({
      %run_scoped3A = tpu.sem_alloc : memref<!tpu.dma_semaphore, #tpu.memory_space<semaphore_mem>>
      %dma_start3A_559 = tpu.memref_slice %arg4[%add3A_465] : memref<327680xi32, #tpu.memory_space<hbm>> -> memref<640xi32, #tpu.memory_space<hbm>>
      %dma_start3A_560 = tpu.memref_slice %arg4[%add3A_465] : memref<327680xi32, #tpu.memory_space<hbm>> -> memref<640xi32, #tpu.memory_space<hbm>>
      tpu.enqueue_dma source(%dma_start3A_560 : memref<640xi32, #tpu.memory_space<hbm>>) target(%arg9 : memref<640xi32, #tpu.memory_space<vmem>>) target_semaphore(%run_scoped3A : memref<!tpu.dma_semaphore, #tpu.memory_space<semaphore_mem>>)
      %dma_wait3A_561 = tpu.memref_slice %arg4[%add3A_465] : memref<327680xi32, #tpu.memory_space<hbm>> -> memref<640xi32, #tpu.memory_space<hbm>>
      %dma_wait3A_562 = tpu.memref_slice %arg4[%add3A_465] : memref<327680xi32, #tpu.memory_space<hbm>> -> memref<640xi32, #tpu.memory_space<hbm>>
      tpu.wait_dma2 semaphore(%run_scoped3A : memref<!tpu.dma_semaphore, #tpu.memory_space<semaphore_mem>>) src(%dma_wait3A_562 : memref<640xi32, #tpu.memory_space<hbm>>) dst(%arg9 : memref<640xi32, #tpu.memory_space<vmem>>)
      tpu.yield
    }) : () -> ()
    %dma_start3A_469 = arith.constant 0 : i32
    %dma_start3A_470 = arith.constant 0 : i32
    %dma_start3A_471 = tpu.memref_slice %arg2[%dma_start3A_469, %dma_start3A_470] : memref<20000x64xf32, #tpu.memory_space<hbm>> -> memref<20000x64xf32, #tpu.memory_space<hbm>>
    tpu.enqueue_indirect_dma source(%dma_start3A_471 : memref<20000x64xf32, #tpu.memory_space<hbm>>) target(%arg11 : memref<640x64xf32, #tpu.memory_space<vmem>>) offsets(%arg7 : memref<640xi32, #tpu.memory_space<vmem>>) semaphore(%arg14 : memref<!tpu.dma_semaphore, #tpu.memory_space<semaphore_mem>>)
    %dma_wait3A_472 = arith.constant 0 : i32
    %dma_wait3A_473 = arith.constant 0 : i32
    %dma_wait3A_474 = tpu.memref_slice %arg2[%dma_wait3A_472, %dma_wait3A_473] : memref<20000x64xf32, #tpu.memory_space<hbm>> -> memref<20000x64xf32, #tpu.memory_space<hbm>>
    tpu.wait_indirect_dma semaphore(%arg14 : memref<!tpu.dma_semaphore, #tpu.memory_space<semaphore_mem>>) src(%dma_wait3A_474 : memref<20000x64xf32, #tpu.memory_space<hbm>>) dst(%arg11 : memref<640x64xf32, #tpu.memory_space<vmem>>)
    %dma_start3A_475 = arith.constant 0 : i32
    %dma_start3A_476 = arith.constant 0 : i32
    %dma_start3A_477 = tpu.memref_slice %arg12[%dma_start3A_475, %dma_start3A_476] : memref<10112x64xf32, #tpu.memory_space<vmem_shared>> -> memref<10112x64xf32, #tpu.memory_space<vmem_shared>>
    tpu.enqueue_indirect_dma source(%arg11 : memref<640x64xf32, #tpu.memory_space<vmem>>) target(%dma_start3A_477 : memref<10112x64xf32, #tpu.memory_space<vmem_shared>>) offsets(%arg9 : memref<640xi32, #tpu.memory_space<vmem>>) semaphore(%arg16 : memref<!tpu.dma_semaphore, #tpu.memory_space<semaphore_mem>>) {add = true}
    %dma_wait3A_478 = arith.constant 0 : i32
    %dma_wait3A_479 = arith.constant 0 : i32
    %dma_wait3A_480 = tpu.memref_slice %arg12[%dma_wait3A_478, %dma_wait3A_479] : memref<10112x64xf32, #tpu.memory_space<vmem_shared>> -> memref<10112x64xf32, #tpu.memory_space<vmem_shared>>
    tpu.wait_indirect_dma semaphore(%arg15 : memref<!tpu.dma_semaphore, #tpu.memory_space<semaphore_mem>>) src(%arg10 : memref<640x64xf32, #tpu.memory_space<vmem>>) dst(%dma_wait3A_480 : memref<10112x64xf32, #tpu.memory_space<vmem_shared>>)
    %add3A_481 = arith.constant 17920 : i32
    %add3A_482 = arith.addi %mul3A_9, %add3A_481 : i32
    %mul3A_483 = arith.constant 327680 : i32
    %mul3A_484 = arith.muli %arg0, %mul3A_483 : i32
    %add3A_485 = arith.addi %mul3A_484, %add3A_482 : i32
    "tpu.region"() ({
      %run_scoped3A = tpu.sem_alloc : memref<!tpu.dma_semaphore, #tpu.memory_space<semaphore_mem>>
      %dma_start3A_559 = tpu.memref_slice %arg3[%add3A_485] : memref<655360xi32, #tpu.memory_space<hbm>> -> memref<640xi32, #tpu.memory_space<hbm>>
      %dma_start3A_560 = tpu.memref_slice %arg3[%add3A_485] : memref<655360xi32, #tpu.memory_space<hbm>> -> memref<640xi32, #tpu.memory_space<hbm>>
      tpu.enqueue_dma source(%dma_start3A_560 : memref<640xi32, #tpu.memory_space<hbm>>) target(%arg6 : memref<640xi32, #tpu.memory_space<vmem>>) target_semaphore(%run_scoped3A : memref<!tpu.dma_semaphore, #tpu.memory_space<semaphore_mem>>)
      %dma_wait3A_561 = tpu.memref_slice %arg3[%add3A_485] : memref<655360xi32, #tpu.memory_space<hbm>> -> memref<640xi32, #tpu.memory_space<hbm>>
      %dma_wait3A_562 = tpu.memref_slice %arg3[%add3A_485] : memref<655360xi32, #tpu.memory_space<hbm>> -> memref<640xi32, #tpu.memory_space<hbm>>
      tpu.wait_dma2 semaphore(%run_scoped3A : memref<!tpu.dma_semaphore, #tpu.memory_space<semaphore_mem>>) src(%dma_wait3A_562 : memref<640xi32, #tpu.memory_space<hbm>>) dst(%arg6 : memref<640xi32, #tpu.memory_space<vmem>>)
      tpu.yield
    }) : () -> ()
    "tpu.region"() ({
      %run_scoped3A = tpu.sem_alloc : memref<!tpu.dma_semaphore, #tpu.memory_space<semaphore_mem>>
      %dma_start3A_559 = tpu.memref_slice %arg4[%add3A_482] : memref<327680xi32, #tpu.memory_space<hbm>> -> memref<640xi32, #tpu.memory_space<hbm>>
      %dma_start3A_560 = tpu.memref_slice %arg4[%add3A_482] : memref<327680xi32, #tpu.memory_space<hbm>> -> memref<640xi32, #tpu.memory_space<hbm>>
      tpu.enqueue_dma source(%dma_start3A_560 : memref<640xi32, #tpu.memory_space<hbm>>) target(%arg8 : memref<640xi32, #tpu.memory_space<vmem>>) target_semaphore(%run_scoped3A : memref<!tpu.dma_semaphore, #tpu.memory_space<semaphore_mem>>)
      %dma_wait3A_561 = tpu.memref_slice %arg4[%add3A_482] : memref<327680xi32, #tpu.memory_space<hbm>> -> memref<640xi32, #tpu.memory_space<hbm>>
      %dma_wait3A_562 = tpu.memref_slice %arg4[%add3A_482] : memref<327680xi32, #tpu.memory_space<hbm>> -> memref<640xi32, #tpu.memory_space<hbm>>
      tpu.wait_dma2 semaphore(%run_scoped3A : memref<!tpu.dma_semaphore, #tpu.memory_space<semaphore_mem>>) src(%dma_wait3A_562 : memref<640xi32, #tpu.memory_space<hbm>>) dst(%arg8 : memref<640xi32, #tpu.memory_space<vmem>>)
      tpu.yield
    }) : () -> ()
    %dma_start3A_486 = arith.constant 0 : i32
    %dma_start3A_487 = arith.constant 0 : i32
    %dma_start3A_488 = tpu.memref_slice %arg2[%dma_start3A_486, %dma_start3A_487] : memref<20000x64xf32, #tpu.memory_space<hbm>> -> memref<20000x64xf32, #tpu.memory_space<hbm>>
    tpu.enqueue_indirect_dma source(%dma_start3A_488 : memref<20000x64xf32, #tpu.memory_space<hbm>>) target(%arg10 : memref<640x64xf32, #tpu.memory_space<vmem>>) offsets(%arg6 : memref<640xi32, #tpu.memory_space<vmem>>) semaphore(%arg13 : memref<!tpu.dma_semaphore, #tpu.memory_space<semaphore_mem>>)
    %dma_wait3A_489 = arith.constant 0 : i32
    %dma_wait3A_490 = arith.constant 0 : i32
    %dma_wait3A_491 = tpu.memref_slice %arg2[%dma_wait3A_489, %dma_wait3A_490] : memref<20000x64xf32, #tpu.memory_space<hbm>> -> memref<20000x64xf32, #tpu.memory_space<hbm>>
    tpu.wait_indirect_dma semaphore(%arg13 : memref<!tpu.dma_semaphore, #tpu.memory_space<semaphore_mem>>) src(%dma_wait3A_491 : memref<20000x64xf32, #tpu.memory_space<hbm>>) dst(%arg10 : memref<640x64xf32, #tpu.memory_space<vmem>>)
    %dma_start3A_492 = arith.constant 0 : i32
    %dma_start3A_493 = arith.constant 0 : i32
    %dma_start3A_494 = tpu.memref_slice %arg12[%dma_start3A_492, %dma_start3A_493] : memref<10112x64xf32, #tpu.memory_space<vmem_shared>> -> memref<10112x64xf32, #tpu.memory_space<vmem_shared>>
    tpu.enqueue_indirect_dma source(%arg10 : memref<640x64xf32, #tpu.memory_space<vmem>>) target(%dma_start3A_494 : memref<10112x64xf32, #tpu.memory_space<vmem_shared>>) offsets(%arg8 : memref<640xi32, #tpu.memory_space<vmem>>) semaphore(%arg15 : memref<!tpu.dma_semaphore, #tpu.memory_space<semaphore_mem>>) {add = true}
    %dma_wait3A_495 = arith.constant 0 : i32
    %dma_wait3A_496 = arith.constant 0 : i32
    %dma_wait3A_497 = tpu.memref_slice %arg12[%dma_wait3A_495, %dma_wait3A_496] : memref<10112x64xf32, #tpu.memory_space<vmem_shared>> -> memref<10112x64xf32, #tpu.memory_space<vmem_shared>>
    tpu.wait_indirect_dma semaphore(%arg16 : memref<!tpu.dma_semaphore, #tpu.memory_space<semaphore_mem>>) src(%arg11 : memref<640x64xf32, #tpu.memory_space<vmem>>) dst(%dma_wait3A_497 : memref<10112x64xf32, #tpu.memory_space<vmem_shared>>)
    %add3A_498 = arith.constant 18560 : i32
    %add3A_499 = arith.addi %mul3A_9, %add3A_498 : i32
    %mul3A_500 = arith.constant 327680 : i32
    %mul3A_501 = arith.muli %arg0, %mul3A_500 : i32
    %add3A_502 = arith.addi %mul3A_501, %add3A_499 : i32
    "tpu.region"() ({
      %run_scoped3A = tpu.sem_alloc : memref<!tpu.dma_semaphore, #tpu.memory_space<semaphore_mem>>
      %dma_start3A_559 = tpu.memref_slice %arg3[%add3A_502] : memref<655360xi32, #tpu.memory_space<hbm>> -> memref<640xi32, #tpu.memory_space<hbm>>
      %dma_start3A_560 = tpu.memref_slice %arg3[%add3A_502] : memref<655360xi32, #tpu.memory_space<hbm>> -> memref<640xi32, #tpu.memory_space<hbm>>
      tpu.enqueue_dma source(%dma_start3A_560 : memref<640xi32, #tpu.memory_space<hbm>>) target(%arg7 : memref<640xi32, #tpu.memory_space<vmem>>) target_semaphore(%run_scoped3A : memref<!tpu.dma_semaphore, #tpu.memory_space<semaphore_mem>>)
      %dma_wait3A_561 = tpu.memref_slice %arg3[%add3A_502] : memref<655360xi32, #tpu.memory_space<hbm>> -> memref<640xi32, #tpu.memory_space<hbm>>
      %dma_wait3A_562 = tpu.memref_slice %arg3[%add3A_502] : memref<655360xi32, #tpu.memory_space<hbm>> -> memref<640xi32, #tpu.memory_space<hbm>>
      tpu.wait_dma2 semaphore(%run_scoped3A : memref<!tpu.dma_semaphore, #tpu.memory_space<semaphore_mem>>) src(%dma_wait3A_562 : memref<640xi32, #tpu.memory_space<hbm>>) dst(%arg7 : memref<640xi32, #tpu.memory_space<vmem>>)
      tpu.yield
    }) : () -> ()
    "tpu.region"() ({
      %run_scoped3A = tpu.sem_alloc : memref<!tpu.dma_semaphore, #tpu.memory_space<semaphore_mem>>
      %dma_start3A_559 = tpu.memref_slice %arg4[%add3A_499] : memref<327680xi32, #tpu.memory_space<hbm>> -> memref<640xi32, #tpu.memory_space<hbm>>
      %dma_start3A_560 = tpu.memref_slice %arg4[%add3A_499] : memref<327680xi32, #tpu.memory_space<hbm>> -> memref<640xi32, #tpu.memory_space<hbm>>
      tpu.enqueue_dma source(%dma_start3A_560 : memref<640xi32, #tpu.memory_space<hbm>>) target(%arg9 : memref<640xi32, #tpu.memory_space<vmem>>) target_semaphore(%run_scoped3A : memref<!tpu.dma_semaphore, #tpu.memory_space<semaphore_mem>>)
      %dma_wait3A_561 = tpu.memref_slice %arg4[%add3A_499] : memref<327680xi32, #tpu.memory_space<hbm>> -> memref<640xi32, #tpu.memory_space<hbm>>
      %dma_wait3A_562 = tpu.memref_slice %arg4[%add3A_499] : memref<327680xi32, #tpu.memory_space<hbm>> -> memref<640xi32, #tpu.memory_space<hbm>>
      tpu.wait_dma2 semaphore(%run_scoped3A : memref<!tpu.dma_semaphore, #tpu.memory_space<semaphore_mem>>) src(%dma_wait3A_562 : memref<640xi32, #tpu.memory_space<hbm>>) dst(%arg9 : memref<640xi32, #tpu.memory_space<vmem>>)
      tpu.yield
    }) : () -> ()
    %dma_start3A_503 = arith.constant 0 : i32
    %dma_start3A_504 = arith.constant 0 : i32
    %dma_start3A_505 = tpu.memref_slice %arg2[%dma_start3A_503, %dma_start3A_504] : memref<20000x64xf32, #tpu.memory_space<hbm>> -> memref<20000x64xf32, #tpu.memory_space<hbm>>
    tpu.enqueue_indirect_dma source(%dma_start3A_505 : memref<20000x64xf32, #tpu.memory_space<hbm>>) target(%arg11 : memref<640x64xf32, #tpu.memory_space<vmem>>) offsets(%arg7 : memref<640xi32, #tpu.memory_space<vmem>>) semaphore(%arg14 : memref<!tpu.dma_semaphore, #tpu.memory_space<semaphore_mem>>)
    %dma_wait3A_506 = arith.constant 0 : i32
    %dma_wait3A_507 = arith.constant 0 : i32
    %dma_wait3A_508 = tpu.memref_slice %arg2[%dma_wait3A_506, %dma_wait3A_507] : memref<20000x64xf32, #tpu.memory_space<hbm>> -> memref<20000x64xf32, #tpu.memory_space<hbm>>
    tpu.wait_indirect_dma semaphore(%arg14 : memref<!tpu.dma_semaphore, #tpu.memory_space<semaphore_mem>>) src(%dma_wait3A_508 : memref<20000x64xf32, #tpu.memory_space<hbm>>) dst(%arg11 : memref<640x64xf32, #tpu.memory_space<vmem>>)
    %dma_start3A_509 = arith.constant 0 : i32
    %dma_start3A_510 = arith.constant 0 : i32
    %dma_start3A_511 = tpu.memref_slice %arg12[%dma_start3A_509, %dma_start3A_510] : memref<10112x64xf32, #tpu.memory_space<vmem_shared>> -> memref<10112x64xf32, #tpu.memory_space<vmem_shared>>
    tpu.enqueue_indirect_dma source(%arg11 : memref<640x64xf32, #tpu.memory_space<vmem>>) target(%dma_start3A_511 : memref<10112x64xf32, #tpu.memory_space<vmem_shared>>) offsets(%arg9 : memref<640xi32, #tpu.memory_space<vmem>>) semaphore(%arg16 : memref<!tpu.dma_semaphore, #tpu.memory_space<semaphore_mem>>) {add = true}
    %dma_wait3A_512 = arith.constant 0 : i32
    %dma_wait3A_513 = arith.constant 0 : i32
    %dma_wait3A_514 = tpu.memref_slice %arg12[%dma_wait3A_512, %dma_wait3A_513] : memref<10112x64xf32, #tpu.memory_space<vmem_shared>> -> memref<10112x64xf32, #tpu.memory_space<vmem_shared>>
    tpu.wait_indirect_dma semaphore(%arg15 : memref<!tpu.dma_semaphore, #tpu.memory_space<semaphore_mem>>) src(%arg10 : memref<640x64xf32, #tpu.memory_space<vmem>>) dst(%dma_wait3A_514 : memref<10112x64xf32, #tpu.memory_space<vmem_shared>>)
    %add3A_515 = arith.constant 19200 : i32
    %add3A_516 = arith.addi %mul3A_9, %add3A_515 : i32
    %mul3A_517 = arith.constant 327680 : i32
    %mul3A_518 = arith.muli %arg0, %mul3A_517 : i32
    %add3A_519 = arith.addi %mul3A_518, %add3A_516 : i32
    "tpu.region"() ({
      %run_scoped3A = tpu.sem_alloc : memref<!tpu.dma_semaphore, #tpu.memory_space<semaphore_mem>>
      %dma_start3A_559 = tpu.memref_slice %arg3[%add3A_519] : memref<655360xi32, #tpu.memory_space<hbm>> -> memref<640xi32, #tpu.memory_space<hbm>>
      %dma_start3A_560 = tpu.memref_slice %arg3[%add3A_519] : memref<655360xi32, #tpu.memory_space<hbm>> -> memref<640xi32, #tpu.memory_space<hbm>>
      tpu.enqueue_dma source(%dma_start3A_560 : memref<640xi32, #tpu.memory_space<hbm>>) target(%arg6 : memref<640xi32, #tpu.memory_space<vmem>>) target_semaphore(%run_scoped3A : memref<!tpu.dma_semaphore, #tpu.memory_space<semaphore_mem>>)
      %dma_wait3A_561 = tpu.memref_slice %arg3[%add3A_519] : memref<655360xi32, #tpu.memory_space<hbm>> -> memref<640xi32, #tpu.memory_space<hbm>>
      %dma_wait3A_562 = tpu.memref_slice %arg3[%add3A_519] : memref<655360xi32, #tpu.memory_space<hbm>> -> memref<640xi32, #tpu.memory_space<hbm>>
      tpu.wait_dma2 semaphore(%run_scoped3A : memref<!tpu.dma_semaphore, #tpu.memory_space<semaphore_mem>>) src(%dma_wait3A_562 : memref<640xi32, #tpu.memory_space<hbm>>) dst(%arg6 : memref<640xi32, #tpu.memory_space<vmem>>)
      tpu.yield
    }) : () -> ()
    "tpu.region"() ({
      %run_scoped3A = tpu.sem_alloc : memref<!tpu.dma_semaphore, #tpu.memory_space<semaphore_mem>>
      %dma_start3A_559 = tpu.memref_slice %arg4[%add3A_516] : memref<327680xi32, #tpu.memory_space<hbm>> -> memref<640xi32, #tpu.memory_space<hbm>>
      %dma_start3A_560 = tpu.memref_slice %arg4[%add3A_516] : memref<327680xi32, #tpu.memory_space<hbm>> -> memref<640xi32, #tpu.memory_space<hbm>>
      tpu.enqueue_dma source(%dma_start3A_560 : memref<640xi32, #tpu.memory_space<hbm>>) target(%arg8 : memref<640xi32, #tpu.memory_space<vmem>>) target_semaphore(%run_scoped3A : memref<!tpu.dma_semaphore, #tpu.memory_space<semaphore_mem>>)
      %dma_wait3A_561 = tpu.memref_slice %arg4[%add3A_516] : memref<327680xi32, #tpu.memory_space<hbm>> -> memref<640xi32, #tpu.memory_space<hbm>>
      %dma_wait3A_562 = tpu.memref_slice %arg4[%add3A_516] : memref<327680xi32, #tpu.memory_space<hbm>> -> memref<640xi32, #tpu.memory_space<hbm>>
      tpu.wait_dma2 semaphore(%run_scoped3A : memref<!tpu.dma_semaphore, #tpu.memory_space<semaphore_mem>>) src(%dma_wait3A_562 : memref<640xi32, #tpu.memory_space<hbm>>) dst(%arg8 : memref<640xi32, #tpu.memory_space<vmem>>)
      tpu.yield
    }) : () -> ()
    %dma_start3A_520 = arith.constant 0 : i32
    %dma_start3A_521 = arith.constant 0 : i32
    %dma_start3A_522 = tpu.memref_slice %arg2[%dma_start3A_520, %dma_start3A_521] : memref<20000x64xf32, #tpu.memory_space<hbm>> -> memref<20000x64xf32, #tpu.memory_space<hbm>>
    tpu.enqueue_indirect_dma source(%dma_start3A_522 : memref<20000x64xf32, #tpu.memory_space<hbm>>) target(%arg10 : memref<640x64xf32, #tpu.memory_space<vmem>>) offsets(%arg6 : memref<640xi32, #tpu.memory_space<vmem>>) semaphore(%arg13 : memref<!tpu.dma_semaphore, #tpu.memory_space<semaphore_mem>>)
    %dma_wait3A_523 = arith.constant 0 : i32
    %dma_wait3A_524 = arith.constant 0 : i32
    %dma_wait3A_525 = tpu.memref_slice %arg2[%dma_wait3A_523, %dma_wait3A_524] : memref<20000x64xf32, #tpu.memory_space<hbm>> -> memref<20000x64xf32, #tpu.memory_space<hbm>>
    tpu.wait_indirect_dma semaphore(%arg13 : memref<!tpu.dma_semaphore, #tpu.memory_space<semaphore_mem>>) src(%dma_wait3A_525 : memref<20000x64xf32, #tpu.memory_space<hbm>>) dst(%arg10 : memref<640x64xf32, #tpu.memory_space<vmem>>)
    %dma_start3A_526 = arith.constant 0 : i32
    %dma_start3A_527 = arith.constant 0 : i32
    %dma_start3A_528 = tpu.memref_slice %arg12[%dma_start3A_526, %dma_start3A_527] : memref<10112x64xf32, #tpu.memory_space<vmem_shared>> -> memref<10112x64xf32, #tpu.memory_space<vmem_shared>>
    tpu.enqueue_indirect_dma source(%arg10 : memref<640x64xf32, #tpu.memory_space<vmem>>) target(%dma_start3A_528 : memref<10112x64xf32, #tpu.memory_space<vmem_shared>>) offsets(%arg8 : memref<640xi32, #tpu.memory_space<vmem>>) semaphore(%arg15 : memref<!tpu.dma_semaphore, #tpu.memory_space<semaphore_mem>>) {add = true}
    %dma_wait3A_529 = arith.constant 0 : i32
    %dma_wait3A_530 = arith.constant 0 : i32
    %dma_wait3A_531 = tpu.memref_slice %arg12[%dma_wait3A_529, %dma_wait3A_530] : memref<10112x64xf32, #tpu.memory_space<vmem_shared>> -> memref<10112x64xf32, #tpu.memory_space<vmem_shared>>
    tpu.wait_indirect_dma semaphore(%arg16 : memref<!tpu.dma_semaphore, #tpu.memory_space<semaphore_mem>>) src(%arg11 : memref<640x64xf32, #tpu.memory_space<vmem>>) dst(%dma_wait3A_531 : memref<10112x64xf32, #tpu.memory_space<vmem_shared>>)
    %add3A_532 = arith.constant 19840 : i32
    %add3A_533 = arith.addi %mul3A_9, %add3A_532 : i32
    %mul3A_534 = arith.constant 327680 : i32
    %mul3A_535 = arith.muli %arg0, %mul3A_534 : i32
    %add3A_536 = arith.addi %mul3A_535, %add3A_533 : i32
    "tpu.region"() ({
      %run_scoped3A = tpu.sem_alloc : memref<!tpu.dma_semaphore, #tpu.memory_space<semaphore_mem>>
      %dma_start3A_559 = tpu.memref_slice %arg3[%add3A_536] : memref<655360xi32, #tpu.memory_space<hbm>> -> memref<640xi32, #tpu.memory_space<hbm>>
      %dma_start3A_560 = tpu.memref_slice %arg3[%add3A_536] : memref<655360xi32, #tpu.memory_space<hbm>> -> memref<640xi32, #tpu.memory_space<hbm>>
      tpu.enqueue_dma source(%dma_start3A_560 : memref<640xi32, #tpu.memory_space<hbm>>) target(%arg7 : memref<640xi32, #tpu.memory_space<vmem>>) target_semaphore(%run_scoped3A : memref<!tpu.dma_semaphore, #tpu.memory_space<semaphore_mem>>)
      %dma_wait3A_561 = tpu.memref_slice %arg3[%add3A_536] : memref<655360xi32, #tpu.memory_space<hbm>> -> memref<640xi32, #tpu.memory_space<hbm>>
      %dma_wait3A_562 = tpu.memref_slice %arg3[%add3A_536] : memref<655360xi32, #tpu.memory_space<hbm>> -> memref<640xi32, #tpu.memory_space<hbm>>
      tpu.wait_dma2 semaphore(%run_scoped3A : memref<!tpu.dma_semaphore, #tpu.memory_space<semaphore_mem>>) src(%dma_wait3A_562 : memref<640xi32, #tpu.memory_space<hbm>>) dst(%arg7 : memref<640xi32, #tpu.memory_space<vmem>>)
      tpu.yield
    }) : () -> ()
    "tpu.region"() ({
      %run_scoped3A = tpu.sem_alloc : memref<!tpu.dma_semaphore, #tpu.memory_space<semaphore_mem>>
      %dma_start3A_559 = tpu.memref_slice %arg4[%add3A_533] : memref<327680xi32, #tpu.memory_space<hbm>> -> memref<640xi32, #tpu.memory_space<hbm>>
      %dma_start3A_560 = tpu.memref_slice %arg4[%add3A_533] : memref<327680xi32, #tpu.memory_space<hbm>> -> memref<640xi32, #tpu.memory_space<hbm>>
      tpu.enqueue_dma source(%dma_start3A_560 : memref<640xi32, #tpu.memory_space<hbm>>) target(%arg9 : memref<640xi32, #tpu.memory_space<vmem>>) target_semaphore(%run_scoped3A : memref<!tpu.dma_semaphore, #tpu.memory_space<semaphore_mem>>)
      %dma_wait3A_561 = tpu.memref_slice %arg4[%add3A_533] : memref<327680xi32, #tpu.memory_space<hbm>> -> memref<640xi32, #tpu.memory_space<hbm>>
      %dma_wait3A_562 = tpu.memref_slice %arg4[%add3A_533] : memref<327680xi32, #tpu.memory_space<hbm>> -> memref<640xi32, #tpu.memory_space<hbm>>
      tpu.wait_dma2 semaphore(%run_scoped3A : memref<!tpu.dma_semaphore, #tpu.memory_space<semaphore_mem>>) src(%dma_wait3A_562 : memref<640xi32, #tpu.memory_space<hbm>>) dst(%arg9 : memref<640xi32, #tpu.memory_space<vmem>>)
      tpu.yield
    }) : () -> ()
    %dma_start3A_537 = arith.constant 0 : i32
    %dma_start3A_538 = arith.constant 0 : i32
    %dma_start3A_539 = tpu.memref_slice %arg2[%dma_start3A_537, %dma_start3A_538] : memref<20000x64xf32, #tpu.memory_space<hbm>> -> memref<20000x64xf32, #tpu.memory_space<hbm>>
    tpu.enqueue_indirect_dma source(%dma_start3A_539 : memref<20000x64xf32, #tpu.memory_space<hbm>>) target(%arg11 : memref<640x64xf32, #tpu.memory_space<vmem>>) offsets(%arg7 : memref<640xi32, #tpu.memory_space<vmem>>) semaphore(%arg14 : memref<!tpu.dma_semaphore, #tpu.memory_space<semaphore_mem>>)
    %dma_wait3A_540 = arith.constant 0 : i32
    %dma_wait3A_541 = arith.constant 0 : i32
    %dma_wait3A_542 = tpu.memref_slice %arg2[%dma_wait3A_540, %dma_wait3A_541] : memref<20000x64xf32, #tpu.memory_space<hbm>> -> memref<20000x64xf32, #tpu.memory_space<hbm>>
    tpu.wait_indirect_dma semaphore(%arg14 : memref<!tpu.dma_semaphore, #tpu.memory_space<semaphore_mem>>) src(%dma_wait3A_542 : memref<20000x64xf32, #tpu.memory_space<hbm>>) dst(%arg11 : memref<640x64xf32, #tpu.memory_space<vmem>>)
    %dma_start3A_543 = arith.constant 0 : i32
    %dma_start3A_544 = arith.constant 0 : i32
    %dma_start3A_545 = tpu.memref_slice %arg12[%dma_start3A_543, %dma_start3A_544] : memref<10112x64xf32, #tpu.memory_space<vmem_shared>> -> memref<10112x64xf32, #tpu.memory_space<vmem_shared>>
    tpu.enqueue_indirect_dma source(%arg11 : memref<640x64xf32, #tpu.memory_space<vmem>>) target(%dma_start3A_545 : memref<10112x64xf32, #tpu.memory_space<vmem_shared>>) offsets(%arg9 : memref<640xi32, #tpu.memory_space<vmem>>) semaphore(%arg16 : memref<!tpu.dma_semaphore, #tpu.memory_space<semaphore_mem>>) {add = true}
    %dma_wait3A_546 = arith.constant 0 : i32
    %dma_wait3A_547 = arith.constant 0 : i32
    %dma_wait3A_548 = tpu.memref_slice %arg12[%dma_wait3A_546, %dma_wait3A_547] : memref<10112x64xf32, #tpu.memory_space<vmem_shared>> -> memref<10112x64xf32, #tpu.memory_space<vmem_shared>>
    tpu.wait_indirect_dma semaphore(%arg15 : memref<!tpu.dma_semaphore, #tpu.memory_space<semaphore_mem>>) src(%arg10 : memref<640x64xf32, #tpu.memory_space<vmem>>) dst(%dma_wait3A_548 : memref<10112x64xf32, #tpu.memory_space<vmem_shared>>)
    %dma_wait3A_549 = arith.constant 0 : i32
    %dma_wait3A_550 = arith.constant 0 : i32
    %dma_wait3A_551 = tpu.memref_slice %arg12[%dma_wait3A_549, %dma_wait3A_550] : memref<10112x64xf32, #tpu.memory_space<vmem_shared>> -> memref<10112x64xf32, #tpu.memory_space<vmem_shared>>
    tpu.wait_indirect_dma semaphore(%arg16 : memref<!tpu.dma_semaphore, #tpu.memory_space<semaphore_mem>>) src(%arg11 : memref<640x64xf32, #tpu.memory_space<vmem>>) dst(%dma_wait3A_551 : memref<10112x64xf32, #tpu.memory_space<vmem_shared>>)
    %barrier3A_552 = arith.constant 0 : index
    tpu.barrier barrier_id(%barrier3A_552)
    %mul3A_553 = arith.constant 632 : i32
    %mul3A_554 = arith.muli %arg1, %mul3A_553 : i32
    %mul3A_555 = arith.constant 632 : i32
    %mul3A_556 = arith.muli %arg1, %mul3A_555 : i32
    %mul3A_557 = arith.constant 64 : i32
    %mul3A_558 = arith.muli %arg0, %mul3A_557 : i32
    "tpu.region"() ({
      %run_scoped3A = tpu.sem_alloc : memref<!tpu.dma_semaphore, #tpu.memory_space<semaphore_mem>>
      %dma_start3A_559 = tpu.memref_slice %arg5[%mul3A_556, %mul3A_558] : memref<10112x128xf32, #tpu.memory_space<hbm>> -> memref<632x64xf32, #tpu.memory_space<hbm>>
      %dma_start3A_560 = arith.constant 0 : i32
      %dma_start3A_561 = tpu.memref_slice %arg12[%mul3A_554, %dma_start3A_560] : memref<10112x64xf32, #tpu.memory_space<vmem_shared>> -> memref<632x64xf32, #tpu.memory_space<vmem_shared>>
      tpu.enqueue_dma source(%dma_start3A_561 : memref<632x64xf32, #tpu.memory_space<vmem_shared>>) target(%dma_start3A_559 : memref<632x64xf32, #tpu.memory_space<hbm>>) target_semaphore(%run_scoped3A : memref<!tpu.dma_semaphore, #tpu.memory_space<semaphore_mem>>)
      %dma_wait3A_562 = tpu.memref_slice %arg5[%mul3A_556, %mul3A_558] : memref<10112x128xf32, #tpu.memory_space<hbm>> -> memref<632x64xf32, #tpu.memory_space<hbm>>
      %dma_wait3A_563 = arith.constant 0 : i32
      %dma_wait3A_564 = tpu.memref_slice %arg12[%mul3A_554, %dma_wait3A_563] : memref<10112x64xf32, #tpu.memory_space<vmem_shared>> -> memref<632x64xf32, #tpu.memory_space<vmem_shared>>
      tpu.wait_dma2 semaphore(%run_scoped3A : memref<!tpu.dma_semaphore, #tpu.memory_space<semaphore_mem>>) src(%dma_wait3A_564 : memref<632x64xf32, #tpu.memory_space<vmem_shared>>) dst(%dma_wait3A_562 : memref<632x64xf32, #tpu.memory_space<hbm>>)
      tpu.yield
    }) : () -> ()
    return
  }
}

#map = affine_map<(d0, d1) -> (0, 0)>
#map1 = affine_map<(d0, d1) -> (0)>
#map2 = affine_map<(d0, d1) -> (0, 0, 0)>
module attributes {stable_mosaic.version = 14 : i64} {
  func.func @body(%arg0: i32, %arg1: i32, %arg2: memref<10000x16xf32, #tpu.memory_space<hbm>>, %arg3: memref<327680xi32, #tpu.memory_space<hbm>>, %arg4: memref<327680xi32, #tpu.memory_space<hbm>>, %arg5: memref<2x10112x16xf32, #tpu.memory_space<hbm>>, %arg6: memref<2560xi32, #tpu.memory_space<vmem>>, %arg7: memref<2560xi32, #tpu.memory_space<vmem>>, %arg8: memref<2560xi32, #tpu.memory_space<vmem>>, %arg9: memref<2560xi32, #tpu.memory_space<vmem>>, %arg10: memref<2560x16xf32, #tpu.memory_space<vmem>>, %arg11: memref<2560x16xf32, #tpu.memory_space<vmem>>, %arg12: memref<10112x16xf32, #tpu.memory_space<vmem_shared>>, %arg13: memref<!tpu.dma_semaphore, #tpu.memory_space<semaphore_mem>>, %arg14: memref<!tpu.dma_semaphore, #tpu.memory_space<semaphore_mem>>, %arg15: memref<!tpu.dma_semaphore, #tpu.memory_space<semaphore_mem>>, %arg16: memref<!tpu.dma_semaphore, #tpu.memory_space<semaphore_mem>>) attributes {dimension_semantics = [#tpu.dimension_semantics<core_parallel>, #tpu.dimension_semantics<subcore_parallel>], iteration_bounds = array<i64: 2, 16>, scalar_prefetch = 0 : i64, scratch_operands = 11 : i64, tpu.core_type = #tpu.core_type<sc_vector_subcore>, window_params = [{transform_indices = #map}, {transform_indices = #map1}, {transform_indices = #map1}, {transform_indices = #map2}]} {
    %scan3A = arith.constant 0 : i32
    %scan3A_0 = arith.constant 0 : i32
    %scan3A_1 = arith.constant 632 : i32
    %scan3A_2 = arith.addi %scan3A_0, %scan3A_1 : i32
    %scan3A_3 = arith.constant 1 : i32
    %scan3A_4 = scf.for %scan3A_72 = %scan3A_0 to %scan3A_2 step %scan3A_3 iter_args(%scan3A_73 = %scan3A) -> (i32)  : i32 {
      %broadcast_in_dim3A = arith.constant 0.000000e+00 : f32
      %broadcast_in_dim3A_74 = vector.broadcast %broadcast_in_dim3A : f32 to vector<16xf32>
      %swap3A = arith.index_cast %scan3A_72 : i32 to index
      %swap3A_75 = arith.constant 0 : index
      %swap3A_76 = tpu.vector_load %arg10[%swap3A, %swap3A_75] {strides = array<i32>} : memref<2560x16xf32, #tpu.memory_space<vmem>>, vector<1x16xf32>,
      %swap3A_77 = vector.shape_cast %swap3A_76 : vector<1x16xf32> to vector<16xf32>
      %swap3A_78 = vector.shape_cast %broadcast_in_dim3A_74 : vector<16xf32> to vector<1x16xf32>
      tpu.vector_store %arg10[%swap3A, %swap3A_75], %swap3A_78 {strides = array<i32>} : memref<2560x16xf32, #tpu.memory_space<vmem>>, vector<1x16xf32>,
      %scan3A_79 = arith.constant 0 : i32
      scf.yield %scan3A_79 : i32
    }
    %scan3A_5 = arith.constant 632 : i32
    %mul3A = arith.constant 632 : i32
    %mul3A_6 = arith.muli %arg1, %mul3A : i32
    %add3A = arith.constant 0 : i32
    %add3A_7 = arith.addi %mul3A_6, %add3A : i32
    "tpu.region"() ({
      %run_scoped3A = tpu.sem_alloc : memref<!tpu.dma_semaphore, #tpu.memory_space<semaphore_mem>>
      %dma_start3A_72 = arith.constant 0 : i32
      %dma_start3A_73 = arith.constant 0 : i32
      %dma_start3A_74 = tpu.memref_slice %arg10[%dma_start3A_72, %dma_start3A_73] : memref<2560x16xf32, #tpu.memory_space<vmem>> -> memref<632x16xf32, #tpu.memory_space<vmem>>
      %dma_start3A_75 = arith.constant 0 : i32
      %dma_start3A_76 = tpu.memref_slice %arg12[%add3A_7, %dma_start3A_75] : memref<10112x16xf32, #tpu.memory_space<vmem_shared>> -> memref<632x16xf32, #tpu.memory_space<vmem_shared>>
      %dma_start3A_77 = arith.constant 0 : i32
      %dma_start3A_78 = tpu.memref_slice %arg12[%add3A_7, %dma_start3A_77] : memref<10112x16xf32, #tpu.memory_space<vmem_shared>> -> memref<632x16xf32, #tpu.memory_space<vmem_shared>>
      %dma_start3A_79 = arith.constant 0 : i32
      %dma_start3A_80 = arith.constant 0 : i32
      %dma_start3A_81 = tpu.memref_slice %arg10[%dma_start3A_79, %dma_start3A_80] : memref<2560x16xf32, #tpu.memory_space<vmem>> -> memref<632x16xf32, #tpu.memory_space<vmem>>
      tpu.enqueue_dma source(%dma_start3A_81 : memref<632x16xf32, #tpu.memory_space<vmem>>) target(%dma_start3A_78 : memref<632x16xf32, #tpu.memory_space<vmem_shared>>) target_semaphore(%run_scoped3A : memref<!tpu.dma_semaphore, #tpu.memory_space<semaphore_mem>>)
      %dma_wait3A_82 = arith.constant 0 : i32
      %dma_wait3A_83 = arith.constant 0 : i32
      %dma_wait3A_84 = tpu.memref_slice %arg10[%dma_wait3A_82, %dma_wait3A_83] : memref<2560x16xf32, #tpu.memory_space<vmem>> -> memref<632x16xf32, #tpu.memory_space<vmem>>
      %dma_wait3A_85 = arith.constant 0 : i32
      %dma_wait3A_86 = tpu.memref_slice %arg12[%add3A_7, %dma_wait3A_85] : memref<10112x16xf32, #tpu.memory_space<vmem_shared>> -> memref<632x16xf32, #tpu.memory_space<vmem_shared>>
      %dma_wait3A_87 = arith.constant 0 : i32
      %dma_wait3A_88 = tpu.memref_slice %arg12[%add3A_7, %dma_wait3A_87] : memref<10112x16xf32, #tpu.memory_space<vmem_shared>> -> memref<632x16xf32, #tpu.memory_space<vmem_shared>>
      %dma_wait3A_89 = arith.constant 0 : i32
      %dma_wait3A_90 = arith.constant 0 : i32
      %dma_wait3A_91 = tpu.memref_slice %arg10[%dma_wait3A_89, %dma_wait3A_90] : memref<2560x16xf32, #tpu.memory_space<vmem>> -> memref<632x16xf32, #tpu.memory_space<vmem>>
      tpu.wait_dma2 semaphore(%run_scoped3A : memref<!tpu.dma_semaphore, #tpu.memory_space<semaphore_mem>>) src(%dma_wait3A_91 : memref<632x16xf32, #tpu.memory_space<vmem>>) dst(%dma_wait3A_88 : memref<632x16xf32, #tpu.memory_space<vmem_shared>>)
      tpu.yield
    }) : () -> ()
    %barrier3A = arith.constant 0 : index
    tpu.barrier barrier_id(%barrier3A)
    %mul3A_8 = arith.constant 16 : i32
    %mul3A_9 = arith.muli %arg0, %mul3A_8 : i32
    %add3A_10 = arith.addi %mul3A_9, %arg1 : i32
    %mul3A_11 = arith.constant 10240 : i32
    %mul3A_12 = arith.muli %add3A_10, %mul3A_11 : i32
    %add3A_13 = arith.constant 0 : i32
    %add3A_14 = arith.addi %mul3A_12, %add3A_13 : i32
    "tpu.region"() ({
      %run_scoped3A = tpu.sem_alloc : memref<!tpu.dma_semaphore, #tpu.memory_space<semaphore_mem>>
      %dma_start3A_72 = tpu.memref_slice %arg3[%add3A_14] : memref<327680xi32, #tpu.memory_space<hbm>> -> memref<2560xi32, #tpu.memory_space<hbm>>
      %dma_start3A_73 = tpu.memref_slice %arg3[%add3A_14] : memref<327680xi32, #tpu.memory_space<hbm>> -> memref<2560xi32, #tpu.memory_space<hbm>>
      tpu.enqueue_dma source(%dma_start3A_73 : memref<2560xi32, #tpu.memory_space<hbm>>) target(%arg6 : memref<2560xi32, #tpu.memory_space<vmem>>) target_semaphore(%run_scoped3A : memref<!tpu.dma_semaphore, #tpu.memory_space<semaphore_mem>>)
      %dma_wait3A_74 = tpu.memref_slice %arg3[%add3A_14] : memref<327680xi32, #tpu.memory_space<hbm>> -> memref<2560xi32, #tpu.memory_space<hbm>>
      %dma_wait3A_75 = tpu.memref_slice %arg3[%add3A_14] : memref<327680xi32, #tpu.memory_space<hbm>> -> memref<2560xi32, #tpu.memory_space<hbm>>
      tpu.wait_dma2 semaphore(%run_scoped3A : memref<!tpu.dma_semaphore, #tpu.memory_space<semaphore_mem>>) src(%dma_wait3A_75 : memref<2560xi32, #tpu.memory_space<hbm>>) dst(%arg6 : memref<2560xi32, #tpu.memory_space<vmem>>)
      tpu.yield
    }) : () -> ()
    "tpu.region"() ({
      %run_scoped3A = tpu.sem_alloc : memref<!tpu.dma_semaphore, #tpu.memory_space<semaphore_mem>>
      %dma_start3A_72 = tpu.memref_slice %arg4[%add3A_14] : memref<327680xi32, #tpu.memory_space<hbm>> -> memref<2560xi32, #tpu.memory_space<hbm>>
      %dma_start3A_73 = tpu.memref_slice %arg4[%add3A_14] : memref<327680xi32, #tpu.memory_space<hbm>> -> memref<2560xi32, #tpu.memory_space<hbm>>
      tpu.enqueue_dma source(%dma_start3A_73 : memref<2560xi32, #tpu.memory_space<hbm>>) target(%arg8 : memref<2560xi32, #tpu.memory_space<vmem>>) target_semaphore(%run_scoped3A : memref<!tpu.dma_semaphore, #tpu.memory_space<semaphore_mem>>)
      %dma_wait3A_74 = tpu.memref_slice %arg4[%add3A_14] : memref<327680xi32, #tpu.memory_space<hbm>> -> memref<2560xi32, #tpu.memory_space<hbm>>
      %dma_wait3A_75 = tpu.memref_slice %arg4[%add3A_14] : memref<327680xi32, #tpu.memory_space<hbm>> -> memref<2560xi32, #tpu.memory_space<hbm>>
      tpu.wait_dma2 semaphore(%run_scoped3A : memref<!tpu.dma_semaphore, #tpu.memory_space<semaphore_mem>>) src(%dma_wait3A_75 : memref<2560xi32, #tpu.memory_space<hbm>>) dst(%arg8 : memref<2560xi32, #tpu.memory_space<vmem>>)
      tpu.yield
    }) : () -> ()
    %dma_start3A = arith.constant 0 : i32
    %dma_start3A_15 = arith.constant 0 : i32
    %dma_start3A_16 = tpu.memref_slice %arg2[%dma_start3A, %dma_start3A_15] : memref<10000x16xf32, #tpu.memory_space<hbm>> -> memref<10000x16xf32, #tpu.memory_space<hbm>>
    tpu.enqueue_indirect_dma source(%dma_start3A_16 : memref<10000x16xf32, #tpu.memory_space<hbm>>) target(%arg10 : memref<2560x16xf32, #tpu.memory_space<vmem>>) offsets(%arg6 : memref<2560xi32, #tpu.memory_space<vmem>>) semaphore(%arg13 : memref<!tpu.dma_semaphore, #tpu.memory_space<semaphore_mem>>)
    %dma_wait3A = arith.constant 0 : i32
    %dma_wait3A_17 = arith.constant 0 : i32
    %dma_wait3A_18 = tpu.memref_slice %arg2[%dma_wait3A, %dma_wait3A_17] : memref<10000x16xf32, #tpu.memory_space<hbm>> -> memref<10000x16xf32, #tpu.memory_space<hbm>>
    tpu.wait_indirect_dma semaphore(%arg13 : memref<!tpu.dma_semaphore, #tpu.memory_space<semaphore_mem>>) src(%dma_wait3A_18 : memref<10000x16xf32, #tpu.memory_space<hbm>>) dst(%arg10 : memref<2560x16xf32, #tpu.memory_space<vmem>>)
    %dma_start3A_19 = arith.constant 0 : i32
    %dma_start3A_20 = arith.constant 0 : i32
    %dma_start3A_21 = tpu.memref_slice %arg12[%dma_start3A_19, %dma_start3A_20] : memref<10112x16xf32, #tpu.memory_space<vmem_shared>> -> memref<10112x16xf32, #tpu.memory_space<vmem_shared>>
    tpu.enqueue_indirect_dma source(%arg10 : memref<2560x16xf32, #tpu.memory_space<vmem>>) target(%dma_start3A_21 : memref<10112x16xf32, #tpu.memory_space<vmem_shared>>) offsets(%arg8 : memref<2560xi32, #tpu.memory_space<vmem>>) semaphore(%arg15 : memref<!tpu.dma_semaphore, #tpu.memory_space<semaphore_mem>>) {add = true}
    %add3A_22 = arith.constant 2560 : i32
    %add3A_23 = arith.addi %mul3A_12, %add3A_22 : i32
    "tpu.region"() ({
      %run_scoped3A = tpu.sem_alloc : memref<!tpu.dma_semaphore, #tpu.memory_space<semaphore_mem>>
      %dma_start3A_72 = tpu.memref_slice %arg3[%add3A_23] : memref<327680xi32, #tpu.memory_space<hbm>> -> memref<2560xi32, #tpu.memory_space<hbm>>
      %dma_start3A_73 = tpu.memref_slice %arg3[%add3A_23] : memref<327680xi32, #tpu.memory_space<hbm>> -> memref<2560xi32, #tpu.memory_space<hbm>>
      tpu.enqueue_dma source(%dma_start3A_73 : memref<2560xi32, #tpu.memory_space<hbm>>) target(%arg7 : memref<2560xi32, #tpu.memory_space<vmem>>) target_semaphore(%run_scoped3A : memref<!tpu.dma_semaphore, #tpu.memory_space<semaphore_mem>>)
      %dma_wait3A_74 = tpu.memref_slice %arg3[%add3A_23] : memref<327680xi32, #tpu.memory_space<hbm>> -> memref<2560xi32, #tpu.memory_space<hbm>>
      %dma_wait3A_75 = tpu.memref_slice %arg3[%add3A_23] : memref<327680xi32, #tpu.memory_space<hbm>> -> memref<2560xi32, #tpu.memory_space<hbm>>
      tpu.wait_dma2 semaphore(%run_scoped3A : memref<!tpu.dma_semaphore, #tpu.memory_space<semaphore_mem>>) src(%dma_wait3A_75 : memref<2560xi32, #tpu.memory_space<hbm>>) dst(%arg7 : memref<2560xi32, #tpu.memory_space<vmem>>)
      tpu.yield
    }) : () -> ()
    "tpu.region"() ({
      %run_scoped3A = tpu.sem_alloc : memref<!tpu.dma_semaphore, #tpu.memory_space<semaphore_mem>>
      %dma_start3A_72 = tpu.memref_slice %arg4[%add3A_23] : memref<327680xi32, #tpu.memory_space<hbm>> -> memref<2560xi32, #tpu.memory_space<hbm>>
      %dma_start3A_73 = tpu.memref_slice %arg4[%add3A_23] : memref<327680xi32, #tpu.memory_space<hbm>> -> memref<2560xi32, #tpu.memory_space<hbm>>
      tpu.enqueue_dma source(%dma_start3A_73 : memref<2560xi32, #tpu.memory_space<hbm>>) target(%arg9 : memref<2560xi32, #tpu.memory_space<vmem>>) target_semaphore(%run_scoped3A : memref<!tpu.dma_semaphore, #tpu.memory_space<semaphore_mem>>)
      %dma_wait3A_74 = tpu.memref_slice %arg4[%add3A_23] : memref<327680xi32, #tpu.memory_space<hbm>> -> memref<2560xi32, #tpu.memory_space<hbm>>
      %dma_wait3A_75 = tpu.memref_slice %arg4[%add3A_23] : memref<327680xi32, #tpu.memory_space<hbm>> -> memref<2560xi32, #tpu.memory_space<hbm>>
      tpu.wait_dma2 semaphore(%run_scoped3A : memref<!tpu.dma_semaphore, #tpu.memory_space<semaphore_mem>>) src(%dma_wait3A_75 : memref<2560xi32, #tpu.memory_space<hbm>>) dst(%arg9 : memref<2560xi32, #tpu.memory_space<vmem>>)
      tpu.yield
    }) : () -> ()
    %dma_start3A_24 = arith.constant 0 : i32
    %dma_start3A_25 = arith.constant 0 : i32
    %dma_start3A_26 = tpu.memref_slice %arg2[%dma_start3A_24, %dma_start3A_25] : memref<10000x16xf32, #tpu.memory_space<hbm>> -> memref<10000x16xf32, #tpu.memory_space<hbm>>
    tpu.enqueue_indirect_dma source(%dma_start3A_26 : memref<10000x16xf32, #tpu.memory_space<hbm>>) target(%arg11 : memref<2560x16xf32, #tpu.memory_space<vmem>>) offsets(%arg7 : memref<2560xi32, #tpu.memory_space<vmem>>) semaphore(%arg14 : memref<!tpu.dma_semaphore, #tpu.memory_space<semaphore_mem>>)
    %dma_wait3A_27 = arith.constant 0 : i32
    %dma_wait3A_28 = arith.constant 0 : i32
    %dma_wait3A_29 = tpu.memref_slice %arg2[%dma_wait3A_27, %dma_wait3A_28] : memref<10000x16xf32, #tpu.memory_space<hbm>> -> memref<10000x16xf32, #tpu.memory_space<hbm>>
    tpu.wait_indirect_dma semaphore(%arg14 : memref<!tpu.dma_semaphore, #tpu.memory_space<semaphore_mem>>) src(%dma_wait3A_29 : memref<10000x16xf32, #tpu.memory_space<hbm>>) dst(%arg11 : memref<2560x16xf32, #tpu.memory_space<vmem>>)
    %dma_start3A_30 = arith.constant 0 : i32
    %dma_start3A_31 = arith.constant 0 : i32
    %dma_start3A_32 = tpu.memref_slice %arg12[%dma_start3A_30, %dma_start3A_31] : memref<10112x16xf32, #tpu.memory_space<vmem_shared>> -> memref<10112x16xf32, #tpu.memory_space<vmem_shared>>
    tpu.enqueue_indirect_dma source(%arg11 : memref<2560x16xf32, #tpu.memory_space<vmem>>) target(%dma_start3A_32 : memref<10112x16xf32, #tpu.memory_space<vmem_shared>>) offsets(%arg9 : memref<2560xi32, #tpu.memory_space<vmem>>) semaphore(%arg16 : memref<!tpu.dma_semaphore, #tpu.memory_space<semaphore_mem>>) {add = true}
    %dma_wait3A_33 = arith.constant 0 : i32
    %dma_wait3A_34 = arith.constant 0 : i32
    %dma_wait3A_35 = tpu.memref_slice %arg12[%dma_wait3A_33, %dma_wait3A_34] : memref<10112x16xf32, #tpu.memory_space<vmem_shared>> -> memref<10112x16xf32, #tpu.memory_space<vmem_shared>>
    tpu.wait_indirect_dma semaphore(%arg15 : memref<!tpu.dma_semaphore, #tpu.memory_space<semaphore_mem>>) src(%arg10 : memref<2560x16xf32, #tpu.memory_space<vmem>>) dst(%dma_wait3A_35 : memref<10112x16xf32, #tpu.memory_space<vmem_shared>>)
    %add3A_36 = arith.constant 5120 : i32
    %add3A_37 = arith.addi %mul3A_12, %add3A_36 : i32
    "tpu.region"() ({
      %run_scoped3A = tpu.sem_alloc : memref<!tpu.dma_semaphore, #tpu.memory_space<semaphore_mem>>
      %dma_start3A_72 = tpu.memref_slice %arg3[%add3A_37] : memref<327680xi32, #tpu.memory_space<hbm>> -> memref<2560xi32, #tpu.memory_space<hbm>>
      %dma_start3A_73 = tpu.memref_slice %arg3[%add3A_37] : memref<327680xi32, #tpu.memory_space<hbm>> -> memref<2560xi32, #tpu.memory_space<hbm>>
      tpu.enqueue_dma source(%dma_start3A_73 : memref<2560xi32, #tpu.memory_space<hbm>>) target(%arg6 : memref<2560xi32, #tpu.memory_space<vmem>>) target_semaphore(%run_scoped3A : memref<!tpu.dma_semaphore, #tpu.memory_space<semaphore_mem>>)
      %dma_wait3A_74 = tpu.memref_slice %arg3[%add3A_37] : memref<327680xi32, #tpu.memory_space<hbm>> -> memref<2560xi32, #tpu.memory_space<hbm>>
      %dma_wait3A_75 = tpu.memref_slice %arg3[%add3A_37] : memref<327680xi32, #tpu.memory_space<hbm>> -> memref<2560xi32, #tpu.memory_space<hbm>>
      tpu.wait_dma2 semaphore(%run_scoped3A : memref<!tpu.dma_semaphore, #tpu.memory_space<semaphore_mem>>) src(%dma_wait3A_75 : memref<2560xi32, #tpu.memory_space<hbm>>) dst(%arg6 : memref<2560xi32, #tpu.memory_space<vmem>>)
      tpu.yield
    }) : () -> ()
    "tpu.region"() ({
      %run_scoped3A = tpu.sem_alloc : memref<!tpu.dma_semaphore, #tpu.memory_space<semaphore_mem>>
      %dma_start3A_72 = tpu.memref_slice %arg4[%add3A_37] : memref<327680xi32, #tpu.memory_space<hbm>> -> memref<2560xi32, #tpu.memory_space<hbm>>
      %dma_start3A_73 = tpu.memref_slice %arg4[%add3A_37] : memref<327680xi32, #tpu.memory_space<hbm>> -> memref<2560xi32, #tpu.memory_space<hbm>>
      tpu.enqueue_dma source(%dma_start3A_73 : memref<2560xi32, #tpu.memory_space<hbm>>) target(%arg8 : memref<2560xi32, #tpu.memory_space<vmem>>) target_semaphore(%run_scoped3A : memref<!tpu.dma_semaphore, #tpu.memory_space<semaphore_mem>>)
      %dma_wait3A_74 = tpu.memref_slice %arg4[%add3A_37] : memref<327680xi32, #tpu.memory_space<hbm>> -> memref<2560xi32, #tpu.memory_space<hbm>>
      %dma_wait3A_75 = tpu.memref_slice %arg4[%add3A_37] : memref<327680xi32, #tpu.memory_space<hbm>> -> memref<2560xi32, #tpu.memory_space<hbm>>
      tpu.wait_dma2 semaphore(%run_scoped3A : memref<!tpu.dma_semaphore, #tpu.memory_space<semaphore_mem>>) src(%dma_wait3A_75 : memref<2560xi32, #tpu.memory_space<hbm>>) dst(%arg8 : memref<2560xi32, #tpu.memory_space<vmem>>)
      tpu.yield
    }) : () -> ()
    %dma_start3A_38 = arith.constant 0 : i32
    %dma_start3A_39 = arith.constant 0 : i32
    %dma_start3A_40 = tpu.memref_slice %arg2[%dma_start3A_38, %dma_start3A_39] : memref<10000x16xf32, #tpu.memory_space<hbm>> -> memref<10000x16xf32, #tpu.memory_space<hbm>>
    tpu.enqueue_indirect_dma source(%dma_start3A_40 : memref<10000x16xf32, #tpu.memory_space<hbm>>) target(%arg10 : memref<2560x16xf32, #tpu.memory_space<vmem>>) offsets(%arg6 : memref<2560xi32, #tpu.memory_space<vmem>>) semaphore(%arg13 : memref<!tpu.dma_semaphore, #tpu.memory_space<semaphore_mem>>)
    %dma_wait3A_41 = arith.constant 0 : i32
    %dma_wait3A_42 = arith.constant 0 : i32
    %dma_wait3A_43 = tpu.memref_slice %arg2[%dma_wait3A_41, %dma_wait3A_42] : memref<10000x16xf32, #tpu.memory_space<hbm>> -> memref<10000x16xf32, #tpu.memory_space<hbm>>
    tpu.wait_indirect_dma semaphore(%arg13 : memref<!tpu.dma_semaphore, #tpu.memory_space<semaphore_mem>>) src(%dma_wait3A_43 : memref<10000x16xf32, #tpu.memory_space<hbm>>) dst(%arg10 : memref<2560x16xf32, #tpu.memory_space<vmem>>)
    %dma_start3A_44 = arith.constant 0 : i32
    %dma_start3A_45 = arith.constant 0 : i32
    %dma_start3A_46 = tpu.memref_slice %arg12[%dma_start3A_44, %dma_start3A_45] : memref<10112x16xf32, #tpu.memory_space<vmem_shared>> -> memref<10112x16xf32, #tpu.memory_space<vmem_shared>>
    tpu.enqueue_indirect_dma source(%arg10 : memref<2560x16xf32, #tpu.memory_space<vmem>>) target(%dma_start3A_46 : memref<10112x16xf32, #tpu.memory_space<vmem_shared>>) offsets(%arg8 : memref<2560xi32, #tpu.memory_space<vmem>>) semaphore(%arg15 : memref<!tpu.dma_semaphore, #tpu.memory_space<semaphore_mem>>) {add = true}
    %dma_wait3A_47 = arith.constant 0 : i32
    %dma_wait3A_48 = arith.constant 0 : i32
    %dma_wait3A_49 = tpu.memref_slice %arg12[%dma_wait3A_47, %dma_wait3A_48] : memref<10112x16xf32, #tpu.memory_space<vmem_shared>> -> memref<10112x16xf32, #tpu.memory_space<vmem_shared>>
    tpu.wait_indirect_dma semaphore(%arg16 : memref<!tpu.dma_semaphore, #tpu.memory_space<semaphore_mem>>) src(%arg11 : memref<2560x16xf32, #tpu.memory_space<vmem>>) dst(%dma_wait3A_49 : memref<10112x16xf32, #tpu.memory_space<vmem_shared>>)
    %add3A_50 = arith.constant 7680 : i32
    %add3A_51 = arith.addi %mul3A_12, %add3A_50 : i32
    "tpu.region"() ({
      %run_scoped3A = tpu.sem_alloc : memref<!tpu.dma_semaphore, #tpu.memory_space<semaphore_mem>>
      %dma_start3A_72 = tpu.memref_slice %arg3[%add3A_51] : memref<327680xi32, #tpu.memory_space<hbm>> -> memref<2560xi32, #tpu.memory_space<hbm>>
      %dma_start3A_73 = tpu.memref_slice %arg3[%add3A_51] : memref<327680xi32, #tpu.memory_space<hbm>> -> memref<2560xi32, #tpu.memory_space<hbm>>
      tpu.enqueue_dma source(%dma_start3A_73 : memref<2560xi32, #tpu.memory_space<hbm>>) target(%arg7 : memref<2560xi32, #tpu.memory_space<vmem>>) target_semaphore(%run_scoped3A : memref<!tpu.dma_semaphore, #tpu.memory_space<semaphore_mem>>)
      %dma_wait3A_74 = tpu.memref_slice %arg3[%add3A_51] : memref<327680xi32, #tpu.memory_space<hbm>> -> memref<2560xi32, #tpu.memory_space<hbm>>
      %dma_wait3A_75 = tpu.memref_slice %arg3[%add3A_51] : memref<327680xi32, #tpu.memory_space<hbm>> -> memref<2560xi32, #tpu.memory_space<hbm>>
      tpu.wait_dma2 semaphore(%run_scoped3A : memref<!tpu.dma_semaphore, #tpu.memory_space<semaphore_mem>>) src(%dma_wait3A_75 : memref<2560xi32, #tpu.memory_space<hbm>>) dst(%arg7 : memref<2560xi32, #tpu.memory_space<vmem>>)
      tpu.yield
    }) : () -> ()
    "tpu.region"() ({
      %run_scoped3A = tpu.sem_alloc : memref<!tpu.dma_semaphore, #tpu.memory_space<semaphore_mem>>
      %dma_start3A_72 = tpu.memref_slice %arg4[%add3A_51] : memref<327680xi32, #tpu.memory_space<hbm>> -> memref<2560xi32, #tpu.memory_space<hbm>>
      %dma_start3A_73 = tpu.memref_slice %arg4[%add3A_51] : memref<327680xi32, #tpu.memory_space<hbm>> -> memref<2560xi32, #tpu.memory_space<hbm>>
      tpu.enqueue_dma source(%dma_start3A_73 : memref<2560xi32, #tpu.memory_space<hbm>>) target(%arg9 : memref<2560xi32, #tpu.memory_space<vmem>>) target_semaphore(%run_scoped3A : memref<!tpu.dma_semaphore, #tpu.memory_space<semaphore_mem>>)
      %dma_wait3A_74 = tpu.memref_slice %arg4[%add3A_51] : memref<327680xi32, #tpu.memory_space<hbm>> -> memref<2560xi32, #tpu.memory_space<hbm>>
      %dma_wait3A_75 = tpu.memref_slice %arg4[%add3A_51] : memref<327680xi32, #tpu.memory_space<hbm>> -> memref<2560xi32, #tpu.memory_space<hbm>>
      tpu.wait_dma2 semaphore(%run_scoped3A : memref<!tpu.dma_semaphore, #tpu.memory_space<semaphore_mem>>) src(%dma_wait3A_75 : memref<2560xi32, #tpu.memory_space<hbm>>) dst(%arg9 : memref<2560xi32, #tpu.memory_space<vmem>>)
      tpu.yield
    }) : () -> ()
    %dma_start3A_52 = arith.constant 0 : i32
    %dma_start3A_53 = arith.constant 0 : i32
    %dma_start3A_54 = tpu.memref_slice %arg2[%dma_start3A_52, %dma_start3A_53] : memref<10000x16xf32, #tpu.memory_space<hbm>> -> memref<10000x16xf32, #tpu.memory_space<hbm>>
    tpu.enqueue_indirect_dma source(%dma_start3A_54 : memref<10000x16xf32, #tpu.memory_space<hbm>>) target(%arg11 : memref<2560x16xf32, #tpu.memory_space<vmem>>) offsets(%arg7 : memref<2560xi32, #tpu.memory_space<vmem>>) semaphore(%arg14 : memref<!tpu.dma_semaphore, #tpu.memory_space<semaphore_mem>>)
    %dma_wait3A_55 = arith.constant 0 : i32
    %dma_wait3A_56 = arith.constant 0 : i32
    %dma_wait3A_57 = tpu.memref_slice %arg2[%dma_wait3A_55, %dma_wait3A_56] : memref<10000x16xf32, #tpu.memory_space<hbm>> -> memref<10000x16xf32, #tpu.memory_space<hbm>>
    tpu.wait_indirect_dma semaphore(%arg14 : memref<!tpu.dma_semaphore, #tpu.memory_space<semaphore_mem>>) src(%dma_wait3A_57 : memref<10000x16xf32, #tpu.memory_space<hbm>>) dst(%arg11 : memref<2560x16xf32, #tpu.memory_space<vmem>>)
    %dma_start3A_58 = arith.constant 0 : i32
    %dma_start3A_59 = arith.constant 0 : i32
    %dma_start3A_60 = tpu.memref_slice %arg12[%dma_start3A_58, %dma_start3A_59] : memref<10112x16xf32, #tpu.memory_space<vmem_shared>> -> memref<10112x16xf32, #tpu.memory_space<vmem_shared>>
    tpu.enqueue_indirect_dma source(%arg11 : memref<2560x16xf32, #tpu.memory_space<vmem>>) target(%dma_start3A_60 : memref<10112x16xf32, #tpu.memory_space<vmem_shared>>) offsets(%arg9 : memref<2560xi32, #tpu.memory_space<vmem>>) semaphore(%arg16 : memref<!tpu.dma_semaphore, #tpu.memory_space<semaphore_mem>>) {add = true}
    %dma_wait3A_61 = arith.constant 0 : i32
    %dma_wait3A_62 = arith.constant 0 : i32
    %dma_wait3A_63 = tpu.memref_slice %arg12[%dma_wait3A_61, %dma_wait3A_62] : memref<10112x16xf32, #tpu.memory_space<vmem_shared>> -> memref<10112x16xf32, #tpu.memory_space<vmem_shared>>
    tpu.wait_indirect_dma semaphore(%arg15 : memref<!tpu.dma_semaphore, #tpu.memory_space<semaphore_mem>>) src(%arg10 : memref<2560x16xf32, #tpu.memory_space<vmem>>) dst(%dma_wait3A_63 : memref<10112x16xf32, #tpu.memory_space<vmem_shared>>)
    %dma_wait3A_64 = arith.constant 0 : i32
    %dma_wait3A_65 = arith.constant 0 : i32
    %dma_wait3A_66 = tpu.memref_slice %arg12[%dma_wait3A_64, %dma_wait3A_65] : memref<10112x16xf32, #tpu.memory_space<vmem_shared>> -> memref<10112x16xf32, #tpu.memory_space<vmem_shared>>
    tpu.wait_indirect_dma semaphore(%arg16 : memref<!tpu.dma_semaphore, #tpu.memory_space<semaphore_mem>>) src(%arg11 : memref<2560x16xf32, #tpu.memory_space<vmem>>) dst(%dma_wait3A_66 : memref<10112x16xf32, #tpu.memory_space<vmem_shared>>)
    %barrier3A_67 = arith.constant 0 : index
    tpu.barrier barrier_id(%barrier3A_67)
    %mul3A_68 = arith.constant 632 : i32
    %mul3A_69 = arith.muli %arg1, %mul3A_68 : i32
    %mul3A_70 = arith.constant 632 : i32
    %mul3A_71 = arith.muli %arg1, %mul3A_70 : i32
    "tpu.region"() ({
      %run_scoped3A = tpu.sem_alloc : memref<!tpu.dma_semaphore, #tpu.memory_space<semaphore_mem>>
      %dma_start3A_72 = arith.constant 0 : i32
      %dma_start3A_73 = tpu.memref_slice %arg5[%arg0, %mul3A_71, %dma_start3A_72] : memref<2x10112x16xf32, #tpu.memory_space<hbm>> -> memref<1x632x16xf32, #tpu.memory_space<hbm>>
      %dma_start3A_74 = tpu.memref_squeeze %dma_start3A_73 : memref<1x632x16xf32, #tpu.memory_space<hbm>> -> memref<632x16xf32, #tpu.memory_space<hbm>>
      %dma_start3A_75 = arith.constant 0 : i32
      %dma_start3A_76 = tpu.memref_slice %arg12[%mul3A_69, %dma_start3A_75] : memref<10112x16xf32, #tpu.memory_space<vmem_shared>> -> memref<632x16xf32, #tpu.memory_space<vmem_shared>>
      tpu.enqueue_dma source(%dma_start3A_76 : memref<632x16xf32, #tpu.memory_space<vmem_shared>>) target(%dma_start3A_74 : memref<632x16xf32, #tpu.memory_space<hbm>>) target_semaphore(%run_scoped3A : memref<!tpu.dma_semaphore, #tpu.memory_space<semaphore_mem>>)
      %dma_wait3A_77 = arith.constant 0 : i32
      %dma_wait3A_78 = tpu.memref_slice %arg5[%arg0, %mul3A_71, %dma_wait3A_77] : memref<2x10112x16xf32, #tpu.memory_space<hbm>> -> memref<1x632x16xf32, #tpu.memory_space<hbm>>
      %dma_wait3A_79 = tpu.memref_squeeze %dma_wait3A_78 : memref<1x632x16xf32, #tpu.memory_space<hbm>> -> memref<632x16xf32, #tpu.memory_space<hbm>>
      %dma_wait3A_80 = arith.constant 0 : i32
      %dma_wait3A_81 = tpu.memref_slice %arg12[%mul3A_69, %dma_wait3A_80] : memref<10112x16xf32, #tpu.memory_space<vmem_shared>> -> memref<632x16xf32, #tpu.memory_space<vmem_shared>>
      tpu.wait_dma2 semaphore(%run_scoped3A : memref<!tpu.dma_semaphore, #tpu.memory_space<semaphore_mem>>) src(%dma_wait3A_81 : memref<632x16xf32, #tpu.memory_space<vmem_shared>>) dst(%dma_wait3A_79 : memref<632x16xf32, #tpu.memory_space<hbm>>)
      tpu.yield
    }) : () -> ()
    return
  }
}

#map = affine_map<(d0, d1) -> (0, 0)>
#map1 = affine_map<(d0, d1) -> (0)>
#map2 = affine_map<(d0, d1) -> (0, 0, 0)>
module attributes {stable_mosaic.version = 14 : i64} {
  func.func @body(%arg0: i32, %arg1: i32, %arg2: memref<10000x16xf32, #tpu.memory_space<hbm>>, %arg3: memref<327680xi32, #tpu.memory_space<hbm>>, %arg4: memref<327680xi32, #tpu.memory_space<hbm>>, %arg5: memref<2x10112x16xf32, #tpu.memory_space<hbm>>, %arg6: memref<2560xi32, #tpu.memory_space<vmem>>, %arg7: memref<2560xi32, #tpu.memory_space<vmem>>, %arg8: memref<2560xi32, #tpu.memory_space<vmem>>, %arg9: memref<2560xi32, #tpu.memory_space<vmem>>, %arg10: memref<2560x16xf32, #tpu.memory_space<vmem>>, %arg11: memref<2560x16xf32, #tpu.memory_space<vmem>>, %arg12: memref<10112x16xf32, #tpu.memory_space<vmem_shared>>, %arg13: memref<!tpu.dma_semaphore, #tpu.memory_space<semaphore_mem>>, %arg14: memref<!tpu.dma_semaphore, #tpu.memory_space<semaphore_mem>>, %arg15: memref<!tpu.dma_semaphore, #tpu.memory_space<semaphore_mem>>, %arg16: memref<!tpu.dma_semaphore, #tpu.memory_space<semaphore_mem>>) attributes {dimension_semantics = [#tpu.dimension_semantics<core_parallel>, #tpu.dimension_semantics<subcore_parallel>], iteration_bounds = array<i64: 2, 16>, scalar_prefetch = 0 : i64, scratch_operands = 11 : i64, tpu.core_type = #tpu.core_type<sc_vector_subcore>, window_params = [{transform_indices = #map}, {transform_indices = #map1}, {transform_indices = #map1}, {transform_indices = #map2}]} {
    %scan3A = arith.constant 0 : i32
    %scan3A_0 = arith.constant 0 : i32
    %scan3A_1 = arith.constant 632 : i32
    %scan3A_2 = arith.addi %scan3A_0, %scan3A_1 : i32
    %scan3A_3 = arith.constant 1 : i32
    %scan3A_4 = scf.for %scan3A_72 = %scan3A_0 to %scan3A_2 step %scan3A_3 iter_args(%scan3A_73 = %scan3A) -> (i32)  : i32 {
      %broadcast_in_dim3A = arith.constant 0.000000e+00 : f32
      %broadcast_in_dim3A_74 = vector.broadcast %broadcast_in_dim3A : f32 to vector<16xf32>
      %swap3A = arith.index_cast %scan3A_72 : i32 to index
      %swap3A_75 = arith.constant 0 : index
      %swap3A_76 = tpu.vector_load %arg10[%swap3A, %swap3A_75] {strides = array<i32>} : memref<2560x16xf32, #tpu.memory_space<vmem>>, vector<1x16xf32>,
      %swap3A_77 = vector.shape_cast %swap3A_76 : vector<1x16xf32> to vector<16xf32>
      %swap3A_78 = vector.shape_cast %broadcast_in_dim3A_74 : vector<16xf32> to vector<1x16xf32>
      tpu.vector_store %arg10[%swap3A, %swap3A_75], %swap3A_78 {strides = array<i32>} : memref<2560x16xf32, #tpu.memory_space<vmem>>, vector<1x16xf32>,
      %scan3A_79 = arith.constant 0 : i32
      scf.yield %scan3A_79 : i32
    }
    %scan3A_5 = arith.constant 632 : i32
    %mul3A = arith.constant 632 : i32
    %mul3A_6 = arith.muli %arg1, %mul3A : i32
    %add3A = arith.constant 0 : i32
    %add3A_7 = arith.addi %mul3A_6, %add3A : i32
    "tpu.region"() ({
      %run_scoped3A = tpu.sem_alloc : memref<!tpu.dma_semaphore, #tpu.memory_space<semaphore_mem>>
      %dma_start3A_72 = arith.constant 0 : i32
      %dma_start3A_73 = arith.constant 0 : i32
      %dma_start3A_74 = tpu.memref_slice %arg10[%dma_start3A_72, %dma_start3A_73] : memref<2560x16xf32, #tpu.memory_space<vmem>> -> memref<632x16xf32, #tpu.memory_space<vmem>>
      %dma_start3A_75 = arith.constant 0 : i32
      %dma_start3A_76 = tpu.memref_slice %arg12[%add3A_7, %dma_start3A_75] : memref<10112x16xf32, #tpu.memory_space<vmem_shared>> -> memref<632x16xf32, #tpu.memory_space<vmem_shared>>
      %dma_start3A_77 = arith.constant 0 : i32
      %dma_start3A_78 = tpu.memref_slice %arg12[%add3A_7, %dma_start3A_77] : memref<10112x16xf32, #tpu.memory_space<vmem_shared>> -> memref<632x16xf32, #tpu.memory_space<vmem_shared>>
      %dma_start3A_79 = arith.constant 0 : i32
      %dma_start3A_80 = arith.constant 0 : i32
      %dma_start3A_81 = tpu.memref_slice %arg10[%dma_start3A_79, %dma_start3A_80] : memref<2560x16xf32, #tpu.memory_space<vmem>> -> memref<632x16xf32, #tpu.memory_space<vmem>>
      tpu.enqueue_dma source(%dma_start3A_81 : memref<632x16xf32, #tpu.memory_space<vmem>>) target(%dma_start3A_78 : memref<632x16xf32, #tpu.memory_space<vmem_shared>>) target_semaphore(%run_scoped3A : memref<!tpu.dma_semaphore, #tpu.memory_space<semaphore_mem>>)
      %dma_wait3A_82 = arith.constant 0 : i32
      %dma_wait3A_83 = arith.constant 0 : i32
      %dma_wait3A_84 = tpu.memref_slice %arg10[%dma_wait3A_82, %dma_wait3A_83] : memref<2560x16xf32, #tpu.memory_space<vmem>> -> memref<632x16xf32, #tpu.memory_space<vmem>>
      %dma_wait3A_85 = arith.constant 0 : i32
      %dma_wait3A_86 = tpu.memref_slice %arg12[%add3A_7, %dma_wait3A_85] : memref<10112x16xf32, #tpu.memory_space<vmem_shared>> -> memref<632x16xf32, #tpu.memory_space<vmem_shared>>
      %dma_wait3A_87 = arith.constant 0 : i32
      %dma_wait3A_88 = tpu.memref_slice %arg12[%add3A_7, %dma_wait3A_87] : memref<10112x16xf32, #tpu.memory_space<vmem_shared>> -> memref<632x16xf32, #tpu.memory_space<vmem_shared>>
      %dma_wait3A_89 = arith.constant 0 : i32
      %dma_wait3A_90 = arith.constant 0 : i32
      %dma_wait3A_91 = tpu.memref_slice %arg10[%dma_wait3A_89, %dma_wait3A_90] : memref<2560x16xf32, #tpu.memory_space<vmem>> -> memref<632x16xf32, #tpu.memory_space<vmem>>
      tpu.wait_dma2 semaphore(%run_scoped3A : memref<!tpu.dma_semaphore, #tpu.memory_space<semaphore_mem>>) src(%dma_wait3A_91 : memref<632x16xf32, #tpu.memory_space<vmem>>) dst(%dma_wait3A_88 : memref<632x16xf32, #tpu.memory_space<vmem_shared>>)
      tpu.yield
    }) : () -> ()
    %barrier3A = arith.constant 0 : index
    tpu.barrier barrier_id(%barrier3A)
    %mul3A_8 = arith.constant 16 : i32
    %mul3A_9 = arith.muli %arg0, %mul3A_8 : i32
    %add3A_10 = arith.addi %mul3A_9, %arg1 : i32
    %mul3A_11 = arith.constant 10240 : i32
    %mul3A_12 = arith.muli %add3A_10, %mul3A_11 : i32
    %add3A_13 = arith.constant 0 : i32
    %add3A_14 = arith.addi %mul3A_12, %add3A_13 : i32
    "tpu.region"() ({
      %run_scoped3A = tpu.sem_alloc : memref<!tpu.dma_semaphore, #tpu.memory_space<semaphore_mem>>
      %dma_start3A_72 = tpu.memref_slice %arg3[%add3A_14] : memref<327680xi32, #tpu.memory_space<hbm>> -> memref<2560xi32, #tpu.memory_space<hbm>>
      %dma_start3A_73 = tpu.memref_slice %arg3[%add3A_14] : memref<327680xi32, #tpu.memory_space<hbm>> -> memref<2560xi32, #tpu.memory_space<hbm>>
      tpu.enqueue_dma source(%dma_start3A_73 : memref<2560xi32, #tpu.memory_space<hbm>>) target(%arg6 : memref<2560xi32, #tpu.memory_space<vmem>>) target_semaphore(%run_scoped3A : memref<!tpu.dma_semaphore, #tpu.memory_space<semaphore_mem>>)
      %dma_wait3A_74 = tpu.memref_slice %arg3[%add3A_14] : memref<327680xi32, #tpu.memory_space<hbm>> -> memref<2560xi32, #tpu.memory_space<hbm>>
      %dma_wait3A_75 = tpu.memref_slice %arg3[%add3A_14] : memref<327680xi32, #tpu.memory_space<hbm>> -> memref<2560xi32, #tpu.memory_space<hbm>>
      tpu.wait_dma2 semaphore(%run_scoped3A : memref<!tpu.dma_semaphore, #tpu.memory_space<semaphore_mem>>) src(%dma_wait3A_75 : memref<2560xi32, #tpu.memory_space<hbm>>) dst(%arg6 : memref<2560xi32, #tpu.memory_space<vmem>>)
      tpu.yield
    }) : () -> ()
    "tpu.region"() ({
      %run_scoped3A = tpu.sem_alloc : memref<!tpu.dma_semaphore, #tpu.memory_space<semaphore_mem>>
      %dma_start3A_72 = tpu.memref_slice %arg4[%add3A_14] : memref<327680xi32, #tpu.memory_space<hbm>> -> memref<2560xi32, #tpu.memory_space<hbm>>
      %dma_start3A_73 = tpu.memref_slice %arg4[%add3A_14] : memref<327680xi32, #tpu.memory_space<hbm>> -> memref<2560xi32, #tpu.memory_space<hbm>>
      tpu.enqueue_dma source(%dma_start3A_73 : memref<2560xi32, #tpu.memory_space<hbm>>) target(%arg8 : memref<2560xi32, #tpu.memory_space<vmem>>) target_semaphore(%run_scoped3A : memref<!tpu.dma_semaphore, #tpu.memory_space<semaphore_mem>>)
      %dma_wait3A_74 = tpu.memref_slice %arg4[%add3A_14] : memref<327680xi32, #tpu.memory_space<hbm>> -> memref<2560xi32, #tpu.memory_space<hbm>>
      %dma_wait3A_75 = tpu.memref_slice %arg4[%add3A_14] : memref<327680xi32, #tpu.memory_space<hbm>> -> memref<2560xi32, #tpu.memory_space<hbm>>
      tpu.wait_dma2 semaphore(%run_scoped3A : memref<!tpu.dma_semaphore, #tpu.memory_space<semaphore_mem>>) src(%dma_wait3A_75 : memref<2560xi32, #tpu.memory_space<hbm>>) dst(%arg8 : memref<2560xi32, #tpu.memory_space<vmem>>)
      tpu.yield
    }) : () -> ()
    %dma_start3A = arith.constant 0 : i32
    %dma_start3A_15 = arith.constant 0 : i32
    %dma_start3A_16 = tpu.memref_slice %arg2[%dma_start3A, %dma_start3A_15] : memref<10000x16xf32, #tpu.memory_space<hbm>> -> memref<10000x16xf32, #tpu.memory_space<hbm>>
    tpu.enqueue_indirect_dma source(%dma_start3A_16 : memref<10000x16xf32, #tpu.memory_space<hbm>>) target(%arg10 : memref<2560x16xf32, #tpu.memory_space<vmem>>) offsets(%arg6 : memref<2560xi32, #tpu.memory_space<vmem>>) semaphore(%arg13 : memref<!tpu.dma_semaphore, #tpu.memory_space<semaphore_mem>>)
    %dma_wait3A = arith.constant 0 : i32
    %dma_wait3A_17 = arith.constant 0 : i32
    %dma_wait3A_18 = tpu.memref_slice %arg2[%dma_wait3A, %dma_wait3A_17] : memref<10000x16xf32, #tpu.memory_space<hbm>> -> memref<10000x16xf32, #tpu.memory_space<hbm>>
    tpu.wait_indirect_dma semaphore(%arg13 : memref<!tpu.dma_semaphore, #tpu.memory_space<semaphore_mem>>) src(%dma_wait3A_18 : memref<10000x16xf32, #tpu.memory_space<hbm>>) dst(%arg10 : memref<2560x16xf32, #tpu.memory_space<vmem>>)
    %dma_start3A_19 = arith.constant 0 : i32
    %dma_start3A_20 = arith.constant 0 : i32
    %dma_start3A_21 = tpu.memref_slice %arg12[%dma_start3A_19, %dma_start3A_20] : memref<10112x16xf32, #tpu.memory_space<vmem_shared>> -> memref<10112x16xf32, #tpu.memory_space<vmem_shared>>
    tpu.enqueue_indirect_dma source(%arg10 : memref<2560x16xf32, #tpu.memory_space<vmem>>) target(%dma_start3A_21 : memref<10112x16xf32, #tpu.memory_space<vmem_shared>>) offsets(%arg8 : memref<2560xi32, #tpu.memory_space<vmem>>) semaphore(%arg15 : memref<!tpu.dma_semaphore, #tpu.memory_space<semaphore_mem>>) {add = true}
    %add3A_22 = arith.constant 2560 : i32
    %add3A_23 = arith.addi %mul3A_12, %add3A_22 : i32
    "tpu.region"() ({
      %run_scoped3A = tpu.sem_alloc : memref<!tpu.dma_semaphore, #tpu.memory_space<semaphore_mem>>
      %dma_start3A_72 = tpu.memref_slice %arg3[%add3A_23] : memref<327680xi32, #tpu.memory_space<hbm>> -> memref<2560xi32, #tpu.memory_space<hbm>>
      %dma_start3A_73 = tpu.memref_slice %arg3[%add3A_23] : memref<327680xi32, #tpu.memory_space<hbm>> -> memref<2560xi32, #tpu.memory_space<hbm>>
      tpu.enqueue_dma source(%dma_start3A_73 : memref<2560xi32, #tpu.memory_space<hbm>>) target(%arg7 : memref<2560xi32, #tpu.memory_space<vmem>>) target_semaphore(%run_scoped3A : memref<!tpu.dma_semaphore, #tpu.memory_space<semaphore_mem>>)
      %dma_wait3A_74 = tpu.memref_slice %arg3[%add3A_23] : memref<327680xi32, #tpu.memory_space<hbm>> -> memref<2560xi32, #tpu.memory_space<hbm>>
      %dma_wait3A_75 = tpu.memref_slice %arg3[%add3A_23] : memref<327680xi32, #tpu.memory_space<hbm>> -> memref<2560xi32, #tpu.memory_space<hbm>>
      tpu.wait_dma2 semaphore(%run_scoped3A : memref<!tpu.dma_semaphore, #tpu.memory_space<semaphore_mem>>) src(%dma_wait3A_75 : memref<2560xi32, #tpu.memory_space<hbm>>) dst(%arg7 : memref<2560xi32, #tpu.memory_space<vmem>>)
      tpu.yield
    }) : () -> ()
    "tpu.region"() ({
      %run_scoped3A = tpu.sem_alloc : memref<!tpu.dma_semaphore, #tpu.memory_space<semaphore_mem>>
      %dma_start3A_72 = tpu.memref_slice %arg4[%add3A_23] : memref<327680xi32, #tpu.memory_space<hbm>> -> memref<2560xi32, #tpu.memory_space<hbm>>
      %dma_start3A_73 = tpu.memref_slice %arg4[%add3A_23] : memref<327680xi32, #tpu.memory_space<hbm>> -> memref<2560xi32, #tpu.memory_space<hbm>>
      tpu.enqueue_dma source(%dma_start3A_73 : memref<2560xi32, #tpu.memory_space<hbm>>) target(%arg9 : memref<2560xi32, #tpu.memory_space<vmem>>) target_semaphore(%run_scoped3A : memref<!tpu.dma_semaphore, #tpu.memory_space<semaphore_mem>>)
      %dma_wait3A_74 = tpu.memref_slice %arg4[%add3A_23] : memref<327680xi32, #tpu.memory_space<hbm>> -> memref<2560xi32, #tpu.memory_space<hbm>>
      %dma_wait3A_75 = tpu.memref_slice %arg4[%add3A_23] : memref<327680xi32, #tpu.memory_space<hbm>> -> memref<2560xi32, #tpu.memory_space<hbm>>
      tpu.wait_dma2 semaphore(%run_scoped3A : memref<!tpu.dma_semaphore, #tpu.memory_space<semaphore_mem>>) src(%dma_wait3A_75 : memref<2560xi32, #tpu.memory_space<hbm>>) dst(%arg9 : memref<2560xi32, #tpu.memory_space<vmem>>)
      tpu.yield
    }) : () -> ()
    %dma_start3A_24 = arith.constant 0 : i32
    %dma_start3A_25 = arith.constant 0 : i32
    %dma_start3A_26 = tpu.memref_slice %arg2[%dma_start3A_24, %dma_start3A_25] : memref<10000x16xf32, #tpu.memory_space<hbm>> -> memref<10000x16xf32, #tpu.memory_space<hbm>>
    tpu.enqueue_indirect_dma source(%dma_start3A_26 : memref<10000x16xf32, #tpu.memory_space<hbm>>) target(%arg11 : memref<2560x16xf32, #tpu.memory_space<vmem>>) offsets(%arg7 : memref<2560xi32, #tpu.memory_space<vmem>>) semaphore(%arg14 : memref<!tpu.dma_semaphore, #tpu.memory_space<semaphore_mem>>)
    %dma_wait3A_27 = arith.constant 0 : i32
    %dma_wait3A_28 = arith.constant 0 : i32
    %dma_wait3A_29 = tpu.memref_slice %arg2[%dma_wait3A_27, %dma_wait3A_28] : memref<10000x16xf32, #tpu.memory_space<hbm>> -> memref<10000x16xf32, #tpu.memory_space<hbm>>
    tpu.wait_indirect_dma semaphore(%arg14 : memref<!tpu.dma_semaphore, #tpu.memory_space<semaphore_mem>>) src(%dma_wait3A_29 : memref<10000x16xf32, #tpu.memory_space<hbm>>) dst(%arg11 : memref<2560x16xf32, #tpu.memory_space<vmem>>)
    %dma_start3A_30 = arith.constant 0 : i32
    %dma_start3A_31 = arith.constant 0 : i32
    %dma_start3A_32 = tpu.memref_slice %arg12[%dma_start3A_30, %dma_start3A_31] : memref<10112x16xf32, #tpu.memory_space<vmem_shared>> -> memref<10112x16xf32, #tpu.memory_space<vmem_shared>>
    tpu.enqueue_indirect_dma source(%arg11 : memref<2560x16xf32, #tpu.memory_space<vmem>>) target(%dma_start3A_32 : memref<10112x16xf32, #tpu.memory_space<vmem_shared>>) offsets(%arg9 : memref<2560xi32, #tpu.memory_space<vmem>>) semaphore(%arg16 : memref<!tpu.dma_semaphore, #tpu.memory_space<semaphore_mem>>) {add = true}
    %dma_wait3A_33 = arith.constant 0 : i32
    %dma_wait3A_34 = arith.constant 0 : i32
    %dma_wait3A_35 = tpu.memref_slice %arg12[%dma_wait3A_33, %dma_wait3A_34] : memref<10112x16xf32, #tpu.memory_space<vmem_shared>> -> memref<10112x16xf32, #tpu.memory_space<vmem_shared>>
    tpu.wait_indirect_dma semaphore(%arg15 : memref<!tpu.dma_semaphore, #tpu.memory_space<semaphore_mem>>) src(%arg10 : memref<2560x16xf32, #tpu.memory_space<vmem>>) dst(%dma_wait3A_35 : memref<10112x16xf32, #tpu.memory_space<vmem_shared>>)
    %add3A_36 = arith.constant 5120 : i32
    %add3A_37 = arith.addi %mul3A_12, %add3A_36 : i32
    "tpu.region"() ({
      %run_scoped3A = tpu.sem_alloc : memref<!tpu.dma_semaphore, #tpu.memory_space<semaphore_mem>>
      %dma_start3A_72 = tpu.memref_slice %arg3[%add3A_37] : memref<327680xi32, #tpu.memory_space<hbm>> -> memref<2560xi32, #tpu.memory_space<hbm>>
      %dma_start3A_73 = tpu.memref_slice %arg3[%add3A_37] : memref<327680xi32, #tpu.memory_space<hbm>> -> memref<2560xi32, #tpu.memory_space<hbm>>
      tpu.enqueue_dma source(%dma_start3A_73 : memref<2560xi32, #tpu.memory_space<hbm>>) target(%arg6 : memref<2560xi32, #tpu.memory_space<vmem>>) target_semaphore(%run_scoped3A : memref<!tpu.dma_semaphore, #tpu.memory_space<semaphore_mem>>)
      %dma_wait3A_74 = tpu.memref_slice %arg3[%add3A_37] : memref<327680xi32, #tpu.memory_space<hbm>> -> memref<2560xi32, #tpu.memory_space<hbm>>
      %dma_wait3A_75 = tpu.memref_slice %arg3[%add3A_37] : memref<327680xi32, #tpu.memory_space<hbm>> -> memref<2560xi32, #tpu.memory_space<hbm>>
      tpu.wait_dma2 semaphore(%run_scoped3A : memref<!tpu.dma_semaphore, #tpu.memory_space<semaphore_mem>>) src(%dma_wait3A_75 : memref<2560xi32, #tpu.memory_space<hbm>>) dst(%arg6 : memref<2560xi32, #tpu.memory_space<vmem>>)
      tpu.yield
    }) : () -> ()
    "tpu.region"() ({
      %run_scoped3A = tpu.sem_alloc : memref<!tpu.dma_semaphore, #tpu.memory_space<semaphore_mem>>
      %dma_start3A_72 = tpu.memref_slice %arg4[%add3A_37] : memref<327680xi32, #tpu.memory_space<hbm>> -> memref<2560xi32, #tpu.memory_space<hbm>>
      %dma_start3A_73 = tpu.memref_slice %arg4[%add3A_37] : memref<327680xi32, #tpu.memory_space<hbm>> -> memref<2560xi32, #tpu.memory_space<hbm>>
      tpu.enqueue_dma source(%dma_start3A_73 : memref<2560xi32, #tpu.memory_space<hbm>>) target(%arg8 : memref<2560xi32, #tpu.memory_space<vmem>>) target_semaphore(%run_scoped3A : memref<!tpu.dma_semaphore, #tpu.memory_space<semaphore_mem>>)
      %dma_wait3A_74 = tpu.memref_slice %arg4[%add3A_37] : memref<327680xi32, #tpu.memory_space<hbm>> -> memref<2560xi32, #tpu.memory_space<hbm>>
      %dma_wait3A_75 = tpu.memref_slice %arg4[%add3A_37] : memref<327680xi32, #tpu.memory_space<hbm>> -> memref<2560xi32, #tpu.memory_space<hbm>>
      tpu.wait_dma2 semaphore(%run_scoped3A : memref<!tpu.dma_semaphore, #tpu.memory_space<semaphore_mem>>) src(%dma_wait3A_75 : memref<2560xi32, #tpu.memory_space<hbm>>) dst(%arg8 : memref<2560xi32, #tpu.memory_space<vmem>>)
      tpu.yield
    }) : () -> ()
    %dma_start3A_38 = arith.constant 0 : i32
    %dma_start3A_39 = arith.constant 0 : i32
    %dma_start3A_40 = tpu.memref_slice %arg2[%dma_start3A_38, %dma_start3A_39] : memref<10000x16xf32, #tpu.memory_space<hbm>> -> memref<10000x16xf32, #tpu.memory_space<hbm>>
    tpu.enqueue_indirect_dma source(%dma_start3A_40 : memref<10000x16xf32, #tpu.memory_space<hbm>>) target(%arg10 : memref<2560x16xf32, #tpu.memory_space<vmem>>) offsets(%arg6 : memref<2560xi32, #tpu.memory_space<vmem>>) semaphore(%arg13 : memref<!tpu.dma_semaphore, #tpu.memory_space<semaphore_mem>>)
    %dma_wait3A_41 = arith.constant 0 : i32
    %dma_wait3A_42 = arith.constant 0 : i32
    %dma_wait3A_43 = tpu.memref_slice %arg2[%dma_wait3A_41, %dma_wait3A_42] : memref<10000x16xf32, #tpu.memory_space<hbm>> -> memref<10000x16xf32, #tpu.memory_space<hbm>>
    tpu.wait_indirect_dma semaphore(%arg13 : memref<!tpu.dma_semaphore, #tpu.memory_space<semaphore_mem>>) src(%dma_wait3A_43 : memref<10000x16xf32, #tpu.memory_space<hbm>>) dst(%arg10 : memref<2560x16xf32, #tpu.memory_space<vmem>>)
    %dma_start3A_44 = arith.constant 0 : i32
    %dma_start3A_45 = arith.constant 0 : i32
    %dma_start3A_46 = tpu.memref_slice %arg12[%dma_start3A_44, %dma_start3A_45] : memref<10112x16xf32, #tpu.memory_space<vmem_shared>> -> memref<10112x16xf32, #tpu.memory_space<vmem_shared>>
    tpu.enqueue_indirect_dma source(%arg10 : memref<2560x16xf32, #tpu.memory_space<vmem>>) target(%dma_start3A_46 : memref<10112x16xf32, #tpu.memory_space<vmem_shared>>) offsets(%arg8 : memref<2560xi32, #tpu.memory_space<vmem>>) semaphore(%arg15 : memref<!tpu.dma_semaphore, #tpu.memory_space<semaphore_mem>>) {add = true}
    %dma_wait3A_47 = arith.constant 0 : i32
    %dma_wait3A_48 = arith.constant 0 : i32
    %dma_wait3A_49 = tpu.memref_slice %arg12[%dma_wait3A_47, %dma_wait3A_48] : memref<10112x16xf32, #tpu.memory_space<vmem_shared>> -> memref<10112x16xf32, #tpu.memory_space<vmem_shared>>
    tpu.wait_indirect_dma semaphore(%arg16 : memref<!tpu.dma_semaphore, #tpu.memory_space<semaphore_mem>>) src(%arg11 : memref<2560x16xf32, #tpu.memory_space<vmem>>) dst(%dma_wait3A_49 : memref<10112x16xf32, #tpu.memory_space<vmem_shared>>)
    %add3A_50 = arith.constant 7680 : i32
    %add3A_51 = arith.addi %mul3A_12, %add3A_50 : i32
    "tpu.region"() ({
      %run_scoped3A = tpu.sem_alloc : memref<!tpu.dma_semaphore, #tpu.memory_space<semaphore_mem>>
      %dma_start3A_72 = tpu.memref_slice %arg3[%add3A_51] : memref<327680xi32, #tpu.memory_space<hbm>> -> memref<2560xi32, #tpu.memory_space<hbm>>
      %dma_start3A_73 = tpu.memref_slice %arg3[%add3A_51] : memref<327680xi32, #tpu.memory_space<hbm>> -> memref<2560xi32, #tpu.memory_space<hbm>>
      tpu.enqueue_dma source(%dma_start3A_73 : memref<2560xi32, #tpu.memory_space<hbm>>) target(%arg7 : memref<2560xi32, #tpu.memory_space<vmem>>) target_semaphore(%run_scoped3A : memref<!tpu.dma_semaphore, #tpu.memory_space<semaphore_mem>>)
      %dma_wait3A_74 = tpu.memref_slice %arg3[%add3A_51] : memref<327680xi32, #tpu.memory_space<hbm>> -> memref<2560xi32, #tpu.memory_space<hbm>>
      %dma_wait3A_75 = tpu.memref_slice %arg3[%add3A_51] : memref<327680xi32, #tpu.memory_space<hbm>> -> memref<2560xi32, #tpu.memory_space<hbm>>
      tpu.wait_dma2 semaphore(%run_scoped3A : memref<!tpu.dma_semaphore, #tpu.memory_space<semaphore_mem>>) src(%dma_wait3A_75 : memref<2560xi32, #tpu.memory_space<hbm>>) dst(%arg7 : memref<2560xi32, #tpu.memory_space<vmem>>)
      tpu.yield
    }) : () -> ()
    "tpu.region"() ({
      %run_scoped3A = tpu.sem_alloc : memref<!tpu.dma_semaphore, #tpu.memory_space<semaphore_mem>>
      %dma_start3A_72 = tpu.memref_slice %arg4[%add3A_51] : memref<327680xi32, #tpu.memory_space<hbm>> -> memref<2560xi32, #tpu.memory_space<hbm>>
      %dma_start3A_73 = tpu.memref_slice %arg4[%add3A_51] : memref<327680xi32, #tpu.memory_space<hbm>> -> memref<2560xi32, #tpu.memory_space<hbm>>
      tpu.enqueue_dma source(%dma_start3A_73 : memref<2560xi32, #tpu.memory_space<hbm>>) target(%arg9 : memref<2560xi32, #tpu.memory_space<vmem>>) target_semaphore(%run_scoped3A : memref<!tpu.dma_semaphore, #tpu.memory_space<semaphore_mem>>)
      %dma_wait3A_74 = tpu.memref_slice %arg4[%add3A_51] : memref<327680xi32, #tpu.memory_space<hbm>> -> memref<2560xi32, #tpu.memory_space<hbm>>
      %dma_wait3A_75 = tpu.memref_slice %arg4[%add3A_51] : memref<327680xi32, #tpu.memory_space<hbm>> -> memref<2560xi32, #tpu.memory_space<hbm>>
      tpu.wait_dma2 semaphore(%run_scoped3A : memref<!tpu.dma_semaphore, #tpu.memory_space<semaphore_mem>>) src(%dma_wait3A_75 : memref<2560xi32, #tpu.memory_space<hbm>>) dst(%arg9 : memref<2560xi32, #tpu.memory_space<vmem>>)
      tpu.yield
    }) : () -> ()
    %dma_start3A_52 = arith.constant 0 : i32
    %dma_start3A_53 = arith.constant 0 : i32
    %dma_start3A_54 = tpu.memref_slice %arg2[%dma_start3A_52, %dma_start3A_53] : memref<10000x16xf32, #tpu.memory_space<hbm>> -> memref<10000x16xf32, #tpu.memory_space<hbm>>
    tpu.enqueue_indirect_dma source(%dma_start3A_54 : memref<10000x16xf32, #tpu.memory_space<hbm>>) target(%arg11 : memref<2560x16xf32, #tpu.memory_space<vmem>>) offsets(%arg7 : memref<2560xi32, #tpu.memory_space<vmem>>) semaphore(%arg14 : memref<!tpu.dma_semaphore, #tpu.memory_space<semaphore_mem>>)
    %dma_wait3A_55 = arith.constant 0 : i32
    %dma_wait3A_56 = arith.constant 0 : i32
    %dma_wait3A_57 = tpu.memref_slice %arg2[%dma_wait3A_55, %dma_wait3A_56] : memref<10000x16xf32, #tpu.memory_space<hbm>> -> memref<10000x16xf32, #tpu.memory_space<hbm>>
    tpu.wait_indirect_dma semaphore(%arg14 : memref<!tpu.dma_semaphore, #tpu.memory_space<semaphore_mem>>) src(%dma_wait3A_57 : memref<10000x16xf32, #tpu.memory_space<hbm>>) dst(%arg11 : memref<2560x16xf32, #tpu.memory_space<vmem>>)
    %dma_start3A_58 = arith.constant 0 : i32
    %dma_start3A_59 = arith.constant 0 : i32
    %dma_start3A_60 = tpu.memref_slice %arg12[%dma_start3A_58, %dma_start3A_59] : memref<10112x16xf32, #tpu.memory_space<vmem_shared>> -> memref<10112x16xf32, #tpu.memory_space<vmem_shared>>
    tpu.enqueue_indirect_dma source(%arg11 : memref<2560x16xf32, #tpu.memory_space<vmem>>) target(%dma_start3A_60 : memref<10112x16xf32, #tpu.memory_space<vmem_shared>>) offsets(%arg9 : memref<2560xi32, #tpu.memory_space<vmem>>) semaphore(%arg16 : memref<!tpu.dma_semaphore, #tpu.memory_space<semaphore_mem>>) {add = true}
    %dma_wait3A_61 = arith.constant 0 : i32
    %dma_wait3A_62 = arith.constant 0 : i32
    %dma_wait3A_63 = tpu.memref_slice %arg12[%dma_wait3A_61, %dma_wait3A_62] : memref<10112x16xf32, #tpu.memory_space<vmem_shared>> -> memref<10112x16xf32, #tpu.memory_space<vmem_shared>>
    tpu.wait_indirect_dma semaphore(%arg15 : memref<!tpu.dma_semaphore, #tpu.memory_space<semaphore_mem>>) src(%arg10 : memref<2560x16xf32, #tpu.memory_space<vmem>>) dst(%dma_wait3A_63 : memref<10112x16xf32, #tpu.memory_space<vmem_shared>>)
    %dma_wait3A_64 = arith.constant 0 : i32
    %dma_wait3A_65 = arith.constant 0 : i32
    %dma_wait3A_66 = tpu.memref_slice %arg12[%dma_wait3A_64, %dma_wait3A_65] : memref<10112x16xf32, #tpu.memory_space<vmem_shared>> -> memref<10112x16xf32, #tpu.memory_space<vmem_shared>>
    tpu.wait_indirect_dma semaphore(%arg16 : memref<!tpu.dma_semaphore, #tpu.memory_space<semaphore_mem>>) src(%arg11 : memref<2560x16xf32, #tpu.memory_space<vmem>>) dst(%dma_wait3A_66 : memref<10112x16xf32, #tpu.memory_space<vmem_shared>>)
    %barrier3A_67 = arith.constant 0 : index
    tpu.barrier barrier_id(%barrier3A_67)
    %mul3A_68 = arith.constant 632 : i32
    %mul3A_69 = arith.muli %arg1, %mul3A_68 : i32
    %mul3A_70 = arith.constant 632 : i32
    %mul3A_71 = arith.muli %arg1, %mul3A_70 : i32
    "tpu.region"() ({
      %run_scoped3A = tpu.sem_alloc : memref<!tpu.dma_semaphore, #tpu.memory_space<semaphore_mem>>
      %dma_start3A_72 = arith.constant 0 : i32
      %dma_start3A_73 = tpu.memref_slice %arg5[%arg0, %mul3A_71, %dma_start3A_72] : memref<2x10112x16xf32, #tpu.memory_space<hbm>> -> memref<1x632x16xf32, #tpu.memory_space<hbm>>
      %dma_start3A_74 = tpu.memref_squeeze %dma_start3A_73 : memref<1x632x16xf32, #tpu.memory_space<hbm>> -> memref<632x16xf32, #tpu.memory_space<hbm>>
      %dma_start3A_75 = arith.constant 0 : i32
      %dma_start3A_76 = tpu.memref_slice %arg12[%mul3A_69, %dma_start3A_75] : memref<10112x16xf32, #tpu.memory_space<vmem_shared>> -> memref<632x16xf32, #tpu.memory_space<vmem_shared>>
      tpu.enqueue_dma source(%dma_start3A_76 : memref<632x16xf32, #tpu.memory_space<vmem_shared>>) target(%dma_start3A_74 : memref<632x16xf32, #tpu.memory_space<hbm>>) target_semaphore(%run_scoped3A : memref<!tpu.dma_semaphore, #tpu.memory_space<semaphore_mem>>)
      %dma_wait3A_77 = arith.constant 0 : i32
      %dma_wait3A_78 = tpu.memref_slice %arg5[%arg0, %mul3A_71, %dma_wait3A_77] : memref<2x10112x16xf32, #tpu.memory_space<hbm>> -> memref<1x632x16xf32, #tpu.memory_space<hbm>>
      %dma_wait3A_79 = tpu.memref_squeeze %dma_wait3A_78 : memref<1x632x16xf32, #tpu.memory_space<hbm>> -> memref<632x16xf32, #tpu.memory_space<hbm>>
      %dma_wait3A_80 = arith.constant 0 : i32
      %dma_wait3A_81 = tpu.memref_slice %arg12[%mul3A_69, %dma_wait3A_80] : memref<10112x16xf32, #tpu.memory_space<vmem_shared>> -> memref<632x16xf32, #tpu.memory_space<vmem_shared>>
      tpu.wait_dma2 semaphore(%run_scoped3A : memref<!tpu.dma_semaphore, #tpu.memory_space<semaphore_mem>>) src(%dma_wait3A_81 : memref<632x16xf32, #tpu.memory_space<vmem_shared>>) dst(%dma_wait3A_79 : memref<632x16xf32, #tpu.memory_space<hbm>>)
      tpu.yield
    }) : () -> ()
    return
  }
}

#map = affine_map<(d0, d1) -> (0, 0)>
#map1 = affine_map<(d0, d1) -> (0)>
#map2 = affine_map<(d0, d1) -> (0, 0, 0)>
module attributes {stable_mosaic.version = 14 : i64} {
  func.func @body(%arg0: i32, %arg1: i32, %arg2: memref<10000x16xf32, #tpu.memory_space<hbm>>, %arg3: memref<327680xi32, #tpu.memory_space<hbm>>, %arg4: memref<327680xi32, #tpu.memory_space<hbm>>, %arg5: memref<2x10112x16xf32, #tpu.memory_space<hbm>>, %arg6: memref<2560xi32, #tpu.memory_space<vmem>>, %arg7: memref<2560xi32, #tpu.memory_space<vmem>>, %arg8: memref<2560xi32, #tpu.memory_space<vmem>>, %arg9: memref<2560xi32, #tpu.memory_space<vmem>>, %arg10: memref<2560x16xf32, #tpu.memory_space<vmem>>, %arg11: memref<2560x16xf32, #tpu.memory_space<vmem>>, %arg12: memref<10112x16xf32, #tpu.memory_space<vmem_shared>>, %arg13: memref<!tpu.dma_semaphore, #tpu.memory_space<semaphore_mem>>, %arg14: memref<!tpu.dma_semaphore, #tpu.memory_space<semaphore_mem>>, %arg15: memref<!tpu.dma_semaphore, #tpu.memory_space<semaphore_mem>>, %arg16: memref<!tpu.dma_semaphore, #tpu.memory_space<semaphore_mem>>) attributes {dimension_semantics = [#tpu.dimension_semantics<core_parallel>, #tpu.dimension_semantics<subcore_parallel>], iteration_bounds = array<i64: 2, 16>, scalar_prefetch = 0 : i64, scratch_operands = 11 : i64, tpu.core_type = #tpu.core_type<sc_vector_subcore>, window_params = [{transform_indices = #map}, {transform_indices = #map1}, {transform_indices = #map1}, {transform_indices = #map2}]} {
    %scan3A = arith.constant 0 : i32
    %scan3A_0 = arith.constant 0 : i32
    %scan3A_1 = arith.constant 632 : i32
    %scan3A_2 = arith.addi %scan3A_0, %scan3A_1 : i32
    %scan3A_3 = arith.constant 1 : i32
    %scan3A_4 = scf.for %scan3A_72 = %scan3A_0 to %scan3A_2 step %scan3A_3 iter_args(%scan3A_73 = %scan3A) -> (i32)  : i32 {
      %broadcast_in_dim3A = arith.constant 0.000000e+00 : f32
      %broadcast_in_dim3A_74 = vector.broadcast %broadcast_in_dim3A : f32 to vector<16xf32>
      %swap3A = arith.index_cast %scan3A_72 : i32 to index
      %swap3A_75 = arith.constant 0 : index
      %swap3A_76 = tpu.vector_load %arg10[%swap3A, %swap3A_75] {strides = array<i32>} : memref<2560x16xf32, #tpu.memory_space<vmem>>, vector<1x16xf32>,
      %swap3A_77 = vector.shape_cast %swap3A_76 : vector<1x16xf32> to vector<16xf32>
      %swap3A_78 = vector.shape_cast %broadcast_in_dim3A_74 : vector<16xf32> to vector<1x16xf32>
      tpu.vector_store %arg10[%swap3A, %swap3A_75], %swap3A_78 {strides = array<i32>} : memref<2560x16xf32, #tpu.memory_space<vmem>>, vector<1x16xf32>,
      %scan3A_79 = arith.constant 0 : i32
      scf.yield %scan3A_79 : i32
    }
    %scan3A_5 = arith.constant 632 : i32
    %mul3A = arith.constant 632 : i32
    %mul3A_6 = arith.muli %arg1, %mul3A : i32
    %add3A = arith.constant 0 : i32
    %add3A_7 = arith.addi %mul3A_6, %add3A : i32
    "tpu.region"() ({
      %run_scoped3A = tpu.sem_alloc : memref<!tpu.dma_semaphore, #tpu.memory_space<semaphore_mem>>
      %dma_start3A_72 = arith.constant 0 : i32
      %dma_start3A_73 = arith.constant 0 : i32
      %dma_start3A_74 = tpu.memref_slice %arg10[%dma_start3A_72, %dma_start3A_73] : memref<2560x16xf32, #tpu.memory_space<vmem>> -> memref<632x16xf32, #tpu.memory_space<vmem>>
      %dma_start3A_75 = arith.constant 0 : i32
      %dma_start3A_76 = tpu.memref_slice %arg12[%add3A_7, %dma_start3A_75] : memref<10112x16xf32, #tpu.memory_space<vmem_shared>> -> memref<632x16xf32, #tpu.memory_space<vmem_shared>>
      %dma_start3A_77 = arith.constant 0 : i32
      %dma_start3A_78 = tpu.memref_slice %arg12[%add3A_7, %dma_start3A_77] : memref<10112x16xf32, #tpu.memory_space<vmem_shared>> -> memref<632x16xf32, #tpu.memory_space<vmem_shared>>
      %dma_start3A_79 = arith.constant 0 : i32
      %dma_start3A_80 = arith.constant 0 : i32
      %dma_start3A_81 = tpu.memref_slice %arg10[%dma_start3A_79, %dma_start3A_80] : memref<2560x16xf32, #tpu.memory_space<vmem>> -> memref<632x16xf32, #tpu.memory_space<vmem>>
      tpu.enqueue_dma source(%dma_start3A_81 : memref<632x16xf32, #tpu.memory_space<vmem>>) target(%dma_start3A_78 : memref<632x16xf32, #tpu.memory_space<vmem_shared>>) target_semaphore(%run_scoped3A : memref<!tpu.dma_semaphore, #tpu.memory_space<semaphore_mem>>)
      %dma_wait3A_82 = arith.constant 0 : i32
      %dma_wait3A_83 = arith.constant 0 : i32
      %dma_wait3A_84 = tpu.memref_slice %arg10[%dma_wait3A_82, %dma_wait3A_83] : memref<2560x16xf32, #tpu.memory_space<vmem>> -> memref<632x16xf32, #tpu.memory_space<vmem>>
      %dma_wait3A_85 = arith.constant 0 : i32
      %dma_wait3A_86 = tpu.memref_slice %arg12[%add3A_7, %dma_wait3A_85] : memref<10112x16xf32, #tpu.memory_space<vmem_shared>> -> memref<632x16xf32, #tpu.memory_space<vmem_shared>>
      %dma_wait3A_87 = arith.constant 0 : i32
      %dma_wait3A_88 = tpu.memref_slice %arg12[%add3A_7, %dma_wait3A_87] : memref<10112x16xf32, #tpu.memory_space<vmem_shared>> -> memref<632x16xf32, #tpu.memory_space<vmem_shared>>
      %dma_wait3A_89 = arith.constant 0 : i32
      %dma_wait3A_90 = arith.constant 0 : i32
      %dma_wait3A_91 = tpu.memref_slice %arg10[%dma_wait3A_89, %dma_wait3A_90] : memref<2560x16xf32, #tpu.memory_space<vmem>> -> memref<632x16xf32, #tpu.memory_space<vmem>>
      tpu.wait_dma2 semaphore(%run_scoped3A : memref<!tpu.dma_semaphore, #tpu.memory_space<semaphore_mem>>) src(%dma_wait3A_91 : memref<632x16xf32, #tpu.memory_space<vmem>>) dst(%dma_wait3A_88 : memref<632x16xf32, #tpu.memory_space<vmem_shared>>)
      tpu.yield
    }) : () -> ()
    %barrier3A = arith.constant 0 : index
    tpu.barrier barrier_id(%barrier3A)
    %mul3A_8 = arith.constant 16 : i32
    %mul3A_9 = arith.muli %arg0, %mul3A_8 : i32
    %add3A_10 = arith.addi %mul3A_9, %arg1 : i32
    %mul3A_11 = arith.constant 10240 : i32
    %mul3A_12 = arith.muli %add3A_10, %mul3A_11 : i32
    %add3A_13 = arith.constant 0 : i32
    %add3A_14 = arith.addi %mul3A_12, %add3A_13 : i32
    "tpu.region"() ({
      %run_scoped3A = tpu.sem_alloc : memref<!tpu.dma_semaphore, #tpu.memory_space<semaphore_mem>>
      %dma_start3A_72 = tpu.memref_slice %arg3[%add3A_14] : memref<327680xi32, #tpu.memory_space<hbm>> -> memref<2560xi32, #tpu.memory_space<hbm>>
      %dma_start3A_73 = tpu.memref_slice %arg3[%add3A_14] : memref<327680xi32, #tpu.memory_space<hbm>> -> memref<2560xi32, #tpu.memory_space<hbm>>
      tpu.enqueue_dma source(%dma_start3A_73 : memref<2560xi32, #tpu.memory_space<hbm>>) target(%arg6 : memref<2560xi32, #tpu.memory_space<vmem>>) target_semaphore(%run_scoped3A : memref<!tpu.dma_semaphore, #tpu.memory_space<semaphore_mem>>)
      %dma_wait3A_74 = tpu.memref_slice %arg3[%add3A_14] : memref<327680xi32, #tpu.memory_space<hbm>> -> memref<2560xi32, #tpu.memory_space<hbm>>
      %dma_wait3A_75 = tpu.memref_slice %arg3[%add3A_14] : memref<327680xi32, #tpu.memory_space<hbm>> -> memref<2560xi32, #tpu.memory_space<hbm>>
      tpu.wait_dma2 semaphore(%run_scoped3A : memref<!tpu.dma_semaphore, #tpu.memory_space<semaphore_mem>>) src(%dma_wait3A_75 : memref<2560xi32, #tpu.memory_space<hbm>>) dst(%arg6 : memref<2560xi32, #tpu.memory_space<vmem>>)
      tpu.yield
    }) : () -> ()
    "tpu.region"() ({
      %run_scoped3A = tpu.sem_alloc : memref<!tpu.dma_semaphore, #tpu.memory_space<semaphore_mem>>
      %dma_start3A_72 = tpu.memref_slice %arg4[%add3A_14] : memref<327680xi32, #tpu.memory_space<hbm>> -> memref<2560xi32, #tpu.memory_space<hbm>>
      %dma_start3A_73 = tpu.memref_slice %arg4[%add3A_14] : memref<327680xi32, #tpu.memory_space<hbm>> -> memref<2560xi32, #tpu.memory_space<hbm>>
      tpu.enqueue_dma source(%dma_start3A_73 : memref<2560xi32, #tpu.memory_space<hbm>>) target(%arg8 : memref<2560xi32, #tpu.memory_space<vmem>>) target_semaphore(%run_scoped3A : memref<!tpu.dma_semaphore, #tpu.memory_space<semaphore_mem>>)
      %dma_wait3A_74 = tpu.memref_slice %arg4[%add3A_14] : memref<327680xi32, #tpu.memory_space<hbm>> -> memref<2560xi32, #tpu.memory_space<hbm>>
      %dma_wait3A_75 = tpu.memref_slice %arg4[%add3A_14] : memref<327680xi32, #tpu.memory_space<hbm>> -> memref<2560xi32, #tpu.memory_space<hbm>>
      tpu.wait_dma2 semaphore(%run_scoped3A : memref<!tpu.dma_semaphore, #tpu.memory_space<semaphore_mem>>) src(%dma_wait3A_75 : memref<2560xi32, #tpu.memory_space<hbm>>) dst(%arg8 : memref<2560xi32, #tpu.memory_space<vmem>>)
      tpu.yield
    }) : () -> ()
    %dma_start3A = arith.constant 0 : i32
    %dma_start3A_15 = arith.constant 0 : i32
    %dma_start3A_16 = tpu.memref_slice %arg2[%dma_start3A, %dma_start3A_15] : memref<10000x16xf32, #tpu.memory_space<hbm>> -> memref<10000x16xf32, #tpu.memory_space<hbm>>
    tpu.enqueue_indirect_dma source(%dma_start3A_16 : memref<10000x16xf32, #tpu.memory_space<hbm>>) target(%arg10 : memref<2560x16xf32, #tpu.memory_space<vmem>>) offsets(%arg6 : memref<2560xi32, #tpu.memory_space<vmem>>) semaphore(%arg13 : memref<!tpu.dma_semaphore, #tpu.memory_space<semaphore_mem>>)
    %dma_wait3A = arith.constant 0 : i32
    %dma_wait3A_17 = arith.constant 0 : i32
    %dma_wait3A_18 = tpu.memref_slice %arg2[%dma_wait3A, %dma_wait3A_17] : memref<10000x16xf32, #tpu.memory_space<hbm>> -> memref<10000x16xf32, #tpu.memory_space<hbm>>
    tpu.wait_indirect_dma semaphore(%arg13 : memref<!tpu.dma_semaphore, #tpu.memory_space<semaphore_mem>>) src(%dma_wait3A_18 : memref<10000x16xf32, #tpu.memory_space<hbm>>) dst(%arg10 : memref<2560x16xf32, #tpu.memory_space<vmem>>)
    %dma_start3A_19 = arith.constant 0 : i32
    %dma_start3A_20 = arith.constant 0 : i32
    %dma_start3A_21 = tpu.memref_slice %arg12[%dma_start3A_19, %dma_start3A_20] : memref<10112x16xf32, #tpu.memory_space<vmem_shared>> -> memref<10112x16xf32, #tpu.memory_space<vmem_shared>>
    tpu.enqueue_indirect_dma source(%arg10 : memref<2560x16xf32, #tpu.memory_space<vmem>>) target(%dma_start3A_21 : memref<10112x16xf32, #tpu.memory_space<vmem_shared>>) offsets(%arg8 : memref<2560xi32, #tpu.memory_space<vmem>>) semaphore(%arg15 : memref<!tpu.dma_semaphore, #tpu.memory_space<semaphore_mem>>) {add = true}
    %add3A_22 = arith.constant 2560 : i32
    %add3A_23 = arith.addi %mul3A_12, %add3A_22 : i32
    "tpu.region"() ({
      %run_scoped3A = tpu.sem_alloc : memref<!tpu.dma_semaphore, #tpu.memory_space<semaphore_mem>>
      %dma_start3A_72 = tpu.memref_slice %arg3[%add3A_23] : memref<327680xi32, #tpu.memory_space<hbm>> -> memref<2560xi32, #tpu.memory_space<hbm>>
      %dma_start3A_73 = tpu.memref_slice %arg3[%add3A_23] : memref<327680xi32, #tpu.memory_space<hbm>> -> memref<2560xi32, #tpu.memory_space<hbm>>
      tpu.enqueue_dma source(%dma_start3A_73 : memref<2560xi32, #tpu.memory_space<hbm>>) target(%arg7 : memref<2560xi32, #tpu.memory_space<vmem>>) target_semaphore(%run_scoped3A : memref<!tpu.dma_semaphore, #tpu.memory_space<semaphore_mem>>)
      %dma_wait3A_74 = tpu.memref_slice %arg3[%add3A_23] : memref<327680xi32, #tpu.memory_space<hbm>> -> memref<2560xi32, #tpu.memory_space<hbm>>
      %dma_wait3A_75 = tpu.memref_slice %arg3[%add3A_23] : memref<327680xi32, #tpu.memory_space<hbm>> -> memref<2560xi32, #tpu.memory_space<hbm>>
      tpu.wait_dma2 semaphore(%run_scoped3A : memref<!tpu.dma_semaphore, #tpu.memory_space<semaphore_mem>>) src(%dma_wait3A_75 : memref<2560xi32, #tpu.memory_space<hbm>>) dst(%arg7 : memref<2560xi32, #tpu.memory_space<vmem>>)
      tpu.yield
    }) : () -> ()
    "tpu.region"() ({
      %run_scoped3A = tpu.sem_alloc : memref<!tpu.dma_semaphore, #tpu.memory_space<semaphore_mem>>
      %dma_start3A_72 = tpu.memref_slice %arg4[%add3A_23] : memref<327680xi32, #tpu.memory_space<hbm>> -> memref<2560xi32, #tpu.memory_space<hbm>>
      %dma_start3A_73 = tpu.memref_slice %arg4[%add3A_23] : memref<327680xi32, #tpu.memory_space<hbm>> -> memref<2560xi32, #tpu.memory_space<hbm>>
      tpu.enqueue_dma source(%dma_start3A_73 : memref<2560xi32, #tpu.memory_space<hbm>>) target(%arg9 : memref<2560xi32, #tpu.memory_space<vmem>>) target_semaphore(%run_scoped3A : memref<!tpu.dma_semaphore, #tpu.memory_space<semaphore_mem>>)
      %dma_wait3A_74 = tpu.memref_slice %arg4[%add3A_23] : memref<327680xi32, #tpu.memory_space<hbm>> -> memref<2560xi32, #tpu.memory_space<hbm>>
      %dma_wait3A_75 = tpu.memref_slice %arg4[%add3A_23] : memref<327680xi32, #tpu.memory_space<hbm>> -> memref<2560xi32, #tpu.memory_space<hbm>>
      tpu.wait_dma2 semaphore(%run_scoped3A : memref<!tpu.dma_semaphore, #tpu.memory_space<semaphore_mem>>) src(%dma_wait3A_75 : memref<2560xi32, #tpu.memory_space<hbm>>) dst(%arg9 : memref<2560xi32, #tpu.memory_space<vmem>>)
      tpu.yield
    }) : () -> ()
    %dma_start3A_24 = arith.constant 0 : i32
    %dma_start3A_25 = arith.constant 0 : i32
    %dma_start3A_26 = tpu.memref_slice %arg2[%dma_start3A_24, %dma_start3A_25] : memref<10000x16xf32, #tpu.memory_space<hbm>> -> memref<10000x16xf32, #tpu.memory_space<hbm>>
    tpu.enqueue_indirect_dma source(%dma_start3A_26 : memref<10000x16xf32, #tpu.memory_space<hbm>>) target(%arg11 : memref<2560x16xf32, #tpu.memory_space<vmem>>) offsets(%arg7 : memref<2560xi32, #tpu.memory_space<vmem>>) semaphore(%arg14 : memref<!tpu.dma_semaphore, #tpu.memory_space<semaphore_mem>>)
    %dma_wait3A_27 = arith.constant 0 : i32
    %dma_wait3A_28 = arith.constant 0 : i32
    %dma_wait3A_29 = tpu.memref_slice %arg2[%dma_wait3A_27, %dma_wait3A_28] : memref<10000x16xf32, #tpu.memory_space<hbm>> -> memref<10000x16xf32, #tpu.memory_space<hbm>>
    tpu.wait_indirect_dma semaphore(%arg14 : memref<!tpu.dma_semaphore, #tpu.memory_space<semaphore_mem>>) src(%dma_wait3A_29 : memref<10000x16xf32, #tpu.memory_space<hbm>>) dst(%arg11 : memref<2560x16xf32, #tpu.memory_space<vmem>>)
    %dma_start3A_30 = arith.constant 0 : i32
    %dma_start3A_31 = arith.constant 0 : i32
    %dma_start3A_32 = tpu.memref_slice %arg12[%dma_start3A_30, %dma_start3A_31] : memref<10112x16xf32, #tpu.memory_space<vmem_shared>> -> memref<10112x16xf32, #tpu.memory_space<vmem_shared>>
    tpu.enqueue_indirect_dma source(%arg11 : memref<2560x16xf32, #tpu.memory_space<vmem>>) target(%dma_start3A_32 : memref<10112x16xf32, #tpu.memory_space<vmem_shared>>) offsets(%arg9 : memref<2560xi32, #tpu.memory_space<vmem>>) semaphore(%arg16 : memref<!tpu.dma_semaphore, #tpu.memory_space<semaphore_mem>>) {add = true}
    %dma_wait3A_33 = arith.constant 0 : i32
    %dma_wait3A_34 = arith.constant 0 : i32
    %dma_wait3A_35 = tpu.memref_slice %arg12[%dma_wait3A_33, %dma_wait3A_34] : memref<10112x16xf32, #tpu.memory_space<vmem_shared>> -> memref<10112x16xf32, #tpu.memory_space<vmem_shared>>
    tpu.wait_indirect_dma semaphore(%arg15 : memref<!tpu.dma_semaphore, #tpu.memory_space<semaphore_mem>>) src(%arg10 : memref<2560x16xf32, #tpu.memory_space<vmem>>) dst(%dma_wait3A_35 : memref<10112x16xf32, #tpu.memory_space<vmem_shared>>)
    %add3A_36 = arith.constant 5120 : i32
    %add3A_37 = arith.addi %mul3A_12, %add3A_36 : i32
    "tpu.region"() ({
      %run_scoped3A = tpu.sem_alloc : memref<!tpu.dma_semaphore, #tpu.memory_space<semaphore_mem>>
      %dma_start3A_72 = tpu.memref_slice %arg3[%add3A_37] : memref<327680xi32, #tpu.memory_space<hbm>> -> memref<2560xi32, #tpu.memory_space<hbm>>
      %dma_start3A_73 = tpu.memref_slice %arg3[%add3A_37] : memref<327680xi32, #tpu.memory_space<hbm>> -> memref<2560xi32, #tpu.memory_space<hbm>>
      tpu.enqueue_dma source(%dma_start3A_73 : memref<2560xi32, #tpu.memory_space<hbm>>) target(%arg6 : memref<2560xi32, #tpu.memory_space<vmem>>) target_semaphore(%run_scoped3A : memref<!tpu.dma_semaphore, #tpu.memory_space<semaphore_mem>>)
      %dma_wait3A_74 = tpu.memref_slice %arg3[%add3A_37] : memref<327680xi32, #tpu.memory_space<hbm>> -> memref<2560xi32, #tpu.memory_space<hbm>>
      %dma_wait3A_75 = tpu.memref_slice %arg3[%add3A_37] : memref<327680xi32, #tpu.memory_space<hbm>> -> memref<2560xi32, #tpu.memory_space<hbm>>
      tpu.wait_dma2 semaphore(%run_scoped3A : memref<!tpu.dma_semaphore, #tpu.memory_space<semaphore_mem>>) src(%dma_wait3A_75 : memref<2560xi32, #tpu.memory_space<hbm>>) dst(%arg6 : memref<2560xi32, #tpu.memory_space<vmem>>)
      tpu.yield
    }) : () -> ()
    "tpu.region"() ({
      %run_scoped3A = tpu.sem_alloc : memref<!tpu.dma_semaphore, #tpu.memory_space<semaphore_mem>>
      %dma_start3A_72 = tpu.memref_slice %arg4[%add3A_37] : memref<327680xi32, #tpu.memory_space<hbm>> -> memref<2560xi32, #tpu.memory_space<hbm>>
      %dma_start3A_73 = tpu.memref_slice %arg4[%add3A_37] : memref<327680xi32, #tpu.memory_space<hbm>> -> memref<2560xi32, #tpu.memory_space<hbm>>
      tpu.enqueue_dma source(%dma_start3A_73 : memref<2560xi32, #tpu.memory_space<hbm>>) target(%arg8 : memref<2560xi32, #tpu.memory_space<vmem>>) target_semaphore(%run_scoped3A : memref<!tpu.dma_semaphore, #tpu.memory_space<semaphore_mem>>)
      %dma_wait3A_74 = tpu.memref_slice %arg4[%add3A_37] : memref<327680xi32, #tpu.memory_space<hbm>> -> memref<2560xi32, #tpu.memory_space<hbm>>
      %dma_wait3A_75 = tpu.memref_slice %arg4[%add3A_37] : memref<327680xi32, #tpu.memory_space<hbm>> -> memref<2560xi32, #tpu.memory_space<hbm>>
      tpu.wait_dma2 semaphore(%run_scoped3A : memref<!tpu.dma_semaphore, #tpu.memory_space<semaphore_mem>>) src(%dma_wait3A_75 : memref<2560xi32, #tpu.memory_space<hbm>>) dst(%arg8 : memref<2560xi32, #tpu.memory_space<vmem>>)
      tpu.yield
    }) : () -> ()
    %dma_start3A_38 = arith.constant 0 : i32
    %dma_start3A_39 = arith.constant 0 : i32
    %dma_start3A_40 = tpu.memref_slice %arg2[%dma_start3A_38, %dma_start3A_39] : memref<10000x16xf32, #tpu.memory_space<hbm>> -> memref<10000x16xf32, #tpu.memory_space<hbm>>
    tpu.enqueue_indirect_dma source(%dma_start3A_40 : memref<10000x16xf32, #tpu.memory_space<hbm>>) target(%arg10 : memref<2560x16xf32, #tpu.memory_space<vmem>>) offsets(%arg6 : memref<2560xi32, #tpu.memory_space<vmem>>) semaphore(%arg13 : memref<!tpu.dma_semaphore, #tpu.memory_space<semaphore_mem>>)
    %dma_wait3A_41 = arith.constant 0 : i32
    %dma_wait3A_42 = arith.constant 0 : i32
    %dma_wait3A_43 = tpu.memref_slice %arg2[%dma_wait3A_41, %dma_wait3A_42] : memref<10000x16xf32, #tpu.memory_space<hbm>> -> memref<10000x16xf32, #tpu.memory_space<hbm>>
    tpu.wait_indirect_dma semaphore(%arg13 : memref<!tpu.dma_semaphore, #tpu.memory_space<semaphore_mem>>) src(%dma_wait3A_43 : memref<10000x16xf32, #tpu.memory_space<hbm>>) dst(%arg10 : memref<2560x16xf32, #tpu.memory_space<vmem>>)
    %dma_start3A_44 = arith.constant 0 : i32
    %dma_start3A_45 = arith.constant 0 : i32
    %dma_start3A_46 = tpu.memref_slice %arg12[%dma_start3A_44, %dma_start3A_45] : memref<10112x16xf32, #tpu.memory_space<vmem_shared>> -> memref<10112x16xf32, #tpu.memory_space<vmem_shared>>
    tpu.enqueue_indirect_dma source(%arg10 : memref<2560x16xf32, #tpu.memory_space<vmem>>) target(%dma_start3A_46 : memref<10112x16xf32, #tpu.memory_space<vmem_shared>>) offsets(%arg8 : memref<2560xi32, #tpu.memory_space<vmem>>) semaphore(%arg15 : memref<!tpu.dma_semaphore, #tpu.memory_space<semaphore_mem>>) {add = true}
    %dma_wait3A_47 = arith.constant 0 : i32
    %dma_wait3A_48 = arith.constant 0 : i32
    %dma_wait3A_49 = tpu.memref_slice %arg12[%dma_wait3A_47, %dma_wait3A_48] : memref<10112x16xf32, #tpu.memory_space<vmem_shared>> -> memref<10112x16xf32, #tpu.memory_space<vmem_shared>>
    tpu.wait_indirect_dma semaphore(%arg16 : memref<!tpu.dma_semaphore, #tpu.memory_space<semaphore_mem>>) src(%arg11 : memref<2560x16xf32, #tpu.memory_space<vmem>>) dst(%dma_wait3A_49 : memref<10112x16xf32, #tpu.memory_space<vmem_shared>>)
    %add3A_50 = arith.constant 7680 : i32
    %add3A_51 = arith.addi %mul3A_12, %add3A_50 : i32
    "tpu.region"() ({
      %run_scoped3A = tpu.sem_alloc : memref<!tpu.dma_semaphore, #tpu.memory_space<semaphore_mem>>
      %dma_start3A_72 = tpu.memref_slice %arg3[%add3A_51] : memref<327680xi32, #tpu.memory_space<hbm>> -> memref<2560xi32, #tpu.memory_space<hbm>>
      %dma_start3A_73 = tpu.memref_slice %arg3[%add3A_51] : memref<327680xi32, #tpu.memory_space<hbm>> -> memref<2560xi32, #tpu.memory_space<hbm>>
      tpu.enqueue_dma source(%dma_start3A_73 : memref<2560xi32, #tpu.memory_space<hbm>>) target(%arg7 : memref<2560xi32, #tpu.memory_space<vmem>>) target_semaphore(%run_scoped3A : memref<!tpu.dma_semaphore, #tpu.memory_space<semaphore_mem>>)
      %dma_wait3A_74 = tpu.memref_slice %arg3[%add3A_51] : memref<327680xi32, #tpu.memory_space<hbm>> -> memref<2560xi32, #tpu.memory_space<hbm>>
      %dma_wait3A_75 = tpu.memref_slice %arg3[%add3A_51] : memref<327680xi32, #tpu.memory_space<hbm>> -> memref<2560xi32, #tpu.memory_space<hbm>>
      tpu.wait_dma2 semaphore(%run_scoped3A : memref<!tpu.dma_semaphore, #tpu.memory_space<semaphore_mem>>) src(%dma_wait3A_75 : memref<2560xi32, #tpu.memory_space<hbm>>) dst(%arg7 : memref<2560xi32, #tpu.memory_space<vmem>>)
      tpu.yield
    }) : () -> ()
    "tpu.region"() ({
      %run_scoped3A = tpu.sem_alloc : memref<!tpu.dma_semaphore, #tpu.memory_space<semaphore_mem>>
      %dma_start3A_72 = tpu.memref_slice %arg4[%add3A_51] : memref<327680xi32, #tpu.memory_space<hbm>> -> memref<2560xi32, #tpu.memory_space<hbm>>
      %dma_start3A_73 = tpu.memref_slice %arg4[%add3A_51] : memref<327680xi32, #tpu.memory_space<hbm>> -> memref<2560xi32, #tpu.memory_space<hbm>>
      tpu.enqueue_dma source(%dma_start3A_73 : memref<2560xi32, #tpu.memory_space<hbm>>) target(%arg9 : memref<2560xi32, #tpu.memory_space<vmem>>) target_semaphore(%run_scoped3A : memref<!tpu.dma_semaphore, #tpu.memory_space<semaphore_mem>>)
      %dma_wait3A_74 = tpu.memref_slice %arg4[%add3A_51] : memref<327680xi32, #tpu.memory_space<hbm>> -> memref<2560xi32, #tpu.memory_space<hbm>>
      %dma_wait3A_75 = tpu.memref_slice %arg4[%add3A_51] : memref<327680xi32, #tpu.memory_space<hbm>> -> memref<2560xi32, #tpu.memory_space<hbm>>
      tpu.wait_dma2 semaphore(%run_scoped3A : memref<!tpu.dma_semaphore, #tpu.memory_space<semaphore_mem>>) src(%dma_wait3A_75 : memref<2560xi32, #tpu.memory_space<hbm>>) dst(%arg9 : memref<2560xi32, #tpu.memory_space<vmem>>)
      tpu.yield
    }) : () -> ()
    %dma_start3A_52 = arith.constant 0 : i32
    %dma_start3A_53 = arith.constant 0 : i32
    %dma_start3A_54 = tpu.memref_slice %arg2[%dma_start3A_52, %dma_start3A_53] : memref<10000x16xf32, #tpu.memory_space<hbm>> -> memref<10000x16xf32, #tpu.memory_space<hbm>>
    tpu.enqueue_indirect_dma source(%dma_start3A_54 : memref<10000x16xf32, #tpu.memory_space<hbm>>) target(%arg11 : memref<2560x16xf32, #tpu.memory_space<vmem>>) offsets(%arg7 : memref<2560xi32, #tpu.memory_space<vmem>>) semaphore(%arg14 : memref<!tpu.dma_semaphore, #tpu.memory_space<semaphore_mem>>)
    %dma_wait3A_55 = arith.constant 0 : i32
    %dma_wait3A_56 = arith.constant 0 : i32
    %dma_wait3A_57 = tpu.memref_slice %arg2[%dma_wait3A_55, %dma_wait3A_56] : memref<10000x16xf32, #tpu.memory_space<hbm>> -> memref<10000x16xf32, #tpu.memory_space<hbm>>
    tpu.wait_indirect_dma semaphore(%arg14 : memref<!tpu.dma_semaphore, #tpu.memory_space<semaphore_mem>>) src(%dma_wait3A_57 : memref<10000x16xf32, #tpu.memory_space<hbm>>) dst(%arg11 : memref<2560x16xf32, #tpu.memory_space<vmem>>)
    %dma_start3A_58 = arith.constant 0 : i32
    %dma_start3A_59 = arith.constant 0 : i32
    %dma_start3A_60 = tpu.memref_slice %arg12[%dma_start3A_58, %dma_start3A_59] : memref<10112x16xf32, #tpu.memory_space<vmem_shared>> -> memref<10112x16xf32, #tpu.memory_space<vmem_shared>>
    tpu.enqueue_indirect_dma source(%arg11 : memref<2560x16xf32, #tpu.memory_space<vmem>>) target(%dma_start3A_60 : memref<10112x16xf32, #tpu.memory_space<vmem_shared>>) offsets(%arg9 : memref<2560xi32, #tpu.memory_space<vmem>>) semaphore(%arg16 : memref<!tpu.dma_semaphore, #tpu.memory_space<semaphore_mem>>) {add = true}
    %dma_wait3A_61 = arith.constant 0 : i32
    %dma_wait3A_62 = arith.constant 0 : i32
    %dma_wait3A_63 = tpu.memref_slice %arg12[%dma_wait3A_61, %dma_wait3A_62] : memref<10112x16xf32, #tpu.memory_space<vmem_shared>> -> memref<10112x16xf32, #tpu.memory_space<vmem_shared>>
    tpu.wait_indirect_dma semaphore(%arg15 : memref<!tpu.dma_semaphore, #tpu.memory_space<semaphore_mem>>) src(%arg10 : memref<2560x16xf32, #tpu.memory_space<vmem>>) dst(%dma_wait3A_63 : memref<10112x16xf32, #tpu.memory_space<vmem_shared>>)
    %dma_wait3A_64 = arith.constant 0 : i32
    %dma_wait3A_65 = arith.constant 0 : i32
    %dma_wait3A_66 = tpu.memref_slice %arg12[%dma_wait3A_64, %dma_wait3A_65] : memref<10112x16xf32, #tpu.memory_space<vmem_shared>> -> memref<10112x16xf32, #tpu.memory_space<vmem_shared>>
    tpu.wait_indirect_dma semaphore(%arg16 : memref<!tpu.dma_semaphore, #tpu.memory_space<semaphore_mem>>) src(%arg11 : memref<2560x16xf32, #tpu.memory_space<vmem>>) dst(%dma_wait3A_66 : memref<10112x16xf32, #tpu.memory_space<vmem_shared>>)
    %barrier3A_67 = arith.constant 0 : index
    tpu.barrier barrier_id(%barrier3A_67)
    %mul3A_68 = arith.constant 632 : i32
    %mul3A_69 = arith.muli %arg1, %mul3A_68 : i32
    %mul3A_70 = arith.constant 632 : i32
    %mul3A_71 = arith.muli %arg1, %mul3A_70 : i32
    "tpu.region"() ({
      %run_scoped3A = tpu.sem_alloc : memref<!tpu.dma_semaphore, #tpu.memory_space<semaphore_mem>>
      %dma_start3A_72 = arith.constant 0 : i32
      %dma_start3A_73 = tpu.memref_slice %arg5[%arg0, %mul3A_71, %dma_start3A_72] : memref<2x10112x16xf32, #tpu.memory_space<hbm>> -> memref<1x632x16xf32, #tpu.memory_space<hbm>>
      %dma_start3A_74 = tpu.memref_squeeze %dma_start3A_73 : memref<1x632x16xf32, #tpu.memory_space<hbm>> -> memref<632x16xf32, #tpu.memory_space<hbm>>
      %dma_start3A_75 = arith.constant 0 : i32
      %dma_start3A_76 = tpu.memref_slice %arg12[%mul3A_69, %dma_start3A_75] : memref<10112x16xf32, #tpu.memory_space<vmem_shared>> -> memref<632x16xf32, #tpu.memory_space<vmem_shared>>
      tpu.enqueue_dma source(%dma_start3A_76 : memref<632x16xf32, #tpu.memory_space<vmem_shared>>) target(%dma_start3A_74 : memref<632x16xf32, #tpu.memory_space<hbm>>) target_semaphore(%run_scoped3A : memref<!tpu.dma_semaphore, #tpu.memory_space<semaphore_mem>>)
      %dma_wait3A_77 = arith.constant 0 : i32
      %dma_wait3A_78 = tpu.memref_slice %arg5[%arg0, %mul3A_71, %dma_wait3A_77] : memref<2x10112x16xf32, #tpu.memory_space<hbm>> -> memref<1x632x16xf32, #tpu.memory_space<hbm>>
      %dma_wait3A_79 = tpu.memref_squeeze %dma_wait3A_78 : memref<1x632x16xf32, #tpu.memory_space<hbm>> -> memref<632x16xf32, #tpu.memory_space<hbm>>
      %dma_wait3A_80 = arith.constant 0 : i32
      %dma_wait3A_81 = tpu.memref_slice %arg12[%mul3A_69, %dma_wait3A_80] : memref<10112x16xf32, #tpu.memory_space<vmem_shared>> -> memref<632x16xf32, #tpu.memory_space<vmem_shared>>
      tpu.wait_dma2 semaphore(%run_scoped3A : memref<!tpu.dma_semaphore, #tpu.memory_space<semaphore_mem>>) src(%dma_wait3A_81 : memref<632x16xf32, #tpu.memory_space<vmem_shared>>) dst(%dma_wait3A_79 : memref<632x16xf32, #tpu.memory_space<hbm>>)
      tpu.yield
    }) : () -> ()
    return
  }
}

#map = affine_map<(d0, d1) -> (0, 0)>
#map1 = affine_map<(d0, d1) -> (0)>
#map2 = affine_map<(d0, d1) -> (0, 0, 0)>
module attributes {stable_mosaic.version = 14 : i64} {
  func.func @body(%arg0: i32, %arg1: i32, %arg2: memref<10000x16xf32, #tpu.memory_space<hbm>>, %arg3: memref<327680xi32, #tpu.memory_space<hbm>>, %arg4: memref<327680xi32, #tpu.memory_space<hbm>>, %arg5: memref<2x10112x16xf32, #tpu.memory_space<hbm>>, %arg6: memref<2560xi32, #tpu.memory_space<vmem>>, %arg7: memref<2560xi32, #tpu.memory_space<vmem>>, %arg8: memref<2560xi32, #tpu.memory_space<vmem>>, %arg9: memref<2560xi32, #tpu.memory_space<vmem>>, %arg10: memref<2560x16xf32, #tpu.memory_space<vmem>>, %arg11: memref<2560x16xf32, #tpu.memory_space<vmem>>, %arg12: memref<10112x16xf32, #tpu.memory_space<vmem_shared>>, %arg13: memref<!tpu.dma_semaphore, #tpu.memory_space<semaphore_mem>>, %arg14: memref<!tpu.dma_semaphore, #tpu.memory_space<semaphore_mem>>, %arg15: memref<!tpu.dma_semaphore, #tpu.memory_space<semaphore_mem>>, %arg16: memref<!tpu.dma_semaphore, #tpu.memory_space<semaphore_mem>>) attributes {dimension_semantics = [#tpu.dimension_semantics<core_parallel>, #tpu.dimension_semantics<subcore_parallel>], iteration_bounds = array<i64: 2, 16>, scalar_prefetch = 0 : i64, scratch_operands = 11 : i64, tpu.core_type = #tpu.core_type<sc_vector_subcore>, window_params = [{transform_indices = #map}, {transform_indices = #map1}, {transform_indices = #map1}, {transform_indices = #map2}]} {
    %scan3A = arith.constant 0 : i32
    %scan3A_0 = arith.constant 0 : i32
    %scan3A_1 = arith.constant 632 : i32
    %scan3A_2 = arith.addi %scan3A_0, %scan3A_1 : i32
    %scan3A_3 = arith.constant 1 : i32
    %scan3A_4 = scf.for %scan3A_72 = %scan3A_0 to %scan3A_2 step %scan3A_3 iter_args(%scan3A_73 = %scan3A) -> (i32)  : i32 {
      %broadcast_in_dim3A = arith.constant 0.000000e+00 : f32
      %broadcast_in_dim3A_74 = vector.broadcast %broadcast_in_dim3A : f32 to vector<16xf32>
      %swap3A = arith.index_cast %scan3A_72 : i32 to index
      %swap3A_75 = arith.constant 0 : index
      %swap3A_76 = tpu.vector_load %arg10[%swap3A, %swap3A_75] {strides = array<i32>} : memref<2560x16xf32, #tpu.memory_space<vmem>>, vector<1x16xf32>,
      %swap3A_77 = vector.shape_cast %swap3A_76 : vector<1x16xf32> to vector<16xf32>
      %swap3A_78 = vector.shape_cast %broadcast_in_dim3A_74 : vector<16xf32> to vector<1x16xf32>
      tpu.vector_store %arg10[%swap3A, %swap3A_75], %swap3A_78 {strides = array<i32>} : memref<2560x16xf32, #tpu.memory_space<vmem>>, vector<1x16xf32>,
      %scan3A_79 = arith.constant 0 : i32
      scf.yield %scan3A_79 : i32
    }
    %scan3A_5 = arith.constant 632 : i32
    %mul3A = arith.constant 632 : i32
    %mul3A_6 = arith.muli %arg1, %mul3A : i32
    %add3A = arith.constant 0 : i32
    %add3A_7 = arith.addi %mul3A_6, %add3A : i32
    "tpu.region"() ({
      %run_scoped3A = tpu.sem_alloc : memref<!tpu.dma_semaphore, #tpu.memory_space<semaphore_mem>>
      %dma_start3A_72 = arith.constant 0 : i32
      %dma_start3A_73 = arith.constant 0 : i32
      %dma_start3A_74 = tpu.memref_slice %arg10[%dma_start3A_72, %dma_start3A_73] : memref<2560x16xf32, #tpu.memory_space<vmem>> -> memref<632x16xf32, #tpu.memory_space<vmem>>
      %dma_start3A_75 = arith.constant 0 : i32
      %dma_start3A_76 = tpu.memref_slice %arg12[%add3A_7, %dma_start3A_75] : memref<10112x16xf32, #tpu.memory_space<vmem_shared>> -> memref<632x16xf32, #tpu.memory_space<vmem_shared>>
      %dma_start3A_77 = arith.constant 0 : i32
      %dma_start3A_78 = tpu.memref_slice %arg12[%add3A_7, %dma_start3A_77] : memref<10112x16xf32, #tpu.memory_space<vmem_shared>> -> memref<632x16xf32, #tpu.memory_space<vmem_shared>>
      %dma_start3A_79 = arith.constant 0 : i32
      %dma_start3A_80 = arith.constant 0 : i32
      %dma_start3A_81 = tpu.memref_slice %arg10[%dma_start3A_79, %dma_start3A_80] : memref<2560x16xf32, #tpu.memory_space<vmem>> -> memref<632x16xf32, #tpu.memory_space<vmem>>
      tpu.enqueue_dma source(%dma_start3A_81 : memref<632x16xf32, #tpu.memory_space<vmem>>) target(%dma_start3A_78 : memref<632x16xf32, #tpu.memory_space<vmem_shared>>) target_semaphore(%run_scoped3A : memref<!tpu.dma_semaphore, #tpu.memory_space<semaphore_mem>>)
      %dma_wait3A_82 = arith.constant 0 : i32
      %dma_wait3A_83 = arith.constant 0 : i32
      %dma_wait3A_84 = tpu.memref_slice %arg10[%dma_wait3A_82, %dma_wait3A_83] : memref<2560x16xf32, #tpu.memory_space<vmem>> -> memref<632x16xf32, #tpu.memory_space<vmem>>
      %dma_wait3A_85 = arith.constant 0 : i32
      %dma_wait3A_86 = tpu.memref_slice %arg12[%add3A_7, %dma_wait3A_85] : memref<10112x16xf32, #tpu.memory_space<vmem_shared>> -> memref<632x16xf32, #tpu.memory_space<vmem_shared>>
      %dma_wait3A_87 = arith.constant 0 : i32
      %dma_wait3A_88 = tpu.memref_slice %arg12[%add3A_7, %dma_wait3A_87] : memref<10112x16xf32, #tpu.memory_space<vmem_shared>> -> memref<632x16xf32, #tpu.memory_space<vmem_shared>>
      %dma_wait3A_89 = arith.constant 0 : i32
      %dma_wait3A_90 = arith.constant 0 : i32
      %dma_wait3A_91 = tpu.memref_slice %arg10[%dma_wait3A_89, %dma_wait3A_90] : memref<2560x16xf32, #tpu.memory_space<vmem>> -> memref<632x16xf32, #tpu.memory_space<vmem>>
      tpu.wait_dma2 semaphore(%run_scoped3A : memref<!tpu.dma_semaphore, #tpu.memory_space<semaphore_mem>>) src(%dma_wait3A_91 : memref<632x16xf32, #tpu.memory_space<vmem>>) dst(%dma_wait3A_88 : memref<632x16xf32, #tpu.memory_space<vmem_shared>>)
      tpu.yield
    }) : () -> ()
    %barrier3A = arith.constant 0 : index
    tpu.barrier barrier_id(%barrier3A)
    %mul3A_8 = arith.constant 16 : i32
    %mul3A_9 = arith.muli %arg0, %mul3A_8 : i32
    %add3A_10 = arith.addi %mul3A_9, %arg1 : i32
    %mul3A_11 = arith.constant 10240 : i32
    %mul3A_12 = arith.muli %add3A_10, %mul3A_11 : i32
    %add3A_13 = arith.constant 0 : i32
    %add3A_14 = arith.addi %mul3A_12, %add3A_13 : i32
    "tpu.region"() ({
      %run_scoped3A = tpu.sem_alloc : memref<!tpu.dma_semaphore, #tpu.memory_space<semaphore_mem>>
      %dma_start3A_72 = tpu.memref_slice %arg3[%add3A_14] : memref<327680xi32, #tpu.memory_space<hbm>> -> memref<2560xi32, #tpu.memory_space<hbm>>
      %dma_start3A_73 = tpu.memref_slice %arg3[%add3A_14] : memref<327680xi32, #tpu.memory_space<hbm>> -> memref<2560xi32, #tpu.memory_space<hbm>>
      tpu.enqueue_dma source(%dma_start3A_73 : memref<2560xi32, #tpu.memory_space<hbm>>) target(%arg6 : memref<2560xi32, #tpu.memory_space<vmem>>) target_semaphore(%run_scoped3A : memref<!tpu.dma_semaphore, #tpu.memory_space<semaphore_mem>>)
      %dma_wait3A_74 = tpu.memref_slice %arg3[%add3A_14] : memref<327680xi32, #tpu.memory_space<hbm>> -> memref<2560xi32, #tpu.memory_space<hbm>>
      %dma_wait3A_75 = tpu.memref_slice %arg3[%add3A_14] : memref<327680xi32, #tpu.memory_space<hbm>> -> memref<2560xi32, #tpu.memory_space<hbm>>
      tpu.wait_dma2 semaphore(%run_scoped3A : memref<!tpu.dma_semaphore, #tpu.memory_space<semaphore_mem>>) src(%dma_wait3A_75 : memref<2560xi32, #tpu.memory_space<hbm>>) dst(%arg6 : memref<2560xi32, #tpu.memory_space<vmem>>)
      tpu.yield
    }) : () -> ()
    "tpu.region"() ({
      %run_scoped3A = tpu.sem_alloc : memref<!tpu.dma_semaphore, #tpu.memory_space<semaphore_mem>>
      %dma_start3A_72 = tpu.memref_slice %arg4[%add3A_14] : memref<327680xi32, #tpu.memory_space<hbm>> -> memref<2560xi32, #tpu.memory_space<hbm>>
      %dma_start3A_73 = tpu.memref_slice %arg4[%add3A_14] : memref<327680xi32, #tpu.memory_space<hbm>> -> memref<2560xi32, #tpu.memory_space<hbm>>
      tpu.enqueue_dma source(%dma_start3A_73 : memref<2560xi32, #tpu.memory_space<hbm>>) target(%arg8 : memref<2560xi32, #tpu.memory_space<vmem>>) target_semaphore(%run_scoped3A : memref<!tpu.dma_semaphore, #tpu.memory_space<semaphore_mem>>)
      %dma_wait3A_74 = tpu.memref_slice %arg4[%add3A_14] : memref<327680xi32, #tpu.memory_space<hbm>> -> memref<2560xi32, #tpu.memory_space<hbm>>
      %dma_wait3A_75 = tpu.memref_slice %arg4[%add3A_14] : memref<327680xi32, #tpu.memory_space<hbm>> -> memref<2560xi32, #tpu.memory_space<hbm>>
      tpu.wait_dma2 semaphore(%run_scoped3A : memref<!tpu.dma_semaphore, #tpu.memory_space<semaphore_mem>>) src(%dma_wait3A_75 : memref<2560xi32, #tpu.memory_space<hbm>>) dst(%arg8 : memref<2560xi32, #tpu.memory_space<vmem>>)
      tpu.yield
    }) : () -> ()
    %dma_start3A = arith.constant 0 : i32
    %dma_start3A_15 = arith.constant 0 : i32
    %dma_start3A_16 = tpu.memref_slice %arg2[%dma_start3A, %dma_start3A_15] : memref<10000x16xf32, #tpu.memory_space<hbm>> -> memref<10000x16xf32, #tpu.memory_space<hbm>>
    tpu.enqueue_indirect_dma source(%dma_start3A_16 : memref<10000x16xf32, #tpu.memory_space<hbm>>) target(%arg10 : memref<2560x16xf32, #tpu.memory_space<vmem>>) offsets(%arg6 : memref<2560xi32, #tpu.memory_space<vmem>>) semaphore(%arg13 : memref<!tpu.dma_semaphore, #tpu.memory_space<semaphore_mem>>)
    %dma_wait3A = arith.constant 0 : i32
    %dma_wait3A_17 = arith.constant 0 : i32
    %dma_wait3A_18 = tpu.memref_slice %arg2[%dma_wait3A, %dma_wait3A_17] : memref<10000x16xf32, #tpu.memory_space<hbm>> -> memref<10000x16xf32, #tpu.memory_space<hbm>>
    tpu.wait_indirect_dma semaphore(%arg13 : memref<!tpu.dma_semaphore, #tpu.memory_space<semaphore_mem>>) src(%dma_wait3A_18 : memref<10000x16xf32, #tpu.memory_space<hbm>>) dst(%arg10 : memref<2560x16xf32, #tpu.memory_space<vmem>>)
    %dma_start3A_19 = arith.constant 0 : i32
    %dma_start3A_20 = arith.constant 0 : i32
    %dma_start3A_21 = tpu.memref_slice %arg12[%dma_start3A_19, %dma_start3A_20] : memref<10112x16xf32, #tpu.memory_space<vmem_shared>> -> memref<10112x16xf32, #tpu.memory_space<vmem_shared>>
    tpu.enqueue_indirect_dma source(%arg10 : memref<2560x16xf32, #tpu.memory_space<vmem>>) target(%dma_start3A_21 : memref<10112x16xf32, #tpu.memory_space<vmem_shared>>) offsets(%arg8 : memref<2560xi32, #tpu.memory_space<vmem>>) semaphore(%arg15 : memref<!tpu.dma_semaphore, #tpu.memory_space<semaphore_mem>>) {add = true}
    %add3A_22 = arith.constant 2560 : i32
    %add3A_23 = arith.addi %mul3A_12, %add3A_22 : i32
    "tpu.region"() ({
      %run_scoped3A = tpu.sem_alloc : memref<!tpu.dma_semaphore, #tpu.memory_space<semaphore_mem>>
      %dma_start3A_72 = tpu.memref_slice %arg3[%add3A_23] : memref<327680xi32, #tpu.memory_space<hbm>> -> memref<2560xi32, #tpu.memory_space<hbm>>
      %dma_start3A_73 = tpu.memref_slice %arg3[%add3A_23] : memref<327680xi32, #tpu.memory_space<hbm>> -> memref<2560xi32, #tpu.memory_space<hbm>>
      tpu.enqueue_dma source(%dma_start3A_73 : memref<2560xi32, #tpu.memory_space<hbm>>) target(%arg7 : memref<2560xi32, #tpu.memory_space<vmem>>) target_semaphore(%run_scoped3A : memref<!tpu.dma_semaphore, #tpu.memory_space<semaphore_mem>>)
      %dma_wait3A_74 = tpu.memref_slice %arg3[%add3A_23] : memref<327680xi32, #tpu.memory_space<hbm>> -> memref<2560xi32, #tpu.memory_space<hbm>>
      %dma_wait3A_75 = tpu.memref_slice %arg3[%add3A_23] : memref<327680xi32, #tpu.memory_space<hbm>> -> memref<2560xi32, #tpu.memory_space<hbm>>
      tpu.wait_dma2 semaphore(%run_scoped3A : memref<!tpu.dma_semaphore, #tpu.memory_space<semaphore_mem>>) src(%dma_wait3A_75 : memref<2560xi32, #tpu.memory_space<hbm>>) dst(%arg7 : memref<2560xi32, #tpu.memory_space<vmem>>)
      tpu.yield
    }) : () -> ()
    "tpu.region"() ({
      %run_scoped3A = tpu.sem_alloc : memref<!tpu.dma_semaphore, #tpu.memory_space<semaphore_mem>>
      %dma_start3A_72 = tpu.memref_slice %arg4[%add3A_23] : memref<327680xi32, #tpu.memory_space<hbm>> -> memref<2560xi32, #tpu.memory_space<hbm>>
      %dma_start3A_73 = tpu.memref_slice %arg4[%add3A_23] : memref<327680xi32, #tpu.memory_space<hbm>> -> memref<2560xi32, #tpu.memory_space<hbm>>
      tpu.enqueue_dma source(%dma_start3A_73 : memref<2560xi32, #tpu.memory_space<hbm>>) target(%arg9 : memref<2560xi32, #tpu.memory_space<vmem>>) target_semaphore(%run_scoped3A : memref<!tpu.dma_semaphore, #tpu.memory_space<semaphore_mem>>)
      %dma_wait3A_74 = tpu.memref_slice %arg4[%add3A_23] : memref<327680xi32, #tpu.memory_space<hbm>> -> memref<2560xi32, #tpu.memory_space<hbm>>
      %dma_wait3A_75 = tpu.memref_slice %arg4[%add3A_23] : memref<327680xi32, #tpu.memory_space<hbm>> -> memref<2560xi32, #tpu.memory_space<hbm>>
      tpu.wait_dma2 semaphore(%run_scoped3A : memref<!tpu.dma_semaphore, #tpu.memory_space<semaphore_mem>>) src(%dma_wait3A_75 : memref<2560xi32, #tpu.memory_space<hbm>>) dst(%arg9 : memref<2560xi32, #tpu.memory_space<vmem>>)
      tpu.yield
    }) : () -> ()
    %dma_start3A_24 = arith.constant 0 : i32
    %dma_start3A_25 = arith.constant 0 : i32
    %dma_start3A_26 = tpu.memref_slice %arg2[%dma_start3A_24, %dma_start3A_25] : memref<10000x16xf32, #tpu.memory_space<hbm>> -> memref<10000x16xf32, #tpu.memory_space<hbm>>
    tpu.enqueue_indirect_dma source(%dma_start3A_26 : memref<10000x16xf32, #tpu.memory_space<hbm>>) target(%arg11 : memref<2560x16xf32, #tpu.memory_space<vmem>>) offsets(%arg7 : memref<2560xi32, #tpu.memory_space<vmem>>) semaphore(%arg14 : memref<!tpu.dma_semaphore, #tpu.memory_space<semaphore_mem>>)
    %dma_wait3A_27 = arith.constant 0 : i32
    %dma_wait3A_28 = arith.constant 0 : i32
    %dma_wait3A_29 = tpu.memref_slice %arg2[%dma_wait3A_27, %dma_wait3A_28] : memref<10000x16xf32, #tpu.memory_space<hbm>> -> memref<10000x16xf32, #tpu.memory_space<hbm>>
    tpu.wait_indirect_dma semaphore(%arg14 : memref<!tpu.dma_semaphore, #tpu.memory_space<semaphore_mem>>) src(%dma_wait3A_29 : memref<10000x16xf32, #tpu.memory_space<hbm>>) dst(%arg11 : memref<2560x16xf32, #tpu.memory_space<vmem>>)
    %dma_start3A_30 = arith.constant 0 : i32
    %dma_start3A_31 = arith.constant 0 : i32
    %dma_start3A_32 = tpu.memref_slice %arg12[%dma_start3A_30, %dma_start3A_31] : memref<10112x16xf32, #tpu.memory_space<vmem_shared>> -> memref<10112x16xf32, #tpu.memory_space<vmem_shared>>
    tpu.enqueue_indirect_dma source(%arg11 : memref<2560x16xf32, #tpu.memory_space<vmem>>) target(%dma_start3A_32 : memref<10112x16xf32, #tpu.memory_space<vmem_shared>>) offsets(%arg9 : memref<2560xi32, #tpu.memory_space<vmem>>) semaphore(%arg16 : memref<!tpu.dma_semaphore, #tpu.memory_space<semaphore_mem>>) {add = true}
    %dma_wait3A_33 = arith.constant 0 : i32
    %dma_wait3A_34 = arith.constant 0 : i32
    %dma_wait3A_35 = tpu.memref_slice %arg12[%dma_wait3A_33, %dma_wait3A_34] : memref<10112x16xf32, #tpu.memory_space<vmem_shared>> -> memref<10112x16xf32, #tpu.memory_space<vmem_shared>>
    tpu.wait_indirect_dma semaphore(%arg15 : memref<!tpu.dma_semaphore, #tpu.memory_space<semaphore_mem>>) src(%arg10 : memref<2560x16xf32, #tpu.memory_space<vmem>>) dst(%dma_wait3A_35 : memref<10112x16xf32, #tpu.memory_space<vmem_shared>>)
    %add3A_36 = arith.constant 5120 : i32
    %add3A_37 = arith.addi %mul3A_12, %add3A_36 : i32
    "tpu.region"() ({
      %run_scoped3A = tpu.sem_alloc : memref<!tpu.dma_semaphore, #tpu.memory_space<semaphore_mem>>
      %dma_start3A_72 = tpu.memref_slice %arg3[%add3A_37] : memref<327680xi32, #tpu.memory_space<hbm>> -> memref<2560xi32, #tpu.memory_space<hbm>>
      %dma_start3A_73 = tpu.memref_slice %arg3[%add3A_37] : memref<327680xi32, #tpu.memory_space<hbm>> -> memref<2560xi32, #tpu.memory_space<hbm>>
      tpu.enqueue_dma source(%dma_start3A_73 : memref<2560xi32, #tpu.memory_space<hbm>>) target(%arg6 : memref<2560xi32, #tpu.memory_space<vmem>>) target_semaphore(%run_scoped3A : memref<!tpu.dma_semaphore, #tpu.memory_space<semaphore_mem>>)
      %dma_wait3A_74 = tpu.memref_slice %arg3[%add3A_37] : memref<327680xi32, #tpu.memory_space<hbm>> -> memref<2560xi32, #tpu.memory_space<hbm>>
      %dma_wait3A_75 = tpu.memref_slice %arg3[%add3A_37] : memref<327680xi32, #tpu.memory_space<hbm>> -> memref<2560xi32, #tpu.memory_space<hbm>>
      tpu.wait_dma2 semaphore(%run_scoped3A : memref<!tpu.dma_semaphore, #tpu.memory_space<semaphore_mem>>) src(%dma_wait3A_75 : memref<2560xi32, #tpu.memory_space<hbm>>) dst(%arg6 : memref<2560xi32, #tpu.memory_space<vmem>>)
      tpu.yield
    }) : () -> ()
    "tpu.region"() ({
      %run_scoped3A = tpu.sem_alloc : memref<!tpu.dma_semaphore, #tpu.memory_space<semaphore_mem>>
      %dma_start3A_72 = tpu.memref_slice %arg4[%add3A_37] : memref<327680xi32, #tpu.memory_space<hbm>> -> memref<2560xi32, #tpu.memory_space<hbm>>
      %dma_start3A_73 = tpu.memref_slice %arg4[%add3A_37] : memref<327680xi32, #tpu.memory_space<hbm>> -> memref<2560xi32, #tpu.memory_space<hbm>>
      tpu.enqueue_dma source(%dma_start3A_73 : memref<2560xi32, #tpu.memory_space<hbm>>) target(%arg8 : memref<2560xi32, #tpu.memory_space<vmem>>) target_semaphore(%run_scoped3A : memref<!tpu.dma_semaphore, #tpu.memory_space<semaphore_mem>>)
      %dma_wait3A_74 = tpu.memref_slice %arg4[%add3A_37] : memref<327680xi32, #tpu.memory_space<hbm>> -> memref<2560xi32, #tpu.memory_space<hbm>>
      %dma_wait3A_75 = tpu.memref_slice %arg4[%add3A_37] : memref<327680xi32, #tpu.memory_space<hbm>> -> memref<2560xi32, #tpu.memory_space<hbm>>
      tpu.wait_dma2 semaphore(%run_scoped3A : memref<!tpu.dma_semaphore, #tpu.memory_space<semaphore_mem>>) src(%dma_wait3A_75 : memref<2560xi32, #tpu.memory_space<hbm>>) dst(%arg8 : memref<2560xi32, #tpu.memory_space<vmem>>)
      tpu.yield
    }) : () -> ()
    %dma_start3A_38 = arith.constant 0 : i32
    %dma_start3A_39 = arith.constant 0 : i32
    %dma_start3A_40 = tpu.memref_slice %arg2[%dma_start3A_38, %dma_start3A_39] : memref<10000x16xf32, #tpu.memory_space<hbm>> -> memref<10000x16xf32, #tpu.memory_space<hbm>>
    tpu.enqueue_indirect_dma source(%dma_start3A_40 : memref<10000x16xf32, #tpu.memory_space<hbm>>) target(%arg10 : memref<2560x16xf32, #tpu.memory_space<vmem>>) offsets(%arg6 : memref<2560xi32, #tpu.memory_space<vmem>>) semaphore(%arg13 : memref<!tpu.dma_semaphore, #tpu.memory_space<semaphore_mem>>)
    %dma_wait3A_41 = arith.constant 0 : i32
    %dma_wait3A_42 = arith.constant 0 : i32
    %dma_wait3A_43 = tpu.memref_slice %arg2[%dma_wait3A_41, %dma_wait3A_42] : memref<10000x16xf32, #tpu.memory_space<hbm>> -> memref<10000x16xf32, #tpu.memory_space<hbm>>
    tpu.wait_indirect_dma semaphore(%arg13 : memref<!tpu.dma_semaphore, #tpu.memory_space<semaphore_mem>>) src(%dma_wait3A_43 : memref<10000x16xf32, #tpu.memory_space<hbm>>) dst(%arg10 : memref<2560x16xf32, #tpu.memory_space<vmem>>)
    %dma_start3A_44 = arith.constant 0 : i32
    %dma_start3A_45 = arith.constant 0 : i32
    %dma_start3A_46 = tpu.memref_slice %arg12[%dma_start3A_44, %dma_start3A_45] : memref<10112x16xf32, #tpu.memory_space<vmem_shared>> -> memref<10112x16xf32, #tpu.memory_space<vmem_shared>>
    tpu.enqueue_indirect_dma source(%arg10 : memref<2560x16xf32, #tpu.memory_space<vmem>>) target(%dma_start3A_46 : memref<10112x16xf32, #tpu.memory_space<vmem_shared>>) offsets(%arg8 : memref<2560xi32, #tpu.memory_space<vmem>>) semaphore(%arg15 : memref<!tpu.dma_semaphore, #tpu.memory_space<semaphore_mem>>) {add = true}
    %dma_wait3A_47 = arith.constant 0 : i32
    %dma_wait3A_48 = arith.constant 0 : i32
    %dma_wait3A_49 = tpu.memref_slice %arg12[%dma_wait3A_47, %dma_wait3A_48] : memref<10112x16xf32, #tpu.memory_space<vmem_shared>> -> memref<10112x16xf32, #tpu.memory_space<vmem_shared>>
    tpu.wait_indirect_dma semaphore(%arg16 : memref<!tpu.dma_semaphore, #tpu.memory_space<semaphore_mem>>) src(%arg11 : memref<2560x16xf32, #tpu.memory_space<vmem>>) dst(%dma_wait3A_49 : memref<10112x16xf32, #tpu.memory_space<vmem_shared>>)
    %add3A_50 = arith.constant 7680 : i32
    %add3A_51 = arith.addi %mul3A_12, %add3A_50 : i32
    "tpu.region"() ({
      %run_scoped3A = tpu.sem_alloc : memref<!tpu.dma_semaphore, #tpu.memory_space<semaphore_mem>>
      %dma_start3A_72 = tpu.memref_slice %arg3[%add3A_51] : memref<327680xi32, #tpu.memory_space<hbm>> -> memref<2560xi32, #tpu.memory_space<hbm>>
      %dma_start3A_73 = tpu.memref_slice %arg3[%add3A_51] : memref<327680xi32, #tpu.memory_space<hbm>> -> memref<2560xi32, #tpu.memory_space<hbm>>
      tpu.enqueue_dma source(%dma_start3A_73 : memref<2560xi32, #tpu.memory_space<hbm>>) target(%arg7 : memref<2560xi32, #tpu.memory_space<vmem>>) target_semaphore(%run_scoped3A : memref<!tpu.dma_semaphore, #tpu.memory_space<semaphore_mem>>)
      %dma_wait3A_74 = tpu.memref_slice %arg3[%add3A_51] : memref<327680xi32, #tpu.memory_space<hbm>> -> memref<2560xi32, #tpu.memory_space<hbm>>
      %dma_wait3A_75 = tpu.memref_slice %arg3[%add3A_51] : memref<327680xi32, #tpu.memory_space<hbm>> -> memref<2560xi32, #tpu.memory_space<hbm>>
      tpu.wait_dma2 semaphore(%run_scoped3A : memref<!tpu.dma_semaphore, #tpu.memory_space<semaphore_mem>>) src(%dma_wait3A_75 : memref<2560xi32, #tpu.memory_space<hbm>>) dst(%arg7 : memref<2560xi32, #tpu.memory_space<vmem>>)
      tpu.yield
    }) : () -> ()
    "tpu.region"() ({
      %run_scoped3A = tpu.sem_alloc : memref<!tpu.dma_semaphore, #tpu.memory_space<semaphore_mem>>
      %dma_start3A_72 = tpu.memref_slice %arg4[%add3A_51] : memref<327680xi32, #tpu.memory_space<hbm>> -> memref<2560xi32, #tpu.memory_space<hbm>>
      %dma_start3A_73 = tpu.memref_slice %arg4[%add3A_51] : memref<327680xi32, #tpu.memory_space<hbm>> -> memref<2560xi32, #tpu.memory_space<hbm>>
      tpu.enqueue_dma source(%dma_start3A_73 : memref<2560xi32, #tpu.memory_space<hbm>>) target(%arg9 : memref<2560xi32, #tpu.memory_space<vmem>>) target_semaphore(%run_scoped3A : memref<!tpu.dma_semaphore, #tpu.memory_space<semaphore_mem>>)
      %dma_wait3A_74 = tpu.memref_slice %arg4[%add3A_51] : memref<327680xi32, #tpu.memory_space<hbm>> -> memref<2560xi32, #tpu.memory_space<hbm>>
      %dma_wait3A_75 = tpu.memref_slice %arg4[%add3A_51] : memref<327680xi32, #tpu.memory_space<hbm>> -> memref<2560xi32, #tpu.memory_space<hbm>>
      tpu.wait_dma2 semaphore(%run_scoped3A : memref<!tpu.dma_semaphore, #tpu.memory_space<semaphore_mem>>) src(%dma_wait3A_75 : memref<2560xi32, #tpu.memory_space<hbm>>) dst(%arg9 : memref<2560xi32, #tpu.memory_space<vmem>>)
      tpu.yield
    }) : () -> ()
    %dma_start3A_52 = arith.constant 0 : i32
    %dma_start3A_53 = arith.constant 0 : i32
    %dma_start3A_54 = tpu.memref_slice %arg2[%dma_start3A_52, %dma_start3A_53] : memref<10000x16xf32, #tpu.memory_space<hbm>> -> memref<10000x16xf32, #tpu.memory_space<hbm>>
    tpu.enqueue_indirect_dma source(%dma_start3A_54 : memref<10000x16xf32, #tpu.memory_space<hbm>>) target(%arg11 : memref<2560x16xf32, #tpu.memory_space<vmem>>) offsets(%arg7 : memref<2560xi32, #tpu.memory_space<vmem>>) semaphore(%arg14 : memref<!tpu.dma_semaphore, #tpu.memory_space<semaphore_mem>>)
    %dma_wait3A_55 = arith.constant 0 : i32
    %dma_wait3A_56 = arith.constant 0 : i32
    %dma_wait3A_57 = tpu.memref_slice %arg2[%dma_wait3A_55, %dma_wait3A_56] : memref<10000x16xf32, #tpu.memory_space<hbm>> -> memref<10000x16xf32, #tpu.memory_space<hbm>>
    tpu.wait_indirect_dma semaphore(%arg14 : memref<!tpu.dma_semaphore, #tpu.memory_space<semaphore_mem>>) src(%dma_wait3A_57 : memref<10000x16xf32, #tpu.memory_space<hbm>>) dst(%arg11 : memref<2560x16xf32, #tpu.memory_space<vmem>>)
    %dma_start3A_58 = arith.constant 0 : i32
    %dma_start3A_59 = arith.constant 0 : i32
    %dma_start3A_60 = tpu.memref_slice %arg12[%dma_start3A_58, %dma_start3A_59] : memref<10112x16xf32, #tpu.memory_space<vmem_shared>> -> memref<10112x16xf32, #tpu.memory_space<vmem_shared>>
    tpu.enqueue_indirect_dma source(%arg11 : memref<2560x16xf32, #tpu.memory_space<vmem>>) target(%dma_start3A_60 : memref<10112x16xf32, #tpu.memory_space<vmem_shared>>) offsets(%arg9 : memref<2560xi32, #tpu.memory_space<vmem>>) semaphore(%arg16 : memref<!tpu.dma_semaphore, #tpu.memory_space<semaphore_mem>>) {add = true}
    %dma_wait3A_61 = arith.constant 0 : i32
    %dma_wait3A_62 = arith.constant 0 : i32
    %dma_wait3A_63 = tpu.memref_slice %arg12[%dma_wait3A_61, %dma_wait3A_62] : memref<10112x16xf32, #tpu.memory_space<vmem_shared>> -> memref<10112x16xf32, #tpu.memory_space<vmem_shared>>
    tpu.wait_indirect_dma semaphore(%arg15 : memref<!tpu.dma_semaphore, #tpu.memory_space<semaphore_mem>>) src(%arg10 : memref<2560x16xf32, #tpu.memory_space<vmem>>) dst(%dma_wait3A_63 : memref<10112x16xf32, #tpu.memory_space<vmem_shared>>)
    %dma_wait3A_64 = arith.constant 0 : i32
    %dma_wait3A_65 = arith.constant 0 : i32
    %dma_wait3A_66 = tpu.memref_slice %arg12[%dma_wait3A_64, %dma_wait3A_65] : memref<10112x16xf32, #tpu.memory_space<vmem_shared>> -> memref<10112x16xf32, #tpu.memory_space<vmem_shared>>
    tpu.wait_indirect_dma semaphore(%arg16 : memref<!tpu.dma_semaphore, #tpu.memory_space<semaphore_mem>>) src(%arg11 : memref<2560x16xf32, #tpu.memory_space<vmem>>) dst(%dma_wait3A_66 : memref<10112x16xf32, #tpu.memory_space<vmem_shared>>)
    %barrier3A_67 = arith.constant 0 : index
    tpu.barrier barrier_id(%barrier3A_67)
    %mul3A_68 = arith.constant 632 : i32
    %mul3A_69 = arith.muli %arg1, %mul3A_68 : i32
    %mul3A_70 = arith.constant 632 : i32
    %mul3A_71 = arith.muli %arg1, %mul3A_70 : i32
    "tpu.region"() ({
      %run_scoped3A = tpu.sem_alloc : memref<!tpu.dma_semaphore, #tpu.memory_space<semaphore_mem>>
      %dma_start3A_72 = arith.constant 0 : i32
      %dma_start3A_73 = tpu.memref_slice %arg5[%arg0, %mul3A_71, %dma_start3A_72] : memref<2x10112x16xf32, #tpu.memory_space<hbm>> -> memref<1x632x16xf32, #tpu.memory_space<hbm>>
      %dma_start3A_74 = tpu.memref_squeeze %dma_start3A_73 : memref<1x632x16xf32, #tpu.memory_space<hbm>> -> memref<632x16xf32, #tpu.memory_space<hbm>>
      %dma_start3A_75 = arith.constant 0 : i32
      %dma_start3A_76 = tpu.memref_slice %arg12[%mul3A_69, %dma_start3A_75] : memref<10112x16xf32, #tpu.memory_space<vmem_shared>> -> memref<632x16xf32, #tpu.memory_space<vmem_shared>>
      tpu.enqueue_dma source(%dma_start3A_76 : memref<632x16xf32, #tpu.memory_space<vmem_shared>>) target(%dma_start3A_74 : memref<632x16xf32, #tpu.memory_space<hbm>>) target_semaphore(%run_scoped3A : memref<!tpu.dma_semaphore, #tpu.memory_space<semaphore_mem>>)
      %dma_wait3A_77 = arith.constant 0 : i32
      %dma_wait3A_78 = tpu.memref_slice %arg5[%arg0, %mul3A_71, %dma_wait3A_77] : memref<2x10112x16xf32, #tpu.memory_space<hbm>> -> memref<1x632x16xf32, #tpu.memory_space<hbm>>
      %dma_wait3A_79 = tpu.memref_squeeze %dma_wait3A_78 : memref<1x632x16xf32, #tpu.memory_space<hbm>> -> memref<632x16xf32, #tpu.memory_space<hbm>>
      %dma_wait3A_80 = arith.constant 0 : i32
      %dma_wait3A_81 = tpu.memref_slice %arg12[%mul3A_69, %dma_wait3A_80] : memref<10112x16xf32, #tpu.memory_space<vmem_shared>> -> memref<632x16xf32, #tpu.memory_space<vmem_shared>>
      tpu.wait_dma2 semaphore(%run_scoped3A : memref<!tpu.dma_semaphore, #tpu.memory_space<semaphore_mem>>) src(%dma_wait3A_81 : memref<632x16xf32, #tpu.memory_space<vmem_shared>>) dst(%dma_wait3A_79 : memref<632x16xf32, #tpu.memory_space<hbm>>)
      tpu.yield
    }) : () -> ()
    return
  }
}

module attributes {stable_mosaic.version = 14 : i64} {
  func.func @_conv1_body(%arg0: memref<1250x1024xf32, #tpu.memory_space<vmem>>, %arg1: memref<1264x1024xf32, #tpu.memory_space<vmem>>, %arg2: memref<1024x128xf32, #tpu.memory_space<vmem>>, %arg3: memref<1x128xf32, #tpu.memory_space<vmem>>, %arg4: memref<128x128xf32, #tpu.memory_space<vmem>>, %arg5: memref<1x128xf32, #tpu.memory_space<vmem>>, %arg6: memref<1x128xf32, #tpu.memory_space<vmem>>, %arg7: memref<1x128xf32, #tpu.memory_space<vmem>>, %arg8: memref<1250x128xf32, #tpu.memory_space<vmem>>) attributes {dimension_semantics = [], scalar_prefetch = 0 : i64, scratch_operands = 0 : i64, tpu.core_type = #tpu.core_type<tc>} {
    %get3A = arith.constant 0 : index
    %get3A_0 = arith.constant 0 : index
    %get3A_1 = vector.load %arg0[%get3A, %get3A_0] : memref<1250x1024xf32, #tpu.memory_space<vmem>>, vector<1250x1024xf32>
    %get3A_2 = arith.constant 0 : index
    %get3A_3 = arith.constant 0 : index
    %get3A_4 = vector.load %arg1[%get3A_2, %get3A_3] : memref<1264x1024xf32, #tpu.memory_space<vmem>>, vector<1250x1024xf32>
    %add3A = arith.addf %get3A_1, %get3A_4 : vector<1250x1024xf32>
    %get3A_5 = arith.constant 0 : index
    %get3A_6 = arith.constant 0 : index
    %get3A_7 = vector.load %arg2[%get3A_5, %get3A_6] : memref<1024x128xf32, #tpu.memory_space<vmem>>, vector<1024x128xf32>
    %get3A_8 = arith.constant 0 : index
    %get3A_9 = arith.constant 0 : index
    %get3A_10 = vector.load %arg3[%get3A_8, %get3A_9] : memref<1x128xf32, #tpu.memory_space<vmem>>, vector<1x128xf32>
    %get3A_11 = arith.constant 0 : index
    %get3A_12 = arith.constant 0 : index
    %get3A_13 = vector.load %arg4[%get3A_11, %get3A_12] : memref<128x128xf32, #tpu.memory_space<vmem>>, vector<128x128xf32>
    %get3A_14 = arith.constant 0 : index
    %get3A_15 = arith.constant 0 : index
    %get3A_16 = vector.load %arg5[%get3A_14, %get3A_15] : memref<1x128xf32, #tpu.memory_space<vmem>>, vector<1x128xf32>
    %get3A_17 = arith.constant 0 : index
    %get3A_18 = arith.constant 0 : index
    %get3A_19 = vector.load %arg6[%get3A_17, %get3A_18] : memref<1x128xf32, #tpu.memory_space<vmem>>, vector<1x128xf32>
    %get3A_20 = arith.constant 0 : index
    %get3A_21 = arith.constant 0 : index
    %get3A_22 = vector.load %arg7[%get3A_20, %get3A_21] : memref<1x128xf32, #tpu.memory_space<vmem>>, vector<1x128xf32>
    %dot_general3A = arith.constant dense<0.000000e+00> : vector<1250x128xf32>
    %dot_general3A_23 = tpu.matmul %add3A, %get3A_7, %dot_general3A {dimension_numbers = #tpu.dot_dimension_numbers<[1], [0], [0], [1], [0, 0, 1, 1], [], []>, transpose_lhs_hint = false} : vector<1250x1024xf32>, vector<1024x128xf32>, vector<1250x128xf32> -> vector<1250x128xf32>
    %add3A_24 = vector.broadcast %get3A_10 : vector<1x128xf32> to vector<1250x128xf32>
    %add3A_25 = arith.addf %dot_general3A_23, %add3A_24 : vector<1250x128xf32>
    %max3A = arith.constant 0.000000e+00 : f32
    %max3A_26 = vector.broadcast %max3A : f32 to vector<1250x128xf32>
    %max3A_27 = arith.maximumf %add3A_25, %max3A_26 : vector<1250x128xf32>
    %dot_general3A_28 = arith.constant dense<0.000000e+00> : vector<1250x128xf32>
    %dot_general3A_29 = tpu.matmul %max3A_27, %get3A_13, %dot_general3A_28 {dimension_numbers = #tpu.dot_dimension_numbers<[1], [0], [0], [1], [0, 0, 1, 1], [], []>, transpose_lhs_hint = false} : vector<1250x128xf32>, vector<128x128xf32>, vector<1250x128xf32> -> vector<1250x128xf32>
    %add3A_30 = vector.broadcast %get3A_16 : vector<1x128xf32> to vector<1250x128xf32>
    %add3A_31 = arith.addf %dot_general3A_29, %add3A_30 : vector<1250x128xf32>
    %max3A_32 = arith.constant 0.000000e+00 : f32
    %max3A_33 = vector.broadcast %max3A_32 : f32 to vector<1250x128xf32>
    %max3A_34 = arith.maximumf %add3A_31, %max3A_33 : vector<1250x128xf32>
    %reduce_sum3A = arith.constant dense<0.000000e+00> : vector<128xf32>
    %reduce_sum3A_35 = vector.multi_reduction <add>, %max3A_34, %reduce_sum3A [0] : vector<1250x128xf32> to vector<128xf32>
    %broadcast_in_dim3A = vector.shape_cast %reduce_sum3A_35 : vector<128xf32> to vector<1x128xf32>
    %slice3A = vector.extract_strided_slice %broadcast_in_dim3A {offsets = [0, 0], sizes = [1, 16], strides = [1, 1]} : vector<1x128xf32> to vector<1x16xf32>
    %slice3A_36 = vector.extract_strided_slice %broadcast_in_dim3A {offsets = [0, 16], sizes = [1, 16], strides = [1, 1]} : vector<1x128xf32> to vector<1x16xf32>
    %add3A_37 = arith.addf %slice3A, %slice3A_36 : vector<1x16xf32>
    %slice3A_38 = vector.extract_strided_slice %broadcast_in_dim3A {offsets = [0, 32], sizes = [1, 16], strides = [1, 1]} : vector<1x128xf32> to vector<1x16xf32>
    %add3A_39 = arith.addf %add3A_37, %slice3A_38 : vector<1x16xf32>
    %slice3A_40 = vector.extract_strided_slice %broadcast_in_dim3A {offsets = [0, 48], sizes = [1, 16], strides = [1, 1]} : vector<1x128xf32> to vector<1x16xf32>
    %add3A_41 = arith.addf %add3A_39, %slice3A_40 : vector<1x16xf32>
    %slice3A_42 = vector.extract_strided_slice %broadcast_in_dim3A {offsets = [0, 64], sizes = [1, 16], strides = [1, 1]} : vector<1x128xf32> to vector<1x16xf32>
    %add3A_43 = arith.addf %add3A_41, %slice3A_42 : vector<1x16xf32>
    %slice3A_44 = vector.extract_strided_slice %broadcast_in_dim3A {offsets = [0, 80], sizes = [1, 16], strides = [1, 1]} : vector<1x128xf32> to vector<1x16xf32>
    %add3A_45 = arith.addf %add3A_43, %slice3A_44 : vector<1x16xf32>
    %slice3A_46 = vector.extract_strided_slice %broadcast_in_dim3A {offsets = [0, 96], sizes = [1, 16], strides = [1, 1]} : vector<1x128xf32> to vector<1x16xf32>
    %add3A_47 = arith.addf %add3A_45, %slice3A_46 : vector<1x16xf32>
    %slice3A_48 = vector.extract_strided_slice %broadcast_in_dim3A {offsets = [0, 112], sizes = [1, 16], strides = [1, 1]} : vector<1x128xf32> to vector<1x16xf32>
    %add3A_49 = arith.addf %add3A_47, %slice3A_48 : vector<1x16xf32>
    %concatenate3A = tpu.concatenate %add3A_49, %add3A_49, %add3A_49, %add3A_49, %add3A_49, %add3A_49, %add3A_49, %add3A_49 in 1 : vector<1x16xf32>, vector<1x16xf32>, vector<1x16xf32>, vector<1x16xf32>, vector<1x16xf32>, vector<1x16xf32>, vector<1x16xf32>, vector<1x16xf32> -> vector<1x128xf32>
    %mul3A = arith.constant 9.99999974E-5 : f32
    %mul3A_50 = vector.broadcast %mul3A : f32 to vector<1x128xf32>
    %mul3A_51 = arith.mulf %concatenate3A, %mul3A_50 : vector<1x128xf32>
    %sub3A = vector.broadcast %mul3A_51 : vector<1x128xf32> to vector<1250x128xf32>
    %sub3A_52 = arith.subf %max3A_34, %sub3A : vector<1250x128xf32>
    %mul3A_53 = arith.mulf %sub3A_52, %sub3A_52 : vector<1250x128xf32>
    %reduce_sum3A_54 = arith.constant dense<0.000000e+00> : vector<128xf32>
    %reduce_sum3A_55 = vector.multi_reduction <add>, %mul3A_53, %reduce_sum3A_54 [0] : vector<1250x128xf32> to vector<128xf32>
    %broadcast_in_dim3A_56 = vector.shape_cast %reduce_sum3A_55 : vector<128xf32> to vector<1x128xf32>
    %slice3A_57 = vector.extract_strided_slice %broadcast_in_dim3A_56 {offsets = [0, 0], sizes = [1, 16], strides = [1, 1]} : vector<1x128xf32> to vector<1x16xf32>
    %slice3A_58 = vector.extract_strided_slice %broadcast_in_dim3A_56 {offsets = [0, 16], sizes = [1, 16], strides = [1, 1]} : vector<1x128xf32> to vector<1x16xf32>
    %add3A_59 = arith.addf %slice3A_57, %slice3A_58 : vector<1x16xf32>
    %slice3A_60 = vector.extract_strided_slice %broadcast_in_dim3A_56 {offsets = [0, 32], sizes = [1, 16], strides = [1, 1]} : vector<1x128xf32> to vector<1x16xf32>
    %add3A_61 = arith.addf %add3A_59, %slice3A_60 : vector<1x16xf32>
    %slice3A_62 = vector.extract_strided_slice %broadcast_in_dim3A_56 {offsets = [0, 48], sizes = [1, 16], strides = [1, 1]} : vector<1x128xf32> to vector<1x16xf32>
    %add3A_63 = arith.addf %add3A_61, %slice3A_62 : vector<1x16xf32>
    %slice3A_64 = vector.extract_strided_slice %broadcast_in_dim3A_56 {offsets = [0, 64], sizes = [1, 16], strides = [1, 1]} : vector<1x128xf32> to vector<1x16xf32>
    %add3A_65 = arith.addf %add3A_63, %slice3A_64 : vector<1x16xf32>
    %slice3A_66 = vector.extract_strided_slice %broadcast_in_dim3A_56 {offsets = [0, 80], sizes = [1, 16], strides = [1, 1]} : vector<1x128xf32> to vector<1x16xf32>
    %add3A_67 = arith.addf %add3A_65, %slice3A_66 : vector<1x16xf32>
    %slice3A_68 = vector.extract_strided_slice %broadcast_in_dim3A_56 {offsets = [0, 96], sizes = [1, 16], strides = [1, 1]} : vector<1x128xf32> to vector<1x16xf32>
    %add3A_69 = arith.addf %add3A_67, %slice3A_68 : vector<1x16xf32>
    %slice3A_70 = vector.extract_strided_slice %broadcast_in_dim3A_56 {offsets = [0, 112], sizes = [1, 16], strides = [1, 1]} : vector<1x128xf32> to vector<1x16xf32>
    %add3A_71 = arith.addf %add3A_69, %slice3A_70 : vector<1x16xf32>
    %concatenate3A_72 = tpu.concatenate %add3A_71, %add3A_71, %add3A_71, %add3A_71, %add3A_71, %add3A_71, %add3A_71, %add3A_71 in 1 : vector<1x16xf32>, vector<1x16xf32>, vector<1x16xf32>, vector<1x16xf32>, vector<1x16xf32>, vector<1x16xf32>, vector<1x16xf32>, vector<1x16xf32> -> vector<1x128xf32>
    %mul3A_73 = arith.constant 9.99999974E-5 : f32
    %mul3A_74 = vector.broadcast %mul3A_73 : f32 to vector<1x128xf32>
    %mul3A_75 = arith.mulf %concatenate3A_72, %mul3A_74 : vector<1x128xf32>
    %add3A_76 = arith.constant 9.99999974E-6 : f32
    %add3A_77 = vector.broadcast %add3A_76 : f32 to vector<1x128xf32>
    %add3A_78 = arith.addf %mul3A_75, %add3A_77 : vector<1x128xf32>
    %rsqrt3A = math.rsqrt %add3A_78 : vector<1x128xf32>
    %mul3A_79 = vector.broadcast %rsqrt3A : vector<1x128xf32> to vector<1250x128xf32>
    %mul3A_80 = arith.mulf %sub3A_52, %mul3A_79 : vector<1250x128xf32>
    %mul3A_81 = vector.broadcast %get3A_19 : vector<1x128xf32> to vector<1250x128xf32>
    %mul3A_82 = arith.mulf %mul3A_80, %mul3A_81 : vector<1250x128xf32>
    %add3A_83 = vector.broadcast %get3A_22 : vector<1x128xf32> to vector<1250x128xf32>
    %add3A_84 = arith.addf %mul3A_82, %add3A_83 : vector<1250x128xf32>
    %swap3A = arith.constant 0 : index
    %swap3A_85 = arith.constant 0 : index
    %swap3A_86 = vector.load %arg8[%swap3A, %swap3A_85] : memref<1250x128xf32, #tpu.memory_space<vmem>>, vector<1250x128xf32>
    tpu.vector_store %arg8[%swap3A, %swap3A_85], %add3A_84 {strides = array<i32>} : memref<1250x128xf32, #tpu.memory_space<vmem>>, vector<1250x128xf32>,
    return
  }
}

module attributes {stable_mosaic.version = 14 : i64} {
  func.func @_conv_body(%arg0: memref<1250x128xf32, #tpu.memory_space<vmem>>, %arg1: memref<2x1264x128xf32, #tpu.memory_space<vmem>>, %arg2: memref<128x128xf32, #tpu.memory_space<vmem>>, %arg3: memref<1x128xf32, #tpu.memory_space<vmem>>, %arg4: memref<128x128xf32, #tpu.memory_space<vmem>>, %arg5: memref<1x128xf32, #tpu.memory_space<vmem>>, %arg6: memref<1x128xf32, #tpu.memory_space<vmem>>, %arg7: memref<1x128xf32, #tpu.memory_space<vmem>>, %arg8: memref<1250x128xf32, #tpu.memory_space<vmem>>) attributes {dimension_semantics = [], scalar_prefetch = 0 : i64, scratch_operands = 0 : i64, tpu.core_type = #tpu.core_type<tc>} {
    %get3A = arith.constant 0 : index
    %get3A_0 = arith.constant 0 : index
    %get3A_1 = vector.load %arg0[%get3A, %get3A_0] : memref<1250x128xf32, #tpu.memory_space<vmem>>, vector<1250x128xf32>
    %get3A_2 = arith.constant 0 : index
    %get3A_3 = arith.constant 0 : index
    %get3A_4 = arith.constant 0 : index
    %get3A_5 = vector.load %arg1[%get3A_2, %get3A_3, %get3A_4] : memref<2x1264x128xf32, #tpu.memory_space<vmem>>, vector<1x1250x128xf32>
    %get3A_6 = vector.shape_cast %get3A_5 : vector<1x1250x128xf32> to vector<1250x128xf32>
    %add3A = arith.addf %get3A_1, %get3A_6 : vector<1250x128xf32>
    %get3A_7 = arith.constant 1 : index
    %get3A_8 = arith.constant 0 : index
    %get3A_9 = arith.constant 0 : index
    %get3A_10 = vector.load %arg1[%get3A_7, %get3A_8, %get3A_9] : memref<2x1264x128xf32, #tpu.memory_space<vmem>>, vector<1x1250x128xf32>
    %get3A_11 = vector.shape_cast %get3A_10 : vector<1x1250x128xf32> to vector<1250x128xf32>
    %add3A_12 = arith.addf %add3A, %get3A_11 : vector<1250x128xf32>
    %get3A_13 = arith.constant 0 : index
    %get3A_14 = arith.constant 0 : index
    %get3A_15 = vector.load %arg2[%get3A_13, %get3A_14] : memref<128x128xf32, #tpu.memory_space<vmem>>, vector<128x128xf32>
    %get3A_16 = arith.constant 0 : index
    %get3A_17 = arith.constant 0 : index
    %get3A_18 = vector.load %arg3[%get3A_16, %get3A_17] : memref<1x128xf32, #tpu.memory_space<vmem>>, vector<1x128xf32>
    %get3A_19 = arith.constant 0 : index
    %get3A_20 = arith.constant 0 : index
    %get3A_21 = vector.load %arg4[%get3A_19, %get3A_20] : memref<128x128xf32, #tpu.memory_space<vmem>>, vector<128x128xf32>
    %get3A_22 = arith.constant 0 : index
    %get3A_23 = arith.constant 0 : index
    %get3A_24 = vector.load %arg5[%get3A_22, %get3A_23] : memref<1x128xf32, #tpu.memory_space<vmem>>, vector<1x128xf32>
    %get3A_25 = arith.constant 0 : index
    %get3A_26 = arith.constant 0 : index
    %get3A_27 = vector.load %arg6[%get3A_25, %get3A_26] : memref<1x128xf32, #tpu.memory_space<vmem>>, vector<1x128xf32>
    %get3A_28 = arith.constant 0 : index
    %get3A_29 = arith.constant 0 : index
    %get3A_30 = vector.load %arg7[%get3A_28, %get3A_29] : memref<1x128xf32, #tpu.memory_space<vmem>>, vector<1x128xf32>
    %dot_general3A = arith.constant dense<0.000000e+00> : vector<1250x128xf32>
    %dot_general3A_31 = tpu.matmul %add3A_12, %get3A_15, %dot_general3A {dimension_numbers = #tpu.dot_dimension_numbers<[1], [0], [0], [1], [0, 0, 1, 1], [], []>, transpose_lhs_hint = false} : vector<1250x128xf32>, vector<128x128xf32>, vector<1250x128xf32> -> vector<1250x128xf32>
    %add3A_32 = vector.broadcast %get3A_18 : vector<1x128xf32> to vector<1250x128xf32>
    %add3A_33 = arith.addf %dot_general3A_31, %add3A_32 : vector<1250x128xf32>
    %max3A = arith.constant 0.000000e+00 : f32
    %max3A_34 = vector.broadcast %max3A : f32 to vector<1250x128xf32>
    %max3A_35 = arith.maximumf %add3A_33, %max3A_34 : vector<1250x128xf32>
    %dot_general3A_36 = arith.constant dense<0.000000e+00> : vector<1250x128xf32>
    %dot_general3A_37 = tpu.matmul %max3A_35, %get3A_21, %dot_general3A_36 {dimension_numbers = #tpu.dot_dimension_numbers<[1], [0], [0], [1], [0, 0, 1, 1], [], []>, transpose_lhs_hint = false} : vector<1250x128xf32>, vector<128x128xf32>, vector<1250x128xf32> -> vector<1250x128xf32>
    %add3A_38 = vector.broadcast %get3A_24 : vector<1x128xf32> to vector<1250x128xf32>
    %add3A_39 = arith.addf %dot_general3A_37, %add3A_38 : vector<1250x128xf32>
    %max3A_40 = arith.constant 0.000000e+00 : f32
    %max3A_41 = vector.broadcast %max3A_40 : f32 to vector<1250x128xf32>
    %max3A_42 = arith.maximumf %add3A_39, %max3A_41 : vector<1250x128xf32>
    %reduce_sum3A = arith.constant dense<0.000000e+00> : vector<128xf32>
    %reduce_sum3A_43 = vector.multi_reduction <add>, %max3A_42, %reduce_sum3A [0] : vector<1250x128xf32> to vector<128xf32>
    %broadcast_in_dim3A = vector.shape_cast %reduce_sum3A_43 : vector<128xf32> to vector<1x128xf32>
    %slice3A = vector.extract_strided_slice %broadcast_in_dim3A {offsets = [0, 0], sizes = [1, 16], strides = [1, 1]} : vector<1x128xf32> to vector<1x16xf32>
    %slice3A_44 = vector.extract_strided_slice %broadcast_in_dim3A {offsets = [0, 16], sizes = [1, 16], strides = [1, 1]} : vector<1x128xf32> to vector<1x16xf32>
    %add3A_45 = arith.addf %slice3A, %slice3A_44 : vector<1x16xf32>
    %slice3A_46 = vector.extract_strided_slice %broadcast_in_dim3A {offsets = [0, 32], sizes = [1, 16], strides = [1, 1]} : vector<1x128xf32> to vector<1x16xf32>
    %add3A_47 = arith.addf %add3A_45, %slice3A_46 : vector<1x16xf32>
    %slice3A_48 = vector.extract_strided_slice %broadcast_in_dim3A {offsets = [0, 48], sizes = [1, 16], strides = [1, 1]} : vector<1x128xf32> to vector<1x16xf32>
    %add3A_49 = arith.addf %add3A_47, %slice3A_48 : vector<1x16xf32>
    %slice3A_50 = vector.extract_strided_slice %broadcast_in_dim3A {offsets = [0, 64], sizes = [1, 16], strides = [1, 1]} : vector<1x128xf32> to vector<1x16xf32>
    %add3A_51 = arith.addf %add3A_49, %slice3A_50 : vector<1x16xf32>
    %slice3A_52 = vector.extract_strided_slice %broadcast_in_dim3A {offsets = [0, 80], sizes = [1, 16], strides = [1, 1]} : vector<1x128xf32> to vector<1x16xf32>
    %add3A_53 = arith.addf %add3A_51, %slice3A_52 : vector<1x16xf32>
    %slice3A_54 = vector.extract_strided_slice %broadcast_in_dim3A {offsets = [0, 96], sizes = [1, 16], strides = [1, 1]} : vector<1x128xf32> to vector<1x16xf32>
    %add3A_55 = arith.addf %add3A_53, %slice3A_54 : vector<1x16xf32>
    %slice3A_56 = vector.extract_strided_slice %broadcast_in_dim3A {offsets = [0, 112], sizes = [1, 16], strides = [1, 1]} : vector<1x128xf32> to vector<1x16xf32>
    %add3A_57 = arith.addf %add3A_55, %slice3A_56 : vector<1x16xf32>
    %concatenate3A = tpu.concatenate %add3A_57, %add3A_57, %add3A_57, %add3A_57, %add3A_57, %add3A_57, %add3A_57, %add3A_57 in 1 : vector<1x16xf32>, vector<1x16xf32>, vector<1x16xf32>, vector<1x16xf32>, vector<1x16xf32>, vector<1x16xf32>, vector<1x16xf32>, vector<1x16xf32> -> vector<1x128xf32>
    %mul3A = arith.constant 9.99999974E-5 : f32
    %mul3A_58 = vector.broadcast %mul3A : f32 to vector<1x128xf32>
    %mul3A_59 = arith.mulf %concatenate3A, %mul3A_58 : vector<1x128xf32>
    %sub3A = vector.broadcast %mul3A_59 : vector<1x128xf32> to vector<1250x128xf32>
    %sub3A_60 = arith.subf %max3A_42, %sub3A : vector<1250x128xf32>
    %mul3A_61 = arith.mulf %sub3A_60, %sub3A_60 : vector<1250x128xf32>
    %reduce_sum3A_62 = arith.constant dense<0.000000e+00> : vector<128xf32>
    %reduce_sum3A_63 = vector.multi_reduction <add>, %mul3A_61, %reduce_sum3A_62 [0] : vector<1250x128xf32> to vector<128xf32>
    %broadcast_in_dim3A_64 = vector.shape_cast %reduce_sum3A_63 : vector<128xf32> to vector<1x128xf32>
    %slice3A_65 = vector.extract_strided_slice %broadcast_in_dim3A_64 {offsets = [0, 0], sizes = [1, 16], strides = [1, 1]} : vector<1x128xf32> to vector<1x16xf32>
    %slice3A_66 = vector.extract_strided_slice %broadcast_in_dim3A_64 {offsets = [0, 16], sizes = [1, 16], strides = [1, 1]} : vector<1x128xf32> to vector<1x16xf32>
    %add3A_67 = arith.addf %slice3A_65, %slice3A_66 : vector<1x16xf32>
    %slice3A_68 = vector.extract_strided_slice %broadcast_in_dim3A_64 {offsets = [0, 32], sizes = [1, 16], strides = [1, 1]} : vector<1x128xf32> to vector<1x16xf32>
    %add3A_69 = arith.addf %add3A_67, %slice3A_68 : vector<1x16xf32>
    %slice3A_70 = vector.extract_strided_slice %broadcast_in_dim3A_64 {offsets = [0, 48], sizes = [1, 16], strides = [1, 1]} : vector<1x128xf32> to vector<1x16xf32>
    %add3A_71 = arith.addf %add3A_69, %slice3A_70 : vector<1x16xf32>
    %slice3A_72 = vector.extract_strided_slice %broadcast_in_dim3A_64 {offsets = [0, 64], sizes = [1, 16], strides = [1, 1]} : vector<1x128xf32> to vector<1x16xf32>
    %add3A_73 = arith.addf %add3A_71, %slice3A_72 : vector<1x16xf32>
    %slice3A_74 = vector.extract_strided_slice %broadcast_in_dim3A_64 {offsets = [0, 80], sizes = [1, 16], strides = [1, 1]} : vector<1x128xf32> to vector<1x16xf32>
    %add3A_75 = arith.addf %add3A_73, %slice3A_74 : vector<1x16xf32>
    %slice3A_76 = vector.extract_strided_slice %broadcast_in_dim3A_64 {offsets = [0, 96], sizes = [1, 16], strides = [1, 1]} : vector<1x128xf32> to vector<1x16xf32>
    %add3A_77 = arith.addf %add3A_75, %slice3A_76 : vector<1x16xf32>
    %slice3A_78 = vector.extract_strided_slice %broadcast_in_dim3A_64 {offsets = [0, 112], sizes = [1, 16], strides = [1, 1]} : vector<1x128xf32> to vector<1x16xf32>
    %add3A_79 = arith.addf %add3A_77, %slice3A_78 : vector<1x16xf32>
    %concatenate3A_80 = tpu.concatenate %add3A_79, %add3A_79, %add3A_79, %add3A_79, %add3A_79, %add3A_79, %add3A_79, %add3A_79 in 1 : vector<1x16xf32>, vector<1x16xf32>, vector<1x16xf32>, vector<1x16xf32>, vector<1x16xf32>, vector<1x16xf32>, vector<1x16xf32>, vector<1x16xf32> -> vector<1x128xf32>
    %mul3A_81 = arith.constant 9.99999974E-5 : f32
    %mul3A_82 = vector.broadcast %mul3A_81 : f32 to vector<1x128xf32>
    %mul3A_83 = arith.mulf %concatenate3A_80, %mul3A_82 : vector<1x128xf32>
    %add3A_84 = arith.constant 9.99999974E-6 : f32
    %add3A_85 = vector.broadcast %add3A_84 : f32 to vector<1x128xf32>
    %add3A_86 = arith.addf %mul3A_83, %add3A_85 : vector<1x128xf32>
    %rsqrt3A = math.rsqrt %add3A_86 : vector<1x128xf32>
    %mul3A_87 = vector.broadcast %rsqrt3A : vector<1x128xf32> to vector<1250x128xf32>
    %mul3A_88 = arith.mulf %sub3A_60, %mul3A_87 : vector<1250x128xf32>
    %mul3A_89 = vector.broadcast %get3A_27 : vector<1x128xf32> to vector<1250x128xf32>
    %mul3A_90 = arith.mulf %mul3A_88, %mul3A_89 : vector<1250x128xf32>
    %add3A_91 = vector.broadcast %get3A_30 : vector<1x128xf32> to vector<1250x128xf32>
    %add3A_92 = arith.addf %mul3A_90, %add3A_91 : vector<1250x128xf32>
    %swap3A = arith.constant 0 : index
    %swap3A_93 = arith.constant 0 : index
    %swap3A_94 = vector.load %arg8[%swap3A, %swap3A_93] : memref<1250x128xf32, #tpu.memory_space<vmem>>, vector<1250x128xf32>
    tpu.vector_store %arg8[%swap3A, %swap3A_93], %add3A_92 {strides = array<i32>} : memref<1250x128xf32, #tpu.memory_space<vmem>>, vector<1250x128xf32>,
    return
  }
}

module attributes {stable_mosaic.version = 14 : i64} {
  func.func @_conv_last_body(%arg0: memref<1250x128xf32, #tpu.memory_space<vmem>>, %arg1: memref<2x1264x128xf32, #tpu.memory_space<vmem>>, %arg2: memref<128x128xf32, #tpu.memory_space<vmem>>, %arg3: memref<1x128xf32, #tpu.memory_space<vmem>>, %arg4: memref<128x128xf32, #tpu.memory_space<vmem>>, %arg5: memref<1x128xf32, #tpu.memory_space<vmem>>, %arg6: memref<1x128xf32, #tpu.memory_space<vmem>>, %arg7: memref<1x128xf32, #tpu.memory_space<vmem>>, %arg8: memref<128x128xf32, #tpu.memory_space<vmem>>, %arg9: memref<1250x128xf32, #tpu.memory_space<vmem>>) attributes {dimension_semantics = [], scalar_prefetch = 0 : i64, scratch_operands = 0 : i64, tpu.core_type = #tpu.core_type<tc>} {
    %get3A = arith.constant 0 : index
    %get3A_0 = arith.constant 0 : index
    %get3A_1 = vector.load %arg0[%get3A, %get3A_0] : memref<1250x128xf32, #tpu.memory_space<vmem>>, vector<1250x128xf32>
    %get3A_2 = arith.constant 0 : index
    %get3A_3 = arith.constant 0 : index
    %get3A_4 = arith.constant 0 : index
    %get3A_5 = vector.load %arg1[%get3A_2, %get3A_3, %get3A_4] : memref<2x1264x128xf32, #tpu.memory_space<vmem>>, vector<1x1250x128xf32>
    %get3A_6 = vector.shape_cast %get3A_5 : vector<1x1250x128xf32> to vector<1250x128xf32>
    %add3A = arith.addf %get3A_1, %get3A_6 : vector<1250x128xf32>
    %get3A_7 = arith.constant 1 : index
    %get3A_8 = arith.constant 0 : index
    %get3A_9 = arith.constant 0 : index
    %get3A_10 = vector.load %arg1[%get3A_7, %get3A_8, %get3A_9] : memref<2x1264x128xf32, #tpu.memory_space<vmem>>, vector<1x1250x128xf32>
    %get3A_11 = vector.shape_cast %get3A_10 : vector<1x1250x128xf32> to vector<1250x128xf32>
    %add3A_12 = arith.addf %add3A, %get3A_11 : vector<1250x128xf32>
    %get3A_13 = arith.constant 0 : index
    %get3A_14 = arith.constant 0 : index
    %get3A_15 = vector.load %arg2[%get3A_13, %get3A_14] : memref<128x128xf32, #tpu.memory_space<vmem>>, vector<128x128xf32>
    %get3A_16 = arith.constant 0 : index
    %get3A_17 = arith.constant 0 : index
    %get3A_18 = vector.load %arg3[%get3A_16, %get3A_17] : memref<1x128xf32, #tpu.memory_space<vmem>>, vector<1x128xf32>
    %get3A_19 = arith.constant 0 : index
    %get3A_20 = arith.constant 0 : index
    %get3A_21 = vector.load %arg4[%get3A_19, %get3A_20] : memref<128x128xf32, #tpu.memory_space<vmem>>, vector<128x128xf32>
    %get3A_22 = arith.constant 0 : index
    %get3A_23 = arith.constant 0 : index
    %get3A_24 = vector.load %arg5[%get3A_22, %get3A_23] : memref<1x128xf32, #tpu.memory_space<vmem>>, vector<1x128xf32>
    %get3A_25 = arith.constant 0 : index
    %get3A_26 = arith.constant 0 : index
    %get3A_27 = vector.load %arg6[%get3A_25, %get3A_26] : memref<1x128xf32, #tpu.memory_space<vmem>>, vector<1x128xf32>
    %get3A_28 = arith.constant 0 : index
    %get3A_29 = arith.constant 0 : index
    %get3A_30 = vector.load %arg7[%get3A_28, %get3A_29] : memref<1x128xf32, #tpu.memory_space<vmem>>, vector<1x128xf32>
    %dot_general3A = arith.constant dense<0.000000e+00> : vector<1250x128xf32>
    %dot_general3A_31 = tpu.matmul %add3A_12, %get3A_15, %dot_general3A {dimension_numbers = #tpu.dot_dimension_numbers<[1], [0], [0], [1], [0, 0, 1, 1], [], []>, transpose_lhs_hint = false} : vector<1250x128xf32>, vector<128x128xf32>, vector<1250x128xf32> -> vector<1250x128xf32>
    %add3A_32 = vector.broadcast %get3A_18 : vector<1x128xf32> to vector<1250x128xf32>
    %add3A_33 = arith.addf %dot_general3A_31, %add3A_32 : vector<1250x128xf32>
    %max3A = arith.constant 0.000000e+00 : f32
    %max3A_34 = vector.broadcast %max3A : f32 to vector<1250x128xf32>
    %max3A_35 = arith.maximumf %add3A_33, %max3A_34 : vector<1250x128xf32>
    %dot_general3A_36 = arith.constant dense<0.000000e+00> : vector<1250x128xf32>
    %dot_general3A_37 = tpu.matmul %max3A_35, %get3A_21, %dot_general3A_36 {dimension_numbers = #tpu.dot_dimension_numbers<[1], [0], [0], [1], [0, 0, 1, 1], [], []>, transpose_lhs_hint = false} : vector<1250x128xf32>, vector<128x128xf32>, vector<1250x128xf32> -> vector<1250x128xf32>
    %add3A_38 = vector.broadcast %get3A_24 : vector<1x128xf32> to vector<1250x128xf32>
    %add3A_39 = arith.addf %dot_general3A_37, %add3A_38 : vector<1250x128xf32>
    %max3A_40 = arith.constant 0.000000e+00 : f32
    %max3A_41 = vector.broadcast %max3A_40 : f32 to vector<1250x128xf32>
    %max3A_42 = arith.maximumf %add3A_39, %max3A_41 : vector<1250x128xf32>
    %reduce_sum3A = arith.constant dense<0.000000e+00> : vector<128xf32>
    %reduce_sum3A_43 = vector.multi_reduction <add>, %max3A_42, %reduce_sum3A [0] : vector<1250x128xf32> to vector<128xf32>
    %broadcast_in_dim3A = vector.shape_cast %reduce_sum3A_43 : vector<128xf32> to vector<1x128xf32>
    %slice3A = vector.extract_strided_slice %broadcast_in_dim3A {offsets = [0, 0], sizes = [1, 16], strides = [1, 1]} : vector<1x128xf32> to vector<1x16xf32>
    %slice3A_44 = vector.extract_strided_slice %broadcast_in_dim3A {offsets = [0, 16], sizes = [1, 16], strides = [1, 1]} : vector<1x128xf32> to vector<1x16xf32>
    %add3A_45 = arith.addf %slice3A, %slice3A_44 : vector<1x16xf32>
    %slice3A_46 = vector.extract_strided_slice %broadcast_in_dim3A {offsets = [0, 32], sizes = [1, 16], strides = [1, 1]} : vector<1x128xf32> to vector<1x16xf32>
    %add3A_47 = arith.addf %add3A_45, %slice3A_46 : vector<1x16xf32>
    %slice3A_48 = vector.extract_strided_slice %broadcast_in_dim3A {offsets = [0, 48], sizes = [1, 16], strides = [1, 1]} : vector<1x128xf32> to vector<1x16xf32>
    %add3A_49 = arith.addf %add3A_47, %slice3A_48 : vector<1x16xf32>
    %slice3A_50 = vector.extract_strided_slice %broadcast_in_dim3A {offsets = [0, 64], sizes = [1, 16], strides = [1, 1]} : vector<1x128xf32> to vector<1x16xf32>
    %add3A_51 = arith.addf %add3A_49, %slice3A_50 : vector<1x16xf32>
    %slice3A_52 = vector.extract_strided_slice %broadcast_in_dim3A {offsets = [0, 80], sizes = [1, 16], strides = [1, 1]} : vector<1x128xf32> to vector<1x16xf32>
    %add3A_53 = arith.addf %add3A_51, %slice3A_52 : vector<1x16xf32>
    %slice3A_54 = vector.extract_strided_slice %broadcast_in_dim3A {offsets = [0, 96], sizes = [1, 16], strides = [1, 1]} : vector<1x128xf32> to vector<1x16xf32>
    %add3A_55 = arith.addf %add3A_53, %slice3A_54 : vector<1x16xf32>
    %slice3A_56 = vector.extract_strided_slice %broadcast_in_dim3A {offsets = [0, 112], sizes = [1, 16], strides = [1, 1]} : vector<1x128xf32> to vector<1x16xf32>
    %add3A_57 = arith.addf %add3A_55, %slice3A_56 : vector<1x16xf32>
    %concatenate3A = tpu.concatenate %add3A_57, %add3A_57, %add3A_57, %add3A_57, %add3A_57, %add3A_57, %add3A_57, %add3A_57 in 1 : vector<1x16xf32>, vector<1x16xf32>, vector<1x16xf32>, vector<1x16xf32>, vector<1x16xf32>, vector<1x16xf32>, vector<1x16xf32>, vector<1x16xf32> -> vector<1x128xf32>
    %mul3A = arith.constant 9.99999974E-5 : f32
    %mul3A_58 = vector.broadcast %mul3A : f32 to vector<1x128xf32>
    %mul3A_59 = arith.mulf %concatenate3A, %mul3A_58 : vector<1x128xf32>
    %sub3A = vector.broadcast %mul3A_59 : vector<1x128xf32> to vector<1250x128xf32>
    %sub3A_60 = arith.subf %max3A_42, %sub3A : vector<1250x128xf32>
    %mul3A_61 = arith.mulf %sub3A_60, %sub3A_60 : vector<1250x128xf32>
    %reduce_sum3A_62 = arith.constant dense<0.000000e+00> : vector<128xf32>
    %reduce_sum3A_63 = vector.multi_reduction <add>, %mul3A_61, %reduce_sum3A_62 [0] : vector<1250x128xf32> to vector<128xf32>
    %broadcast_in_dim3A_64 = vector.shape_cast %reduce_sum3A_63 : vector<128xf32> to vector<1x128xf32>
    %slice3A_65 = vector.extract_strided_slice %broadcast_in_dim3A_64 {offsets = [0, 0], sizes = [1, 16], strides = [1, 1]} : vector<1x128xf32> to vector<1x16xf32>
    %slice3A_66 = vector.extract_strided_slice %broadcast_in_dim3A_64 {offsets = [0, 16], sizes = [1, 16], strides = [1, 1]} : vector<1x128xf32> to vector<1x16xf32>
    %add3A_67 = arith.addf %slice3A_65, %slice3A_66 : vector<1x16xf32>
    %slice3A_68 = vector.extract_strided_slice %broadcast_in_dim3A_64 {offsets = [0, 32], sizes = [1, 16], strides = [1, 1]} : vector<1x128xf32> to vector<1x16xf32>
    %add3A_69 = arith.addf %add3A_67, %slice3A_68 : vector<1x16xf32>
    %slice3A_70 = vector.extract_strided_slice %broadcast_in_dim3A_64 {offsets = [0, 48], sizes = [1, 16], strides = [1, 1]} : vector<1x128xf32> to vector<1x16xf32>
    %add3A_71 = arith.addf %add3A_69, %slice3A_70 : vector<1x16xf32>
    %slice3A_72 = vector.extract_strided_slice %broadcast_in_dim3A_64 {offsets = [0, 64], sizes = [1, 16], strides = [1, 1]} : vector<1x128xf32> to vector<1x16xf32>
    %add3A_73 = arith.addf %add3A_71, %slice3A_72 : vector<1x16xf32>
    %slice3A_74 = vector.extract_strided_slice %broadcast_in_dim3A_64 {offsets = [0, 80], sizes = [1, 16], strides = [1, 1]} : vector<1x128xf32> to vector<1x16xf32>
    %add3A_75 = arith.addf %add3A_73, %slice3A_74 : vector<1x16xf32>
    %slice3A_76 = vector.extract_strided_slice %broadcast_in_dim3A_64 {offsets = [0, 96], sizes = [1, 16], strides = [1, 1]} : vector<1x128xf32> to vector<1x16xf32>
    %add3A_77 = arith.addf %add3A_75, %slice3A_76 : vector<1x16xf32>
    %slice3A_78 = vector.extract_strided_slice %broadcast_in_dim3A_64 {offsets = [0, 112], sizes = [1, 16], strides = [1, 1]} : vector<1x128xf32> to vector<1x16xf32>
    %add3A_79 = arith.addf %add3A_77, %slice3A_78 : vector<1x16xf32>
    %concatenate3A_80 = tpu.concatenate %add3A_79, %add3A_79, %add3A_79, %add3A_79, %add3A_79, %add3A_79, %add3A_79, %add3A_79 in 1 : vector<1x16xf32>, vector<1x16xf32>, vector<1x16xf32>, vector<1x16xf32>, vector<1x16xf32>, vector<1x16xf32>, vector<1x16xf32>, vector<1x16xf32> -> vector<1x128xf32>
    %mul3A_81 = arith.constant 9.99999974E-5 : f32
    %mul3A_82 = vector.broadcast %mul3A_81 : f32 to vector<1x128xf32>
    %mul3A_83 = arith.mulf %concatenate3A_80, %mul3A_82 : vector<1x128xf32>
    %add3A_84 = arith.constant 9.99999974E-6 : f32
    %add3A_85 = vector.broadcast %add3A_84 : f32 to vector<1x128xf32>
    %add3A_86 = arith.addf %mul3A_83, %add3A_85 : vector<1x128xf32>
    %rsqrt3A = math.rsqrt %add3A_86 : vector<1x128xf32>
    %mul3A_87 = vector.broadcast %rsqrt3A : vector<1x128xf32> to vector<1250x128xf32>
    %mul3A_88 = arith.mulf %sub3A_60, %mul3A_87 : vector<1250x128xf32>
    %mul3A_89 = vector.broadcast %get3A_27 : vector<1x128xf32> to vector<1250x128xf32>
    %mul3A_90 = arith.mulf %mul3A_88, %mul3A_89 : vector<1250x128xf32>
    %add3A_91 = vector.broadcast %get3A_30 : vector<1x128xf32> to vector<1250x128xf32>
    %add3A_92 = arith.addf %mul3A_90, %add3A_91 : vector<1250x128xf32>
    %exp3A = math.exp %add3A_92 : vector<1250x128xf32>
    %get3A_93 = arith.constant 0 : index
    %get3A_94 = arith.constant 0 : index
    %get3A_95 = vector.load %arg8[%get3A_93, %get3A_94] : memref<128x128xf32, #tpu.memory_space<vmem>>, vector<128x128xf32>
    %dot_general3A_96 = arith.constant dense<0.000000e+00> : vector<1250x128xf32>
    %dot_general3A_97 = tpu.matmul %exp3A, %get3A_95, %dot_general3A_96 {dimension_numbers = #tpu.dot_dimension_numbers<[1], [0], [0], [1], [0, 0, 1, 1], [], []>, transpose_lhs_hint = false} : vector<1250x128xf32>, vector<128x128xf32>, vector<1250x128xf32> -> vector<1250x128xf32>
    %log3A = math.log %dot_general3A_97 : vector<1250x128xf32>
    %sub3A_98 = arith.subf %add3A_92, %log3A : vector<1250x128xf32>
    %swap3A = arith.constant 0 : index
    %swap3A_99 = arith.constant 0 : index
    %swap3A_100 = vector.load %arg9[%swap3A, %swap3A_99] : memref<1250x128xf32, #tpu.memory_space<vmem>>, vector<1250x128xf32>
    tpu.vector_store %arg9[%swap3A, %swap3A_99], %sub3A_98 {strides = array<i32>} : memref<1250x128xf32, #tpu.memory_space<vmem>>, vector<1250x128xf32>,
    return
  }
}

</mosaic_0001>

<sc_bundles>
// kernel: kernel.12.cloned.1.call-start
scs
__scs_entry_jumppad:
0x0: {  	(pc) =	sbr.rel $0x88, $3  }
0x1: {  	(tag) =	ssettag $0x0;
	lr =	simm.s32 $0x1  }
0x2: {  	[smem:$0x3F93] =	sst lr;
	_ =	strace $0xD0000000  }
0x3: {  	_ = 	snop  }
0x4: {  	_ = 	snop  }
0x5: {  	_ = 	snop  }
0x6: {  	_ = 	snop  }
0x7: {  	_ = 	snop  }
__scs_overlays_trampoline_lowered:
0x8: {  	[smem:$0x3FA2] =	sst s0  }
0x9: {  	[smem:$0x3FA3] =	sst s1  }
0xa: {  	[smem:$0x3FA4] =	sst s2  }
0xb: {  	[smem:$0x3FA5] =	sst s3  }
0xc: {  	[smem:$0x3FA6] =	sst s4  }
0xd: {  	[smem:$0x3FA7] =	sst s5  }
0xe: {  	[smem:$0x3FA8] =	sst s6  }
0xf: {  	[smem:$0x3FA9] =	sst s7  }
0x10: {  	[smem:$0x3FAA] =	sst s8  }
0x11: {  	[smem:$0x3FAB] =	sst s9;
	s0 =	simm.s32 @!p0 $0x0  }
0x12: {  	s1 =	sld [smem:$0x3F91];
	s0 =	simm.s32 @p0 $0x1  }
0x13: {  	[smem:$0x3FAC] =	sst s0;
	s0 =	simm.s32 @!p1 $0x0  }
0x14: {  	s2 =	sld [smem:$0x3F90];
	s0 =	simm.s32 @p1 $0x1  }
0x15: {  	[smem:$0x3FAD] =	sst s0;
	s0 =	simm.s32 @!p2 $0x0  }
0x16: {  	s3 =	sld [smem:$0x3FDB];
	s0 =	simm.s32 @p2 $0x1  }
0x17: {  	s4 =	simm.s32 $0x1BF5;
	[smem:$0x3FAF] =	sst s0  }
0x18: {  	s0 =	sld [smem:$0x3F92];
	_ =	swait.ge [sflag:s4], $0x0  }
0x19: {  	s7 =	sld [smem:$0x3F93]  }
0x1a: {  	s8 =	sadd.s32 $0xFFFFE003, lr  }
0x1b: {  	s9 =	sadd.s32 $0xFFFFFEF7, lr;
	s5 =	simm.s32 $0xFFFFFFFF;
	p2 =	slt.u32 s8, $0xFFFFF086  }
0x1c: {  	p1 =	slt.u32 s9, $0xF7A;
	s5 =	simm.s32 @!p2 $0x0  }
0x1d: {  	s5 =	simm.s32 @p1 $0x1;
	p0 =	seq.s32 s7, s2  }
0x1e: {  	s7 =	smul.u32 @!p0 $0xF7A, s2;
	p2 =	seq.s32 @!p0 s5, $0x0  }
0x1f: {  	s9 =	smul.u32 $0xF7A, s1;
	s8 =	simm.s32 @!p0 $0x1BF5;
	p2 =	por !p2, p0  }
0x20: {  	[sflag:s8] =	ssyncset.s32 @!p0 $0xFFFFF086;
	s6 =	sadd.s32 @!p0 s3, s7;
	s7 =	simm.s32 @!p0 $0x108  }
0x21: {  	s3 =	sadd.s32 s3, s9;
	s6 =	sadd.s32 @!p0 $0x88, s6;
	s7 =	simm.s32 @p2 $0x1082  }
0x22: {  	[simem:s7], [sflag:s8] =	dma.local @!p0 [hbm:s6], $0xF7A  }
0x23: {  	s9 =	sor.u32 $0xD0000000, s2;
	s6 =	simm.s32 $0x108;
	_ =	swait.ge @!p0 [sflag:s8], $0x0  }
0x24: {  	s3 =	sadd.s32 $0x88, s3;
	s6 =	simm.s32 @!p1 $0x1082;
	[sflag:s4] =	ssyncset.s32 $0xFFFFF086  }
0x25: {  	[simem:s6], [sflag:s4] =	dma.local [hbm:s3], $0xF7A  }
0x26: {  	[smem:$0x3F93] =	sst s1;
	(tag) =	ssettag s2;
	_ =	strace s9  }
0x27: {  	s1 =	sld [smem:$0x3FA3]  }
0x28: {  	s2 =	sld [smem:$0x3FA4]  }
0x29: {  	s4 =	sld [smem:$0x3FA6]  }
0x2a: {  	p0 =	seq.s32 s5, $0x0;
	s5 =	sld [smem:$0x3FA7]  }
0x2b: {  	s6 =	sld [smem:$0x3FA8]  }
0x2c: {  	s7 =	sld [smem:$0x3FA9]  }
0x2d: {  	s3 =	simm.s32 $0x108;
	s8 =	sld [smem:$0x3FAA]  }
0x2e: {  	s3 =	simm.s32 @!p0 $0x1082;
	s9 =	sld [smem:$0x3FAB]  }
0x2f: {  	lr =	sadd.s32 s0, s3;
	s0 =	sld [smem:$0x3FA2]  }
0x30: {  	s3 =	sld [smem:$0x3FA5]  }
0x31: {  	[smem:$0x3FAE] =	sst s10  }
0x32: {  	s10 =	sld [smem:$0x3FAC];
	_ =	sdelay $0x3  }
0x33: {  	p0 =	seq.s32 s10, $0x1;
	s10 =	sld [smem:$0x3FAE];
	_ =	sdelay $0x3  }
0x34: {  	[smem:$0x3FAE] =	sst s10  }
0x35: {  	s10 =	sld [smem:$0x3FAD];
	_ =	sdelay $0x3  }
0x36: {  	p1 =	seq.s32 s10, $0x1;
	s10 =	sld [smem:$0x3FAE];
	_ =	sdelay $0x3  }
0x37: {  	[smem:$0x3FAE] =	sst s10  }
0x38: {  	s10 =	sld [smem:$0x3FAF]  }
0x39: {  	_ = 	snop;
	(pc) =	sbr.ind lr, $3  }
0x3a: {  	_ = 	snop  }
0x3b: {  	_ = 	snop  }
0x3c: {  	p2 =	seq.s32 s10, $0x1;
	s10 =	sld [smem:$0x3FAE]  }
0x3d: {  	_ =	shalt  }
0x3e: {  	_ =	shalt  }
0x3f: {  	_ =	shalt  }
0x40: {  	_ =	shalt  }
0x41: {  	_ =	shalt  }
0x42: {  	_ =	shalt  }
0x43: {  	_ =	shalt  }
0x44: {  	_ =	shalt  }
0x45: {  	_ =	shalt  }
0x46: {  	_ =	shalt  }
0x47: {  	_ =	shalt  }
0x48: {  	_ =	shalt  }
0x49: {  	_ =	shalt  }
0x4a: {  	_ =	shalt  }
0x4b: {  	_ =	shalt  }
0x4c: {  	_ =	shalt  }
0x4d: {  	_ =	shalt  }
0x4e: {  	_ =	shalt  }
0x4f: {  	_ =	shalt  }
0x50: {  	_ =	shalt  }
0x51: {  	_ =	shalt  }
0x52: {  	_ =	shalt  }
0x53: {  	_ =	shalt  }
0x54: {  	_ =	shalt  }
0x55: {  	_ =	shalt  }
0x56: {  	_ =	shalt  }
0x57: {  	_ =	shalt  }
0x58: {  	_ =	shalt  }
0x59: {  	_ =	shalt  }
0x5a: {  	_ =	shalt  }
0x5b: {  	_ =	shalt  }
0x5c: {  	_ =	shalt  }
0x5d: {  	_ =	shalt  }
0x5e: {  	_ =	shalt  }
0x5f: {  	_ =	shalt  }
0x60: {  	_ =	shalt  }
0x61: {  	_ =	shalt  }
0x62: {  	_ =	shalt  }
0x63: {  	_ =	shalt  }
0x64: {  	_ =	shalt  }
0x65: {  	_ =	shalt  }
0x66: {  	_ =	shalt  }
0x67: {  	_ =	shalt  }
0x68: {  	_ =	shalt  }
0x69: {  	_ =	shalt  }
0x6a: {  	_ =	shalt  }
0x6b: {  	_ =	shalt  }
0x6c: {  	_ =	shalt  }
0x6d: {  	_ =	shalt  }
0x6e: {  	_ =	shalt  }
0x6f: {  	_ =	shalt  }
0x70: {  	_ =	shalt  }
0x71: {  	_ =	shalt  }
0x72: {  	_ =	shalt  }
0x73: {  	_ =	shalt  }
0x74: {  	_ =	shalt  }
0x75: {  	_ =	shalt  }
0x76: {  	_ =	shalt  }
0x77: {  	_ =	shalt  }
0x78: {  	_ =	shalt  }
0x79: {  	_ =	shalt  }
0x7a: {  	_ =	shalt  }
0x7b: {  	_ =	shalt  }
0x7c: {  	_ =	shalt  }
0x7d: {  	_ =	shalt  }
0x7e: {  	_ =	shalt  }
0x7f: {  	_ =	shalt  }
0x80: {  	_ =	shalt  }
0x81: {  	_ =	shalt  }
0x82: {  	_ =	shalt  }
0x83: {  	_ =	shalt  }
0x84: {  	_ =	shalt  }
0x85: {  	_ =	shalt  }
0x86: {  	_ =	shalt  }
0x87: {  	_ =	shalt  }
.Lfunc_end0:
.L_simem_size_0:
called_computation_lowered:
.L_overlay_start_0:
0x88: {  	s2 =	sld [smem:$0x3FD9]  }
0x89: {  	s3 =	sld [smem:$0x3FFE];
	_ =	sdelay $0x1  }
0x8a: {  	s1 =	srdreg.scid  }
0x8b: {  	s0 =	sand.u32 $0x1, s1  }
0x8c: {  	s16 =	sshll.u32 s0, $0xA;
	s2 =	sadd.s32 s3, s2  }
0x8d: {  	s2 =	sadd.s32 s2, s16  }
0x8e: {  	[smem:$0x3FBA] =	sst s2  }
0x8f: {  	_ = 	snop  }
0x90: {  	(tm) =	ssettm $0x1  }
0x91: {  	s17 =	sld [smem:$0x3FFB];
	_ =	sdelay $0x3  }
0x92: {  	_ =	strace s17  }
0x93: {  	s2 =	sld [smem:$0x3FFC];
	_ =	sdelay $0x3  }
0x94: {  	_ =	strace s2  }
0x95: {  	s2 =	sld [smem:$0x3FFD];
	_ =	sdelay $0x3  }
0x96: {  	_ =	strace s2  }
0x97: {  	_ =	strace $0x8FFFFFFF  }
0x98: {  	s18 =	sld [smem:$0x3FDB];
	_ =	sdelay $0x1  }
0x99: {  	s19 =	simm.s32 $_scs_section_size  }
0x9a: {  	s4 =	simm.s32 $_size__tile_overlayer_lowered;
	s5 =	simm.s32 $_tile_overlayer_lowered  }
0x9b: {  	s22 =	simm.s32 $0x1BFF;
	s21 =	sshll.u32 s5, $0x1;
	s2 =	sadd.s32 s19, s18  }
0x9c: {  	s6 =	simm.s32 $0x0;
	s20 =	sshll.u32 s4, $0x1;
	s4 =	sadd.s32 s21, s2  }
0x9d: {  	[timem:s6], [sflag:s22] =	dma.local [hbm:s4], s20  }
0x9e: {  	_ =	swait.ge [sflag:s22], s20  }
0x9f: {  	s3 =	ssub.s32 $0x0, s20;
	[sflag:s22] =	ssyncset.done $0x0  }
0xa0: {  	[sflag:s22] =	ssyncadd.s32 s3;
	_ =	sdelay $0x1  }
0xa1: {  	s23 =	simm.s32 $0x1B8B  }
0xa2: {  	_ =	swait.ge [sflag:s23], $0x1  }
0xa3: {  	[sflag:s23] =	ssyncset.done $0x0  }
0xa4: {  	s25 =	simm.s32 $0x1B8E;
	s24 =	sld [smem:$0x3FFE];
	[sflag:s23] =	ssyncadd.s32 $0xFFFFFFFF  }
0xa5: {  	s26 =	simm.s32 $execute0_lowered;
	[smem:$0x3FD2] =	sst s25  }
0xa6: {  	s4 =	sshll.u32 s26, $0x1;
	_ =	strace $0x80000046;
	[dreg:$0x1] =	wrdreg $0xFFFFFFFF  }
0xa7: {  	s28 =	simm.s32 $_size_execute0_lowered;
	s2 =	sadd.s32 s2, s4;
	[dreg:$0x0] =	wrdreg $0x0  }
0xa8: {  	s4 =	sshll.u32 s28, $0x1;
	[dreg:$0x2] =	wrdreg s2  }
0xa9: {  	[dreg:$0x3] =	wrdreg s4  }
0xaa: {  	[dreg:$0x4] =	wrdreg $0xC0  }
0xab: {  	_ =	task [dreg:s6], $0x5FFFF  }
0xac: {  	[dreg:$0x1] =	wrdreg $0xFFFFFFFF  }
0xad: {  	[dreg:$0x0] =	wrdreg $0x60  }
0xae: {  	[dreg:$0x2] =	wrdreg s24  }
0xaf: {  	[dreg:$0x3] =	wrdreg $0x14A000  }
0xb0: {  	[dreg:$0x4] =	wrdreg $0x9  }
0xb1: {  	_ =	task.clear_ibuf [dreg:s6], $0x5FFFF;
	_ =	strace $0x90000046  }
0xb2: {  	s29 =	simm.s32 $0x9;
	_ =	strace $0x80000048  }
0xb3: {  	_ =	swait.ge [sflag:s29], $0x1  }
0xb4: {  	[sflag:s29] =	ssyncadd.s32 $0xFFFFFFFF  }
0xb5: {  	_ =	strace $0x90000048  }
0xb6: {  	_ =	sfence  }
0xb7: {  	s30 =	sld [smem:$0x0];
	_ =	sdelay $0x2  }
0xb8: {  	s31 =	sshll.u32 s1, $0xD;
	s1 =	sshrl.u32 s1, $0x2  }
0xb9: {  	s3 =	sand.u32 $0x4000, s31;
	s1 =	sadd.s32 s1, s30  }
0xba: {  	s0 =	sor.u32 s3, s0;
	s1 =	sshll.u32 s1, $0x11  }
0xbb: {  	s0 =	sor.u32 s1, s0  }
0xbc: {  	s0 =	sadd.s32 $0x8F2B, s0  }
0xbd: {  	[sflag:s0] =	ssyncadd.remote.s32 $0x1  }
0xbe: {  	_ =	sfence.sel $0xFFFF  }
0xbf: {  	[dreg:$0x0] =	wrdreg $0xFFFFFFFF;
	(pc) =	sbr.abs _section_cstart, $3  }
0xc0: {  	[dreg:$0x1] =	wrdreg $0xFFFFFFFF  }
0xc1: {  	_ =	task.clear_ibuf [dreg:s6], $0x2FFFF;
	_ =	strace $0x9FFFFFFF  }
0xc2: {  	(tm) =	ssettm $0x7FFFFFFF  }
0xc3: {  	_ =	shalt  }
tec
execute0_lowered:
.L_overlay_start_1:
0x0: {  	(tag) =	ssettag $0x1  }
0x1: {  	s2 =	stileid.u32;
	s0 =	srdreg.scid  }
0x2: {  	s4 =	rddreg [dreg:$0x0];
	s1 =	smul.u32 $0x13C00, s2  }
0x3: {  	s3 =	sand.u32 $0x1, s0;
	s0 =	smul.u32 $0x5000, s2;
	s2 =	sadd.s32 $0x40A00, s4  }
0x4: {  	s8 =	sshll.u32 s3, $0x6;
	s5 =	smul.u32 $0x50000, s3;
	s9 =	ssub.s32 $0x2, s3  }
0x5: {  	s1 =	sor.u32 s8, s1;
	s6 =	sor.u32 $0x280, s0;
	s3 =	sshrl.u32 s9, $0x1  }
0x6: {  	s14 =	sor.u32 $0x500, s0;
	s15 =	sor.u32 $0x780, s0;
	s16 =	sor.u32 $0xA00, s0  }
0x7: {  	s22 =	sadd.s32 $0x1180, s0;
	s28 =	sadd.s32 $0x3200, s0;
	[smem:$0x7FC] =	sst s1  }
0x8: {  	s31 =	sadd.s32 $0x3980, s0;
	s30 =	sadd.s32 $0x3C00, s0;
	[smem:$0x7E2] =	sst s6  }
0x9: {  	s29 =	sadd.s32 $0x3E80, s0;
	s10 =	sadd.s32 s0, s5;
	[smem:$0x7E3] =	sst s14  }
0xa: {  	s6 =	sadd.s32 s5, s6;
	s1 =	ssub.s32 s9, s3;
	[smem:$0x7E6] =	sst s15  }
0xb: {  	[smem:$0x7E8] =	sst s16;
	s3 =	sadd.s32 s5, s15;
	s17 =	sadd.s32 s5, s16  }
0xc: {  	[smem:$0x7EC] =	sst s22;
	s4 =	sadd.s32 s5, s22;
	s15 =	sadd.s32 $0x1400, s0  }
0xd: {  	s16 =	sadd.s32 $0x2080, s0;
	[smem:$0x7FD] =	sst s1;
	s11 =	sshrl.u32 s10, $0x3  }
0xe: {  	s12 =	sshrl.u32 s6, $0x3;
	s18 =	sshrl.u32 s3, $0x3;
	s19 =	sshrl.u32 s17, $0x3  }
0xf: {  	s25 =	sshrl.u32 s4, $0x3;
	s3 =	sadd.s32 s5, s15;
	s17 =	sadd.s32 $0x1E00, s0  }
0x10: {  	s1 =	sadd.s32 s2, s11;
	s13 =	sadd.s32 s2, s12;
	s20 =	sadd.s32 s2, s19  }
0x11: {  	s12 =	sor.u32 $0xC80, s0;
	s11 =	sor.u32 $0xF00, s0;
	[dreg:$0x3] =	wrdreg s1  }
0x12: {  	s26 =	sadd.s32 s2, s25;
	s19 =	sadd.s32 s5, s17;
	[dreg:$0x4] =	wrdreg s13  }
0x13: {  	s1 =	sadd.s32 s5, s14;
	[dreg:$0x7] =	wrdreg s20;
	s21 =	sadd.s32 s5, s12  }
0x14: {  	s23 =	sadd.s32 s5, s11;
	[dreg:$0xa] =	wrdreg s26;
	s14 =	sadd.s32 $0x1680, s0  }
0x15: {  	s13 =	sadd.s32 $0x1900, s0;
	s20 =	sadd.s32 s5, s16;
	s1 =	sshrl.u32 s1, $0x3  }
0x16: {  	s24 =	sshrl.u32 s23, $0x3;
	s4 =	sadd.s32 s5, s14;
	s6 =	sadd.s32 s5, s13  }
0x17: {  	s22 =	sshrl.u32 s20, $0x3;
	s20 =	sadd.s32 $0x2580, s0;
	s1 =	sadd.s32 s2, s1  }
0x18: {  	s7 =	sshrl.u32 s4, $0x3;
	s8 =	sshrl.u32 s6, $0x3;
	s23 =	sadd.s32 s2, s22  }
0x19: {  	s25 =	sadd.s32 s5, s20;
	s22 =	sadd.s32 $0x2F80, s0;
	[dreg:$0x5] =	wrdreg s1  }
0x1a: {  	s1 =	sadd.s32 s2, s18;
	s9 =	sadd.s32 s2, s8;
	[dreg:$0x10] =	wrdreg s23  }
0x1b: {  	s18 =	sadd.s32 $0x1B80, s0;
	s23 =	sadd.s32 $0x2D00, s0;
	[dreg:$0x6] =	wrdreg s1  }
0x1c: {  	s1 =	sshrl.u32 s21, $0x3;
	[dreg:$0xd] =	wrdreg s9;
	s10 =	sadd.s32 s5, s18  }
0x1d: {  	s21 =	sshrl.u32 s19, $0x3;
	s19 =	sadd.s32 $0x2800, s0;
	s1 =	sadd.s32 s2, s1  }
0x1e: {  	s9 =	sadd.s32 s5, s23;
	[dreg:$0x8] =	wrdreg s1;
	s1 =	sadd.s32 s2, s24  }
0x1f: {  	s26 =	sadd.s32 s5, s19;
	[dreg:$0x9] =	wrdreg s1;
	s1 =	sshrl.u32 s3, $0x3  }
0x20: {  	s6 =	sshrl.u32 s26, $0x3;
	s3 =	sshrl.u32 s25, $0x3;
	s1 =	sadd.s32 s2, s1  }
0x21: {  	s25 =	sshrl.u32 s9, $0x3;
	[dreg:$0xb] =	wrdreg s1;
	s1 =	sadd.s32 s2, s7  }
0x22: {  	s7 =	sadd.s32 s2, s6;
	[dreg:$0xc] =	wrdreg s1;
	s1 =	sshrl.u32 s10, $0x3  }
0x23: {  	s6 =	sadd.s32 s5, s28;
	s10 =	sadd.s32 s5, s22;
	s1 =	sadd.s32 s2, s1  }
0x24: {  	[dreg:$0xe] =	wrdreg s1;
	s1 =	sadd.s32 s2, s21;
	s21 =	sadd.s32 $0x2300, s0  }
0x25: {  	[dreg:$0x13] =	wrdreg s7;
	s26 =	sshrl.u32 s10, $0x3;
	s24 =	sadd.s32 s5, s21  }
0x26: {  	s4 =	sadd.s32 s2, s26;
	[dreg:$0xf] =	wrdreg s1;
	s1 =	sshrl.u32 s24, $0x3  }
0x27: {  	s26 =	sadd.s32 $0x3480, s0;
	s24 =	sadd.s32 $0x2A80, s0;
	s1 =	sadd.s32 s2, s1  }
0x28: {  	s8 =	sadd.s32 s5, s24;
	[dreg:$0x11] =	wrdreg s1;
	s1 =	sadd.s32 s2, s3  }
0x29: {  	s7 =	sadd.s32 s5, s26;
	[dreg:$0x12] =	wrdreg s1;
	s1 =	sshrl.u32 s8, $0x3  }
0x2a: {  	[dreg:$0x16] =	wrdreg s4;
	s9 =	sshrl.u32 s7, $0x3;
	s1 =	sadd.s32 s2, s1  }
0x2b: {  	s7 =	sadd.s32 s5, s30;
	[dreg:$0x14] =	wrdreg s1;
	s1 =	sadd.s32 s2, s25  }
0x2c: {  	s25 =	sadd.s32 $0x3700, s0;
	[dreg:$0x15] =	wrdreg s1;
	s1 =	sshrl.u32 s6, $0x3  }
0x2d: {  	s8 =	sadd.s32 s5, s25;
	s6 =	sadd.s32 s5, s31;
	s1 =	sadd.s32 s2, s1  }
0x2e: {  	s10 =	sshrl.u32 s8, $0x3;
	s8 =	sadd.s32 s5, s29;
	[dreg:$0x17] =	wrdreg s1  }
0x2f: {  	s1 =	sadd.s32 s2, s9;
	s4 =	sadd.s32 s2, s10;
	s9 =	sshrl.u32 s7, $0x3  }
0x30: {  	s10 =	sshrl.u32 s8, $0x3;
	s8 =	sadd.s32 $0x4100, s0;
	[dreg:$0x18] =	wrdreg s1  }
0x31: {  	[dreg:$0x19] =	wrdreg s4;
	s1 =	sshrl.u32 s6, $0x3;
	s3 =	sadd.s32 s2, s10  }
0x32: {  	s4 =	sadd.s32 s5, s8;
	s1 =	sadd.s32 s2, s1;
	[dreg:$0x1c] =	wrdreg s3  }
0x33: {  	s10 =	sadd.s32 $0x4600, s0;
	[dreg:$0x1a] =	wrdreg s1;
	s1 =	sadd.s32 s2, s9  }
0x34: {  	s7 =	sadd.s32 s5, s10;
	s9 =	sadd.s32 $0x4380, s0;
	[dreg:$0x1b] =	wrdreg s1  }
0x35: {  	s1 =	sshrl.u32 s4, $0x3;
	s6 =	sadd.s32 s5, s9;
	s4 =	sadd.s32 $0x4880, s0  }
0x36: {  	s1 =	sadd.s32 s2, s1;
	s3 =	sshrl.u32 s6, $0x3;
	s6 =	sshrl.u32 s7, $0x3  }
0x37: {  	[dreg:$0x1d] =	wrdreg s1;
	s1 =	sadd.s32 s2, s3;
	s7 =	sadd.s32 s2, s6  }
0x38: {  	s3 =	sadd.s32 s5, s4;
	s6 =	sadd.s32 $0x4B00, s0;
	[dreg:$0x1e] =	wrdreg s1  }
0x39: {  	[dreg:$0x1f] =	wrdreg s7;
	s1 =	sshrl.u32 s3, $0x3;
	s3 =	sadd.s32 s5, s6  }
0x3a: {  	s7 =	sadd.s32 $0x4D80, s0;
	s1 =	sadd.s32 s2, s1;
	s3 =	sshrl.u32 s3, $0x3  }
0x3b: {  	s5 =	sadd.s32 s5, s7;
	[smem:$0x7DE] =	sst s1;
	s1 =	sadd.s32 s2, s3  }
0x3c: {  	s5 =	sshrl.u32 s5, $0x3;
	[smem:$0x7DF] =	sst s1  }
0x3d: {  	s3 =	sadd.s32 s2, s5;
	s5 =	rddreg [dreg:$0x0]  }
0x3e: {  	s1 =	sld [smem:$0x7E2]  }
0x3f: {  	s0 =	sshrl.u32 s0, $0x3;
	[smem:$0x7E0] =	sst s3;
	s5 =	sadd.s32 $0x36A00, s5  }
0x40: {  	s3 =	sld [smem:$0x7E3];
	s0 =	sadd.s32 s5, s0  }
0x41: {  	s2 =	simm.s32 $0x0;
	[smem:$0x7E1] =	sst s0;
	s0 =	sshrl.u32 s1, $0x3  }
0x42: {  	[smem:$0x7FF] =	sst s2;
	s0 =	sadd.s32 s5, s0  }
0x43: {  	s1 =	sshrl.u32 s3, $0x3;
	[smem:$0x7E4] =	sst s0  }
0x44: {  	s3 =	sadd.s32 s5, s1;
	s1 =	sld [smem:$0x7E6]  }
0x45: {  	[smem:$0x7E5] =	sst s3  }
0x46: {  	s12 =	sshrl.u32 s12, $0x3;
	s22 =	sshrl.u32 s22, $0x3;
	s3 =	sld [smem:$0x7E8]  }
0x47: {  	s0 =	sshrl.u32 s1, $0x3;
	s1 =	sadd.s32 s5, s12;
	s12 =	sshrl.u32 s15, $0x3  }
0x48: {  	s0 =	sadd.s32 s5, s0;
	[smem:$0x7EA] =	sst s1;
	s15 =	sadd.s32 s5, s12  }
0x49: {  	s1 =	sshrl.u32 s14, $0x3;
	s14 =	sshrl.u32 s16, $0x3;
	[smem:$0x7E7] =	sst s0  }
0x4a: {  	s0 =	sshrl.u32 s3, $0x3;
	s3 =	sshrl.u32 s11, $0x3;
	s11 =	sld [smem:$0x7EC]  }
0x4b: {  	[smem:$0x7EE] =	sst s15;
	s15 =	sshrl.u32 s21, $0x3;
	s21 =	sshrl.u32 s23, $0x3  }
0x4c: {  	s23 =	sshrl.u32 s28, $0x3;
	s0 =	sadd.s32 s5, s0;
	s16 =	sadd.s32 s5, s15  }
0x4d: {  	s15 =	sshrl.u32 s9, $0x3;
	[smem:$0x7E9] =	sst s0;
	s0 =	sadd.s32 s5, s3  }
0x4e: {  	s3 =	sshrl.u32 s13, $0x3;
	s13 =	sshrl.u32 s17, $0x3;
	[smem:$0x7F4] =	sst s16  }
0x4f: {  	s17 =	sshrl.u32 s20, $0x3;
	s16 =	sshrl.u32 s10, $0x3;
	s10 =	simm.s32 $0xA00  }
0x50: {  	[smem:$0x7EB] =	sst s0;
	s0 =	sshrl.u32 s11, $0x3;
	s11 =	sshrl.u32 s18, $0x3  }
0x51: {  	s18 =	sshrl.u32 s19, $0x3;
	s19 =	sshrl.u32 s24, $0x3;
	s24 =	sadd.s32 s5, s23  }
0x52: {  	s0 =	sadd.s32 s5, s0;
	s12 =	sadd.s32 s5, s11;
	[smem:$0x7FA] =	sst s24  }
0x53: {  	s20 =	sadd.s32 s5, s19;
	s11 =	sshrl.u32 s31, $0x3;
	[smem:$0x7ED] =	sst s0  }
0x54: {  	s31 =	sadd.s32 s5, s15;
	s19 =	sshrl.u32 s7, $0x3;
	[smem:$0x7F1] =	sst s12  }
0x55: {  	s15 =	simm.s32 $0x780;
	s0 =	sadd.s32 s5, s1;
	[smem:$0x7F7] =	sst s20  }
0x56: {  	s1 =	sshrl.u32 s26, $0x3;
	s26 =	sadd.s32 s5, s11;
	s12 =	sshrl.u32 s30, $0x3  }
0x57: {  	s20 =	stileid.u32;
	s11 =	simm.s32 $0x5;
	[smem:$0x7EF] =	sst s0  }
0x58: {  	s0 =	sadd.s32 s5, s3;
	s3 =	sshrl.u32 s25, $0x3;
	s28 =	sadd.s32 s5, s12  }
0x59: {  	s7 =	smul.u32 $0x27800, s20;
	s12 =	simm.s32 $0x500;
	[smem:$0x7F0] =	sst s0  }
0x5a: {  	s0 =	sadd.s32 s5, s13;
	s25 =	sadd.s32 s5, s3;
	s3 =	rddreg [dreg:$0x1]  }
0x5b: {  	s20 =	simm.s32 $0x0;
	[smem:$0x7F2] =	sst s0;
	s0 =	sadd.s32 s5, s14  }
0x5c: {  	s13 =	sshrl.u32 s29, $0x3;
	[smem:$0x7F3] =	sst s0;
	s0 =	sadd.s32 s5, s17  }
0x5d: {  	s14 =	sshrl.u32 s8, $0x3;
	[smem:$0x7F5] =	sst s0;
	s0 =	sadd.s32 s5, s18  }
0x5e: {  	s29 =	sadd.s32 s5, s13;
	[smem:$0x7F6] =	sst s0;
	s0 =	sadd.s32 s5, s21  }
0x5f: {  	s7 =	sshrl.u32 s7, $0x2;
	[smem:$0x7F8] =	sst s0;
	s0 =	sadd.s32 s5, s22  }
0x60: {  	s13 =	simm.s32 $0x280;
	[smem:$0x7F9] =	sst s0;
	s0 =	sadd.s32 s5, s1  }
0x61: {  	s30 =	sadd.s32 s5, s14;
	s17 =	sshrl.u32 s4, $0x3;
	[smem:$0x7FB] =	sst s0  }
0x62: {  	s7 =	sadd.s32 s7, s3;
	s18 =	sshrl.u32 s6, $0x3;
	_ =	strace $0x80000047  }
0x63: {  	s14 =	simm.s32 $0x1;
	s4 =	sadd.s32 s5, s18;
	s21 =	sld [smem:$0x7FC]  }
0x64: {  	s18 =	simm.s32 $0x3;
	s1 =	sadd.s32 s5, s17;
	s24 =	sld [smem:$0x7FD]  }
0x65: {  	s17 =	simm.s32 $0x2;
	s0 =	sadd.s32 s5, s16;
	s5 =	sadd.s32 s5, s19  }
0x66: {  	s16 =	simm.s32 $0xAA00;
	s22 =	rddreg [dreg:$0x0];
	s6 =	sshrl.u32 s21, $0x3  }
0x67: {  	s19 =	simm.s32 $0x4;
	s9 =	smax.u32 s24, $0x1;
	s23 =	sadd.s32 s6, s22  }
0x68: {  	v0 =	vimm.f32 $0.0e+00;
	s24 =	simm.s32 $0x8;
	s6 =	sadd.s32 $0x5800, s22;
	s8 =	sadd.s32 $0x54A00, s23  }
.LBB2_1:
0x69: {  	s22 =	simm.s32 $0x100;
	s21 =	simm.s32 $0x0  }
.LBB2_2:
0x6a: {  	p0 =	sne.s32 s22, $0x27700;
	[tilespmem:s21+$0xA30] =	vst v0;
	s23 =	smov.u32 s22;
	s22 =	sadd.s32 $0x100, s22  }
.Ltmp0:
0x6b: {  	[tilespmem:s21+$0xA20] =	vst v0;
	(pc) =	sbr.rel @p0 .LBB2_2-.Ltmp0, $3  }
0x6c: {  	[tilespmem:s21+$0xA00] =	vst v0  }
0x6d: {  	[tilespmem:s21+$0xA10] =	vst v0;
	_ =	sdelay $0x1  }
0x6e: {  	s21 =	sshra.s32 s23, $0x2  }
0x6f: {  	[tilespmem:s21+$0xA30] =	vst v0  }
0x70: {  	[tilespmem:s21+$0xA20] =	vst v0  }
0x71: {  	[tilespmem:s21+$0xA00] =	vst v0  }
0x72: {  	[tilespmem:s21+$0xA10] =	vst v0  }
0x73: {  	[spmem:s7] =	stream.linear.scatter [tilespmem:s10], [sflag:$0x5], $0x9E00, $0x38;
	[tilespmem:$0x1E800] =	vst v63  }
0x74: {  	_ =	swait.ge [sflag:s11], $0x9E00  }
0x75: {  	[sflag:s11] =	ssyncset.done $0x0  }
0x76: {  	[sflag:s11] =	ssyncadd.s32 $0xFFFF6200  }
0x77: {  	[bflag:$0x0] =	sbarrier.arrive $0xFFFF  }
0x78: {  	s23 =	rddreg [dreg:$0x3]  }
0x79: {  	[tilespmem:s2], [sflag:$0x5] =	stream.linear.gather [hbm4b:s23+s2], $0x280, $0x38;
	[tilespmem:$0x1E800] =	vst v63  }
0x7a: {  	_ =	swait.ge [sflag:s11], $0x280  }
0x7b: {  	s22 =	sld [smem:$0x7E1]  }
0x7c: {  	[sflag:s11] =	ssyncset.done $0x0  }
0x7d: {  	[sflag:s11] =	ssyncadd.s32 $0xFFFFFD80  }
0x7e: {  	[tilespmem:s12], [sflag:$0x5] =	stream.linear.gather [hbm4b:s22+s2], $0x280, $0x38;
	[tilespmem:$0x1E800] =	vst v63  }
0x7f: {  	_ =	swait.ge [sflag:s11], $0x280  }
0x80: {  	[sflag:s11] =	ssyncset.done $0x0  }
0x81: {  	[sflag:s11] =	ssyncadd.s32 $0xFFFFFD80  }
0x82: {  	[tilespmem:s10], [sflag:$0x1] =	stream.indirect.gather [hbm4b:s6+s13], $0x40, s2, s13, $0xb8;
	[tilespmem:$0x1E800] =	vst v63  }
0x83: {  	_ =	swait.ge [sflag:s14], $0xA000  }
0x84: {  	[sflag:s14] =	ssyncset.done $0x0  }
0x85: {  	[sflag:s14] =	ssyncadd.s32 $0xFFFF6000  }
0x86: {  	[spmem:s3] =	stream.indirect.scatter.add.f32 [tilespmem:s10], [sflag:$0x3], $0x40, s12, s13, $0xb8;
	[tilespmem:$0x1E800] =	vst v63  }
0x87: {  	s23 =	rddreg [dreg:$0x4]  }
0x88: {  	[tilespmem:s13], [sflag:$0x5] =	stream.linear.gather [hbm4b:s23+s2], $0x280, $0x38;
	[tilespmem:$0x1E800] =	vst v63  }
0x89: {  	_ =	swait.ge [sflag:s11], $0x280  }
0x8a: {  	s22 =	sld [smem:$0x7E4]  }
0x8b: {  	[sflag:s11] =	ssyncset.done $0x0  }
0x8c: {  	[sflag:s11] =	ssyncadd.s32 $0xFFFFFD80  }
0x8d: {  	[tilespmem:s15], [sflag:$0x5] =	stream.linear.gather [hbm4b:s22+s2], $0x280, $0x38;
	[tilespmem:$0x1E800] =	vst v63  }
0x8e: {  	_ =	swait.ge [sflag:s11], $0x280  }
0x8f: {  	[sflag:s11] =	ssyncset.done $0x0  }
0x90: {  	[sflag:s11] =	ssyncadd.s32 $0xFFFFFD80  }
0x91: {  	[tilespmem:s16], [sflag:$0x2] =	stream.indirect.gather [hbm4b:s6+s13], $0x40, s13, s13, $0xb8;
	[tilespmem:$0x1E800] =	vst v63  }
0x92: {  	_ =	swait.ge [sflag:s17], $0xA000  }
0x93: {  	[sflag:s17] =	ssyncset.done $0x0  }
0x94: {  	[sflag:s17] =	ssyncadd.s32 $0xFFFF6000  }
0x95: {  	[spmem:s3] =	stream.indirect.scatter.add.f32 [tilespmem:s16], [sflag:$0x4], $0x40, s15, s13, $0xb8;
	[tilespmem:$0x1E800] =	vst v63  }
0x96: {  	_ =	swait.ge [sflag:s18], $0xA000  }
0x97: {  	[sflag:s18] =	ssyncset.done $0x0  }
0x98: {  	s23 =	rddreg [dreg:$0x5];
	[sflag:s18] =	ssyncadd.s32 $0xFFFF6000  }
0x99: {  	[tilespmem:s2], [sflag:$0x5] =	stream.linear.gather [hbm4b:s23+s2], $0x280, $0x38;
	[tilespmem:$0x1E800] =	vst v63  }
0x9a: {  	_ =	swait.ge [sflag:s11], $0x280  }
0x9b: {  	s22 =	sld [smem:$0x7E5]  }
0x9c: {  	[sflag:s11] =	ssyncset.done $0x0  }
0x9d: {  	[sflag:s11] =	ssyncadd.s32 $0xFFFFFD80  }
0x9e: {  	[tilespmem:s12], [sflag:$0x5] =	stream.linear.gather [hbm4b:s22+s2], $0x280, $0x38;
	[tilespmem:$0x1E800] =	vst v63  }
0x9f: {  	_ =	swait.ge [sflag:s11], $0x280  }
0xa0: {  	[sflag:s11] =	ssyncset.done $0x0  }
0xa1: {  	[sflag:s11] =	ssyncadd.s32 $0xFFFFFD80  }
0xa2: {  	[tilespmem:s10], [sflag:$0x1] =	stream.indirect.gather [hbm4b:s6+s13], $0x40, s2, s13, $0xb8;
	[tilespmem:$0x1E800] =	vst v63  }
0xa3: {  	_ =	swait.ge [sflag:s14], $0xA000  }
0xa4: {  	[sflag:s14] =	ssyncset.done $0x0  }
0xa5: {  	[sflag:s14] =	ssyncadd.s32 $0xFFFF6000  }
0xa6: {  	[spmem:s3] =	stream.indirect.scatter.add.f32 [tilespmem:s10], [sflag:$0x3], $0x40, s12, s13, $0xb8;
	[tilespmem:$0x1E800] =	vst v63  }
0xa7: {  	_ =	swait.ge [sflag:s19], $0xA000  }
0xa8: {  	[sflag:s19] =	ssyncset.done $0x0  }
0xa9: {  	s23 =	rddreg [dreg:$0x6];
	[sflag:s19] =	ssyncadd.s32 $0xFFFF6000  }
0xaa: {  	[tilespmem:s13], [sflag:$0x5] =	stream.linear.gather [hbm4b:s23+s2], $0x280, $0x38;
	[tilespmem:$0x1E800] =	vst v63  }
0xab: {  	_ =	swait.ge [sflag:s11], $0x280  }
0xac: {  	s22 =	sld [smem:$0x7E7]  }
0xad: {  	[sflag:s11] =	ssyncset.done $0x0  }
0xae: {  	[sflag:s11] =	ssyncadd.s32 $0xFFFFFD80  }
0xaf: {  	[tilespmem:s15], [sflag:$0x5] =	stream.linear.gather [hbm4b:s22+s2], $0x280, $0x38;
	[tilespmem:$0x1E800] =	vst v63  }
0xb0: {  	_ =	swait.ge [sflag:s11], $0x280  }
0xb1: {  	[sflag:s11] =	ssyncset.done $0x0  }
0xb2: {  	[sflag:s11] =	ssyncadd.s32 $0xFFFFFD80  }
0xb3: {  	[tilespmem:s16], [sflag:$0x2] =	stream.indirect.gather [hbm4b:s6+s13], $0x40, s13, s13, $0xb8;
	[tilespmem:$0x1E800] =	vst v63  }
0xb4: {  	_ =	swait.ge [sflag:s17], $0xA000  }
0xb5: {  	[sflag:s17] =	ssyncset.done $0x0  }
0xb6: {  	[sflag:s17] =	ssyncadd.s32 $0xFFFF6000  }
0xb7: {  	[spmem:s3] =	stream.indirect.scatter.add.f32 [tilespmem:s16], [sflag:$0x4], $0x40, s15, s13, $0xb8;
	[tilespmem:$0x1E800] =	vst v63  }
0xb8: {  	_ =	swait.ge [sflag:s18], $0xA000  }
0xb9: {  	[sflag:s18] =	ssyncset.done $0x0  }
0xba: {  	s23 =	rddreg [dreg:$0x7];
	[sflag:s18] =	ssyncadd.s32 $0xFFFF6000  }
0xbb: {  	[tilespmem:s2], [sflag:$0x5] =	stream.linear.gather [hbm4b:s23+s2], $0x280, $0x38;
	[tilespmem:$0x1E800] =	vst v63  }
0xbc: {  	_ =	swait.ge [sflag:s11], $0x280  }
0xbd: {  	s22 =	sld [smem:$0x7E9]  }
0xbe: {  	[sflag:s11] =	ssyncset.done $0x0  }
0xbf: {  	[sflag:s11] =	ssyncadd.s32 $0xFFFFFD80  }
0xc0: {  	[tilespmem:s12], [sflag:$0x5] =	stream.linear.gather [hbm4b:s22+s2], $0x280, $0x38;
	[tilespmem:$0x1E800] =	vst v63  }
0xc1: {  	_ =	swait.ge [sflag:s11], $0x280  }
0xc2: {  	[sflag:s11] =	ssyncset.done $0x0  }
0xc3: {  	[sflag:s11] =	ssyncadd.s32 $0xFFFFFD80  }
0xc4: {  	[tilespmem:s10], [sflag:$0x1] =	stream.indirect.gather [hbm4b:s6+s13], $0x40, s2, s13, $0xb8;
	[tilespmem:$0x1E800] =	vst v63  }
0xc5: {  	_ =	swait.ge [sflag:s14], $0xA000  }
0xc6: {  	[sflag:s14] =	ssyncset.done $0x0  }
0xc7: {  	[sflag:s14] =	ssyncadd.s32 $0xFFFF6000  }
0xc8: {  	[spmem:s3] =	stream.indirect.scatter.add.f32 [tilespmem:s10], [sflag:$0x3], $0x40, s12, s13, $0xb8;
	[tilespmem:$0x1E800] =	vst v63  }
0xc9: {  	_ =	swait.ge [sflag:s19], $0xA000  }
0xca: {  	[sflag:s19] =	ssyncset.done $0x0  }
0xcb: {  	s23 =	rddreg [dreg:$0x8];
	[sflag:s19] =	ssyncadd.s32 $0xFFFF6000  }
0xcc: {  	[tilespmem:s13], [sflag:$0x5] =	stream.linear.gather [hbm4b:s23+s2], $0x280, $0x38;
	[tilespmem:$0x1E800] =	vst v63  }
0xcd: {  	_ =	swait.ge [sflag:s11], $0x280  }
0xce: {  	s22 =	sld [smem:$0x7EA]  }
0xcf: {  	[sflag:s11] =	ssyncset.done $0x0  }
0xd0: {  	[sflag:s11] =	ssyncadd.s32 $0xFFFFFD80  }
0xd1: {  	[tilespmem:s15], [sflag:$0x5] =	stream.linear.gather [hbm4b:s22+s2], $0x280, $0x38;
	[tilespmem:$0x1E800] =	vst v63  }
0xd2: {  	_ =	swait.ge [sflag:s11], $0x280  }
0xd3: {  	[sflag:s11] =	ssyncset.done $0x0  }
0xd4: {  	[sflag:s11] =	ssyncadd.s32 $0xFFFFFD80  }
0xd5: {  	[tilespmem:s16], [sflag:$0x2] =	stream.indirect.gather [hbm4b:s6+s13], $0x40, s13, s13, $0xb8;
	[tilespmem:$0x1E800] =	vst v63  }
0xd6: {  	_ =	swait.ge [sflag:s17], $0xA000  }
0xd7: {  	[sflag:s17] =	ssyncset.done $0x0  }
0xd8: {  	[sflag:s17] =	ssyncadd.s32 $0xFFFF6000  }
0xd9: {  	[spmem:s3] =	stream.indirect.scatter.add.f32 [tilespmem:s16], [sflag:$0x4], $0x40, s15, s13, $0xb8;
	[tilespmem:$0x1E800] =	vst v63  }
0xda: {  	_ =	swait.ge [sflag:s18], $0xA000  }
0xdb: {  	[sflag:s18] =	ssyncset.done $0x0  }
0xdc: {  	s23 =	rddreg [dreg:$0x9];
	[sflag:s18] =	ssyncadd.s32 $0xFFFF6000  }
0xdd: {  	[tilespmem:s2], [sflag:$0x5] =	stream.linear.gather [hbm4b:s23+s2], $0x280, $0x38;
	[tilespmem:$0x1E800] =	vst v63  }
0xde: {  	_ =	swait.ge [sflag:s11], $0x280  }
0xdf: {  	s22 =	sld [smem:$0x7EB]  }
0xe0: {  	[sflag:s11] =	ssyncset.done $0x0  }
0xe1: {  	[sflag:s11] =	ssyncadd.s32 $0xFFFFFD80  }
0xe2: {  	[tilespmem:s12], [sflag:$0x5] =	stream.linear.gather [hbm4b:s22+s2], $0x280, $0x38;
	[tilespmem:$0x1E800] =	vst v63  }
0xe3: {  	_ =	swait.ge [sflag:s11], $0x280  }
0xe4: {  	[sflag:s11] =	ssyncset.done $0x0  }
0xe5: {  	[sflag:s11] =	ssyncadd.s32 $0xFFFFFD80  }
0xe6: {  	[tilespmem:s10], [sflag:$0x1] =	stream.indirect.gather [hbm4b:s6+s13], $0x40, s2, s13, $0xb8;
	[tilespmem:$0x1E800] =	vst v63  }
0xe7: {  	_ =	swait.ge [sflag:s14], $0xA000  }
0xe8: {  	[sflag:s14] =	ssyncset.done $0x0  }
0xe9: {  	[sflag:s14] =	ssyncadd.s32 $0xFFFF6000  }
0xea: {  	[spmem:s3] =	stream.indirect.scatter.add.f32 [tilespmem:s10], [sflag:$0x3], $0x40, s12, s13, $0xb8;
	[tilespmem:$0x1E800] =	vst v63  }
0xeb: {  	_ =	swait.ge [sflag:s19], $0xA000  }
0xec: {  	[sflag:s19] =	ssyncset.done $0x0  }
0xed: {  	s23 =	rddreg [dreg:$0xa];
	[sflag:s19] =	ssyncadd.s32 $0xFFFF6000  }
0xee: {  	[tilespmem:s13], [sflag:$0x5] =	stream.linear.gather [hbm4b:s23+s2], $0x280, $0x38;
	[tilespmem:$0x1E800] =	vst v63  }
0xef: {  	_ =	swait.ge [sflag:s11], $0x280  }
0xf0: {  	s22 =	sld [smem:$0x7ED]  }
0xf1: {  	[sflag:s11] =	ssyncset.done $0x0  }
0xf2: {  	[sflag:s11] =	ssyncadd.s32 $0xFFFFFD80  }
0xf3: {  	[tilespmem:s15], [sflag:$0x5] =	stream.linear.gather [hbm4b:s22+s2], $0x280, $0x38;
	[tilespmem:$0x1E800] =	vst v63  }
0xf4: {  	_ =	swait.ge [sflag:s11], $0x280  }
0xf5: {  	[sflag:s11] =	ssyncset.done $0x0  }
0xf6: {  	[sflag:s11] =	ssyncadd.s32 $0xFFFFFD80  }
0xf7: {  	[tilespmem:s16], [sflag:$0x2] =	stream.indirect.gather [hbm4b:s6+s13], $0x40, s13, s13, $0xb8;
	[tilespmem:$0x1E800] =	vst v63  }
0xf8: {  	_ =	swait.ge [sflag:s17], $0xA000  }
0xf9: {  	[sflag:s17] =	ssyncset.done $0x0  }
0xfa: {  	[sflag:s17] =	ssyncadd.s32 $0xFFFF6000  }
0xfb: {  	[spmem:s3] =	stream.indirect.scatter.add.f32 [tilespmem:s16], [sflag:$0x4], $0x40, s15, s13, $0xb8;
	[tilespmem:$0x1E800] =	vst v63  }
0xfc: {  	_ =	swait.ge [sflag:s18], $0xA000  }
0xfd: {  	[sflag:s18] =	ssyncset.done $0x0  }
0xfe: {  	s23 =	rddreg [dreg:$0xb];
	[sflag:s18] =	ssyncadd.s32 $0xFFFF6000  }
0xff: {  	[tilespmem:s2], [sflag:$0x5] =	stream.linear.gather [hbm4b:s23+s2], $0x280, $0x38;
	[tilespmem:$0x1E800] =	vst v63  }
0x100: {  	_ =	swait.ge [sflag:s11], $0x280  }
0x101: {  	s22 =	sld [smem:$0x7EE]  }
0x102: {  	[sflag:s11] =	ssyncset.done $0x0  }
0x103: {  	[sflag:s11] =	ssyncadd.s32 $0xFFFFFD80  }
0x104: {  	[tilespmem:s12], [sflag:$0x5] =	stream.linear.gather [hbm4b:s22+s2], $0x280, $0x38;
	[tilespmem:$0x1E800] =	vst v63  }
0x105: {  	_ =	swait.ge [sflag:s11], $0x280  }
0x106: {  	[sflag:s11] =	ssyncset.done $0x0  }
0x107: {  	[sflag:s11] =	ssyncadd.s32 $0xFFFFFD80  }
0x108: {  	[tilespmem:s10], [sflag:$0x1] =	stream.indirect.gather [hbm4b:s6+s13], $0x40, s2, s13, $0xb8;
	[tilespmem:$0x1E800] =	vst v63  }
0x109: {  	_ =	swait.ge [sflag:s14], $0xA000  }
0x10a: {  	[sflag:s14] =	ssyncset.done $0x0  }
0x10b: {  	[sflag:s14] =	ssyncadd.s32 $0xFFFF6000  }
0x10c: {  	[spmem:s3] =	stream.indirect.scatter.add.f32 [tilespmem:s10], [sflag:$0x3], $0x40, s12, s13, $0xb8;
	[tilespmem:$0x1E800] =	vst v63  }
0x10d: {  	_ =	swait.ge [sflag:s19], $0xA000  }
0x10e: {  	[sflag:s19] =	ssyncset.done $0x0  }
0x10f: {  	s23 =	rddreg [dreg:$0xc];
	[sflag:s19] =	ssyncadd.s32 $0xFFFF6000  }
0x110: {  	[tilespmem:s13], [sflag:$0x5] =	stream.linear.gather [hbm4b:s23+s2], $0x280, $0x38;
	[tilespmem:$0x1E800] =	vst v63  }
0x111: {  	_ =	swait.ge [sflag:s11], $0x280  }
0x112: {  	s22 =	sld [smem:$0x7EF]  }
0x113: {  	[sflag:s11] =	ssyncset.done $0x0  }
0x114: {  	[sflag:s11] =	ssyncadd.s32 $0xFFFFFD80  }
0x115: {  	[tilespmem:s15], [sflag:$0x5] =	stream.linear.gather [hbm4b:s22+s2], $0x280, $0x38;
	[tilespmem:$0x1E800] =	vst v63  }
0x116: {  	_ =	swait.ge [sflag:s11], $0x280  }
0x117: {  	[sflag:s11] =	ssyncset.done $0x0  }
0x118: {  	[sflag:s11] =	ssyncadd.s32 $0xFFFFFD80  }
0x119: {  	[tilespmem:s16], [sflag:$0x2] =	stream.indirect.gather [hbm4b:s6+s13], $0x40, s13, s13, $0xb8;
	[tilespmem:$0x1E800] =	vst v63  }
0x11a: {  	_ =	swait.ge [sflag:s17], $0xA000  }
0x11b: {  	[sflag:s17] =	ssyncset.done $0x0  }
0x11c: {  	[sflag:s17] =	ssyncadd.s32 $0xFFFF6000  }
0x11d: {  	[spmem:s3] =	stream.indirect.scatter.add.f32 [tilespmem:s16], [sflag:$0x4], $0x40, s15, s13, $0xb8;
	[tilespmem:$0x1E800] =	vst v63  }
0x11e: {  	_ =	swait.ge [sflag:s18], $0xA000  }
0x11f: {  	[sflag:s18] =	ssyncset.done $0x0  }
0x120: {  	s23 =	rddreg [dreg:$0xd];
	[sflag:s18] =	ssyncadd.s32 $0xFFFF6000  }
0x121: {  	[tilespmem:s2], [sflag:$0x5] =	stream.linear.gather [hbm4b:s23+s2], $0x280, $0x38;
	[tilespmem:$0x1E800] =	vst v63  }
0x122: {  	_ =	swait.ge [sflag:s11], $0x280  }
0x123: {  	s22 =	sld [smem:$0x7F0]  }
0x124: {  	[sflag:s11] =	ssyncset.done $0x0  }
0x125: {  	[sflag:s11] =	ssyncadd.s32 $0xFFFFFD80  }
0x126: {  	[tilespmem:s12], [sflag:$0x5] =	stream.linear.gather [hbm4b:s22+s2], $0x280, $0x38;
	[tilespmem:$0x1E800] =	vst v63  }
0x127: {  	_ =	swait.ge [sflag:s11], $0x280  }
0x128: {  	[sflag:s11] =	ssyncset.done $0x0  }
0x129: {  	[sflag:s11] =	ssyncadd.s32 $0xFFFFFD80  }
0x12a: {  	[tilespmem:s10], [sflag:$0x1] =	stream.indirect.gather [hbm4b:s6+s13], $0x40, s2, s13, $0xb8;
	[tilespmem:$0x1E800] =	vst v63  }
0x12b: {  	_ =	swait.ge [sflag:s14], $0xA000  }
0x12c: {  	[sflag:s14] =	ssyncset.done $0x0  }
0x12d: {  	[sflag:s14] =	ssyncadd.s32 $0xFFFF6000  }
0x12e: {  	[spmem:s3] =	stream.indirect.scatter.add.f32 [tilespmem:s10], [sflag:$0x3], $0x40, s12, s13, $0xb8;
	[tilespmem:$0x1E800] =	vst v63  }
0x12f: {  	_ =	swait.ge [sflag:s19], $0xA000  }
0x130: {  	[sflag:s19] =	ssyncset.done $0x0  }
0x131: {  	s23 =	rddreg [dreg:$0xe];
	[sflag:s19] =	ssyncadd.s32 $0xFFFF6000  }
0x132: {  	[tilespmem:s13], [sflag:$0x5] =	stream.linear.gather [hbm4b:s23+s2], $0x280, $0x38;
	[tilespmem:$0x1E800] =	vst v63  }
0x133: {  	_ =	swait.ge [sflag:s11], $0x280  }
0x134: {  	s22 =	sld [smem:$0x7F1]  }
0x135: {  	[sflag:s11] =	ssyncset.done $0x0  }
0x136: {  	[sflag:s11] =	ssyncadd.s32 $0xFFFFFD80  }
0x137: {  	[tilespmem:s15], [sflag:$0x5] =	stream.linear.gather [hbm4b:s22+s2], $0x280, $0x38;
	[tilespmem:$0x1E800] =	vst v63  }
0x138: {  	_ =	swait.ge [sflag:s11], $0x280  }
0x139: {  	[sflag:s11] =	ssyncset.done $0x0  }
0x13a: {  	[sflag:s11] =	ssyncadd.s32 $0xFFFFFD80  }
0x13b: {  	[tilespmem:s16], [sflag:$0x2] =	stream.indirect.gather [hbm4b:s6+s13], $0x40, s13, s13, $0xb8;
	[tilespmem:$0x1E800] =	vst v63  }
0x13c: {  	_ =	swait.ge [sflag:s17], $0xA000  }
0x13d: {  	[sflag:s17] =	ssyncset.done $0x0  }
0x13e: {  	[sflag:s17] =	ssyncadd.s32 $0xFFFF6000  }
0x13f: {  	[spmem:s3] =	stream.indirect.scatter.add.f32 [tilespmem:s16], [sflag:$0x4], $0x40, s15, s13, $0xb8;
	[tilespmem:$0x1E800] =	vst v63  }
0x140: {  	_ =	swait.ge [sflag:s18], $0xA000  }
0x141: {  	[sflag:s18] =	ssyncset.done $0x0  }
0x142: {  	s23 =	rddreg [dreg:$0xf];
	[sflag:s18] =	ssyncadd.s32 $0xFFFF6000  }
0x143: {  	[tilespmem:s2], [sflag:$0x5] =	stream.linear.gather [hbm4b:s23+s2], $0x280, $0x38;
	[tilespmem:$0x1E800] =	vst v63  }
0x144: {  	_ =	swait.ge [sflag:s11], $0x280  }
0x145: {  	s22 =	sld [smem:$0x7F2]  }
0x146: {  	[sflag:s11] =	ssyncset.done $0x0  }
0x147: {  	[sflag:s11] =	ssyncadd.s32 $0xFFFFFD80  }
0x148: {  	[tilespmem:s12], [sflag:$0x5] =	stream.linear.gather [hbm4b:s22+s2], $0x280, $0x38;
	[tilespmem:$0x1E800] =	vst v63  }
0x149: {  	_ =	swait.ge [sflag:s11], $0x280  }
0x14a: {  	[sflag:s11] =	ssyncset.done $0x0  }
0x14b: {  	[sflag:s11] =	ssyncadd.s32 $0xFFFFFD80  }
0x14c: {  	[tilespmem:s10], [sflag:$0x1] =	stream.indirect.gather [hbm4b:s6+s13], $0x40, s2, s13, $0xb8;
	[tilespmem:$0x1E800] =	vst v63  }
0x14d: {  	_ =	swait.ge [sflag:s14], $0xA000  }
0x14e: {  	[sflag:s14] =	ssyncset.done $0x0  }
0x14f: {  	[sflag:s14] =	ssyncadd.s32 $0xFFFF6000  }
0x150: {  	[spmem:s3] =	stream.indirect.scatter.add.f32 [tilespmem:s10], [sflag:$0x3], $0x40, s12, s13, $0xb8;
	[tilespmem:$0x1E800] =	vst v63  }
0x151: {  	_ =	swait.ge [sflag:s19], $0xA000  }
0x152: {  	[sflag:s19] =	ssyncset.done $0x0  }
0x153: {  	s23 =	rddreg [dreg:$0x10];
	[sflag:s19] =	ssyncadd.s32 $0xFFFF6000  }
0x154: {  	[tilespmem:s13], [sflag:$0x5] =	stream.linear.gather [hbm4b:s23+s2], $0x280, $0x38;
	[tilespmem:$0x1E800] =	vst v63  }
0x155: {  	_ =	swait.ge [sflag:s11], $0x280  }
0x156: {  	s22 =	sld [smem:$0x7F3]  }
0x157: {  	[sflag:s11] =	ssyncset.done $0x0  }
0x158: {  	[sflag:s11] =	ssyncadd.s32 $0xFFFFFD80  }
0x159: {  	[tilespmem:s15], [sflag:$0x5] =	stream.linear.gather [hbm4b:s22+s2], $0x280, $0x38;
	[tilespmem:$0x1E800] =	vst v63  }
0x15a: {  	_ =	swait.ge [sflag:s11], $0x280  }
0x15b: {  	[sflag:s11] =	ssyncset.done $0x0  }
0x15c: {  	[sflag:s11] =	ssyncadd.s32 $0xFFFFFD80  }
0x15d: {  	[tilespmem:s16], [sflag:$0x2] =	stream.indirect.gather [hbm4b:s6+s13], $0x40, s13, s13, $0xb8;
	[tilespmem:$0x1E800] =	vst v63  }
0x15e: {  	_ =	swait.ge [sflag:s17], $0xA000  }
0x15f: {  	[sflag:s17] =	ssyncset.done $0x0  }
0x160: {  	[sflag:s17] =	ssyncadd.s32 $0xFFFF6000  }
0x161: {  	[spmem:s3] =	stream.indirect.scatter.add.f32 [tilespmem:s16], [sflag:$0x4], $0x40, s15, s13, $0xb8;
	[tilespmem:$0x1E800] =	vst v63  }
0x162: {  	_ =	swait.ge [sflag:s18], $0xA000  }
0x163: {  	[sflag:s18] =	ssyncset.done $0x0  }
0x164: {  	s23 =	rddreg [dreg:$0x11];
	[sflag:s18] =	ssyncadd.s32 $0xFFFF6000  }
0x165: {  	[tilespmem:s2], [sflag:$0x5] =	stream.linear.gather [hbm4b:s23+s2], $0x280, $0x38;
	[tilespmem:$0x1E800] =	vst v63  }
0x166: {  	_ =	swait.ge [sflag:s11], $0x280  }
0x167: {  	s22 =	sld [smem:$0x7F4]  }
0x168: {  	[sflag:s11] =	ssyncset.done $0x0  }
0x169: {  	[sflag:s11] =	ssyncadd.s32 $0xFFFFFD80  }
0x16a: {  	[tilespmem:s12], [sflag:$0x5] =	stream.linear.gather [hbm4b:s22+s2], $0x280, $0x38;
	[tilespmem:$0x1E800] =	vst v63  }
0x16b: {  	_ =	swait.ge [sflag:s11], $0x280  }
0x16c: {  	[sflag:s11] =	ssyncset.done $0x0  }
0x16d: {  	[sflag:s11] =	ssyncadd.s32 $0xFFFFFD80  }
0x16e: {  	[tilespmem:s10], [sflag:$0x1] =	stream.indirect.gather [hbm4b:s6+s13], $0x40, s2, s13, $0xb8;
	[tilespmem:$0x1E800] =	vst v63  }
0x16f: {  	_ =	swait.ge [sflag:s14], $0xA000  }
0x170: {  	[sflag:s14] =	ssyncset.done $0x0  }
0x171: {  	[sflag:s14] =	ssyncadd.s32 $0xFFFF6000  }
0x172: {  	[spmem:s3] =	stream.indirect.scatter.add.f32 [tilespmem:s10], [sflag:$0x3], $0x40, s12, s13, $0xb8;
	[tilespmem:$0x1E800] =	vst v63  }
0x173: {  	_ =	swait.ge [sflag:s19], $0xA000  }
0x174: {  	[sflag:s19] =	ssyncset.done $0x0  }
0x175: {  	s23 =	rddreg [dreg:$0x12];
	[sflag:s19] =	ssyncadd.s32 $0xFFFF6000  }
0x176: {  	[tilespmem:s13], [sflag:$0x5] =	stream.linear.gather [hbm4b:s23+s2], $0x280, $0x38;
	[tilespmem:$0x1E800] =	vst v63  }
0x177: {  	_ =	swait.ge [sflag:s11], $0x280  }
0x178: {  	s22 =	sld [smem:$0x7F5]  }
0x179: {  	[sflag:s11] =	ssyncset.done $0x0  }
0x17a: {  	[sflag:s11] =	ssyncadd.s32 $0xFFFFFD80  }
0x17b: {  	[tilespmem:s15], [sflag:$0x5] =	stream.linear.gather [hbm4b:s22+s2], $0x280, $0x38;
	[tilespmem:$0x1E800] =	vst v63  }
0x17c: {  	_ =	swait.ge [sflag:s11], $0x280  }
0x17d: {  	[sflag:s11] =	ssyncset.done $0x0  }
0x17e: {  	[sflag:s11] =	ssyncadd.s32 $0xFFFFFD80  }
0x17f: {  	[tilespmem:s16], [sflag:$0x2] =	stream.indirect.gather [hbm4b:s6+s13], $0x40, s13, s13, $0xb8;
	[tilespmem:$0x1E800] =	vst v63  }
0x180: {  	_ =	swait.ge [sflag:s17], $0xA000  }
0x181: {  	[sflag:s17] =	ssyncset.done $0x0  }
0x182: {  	[sflag:s17] =	ssyncadd.s32 $0xFFFF6000  }
0x183: {  	[spmem:s3] =	stream.indirect.scatter.add.f32 [tilespmem:s16], [sflag:$0x4], $0x40, s15, s13, $0xb8;
	[tilespmem:$0x1E800] =	vst v63  }
0x184: {  	_ =	swait.ge [sflag:s18], $0xA000  }
0x185: {  	[sflag:s18] =	ssyncset.done $0x0  }
0x186: {  	s23 =	rddreg [dreg:$0x13];
	[sflag:s18] =	ssyncadd.s32 $0xFFFF6000  }
0x187: {  	[tilespmem:s2], [sflag:$0x5] =	stream.linear.gather [hbm4b:s23+s2], $0x280, $0x38;
	[tilespmem:$0x1E800] =	vst v63  }
0x188: {  	_ =	swait.ge [sflag:s11], $0x280  }
0x189: {  	s22 =	sld [smem:$0x7F6]  }
0x18a: {  	[sflag:s11] =	ssyncset.done $0x0  }
0x18b: {  	[sflag:s11] =	ssyncadd.s32 $0xFFFFFD80  }
0x18c: {  	[tilespmem:s12], [sflag:$0x5] =	stream.linear.gather [hbm4b:s22+s2], $0x280, $0x38;
	[tilespmem:$0x1E800] =	vst v63  }
0x18d: {  	_ =	swait.ge [sflag:s11], $0x280  }
0x18e: {  	[sflag:s11] =	ssyncset.done $0x0  }
0x18f: {  	[sflag:s11] =	ssyncadd.s32 $0xFFFFFD80  }
0x190: {  	[tilespmem:s10], [sflag:$0x1] =	stream.indirect.gather [hbm4b:s6+s13], $0x40, s2, s13, $0xb8;
	[tilespmem:$0x1E800] =	vst v63  }
0x191: {  	_ =	swait.ge [sflag:s14], $0xA000  }
0x192: {  	[sflag:s14] =	ssyncset.done $0x0  }
0x193: {  	[sflag:s14] =	ssyncadd.s32 $0xFFFF6000  }
0x194: {  	[spmem:s3] =	stream.indirect.scatter.add.f32 [tilespmem:s10], [sflag:$0x3], $0x40, s12, s13, $0xb8;
	[tilespmem:$0x1E800] =	vst v63  }
0x195: {  	_ =	swait.ge [sflag:s19], $0xA000  }
0x196: {  	[sflag:s19] =	ssyncset.done $0x0  }
0x197: {  	s23 =	rddreg [dreg:$0x14];
	[sflag:s19] =	ssyncadd.s32 $0xFFFF6000  }
0x198: {  	[tilespmem:s13], [sflag:$0x5] =	stream.linear.gather [hbm4b:s23+s2], $0x280, $0x38;
	[tilespmem:$0x1E800] =	vst v63  }
0x199: {  	_ =	swait.ge [sflag:s11], $0x280  }
0x19a: {  	s22 =	sld [smem:$0x7F7]  }
0x19b: {  	[sflag:s11] =	ssyncset.done $0x0  }
0x19c: {  	[sflag:s11] =	ssyncadd.s32 $0xFFFFFD80  }
0x19d: {  	[tilespmem:s15], [sflag:$0x5] =	stream.linear.gather [hbm4b:s22+s2], $0x280, $0x38;
	[tilespmem:$0x1E800] =	vst v63  }
0x19e: {  	_ =	swait.ge [sflag:s11], $0x280  }
0x19f: {  	[sflag:s11] =	ssyncset.done $0x0  }
0x1a0: {  	[sflag:s11] =	ssyncadd.s32 $0xFFFFFD80  }
0x1a1: {  	[tilespmem:s16], [sflag:$0x2] =	stream.indirect.gather [hbm4b:s6+s13], $0x40, s13, s13, $0xb8;
	[tilespmem:$0x1E800] =	vst v63  }
0x1a2: {  	_ =	swait.ge [sflag:s17], $0xA000  }
0x1a3: {  	[sflag:s17] =	ssyncset.done $0x0  }
0x1a4: {  	[sflag:s17] =	ssyncadd.s32 $0xFFFF6000  }
0x1a5: {  	[spmem:s3] =	stream.indirect.scatter.add.f32 [tilespmem:s16], [sflag:$0x4], $0x40, s15, s13, $0xb8;
	[tilespmem:$0x1E800] =	vst v63  }
0x1a6: {  	_ =	swait.ge [sflag:s18], $0xA000  }
0x1a7: {  	[sflag:s18] =	ssyncset.done $0x0  }
0x1a8: {  	s23 =	rddreg [dreg:$0x15];
	[sflag:s18] =	ssyncadd.s32 $0xFFFF6000  }
0x1a9: {  	[tilespmem:s2], [sflag:$0x5] =	stream.linear.gather [hbm4b:s23+s2], $0x280, $0x38;
	[tilespmem:$0x1E800] =	vst v63  }
0x1aa: {  	_ =	swait.ge [sflag:s11], $0x280  }
0x1ab: {  	s22 =	sld [smem:$0x7F8]  }
0x1ac: {  	[sflag:s11] =	ssyncset.done $0x0  }
0x1ad: {  	[sflag:s11] =	ssyncadd.s32 $0xFFFFFD80  }
0x1ae: {  	[tilespmem:s12], [sflag:$0x5] =	stream.linear.gather [hbm4b:s22+s2], $0x280, $0x38;
	[tilespmem:$0x1E800] =	vst v63  }
0x1af: {  	_ =	swait.ge [sflag:s11], $0x280  }
0x1b0: {  	[sflag:s11] =	ssyncset.done $0x0  }
0x1b1: {  	[sflag:s11] =	ssyncadd.s32 $0xFFFFFD80  }
0x1b2: {  	[tilespmem:s10], [sflag:$0x1] =	stream.indirect.gather [hbm4b:s6+s13], $0x40, s2, s13, $0xb8;
	[tilespmem:$0x1E800] =	vst v63  }
0x1b3: {  	_ =	swait.ge [sflag:s14], $0xA000  }
0x1b4: {  	[sflag:s14] =	ssyncset.done $0x0  }
0x1b5: {  	[sflag:s14] =	ssyncadd.s32 $0xFFFF6000  }
0x1b6: {  	[spmem:s3] =	stream.indirect.scatter.add.f32 [tilespmem:s10], [sflag:$0x3], $0x40, s12, s13, $0xb8;
	[tilespmem:$0x1E800] =	vst v63  }
0x1b7: {  	_ =	swait.ge [sflag:s19], $0xA000  }
0x1b8: {  	[sflag:s19] =	ssyncset.done $0x0  }
0x1b9: {  	s23 =	rddreg [dreg:$0x16];
	[sflag:s19] =	ssyncadd.s32 $0xFFFF6000  }
0x1ba: {  	[tilespmem:s13], [sflag:$0x5] =	stream.linear.gather [hbm4b:s23+s2], $0x280, $0x38;
	[tilespmem:$0x1E800] =	vst v63  }
0x1bb: {  	_ =	swait.ge [sflag:s11], $0x280  }
0x1bc: {  	s22 =	sld [smem:$0x7F9]  }
0x1bd: {  	[sflag:s11] =	ssyncset.done $0x0  }
0x1be: {  	[sflag:s11] =	ssyncadd.s32 $0xFFFFFD80  }
0x1bf: {  	[tilespmem:s15], [sflag:$0x5] =	stream.linear.gather [hbm4b:s22+s2], $0x280, $0x38;
	[tilespmem:$0x1E800] =	vst v63  }
0x1c0: {  	_ =	swait.ge [sflag:s11], $0x280  }
0x1c1: {  	[sflag:s11] =	ssyncset.done $0x0  }
0x1c2: {  	[sflag:s11] =	ssyncadd.s32 $0xFFFFFD80  }
0x1c3: {  	[tilespmem:s16], [sflag:$0x2] =	stream.indirect.gather [hbm4b:s6+s13], $0x40, s13, s13, $0xb8;
	[tilespmem:$0x1E800] =	vst v63  }
0x1c4: {  	_ =	swait.ge [sflag:s17], $0xA000  }
0x1c5: {  	[sflag:s17] =	ssyncset.done $0x0  }
0x1c6: {  	[sflag:s17] =	ssyncadd.s32 $0xFFFF6000  }
0x1c7: {  	[spmem:s3] =	stream.indirect.scatter.add.f32 [tilespmem:s16], [sflag:$0x4], $0x40, s15, s13, $0xb8;
	[tilespmem:$0x1E800] =	vst v63  }
0x1c8: {  	_ =	swait.ge [sflag:s18], $0xA000  }
0x1c9: {  	[sflag:s18] =	ssyncset.done $0x0  }
0x1ca: {  	s23 =	rddreg [dreg:$0x17];
	[sflag:s18] =	ssyncadd.s32 $0xFFFF6000  }
0x1cb: {  	[tilespmem:s2], [sflag:$0x5] =	stream.linear.gather [hbm4b:s23+s2], $0x280, $0x38;
	[tilespmem:$0x1E800] =	vst v63  }
0x1cc: {  	_ =	swait.ge [sflag:s11], $0x280  }
0x1cd: {  	s22 =	sld [smem:$0x7FA]  }
0x1ce: {  	[sflag:s11] =	ssyncset.done $0x0  }
0x1cf: {  	[sflag:s11] =	ssyncadd.s32 $0xFFFFFD80  }
0x1d0: {  	[tilespmem:s12], [sflag:$0x5] =	stream.linear.gather [hbm4b:s22+s2], $0x280, $0x38;
	[tilespmem:$0x1E800] =	vst v63  }
0x1d1: {  	_ =	swait.ge [sflag:s11], $0x280  }
0x1d2: {  	[sflag:s11] =	ssyncset.done $0x0  }
0x1d3: {  	[sflag:s11] =	ssyncadd.s32 $0xFFFFFD80  }
0x1d4: {  	[tilespmem:s10], [sflag:$0x1] =	stream.indirect.gather [hbm4b:s6+s13], $0x40, s2, s13, $0xb8;
	[tilespmem:$0x1E800] =	vst v63  }
0x1d5: {  	_ =	swait.ge [sflag:s14], $0xA000  }
0x1d6: {  	[sflag:s14] =	ssyncset.done $0x0  }
0x1d7: {  	[sflag:s14] =	ssyncadd.s32 $0xFFFF6000  }
0x1d8: {  	[spmem:s3] =	stream.indirect.scatter.add.f32 [tilespmem:s10], [sflag:$0x3], $0x40, s12, s13, $0xb8;
	[tilespmem:$0x1E800] =	vst v63  }
0x1d9: {  	_ =	swait.ge [sflag:s19], $0xA000  }
0x1da: {  	[sflag:s19] =	ssyncset.done $0x0  }
0x1db: {  	s23 =	rddreg [dreg:$0x18];
	[sflag:s19] =	ssyncadd.s32 $0xFFFF6000  }
0x1dc: {  	[tilespmem:s13], [sflag:$0x5] =	stream.linear.gather [hbm4b:s23+s2], $0x280, $0x38;
	[tilespmem:$0x1E800] =	vst v63  }
0x1dd: {  	_ =	swait.ge [sflag:s11], $0x280  }
0x1de: {  	s22 =	sld [smem:$0x7FB]  }
0x1df: {  	[sflag:s11] =	ssyncset.done $0x0  }
0x1e0: {  	[sflag:s11] =	ssyncadd.s32 $0xFFFFFD80  }
0x1e1: {  	[tilespmem:s15], [sflag:$0x5] =	stream.linear.gather [hbm4b:s22+s2], $0x280, $0x38;
	[tilespmem:$0x1E800] =	vst v63  }
0x1e2: {  	_ =	swait.ge [sflag:s11], $0x280  }
0x1e3: {  	[sflag:s11] =	ssyncset.done $0x0  }
0x1e4: {  	[sflag:s11] =	ssyncadd.s32 $0xFFFFFD80  }
0x1e5: {  	[tilespmem:s16], [sflag:$0x2] =	stream.indirect.gather [hbm4b:s6+s13], $0x40, s13, s13, $0xb8;
	[tilespmem:$0x1E800] =	vst v63  }
0x1e6: {  	_ =	swait.ge [sflag:s17], $0xA000  }
0x1e7: {  	[sflag:s17] =	ssyncset.done $0x0  }
0x1e8: {  	[sflag:s17] =	ssyncadd.s32 $0xFFFF6000  }
0x1e9: {  	[spmem:s3] =	stream.indirect.scatter.add.f32 [tilespmem:s16], [sflag:$0x4], $0x40, s15, s13, $0xb8;
	[tilespmem:$0x1E800] =	vst v63  }
0x1ea: {  	_ =	swait.ge [sflag:s18], $0xA000  }
0x1eb: {  	[sflag:s18] =	ssyncset.done $0x0  }
0x1ec: {  	s23 =	rddreg [dreg:$0x19];
	[sflag:s18] =	ssyncadd.s32 $0xFFFF6000  }
0x1ed: {  	[tilespmem:s2], [sflag:$0x5] =	stream.linear.gather [hbm4b:s23+s2], $0x280, $0x38;
	[tilespmem:$0x1E800] =	vst v63  }
0x1ee: {  	_ =	swait.ge [sflag:s11], $0x280  }
0x1ef: {  	[sflag:s11] =	ssyncset.done $0x0  }
0x1f0: {  	[sflag:s11] =	ssyncadd.s32 $0xFFFFFD80  }
0x1f1: {  	[tilespmem:s12], [sflag:$0x5] =	stream.linear.gather [hbm4b:s25+s2], $0x280, $0x38;
	[tilespmem:$0x1E800] =	vst v63  }
0x1f2: {  	_ =	swait.ge [sflag:s11], $0x280  }
0x1f3: {  	[sflag:s11] =	ssyncset.done $0x0  }
0x1f4: {  	[sflag:s11] =	ssyncadd.s32 $0xFFFFFD80  }
0x1f5: {  	[tilespmem:s10], [sflag:$0x1] =	stream.indirect.gather [hbm4b:s6+s13], $0x40, s2, s13, $0xb8;
	[tilespmem:$0x1E800] =	vst v63  }
0x1f6: {  	_ =	swait.ge [sflag:s14], $0xA000  }
0x1f7: {  	[sflag:s14] =	ssyncset.done $0x0  }
0x1f8: {  	[sflag:s14] =	ssyncadd.s32 $0xFFFF6000  }
0x1f9: {  	[spmem:s3] =	stream.indirect.scatter.add.f32 [tilespmem:s10], [sflag:$0x3], $0x40, s12, s13, $0xb8;
	[tilespmem:$0x1E800] =	vst v63  }
0x1fa: {  	_ =	swait.ge [sflag:s19], $0xA000  }
0x1fb: {  	[sflag:s19] =	ssyncset.done $0x0  }
0x1fc: {  	s22 =	rddreg [dreg:$0x1a];
	[sflag:s19] =	ssyncadd.s32 $0xFFFF6000  }
0x1fd: {  	[tilespmem:s13], [sflag:$0x5] =	stream.linear.gather [hbm4b:s22+s2], $0x280, $0x38;
	[tilespmem:$0x1E800] =	vst v63  }
0x1fe: {  	_ =	swait.ge [sflag:s11], $0x280  }
0x1ff: {  	[sflag:s11] =	ssyncset.done $0x0  }
0x200: {  	[sflag:s11] =	ssyncadd.s32 $0xFFFFFD80  }
0x201: {  	[tilespmem:s15], [sflag:$0x5] =	stream.linear.gather [hbm4b:s26+s2], $0x280, $0x38;
	[tilespmem:$0x1E800] =	vst v63  }
0x202: {  	_ =	swait.ge [sflag:s11], $0x280  }
0x203: {  	[sflag:s11] =	ssyncset.done $0x0  }
0x204: {  	[sflag:s11] =	ssyncadd.s32 $0xFFFFFD80  }
0x205: {  	[tilespmem:s16], [sflag:$0x2] =	stream.indirect.gather [hbm4b:s6+s13], $0x40, s13, s13, $0xb8;
	[tilespmem:$0x1E800] =	vst v63  }
0x206: {  	_ =	swait.ge [sflag:s17], $0xA000  }
0x207: {  	[sflag:s17] =	ssyncset.done $0x0  }
0x208: {  	[sflag:s17] =	ssyncadd.s32 $0xFFFF6000  }
0x209: {  	[spmem:s3] =	stream.indirect.scatter.add.f32 [tilespmem:s16], [sflag:$0x4], $0x40, s15, s13, $0xb8;
	[tilespmem:$0x1E800] =	vst v63  }
0x20a: {  	_ =	swait.ge [sflag:s18], $0xA000  }
0x20b: {  	[sflag:s18] =	ssyncset.done $0x0  }
0x20c: {  	s23 =	rddreg [dreg:$0x1b];
	[sflag:s18] =	ssyncadd.s32 $0xFFFF6000  }
0x20d: {  	[tilespmem:s2], [sflag:$0x5] =	stream.linear.gather [hbm4b:s23+s2], $0x280, $0x38;
	[tilespmem:$0x1E800] =	vst v63  }
0x20e: {  	_ =	swait.ge [sflag:s11], $0x280  }
0x20f: {  	[sflag:s11] =	ssyncset.done $0x0  }
0x210: {  	[sflag:s11] =	ssyncadd.s32 $0xFFFFFD80  }
0x211: {  	[tilespmem:s12], [sflag:$0x5] =	stream.linear.gather [hbm4b:s28+s2], $0x280, $0x38;
	[tilespmem:$0x1E800] =	vst v63  }
0x212: {  	_ =	swait.ge [sflag:s11], $0x280  }
0x213: {  	[sflag:s11] =	ssyncset.done $0x0  }
0x214: {  	[sflag:s11] =	ssyncadd.s32 $0xFFFFFD80  }
0x215: {  	[tilespmem:s10], [sflag:$0x1] =	stream.indirect.gather [hbm4b:s6+s13], $0x40, s2, s13, $0xb8;
	[tilespmem:$0x1E800] =	vst v63  }
0x216: {  	_ =	swait.ge [sflag:s14], $0xA000  }
0x217: {  	[sflag:s14] =	ssyncset.done $0x0  }
0x218: {  	[sflag:s14] =	ssyncadd.s32 $0xFFFF6000  }
0x219: {  	[spmem:s3] =	stream.indirect.scatter.add.f32 [tilespmem:s10], [sflag:$0x3], $0x40, s12, s13, $0xb8;
	[tilespmem:$0x1E800] =	vst v63  }
0x21a: {  	_ =	swait.ge [sflag:s19], $0xA000  }
0x21b: {  	[sflag:s19] =	ssyncset.done $0x0  }
0x21c: {  	s22 =	rddreg [dreg:$0x1c];
	[sflag:s19] =	ssyncadd.s32 $0xFFFF6000  }
0x21d: {  	[tilespmem:s13], [sflag:$0x5] =	stream.linear.gather [hbm4b:s22+s2], $0x280, $0x38;
	[tilespmem:$0x1E800] =	vst v63  }
0x21e: {  	_ =	swait.ge [sflag:s11], $0x280  }
0x21f: {  	[sflag:s11] =	ssyncset.done $0x0  }
0x220: {  	[sflag:s11] =	ssyncadd.s32 $0xFFFFFD80  }
0x221: {  	[tilespmem:s15], [sflag:$0x5] =	stream.linear.gather [hbm4b:s29+s2], $0x280, $0x38;
	[tilespmem:$0x1E800] =	vst v63  }
0x222: {  	_ =	swait.ge [sflag:s11], $0x280  }
0x223: {  	[sflag:s11] =	ssyncset.done $0x0  }
0x224: {  	[sflag:s11] =	ssyncadd.s32 $0xFFFFFD80  }
0x225: {  	[tilespmem:s16], [sflag:$0x2] =	stream.indirect.gather [hbm4b:s6+s13], $0x40, s13, s13, $0xb8;
	[tilespmem:$0x1E800] =	vst v63  }
0x226: {  	_ =	swait.ge [sflag:s17], $0xA000  }
0x227: {  	[sflag:s17] =	ssyncset.done $0x0  }
0x228: {  	[sflag:s17] =	ssyncadd.s32 $0xFFFF6000  }
0x229: {  	[spmem:s3] =	stream.indirect.scatter.add.f32 [tilespmem:s16], [sflag:$0x4], $0x40, s15, s13, $0xb8;
	[tilespmem:$0x1E800] =	vst v63  }
0x22a: {  	_ =	swait.ge [sflag:s18], $0xA000  }
0x22b: {  	[sflag:s18] =	ssyncset.done $0x0  }
0x22c: {  	s23 =	rddreg [dreg:$0x1d];
	[sflag:s18] =	ssyncadd.s32 $0xFFFF6000  }
0x22d: {  	[tilespmem:s2], [sflag:$0x5] =	stream.linear.gather [hbm4b:s23+s2], $0x280, $0x38;
	[tilespmem:$0x1E800] =	vst v63  }
0x22e: {  	_ =	swait.ge [sflag:s11], $0x280  }
0x22f: {  	[sflag:s11] =	ssyncset.done $0x0  }
0x230: {  	[sflag:s11] =	ssyncadd.s32 $0xFFFFFD80  }
0x231: {  	[tilespmem:s12], [sflag:$0x5] =	stream.linear.gather [hbm4b:s30+s2], $0x280, $0x38;
	[tilespmem:$0x1E800] =	vst v63  }
0x232: {  	_ =	swait.ge [sflag:s11], $0x280  }
0x233: {  	[sflag:s11] =	ssyncset.done $0x0  }
0x234: {  	[sflag:s11] =	ssyncadd.s32 $0xFFFFFD80  }
0x235: {  	[tilespmem:s10], [sflag:$0x1] =	stream.indirect.gather [hbm4b:s6+s13], $0x40, s2, s13, $0xb8;
	[tilespmem:$0x1E800] =	vst v63  }
0x236: {  	_ =	swait.ge [sflag:s14], $0xA000  }
0x237: {  	[sflag:s14] =	ssyncset.done $0x0  }
0x238: {  	[sflag:s14] =	ssyncadd.s32 $0xFFFF6000  }
0x239: {  	[spmem:s3] =	stream.indirect.scatter.add.f32 [tilespmem:s10], [sflag:$0x3], $0x40, s12, s13, $0xb8;
	[tilespmem:$0x1E800] =	vst v63  }
0x23a: {  	_ =	swait.ge [sflag:s19], $0xA000  }
0x23b: {  	[sflag:s19] =	ssyncset.done $0x0  }
0x23c: {  	s22 =	rddreg [dreg:$0x1e];
	[sflag:s19] =	ssyncadd.s32 $0xFFFF6000  }
0x23d: {  	[tilespmem:s13], [sflag:$0x5] =	stream.linear.gather [hbm4b:s22+s2], $0x280, $0x38;
	[tilespmem:$0x1E800] =	vst v63  }
0x23e: {  	_ =	swait.ge [sflag:s11], $0x280  }
0x23f: {  	[sflag:s11] =	ssyncset.done $0x0  }
0x240: {  	[sflag:s11] =	ssyncadd.s32 $0xFFFFFD80  }
0x241: {  	[tilespmem:s15], [sflag:$0x5] =	stream.linear.gather [hbm4b:s31+s2], $0x280, $0x38;
	[tilespmem:$0x1E800] =	vst v63  }
0x242: {  	_ =	swait.ge [sflag:s11], $0x280  }
0x243: {  	[sflag:s11] =	ssyncset.done $0x0  }
0x244: {  	[sflag:s11] =	ssyncadd.s32 $0xFFFFFD80  }
0x245: {  	[tilespmem:s16], [sflag:$0x2] =	stream.indirect.gather [hbm4b:s6+s13], $0x40, s13, s13, $0xb8;
	[tilespmem:$0x1E800] =	vst v63  }
0x246: {  	_ =	swait.ge [sflag:s17], $0xA000  }
0x247: {  	[sflag:s17] =	ssyncset.done $0x0  }
0x248: {  	[sflag:s17] =	ssyncadd.s32 $0xFFFF6000  }
0x249: {  	[spmem:s3] =	stream.indirect.scatter.add.f32 [tilespmem:s16], [sflag:$0x4], $0x40, s15, s13, $0xb8;
	[tilespmem:$0x1E800] =	vst v63  }
0x24a: {  	_ =	swait.ge [sflag:s18], $0xA000  }
0x24b: {  	[sflag:s18] =	ssyncset.done $0x0  }
0x24c: {  	s23 =	rddreg [dreg:$0x1f];
	[sflag:s18] =	ssyncadd.s32 $0xFFFF6000  }
0x24d: {  	[tilespmem:s2], [sflag:$0x5] =	stream.linear.gather [hbm4b:s23+s2], $0x280, $0x38;
	[tilespmem:$0x1E800] =	vst v63  }
0x24e: {  	_ =	swait.ge [sflag:s11], $0x280  }
0x24f: {  	[sflag:s11] =	ssyncset.done $0x0  }
0x250: {  	[sflag:s11] =	ssyncadd.s32 $0xFFFFFD80  }
0x251: {  	[tilespmem:s12], [sflag:$0x5] =	stream.linear.gather [hbm4b:s0+s2], $0x280, $0x38;
	[tilespmem:$0x1E800] =	vst v63  }
0x252: {  	_ =	swait.ge [sflag:s11], $0x280  }
0x253: {  	[sflag:s11] =	ssyncset.done $0x0  }
0x254: {  	[sflag:s11] =	ssyncadd.s32 $0xFFFFFD80  }
0x255: {  	[tilespmem:s10], [sflag:$0x1] =	stream.indirect.gather [hbm4b:s6+s13], $0x40, s2, s13, $0xb8;
	[tilespmem:$0x1E800] =	vst v63  }
0x256: {  	_ =	swait.ge [sflag:s14], $0xA000  }
0x257: {  	[sflag:s14] =	ssyncset.done $0x0  }
0x258: {  	[sflag:s14] =	ssyncadd.s32 $0xFFFF6000  }
0x259: {  	[spmem:s3] =	stream.indirect.scatter.add.f32 [tilespmem:s10], [sflag:$0x3], $0x40, s12, s13, $0xb8;
	[tilespmem:$0x1E800] =	vst v63  }
0x25a: {  	_ =	swait.ge [sflag:s19], $0xA000  }
0x25b: {  	s22 =	sld [smem:$0x7DE]  }
0x25c: {  	[sflag:s19] =	ssyncset.done $0x0  }
0x25d: {  	[sflag:s19] =	ssyncadd.s32 $0xFFFF6000  }
0x25e: {  	[tilespmem:s13], [sflag:$0x5] =	stream.linear.gather [hbm4b:s22+s2], $0x280, $0x38;
	[tilespmem:$0x1E800] =	vst v63  }
0x25f: {  	_ =	swait.ge [sflag:s11], $0x280  }
0x260: {  	[sflag:s11] =	ssyncset.done $0x0  }
0x261: {  	[sflag:s11] =	ssyncadd.s32 $0xFFFFFD80  }
0x262: {  	[tilespmem:s15], [sflag:$0x5] =	stream.linear.gather [hbm4b:s1+s2], $0x280, $0x38;
	[tilespmem:$0x1E800] =	vst v63  }
0x263: {  	_ =	swait.ge [sflag:s11], $0x280  }
0x264: {  	[sflag:s11] =	ssyncset.done $0x0  }
0x265: {  	[sflag:s11] =	ssyncadd.s32 $0xFFFFFD80  }
0x266: {  	[tilespmem:s16], [sflag:$0x2] =	stream.indirect.gather [hbm4b:s6+s13], $0x40, s13, s13, $0xb8;
	[tilespmem:$0x1E800] =	vst v63  }
0x267: {  	_ =	swait.ge [sflag:s17], $0xA000  }
0x268: {  	[sflag:s17] =	ssyncset.done $0x0  }
0x269: {  	[sflag:s17] =	ssyncadd.s32 $0xFFFF6000  }
0x26a: {  	[spmem:s3] =	stream.indirect.scatter.add.f32 [tilespmem:s16], [sflag:$0x4], $0x40, s15, s13, $0xb8;
	[tilespmem:$0x1E800] =	vst v63  }
0x26b: {  	_ =	swait.ge [sflag:s18], $0xA000  }
0x26c: {  	s23 =	sld [smem:$0x7DF]  }
0x26d: {  	[sflag:s18] =	ssyncset.done $0x0  }
0x26e: {  	[sflag:s18] =	ssyncadd.s32 $0xFFFF6000  }
0x26f: {  	[tilespmem:s2], [sflag:$0x5] =	stream.linear.gather [hbm4b:s23+s2], $0x280, $0x38;
	[tilespmem:$0x1E800] =	vst v63  }
0x270: {  	_ =	swait.ge [sflag:s11], $0x280  }
0x271: {  	[sflag:s11] =	ssyncset.done $0x0  }
0x272: {  	[sflag:s11] =	ssyncadd.s32 $0xFFFFFD80  }
0x273: {  	[tilespmem:s12], [sflag:$0x5] =	stream.linear.gather [hbm4b:s4+s2], $0x280, $0x38;
	[tilespmem:$0x1E800] =	vst v63  }
0x274: {  	_ =	swait.ge [sflag:s11], $0x280  }
0x275: {  	[sflag:s11] =	ssyncset.done $0x0  }
0x276: {  	[sflag:s11] =	ssyncadd.s32 $0xFFFFFD80  }
0x277: {  	[tilespmem:s10], [sflag:$0x1] =	stream.indirect.gather [hbm4b:s6+s13], $0x40, s2, s13, $0xb8;
	[tilespmem:$0x1E800] =	vst v63  }
0x278: {  	_ =	swait.ge [sflag:s14], $0xA000  }
0x279: {  	[sflag:s14] =	ssyncset.done $0x0  }
0x27a: {  	[sflag:s14] =	ssyncadd.s32 $0xFFFF6000  }
0x27b: {  	[spmem:s3] =	stream.indirect.scatter.add.f32 [tilespmem:s10], [sflag:$0x3], $0x40, s12, s13, $0xb8;
	[tilespmem:$0x1E800] =	vst v63  }
0x27c: {  	_ =	swait.ge [sflag:s19], $0xA000  }
0x27d: {  	s22 =	sld [smem:$0x7E0]  }
0x27e: {  	[sflag:s19] =	ssyncset.done $0x0  }
0x27f: {  	[sflag:s19] =	ssyncadd.s32 $0xFFFF6000  }
0x280: {  	[tilespmem:s13], [sflag:$0x5] =	stream.linear.gather [hbm4b:s22+s2], $0x280, $0x38;
	[tilespmem:$0x1E800] =	vst v63  }
0x281: {  	_ =	swait.ge [sflag:s11], $0x280  }
0x282: {  	[sflag:s11] =	ssyncset.done $0x0  }
0x283: {  	[sflag:s11] =	ssyncadd.s32 $0xFFFFFD80  }
0x284: {  	[tilespmem:s15], [sflag:$0x5] =	stream.linear.gather [hbm4b:s5+s2], $0x280, $0x38;
	[tilespmem:$0x1E800] =	vst v63  }
0x285: {  	_ =	swait.ge [sflag:s11], $0x280  }
0x286: {  	[sflag:s11] =	ssyncset.done $0x0  }
0x287: {  	[sflag:s11] =	ssyncadd.s32 $0xFFFFFD80  }
0x288: {  	[tilespmem:s16], [sflag:$0x2] =	stream.indirect.gather [hbm4b:s6+s13], $0x40, s13, s13, $0xb8;
	[tilespmem:$0x1E800] =	vst v63  }
0x289: {  	_ =	swait.ge [sflag:s17], $0xA000  }
0x28a: {  	[sflag:s17] =	ssyncset.done $0x0  }
0x28b: {  	[sflag:s17] =	ssyncadd.s32 $0xFFFF6000  }
0x28c: {  	[spmem:s3] =	stream.indirect.scatter.add.f32 [tilespmem:s16], [sflag:$0x4], $0x40, s15, s13, $0xb8;
	[tilespmem:$0x1E800] =	vst v63  }
0x28d: {  	_ =	swait.ge [sflag:s18], $0xA000  }
0x28e: {  	[sflag:s18] =	ssyncset.done $0x0  }
0x28f: {  	[sflag:s18] =	ssyncadd.s32 $0xFFFF6000  }
0x290: {  	s20 =	sadd.s32 $0x1, s20;
	s23 =	stileid.u32;
	_ =	swait.ge [sflag:s19], $0xA000  }
0x291: {  	p0 =	sne.s32 s20, s9;
	s21 =	sshll.u32 s23, $0x6;
	[sflag:s19] =	ssyncset.done $0x0  }
0x292: {  	s23 =	simm.s32 $0x10;
	s21 =	sor.u32 $0x1C05, s21;
	[sflag:s19] =	ssyncadd.s32 $0xFFFF6000  }
.Ltmp1:
0x293: {  	s22 =	sshrl.u32 s7, $0x3;
	[bflag:$0x0] =	sbarrier.arrive $0xFFFF;
	(pc) =	sbr.rel @p0 .LBB2_1-.Ltmp1, $4  }
0x294: {  	[hbm:s8@s23], [sflag:s21] =	dma.strided [spmem:s22@s24], $0x13C0, s14, $0x8   }
0x295: {  	_ =	swait.ge [sflag:s11], $0x13C0  }
0x296: {  	[sflag:s11] =	ssyncset.done $0x0  }
0x297: {  	[sflag:s11] =	ssyncadd.s32 $0xFFFFEC40  }
0x298: {  	_ =	sfence.sel $0x180000  }
0x299: {  	[bflag:$0x0] =	sbarrier.arrive $0xFFFF  }
0x29a: {  	_ =	strace $0x90000047  }
0x29b: {  	s0 =	stileid.u32;
	[bflag:$0x2] =	sbarrier.arrive $0xFFFF  }
0x29c: {  	p0 =	sne.s32 s0, $0x0;
	s0 =	rddreg [dreg:$0x2]  }
0x29d: {  	s0 =	sadd.s32 @!p0 $0x100000, s0  }
0x29e: {  	[sflag:s0] =	ssyncadd.tile.s32 @!p0 $0x1;
	_ =	shalt  }
.Lfunc_end2:
_tile_overlayer_lowered:
.L_overlay_start_2:
0x29f: {  	(tag) =	ssettag $0x2  }
0x2a0: {  	s0 =	rddreg [dreg:$0x0];
	s2 =	stileid.u32  }
0x2a1: {  	s1 =	rddreg [dreg:$0x1];
	p0 =	sne.s32 s2, $0x0  }
0x2a2: {  	s3 =	rddreg [dreg:$0x2];
	[bflag:$0x3] =	sbarrier.arrive $0xFFFF;
	s2 =	simm.s32 @!p0 $0x1C05  }
0x2a3: {  	[timem:s3], [sflag:s2] =	dma.local @!p0 [hbm:s0], s1  }
0x2a4: {  	s0 =	simm.s32 @!p0 $0x5  }
0x2a5: {  	_ =	swait.ge @!p0 [sflag:s0], s1  }
0x2a6: {  	s1 =	ssub.s32 @!p0 $0x0, s1;
	[sflag:s0] =	ssyncset.done @!p0 $0x0  }
0x2a7: {  	[sflag:s0] =	ssyncadd.s32 @!p0 s1  }
0x2a8: {  	[bflag:$0x3] =	sbarrier.arrive $0xFFFF  }
0x2a9: {  	_ =	shalt  }

// kernel: kernel.15.cloned.1.call-start
scs
__scs_entry_jumppad:
0x0: {  	(pc) =	sbr.rel $0x88, $3  }
0x1: {  	(tag) =	ssettag $0x0;
	lr =	simm.s32 $0x1  }
0x2: {  	[smem:$0x3F93] =	sst lr;
	_ =	strace $0xD0000000  }
0x3: {  	_ = 	snop  }
0x4: {  	_ = 	snop  }
0x5: {  	_ = 	snop  }
0x6: {  	_ = 	snop  }
0x7: {  	_ = 	snop  }
__scs_overlays_trampoline_lowered:
0x8: {  	[smem:$0x3FA2] =	sst s0  }
0x9: {  	[smem:$0x3FA3] =	sst s1  }
0xa: {  	[smem:$0x3FA4] =	sst s2  }
0xb: {  	[smem:$0x3FA5] =	sst s3  }
0xc: {  	[smem:$0x3FA6] =	sst s4  }
0xd: {  	[smem:$0x3FA7] =	sst s5  }
0xe: {  	[smem:$0x3FA8] =	sst s6  }
0xf: {  	[smem:$0x3FA9] =	sst s7  }
0x10: {  	[smem:$0x3FAA] =	sst s8  }
0x11: {  	[smem:$0x3FAB] =	sst s9;
	s0 =	simm.s32 @!p0 $0x0  }
0x12: {  	s1 =	sld [smem:$0x3F91];
	s0 =	simm.s32 @p0 $0x1  }
0x13: {  	[smem:$0x3FAC] =	sst s0;
	s0 =	simm.s32 @!p1 $0x0  }
0x14: {  	s2 =	sld [smem:$0x3F90];
	s0 =	simm.s32 @p1 $0x1  }
0x15: {  	[smem:$0x3FAD] =	sst s0;
	s0 =	simm.s32 @!p2 $0x0  }
0x16: {  	s3 =	sld [smem:$0x3FDB];
	s0 =	simm.s32 @p2 $0x1  }
0x17: {  	s4 =	simm.s32 $0x1BF5;
	[smem:$0x3FAF] =	sst s0  }
0x18: {  	s0 =	sld [smem:$0x3F92];
	_ =	swait.ge [sflag:s4], $0x0  }
0x19: {  	s7 =	sld [smem:$0x3F93]  }
0x1a: {  	s8 =	sadd.s32 $0xFFFFE003, lr  }
0x1b: {  	s9 =	sadd.s32 $0xFFFFFEF7, lr;
	s5 =	simm.s32 $0xFFFFFFFF;
	p2 =	slt.u32 s8, $0xFFFFF086  }
0x1c: {  	p1 =	slt.u32 s9, $0xF7A;
	s5 =	simm.s32 @!p2 $0x0  }
0x1d: {  	s5 =	simm.s32 @p1 $0x1;
	p0 =	seq.s32 s7, s2  }
0x1e: {  	s7 =	smul.u32 @!p0 $0xF7A, s2;
	p2 =	seq.s32 @!p0 s5, $0x0  }
0x1f: {  	s9 =	smul.u32 $0xF7A, s1;
	s8 =	simm.s32 @!p0 $0x1BF5;
	p2 =	por !p2, p0  }
0x20: {  	[sflag:s8] =	ssyncset.s32 @!p0 $0xFFFFF086;
	s6 =	sadd.s32 @!p0 s3, s7;
	s7 =	simm.s32 @!p0 $0x108  }
0x21: {  	s3 =	sadd.s32 s3, s9;
	s6 =	sadd.s32 @!p0 $0x88, s6;
	s7 =	simm.s32 @p2 $0x1082  }
0x22: {  	[simem:s7], [sflag:s8] =	dma.local @!p0 [hbm:s6], $0xF7A  }
0x23: {  	s9 =	sor.u32 $0xD0000000, s2;
	s6 =	simm.s32 $0x108;
	_ =	swait.ge @!p0 [sflag:s8], $0x0  }
0x24: {  	s3 =	sadd.s32 $0x88, s3;
	s6 =	simm.s32 @!p1 $0x1082;
	[sflag:s4] =	ssyncset.s32 $0xFFFFF086  }
0x25: {  	[simem:s6], [sflag:s4] =	dma.local [hbm:s3], $0xF7A  }
0x26: {  	[smem:$0x3F93] =	sst s1;
	(tag) =	ssettag s2;
	_ =	strace s9  }
0x27: {  	s1 =	sld [smem:$0x3FA3]  }
0x28: {  	s2 =	sld [smem:$0x3FA4]  }
0x29: {  	s4 =	sld [smem:$0x3FA6]  }
0x2a: {  	p0 =	seq.s32 s5, $0x0;
	s5 =	sld [smem:$0x3FA7]  }
0x2b: {  	s6 =	sld [smem:$0x3FA8]  }
0x2c: {  	s7 =	sld [smem:$0x3FA9]  }
0x2d: {  	s3 =	simm.s32 $0x108;
	s8 =	sld [smem:$0x3FAA]  }
0x2e: {  	s3 =	simm.s32 @!p0 $0x1082;
	s9 =	sld [smem:$0x3FAB]  }
0x2f: {  	lr =	sadd.s32 s0, s3;
	s0 =	sld [smem:$0x3FA2]  }
0x30: {  	s3 =	sld [smem:$0x3FA5]  }
0x31: {  	[smem:$0x3FAE] =	sst s10  }
0x32: {  	s10 =	sld [smem:$0x3FAC];
	_ =	sdelay $0x3  }
0x33: {  	p0 =	seq.s32 s10, $0x1;
	s10 =	sld [smem:$0x3FAE];
	_ =	sdelay $0x3  }
0x34: {  	[smem:$0x3FAE] =	sst s10  }
0x35: {  	s10 =	sld [smem:$0x3FAD];
	_ =	sdelay $0x3  }
0x36: {  	p1 =	seq.s32 s10, $0x1;
	s10 =	sld [smem:$0x3FAE];
	_ =	sdelay $0x3  }
0x37: {  	[smem:$0x3FAE] =	sst s10  }
0x38: {  	s10 =	sld [smem:$0x3FAF]  }
0x39: {  	_ = 	snop;
	(pc) =	sbr.ind lr, $3  }
0x3a: {  	_ = 	snop  }
0x3b: {  	_ = 	snop  }
0x3c: {  	p2 =	seq.s32 s10, $0x1;
	s10 =	sld [smem:$0x3FAE]  }
0x3d: {  	_ =	shalt  }
0x3e: {  	_ =	shalt  }
0x3f: {  	_ =	shalt  }
0x40: {  	_ =	shalt  }
0x41: {  	_ =	shalt  }
0x42: {  	_ =	shalt  }
0x43: {  	_ =	shalt  }
0x44: {  	_ =	shalt  }
0x45: {  	_ =	shalt  }
0x46: {  	_ =	shalt  }
0x47: {  	_ =	shalt  }
0x48: {  	_ =	shalt  }
0x49: {  	_ =	shalt  }
0x4a: {  	_ =	shalt  }
0x4b: {  	_ =	shalt  }
0x4c: {  	_ =	shalt  }
0x4d: {  	_ =	shalt  }
0x4e: {  	_ =	shalt  }
0x4f: {  	_ =	shalt  }
0x50: {  	_ =	shalt  }
0x51: {  	_ =	shalt  }
0x52: {  	_ =	shalt  }
0x53: {  	_ =	shalt  }
0x54: {  	_ =	shalt  }
0x55: {  	_ =	shalt  }
0x56: {  	_ =	shalt  }
0x57: {  	_ =	shalt  }
0x58: {  	_ =	shalt  }
0x59: {  	_ =	shalt  }
0x5a: {  	_ =	shalt  }
0x5b: {  	_ =	shalt  }
0x5c: {  	_ =	shalt  }
0x5d: {  	_ =	shalt  }
0x5e: {  	_ =	shalt  }
0x5f: {  	_ =	shalt  }
0x60: {  	_ =	shalt  }
0x61: {  	_ =	shalt  }
0x62: {  	_ =	shalt  }
0x63: {  	_ =	shalt  }
0x64: {  	_ =	shalt  }
0x65: {  	_ =	shalt  }
0x66: {  	_ =	shalt  }
0x67: {  	_ =	shalt  }
0x68: {  	_ =	shalt  }
0x69: {  	_ =	shalt  }
0x6a: {  	_ =	shalt  }
0x6b: {  	_ =	shalt  }
0x6c: {  	_ =	shalt  }
0x6d: {  	_ =	shalt  }
0x6e: {  	_ =	shalt  }
0x6f: {  	_ =	shalt  }
0x70: {  	_ =	shalt  }
0x71: {  	_ =	shalt  }
0x72: {  	_ =	shalt  }
0x73: {  	_ =	shalt  }
0x74: {  	_ =	shalt  }
0x75: {  	_ =	shalt  }
0x76: {  	_ =	shalt  }
0x77: {  	_ =	shalt  }
0x78: {  	_ =	shalt  }
0x79: {  	_ =	shalt  }
0x7a: {  	_ =	shalt  }
0x7b: {  	_ =	shalt  }
0x7c: {  	_ =	shalt  }
0x7d: {  	_ =	shalt  }
0x7e: {  	_ =	shalt  }
0x7f: {  	_ =	shalt  }
0x80: {  	_ =	shalt  }
0x81: {  	_ =	shalt  }
0x82: {  	_ =	shalt  }
0x83: {  	_ =	shalt  }
0x84: {  	_ =	shalt  }
0x85: {  	_ =	shalt  }
0x86: {  	_ =	shalt  }
0x87: {  	_ =	shalt  }
.Lfunc_end0:
.L_simem_size_0:
called_computation.1_lowered:
.L_overlay_start_0:
0x88: {  	s2 =	sld [smem:$0x3FD9]  }
0x89: {  	s3 =	sld [smem:$0x3FFE];
	_ =	sdelay $0x1  }
0x8a: {  	s1 =	srdreg.scid  }
0x8b: {  	s0 =	sand.u32 $0x1, s1  }
0x8c: {  	s17 =	sshll.u32 s0, $0xA;
	s2 =	sadd.s32 s3, s2  }
0x8d: {  	s2 =	sadd.s32 s2, s17  }
0x8e: {  	[smem:$0x3FBA] =	sst s2  }
0x8f: {  	_ = 	snop  }
0x90: {  	s2 =	sld [smem:$0x3FD0];
	(tm) =	ssettm $0x1  }
0x91: {  	s18 =	sld [smem:$0x3FFB];
	_ =	sdelay $0x3  }
0x92: {  	_ =	strace s18  }
0x93: {  	s3 =	sld [smem:$0x3FFC];
	_ =	sdelay $0x3  }
0x94: {  	_ =	strace s3  }
0x95: {  	s3 =	sld [smem:$0x3FFD];
	_ =	sdelay $0x3  }
0x96: {  	_ =	strace s3  }
0x97: {  	_ =	strace $0x8FFFFFFF  }
0x98: {  	s19 =	sld [smem:$0x3FDB];
	_ =	sdelay $0x1  }
0x99: {  	s4 =	simm.s32 $_scs_section_size  }
0x9a: {  	s5 =	simm.s32 $_size__tile_overlayer_lowered;
	s6 =	simm.s32 $_tile_overlayer_lowered  }
0x9b: {  	s22 =	simm.s32 $0x1BFF;
	s21 =	sshll.u32 s6, $0x1;
	s3 =	sadd.s32 s4, s19  }
0x9c: {  	s7 =	simm.s32 $0x0;
	s20 =	sshll.u32 s5, $0x1;
	s5 =	sadd.s32 s21, s3  }
0x9d: {  	[timem:s7], [sflag:s22] =	dma.local [hbm:s5], s20  }
0x9e: {  	_ =	swait.ge [sflag:s22], s20  }
0x9f: {  	s4 =	ssub.s32 $0x0, s20;
	[sflag:s22] =	ssyncset.done $0x0  }
0xa0: {  	[sflag:s22] =	ssyncadd.s32 s4;
	_ =	sdelay $0x1  }
0xa1: {  	s23 =	simm.s32 $0x1B8B  }
0xa2: {  	_ =	swait.ge [sflag:s23], $0x1  }
0xa3: {  	[sflag:s23] =	ssyncset.done $0x0  }
0xa4: {  	s25 =	simm.s32 $0x1B8E;
	s24 =	sld [smem:$0x3FFE];
	[sflag:s23] =	ssyncadd.s32 $0xFFFFFFFF  }
0xa5: {  	s26 =	simm.s32 $execute0_lowered;
	[smem:$0x3FD2] =	sst s25  }
0xa6: {  	s5 =	sshll.u32 s26, $0x1;
	_ =	strace $0x80000049;
	[dreg:$0x1] =	wrdreg $0xFFFFFFFF  }
0xa7: {  	s28 =	simm.s32 $_size_execute0_lowered;
	s3 =	sadd.s32 s3, s5;
	[dreg:$0x0] =	wrdreg $0x0  }
0xa8: {  	s5 =	sshll.u32 s28, $0x1;
	[dreg:$0x2] =	wrdreg s3  }
0xa9: {  	[dreg:$0x3] =	wrdreg s5  }
0xaa: {  	[dreg:$0x4] =	wrdreg $0xC0  }
0xab: {  	_ =	task [dreg:s7], $0x5FFFF  }
0xac: {  	[dreg:$0x1] =	wrdreg $0xFFFFFFFF  }
0xad: {  	[dreg:$0x0] =	wrdreg $0x60  }
0xae: {  	[dreg:$0x2] =	wrdreg s2  }
0xaf: {  	[dreg:$0x3] =	wrdreg s24  }
0xb0: {  	[dreg:$0x4] =	wrdreg $0x168000  }
0xb1: {  	[dreg:$0x5] =	wrdreg $0x9  }
0xb2: {  	_ =	task.clear_ibuf [dreg:s7], $0x6FFFF;
	_ =	strace $0x90000049  }
0xb3: {  	s29 =	simm.s32 $0x9;
	_ =	strace $0x8000004B  }
0xb4: {  	_ =	swait.ge [sflag:s29], $0x1  }
0xb5: {  	[sflag:s29] =	ssyncadd.s32 $0xFFFFFFFF  }
0xb6: {  	_ =	strace $0x9000004B  }
0xb7: {  	_ =	sfence  }
0xb8: {  	s30 =	sld [smem:$0x0];
	_ =	sdelay $0x2  }
0xb9: {  	s31 =	sshll.u32 s1, $0xD;
	s1 =	sshrl.u32 s1, $0x2  }
0xba: {  	s3 =	sand.u32 $0x4000, s31;
	s1 =	sadd.s32 s1, s30  }
0xbb: {  	s0 =	sor.u32 s3, s0;
	s1 =	sshll.u32 s1, $0x11  }
0xbc: {  	s0 =	sor.u32 s1, s0  }
0xbd: {  	s0 =	sadd.s32 $0x8F2B, s0  }
0xbe: {  	[sflag:s0] =	ssyncadd.remote.s32 $0x1  }
0xbf: {  	_ =	sfence.sel $0xFFFF  }
0xc0: {  	[dreg:$0x0] =	wrdreg $0xFFFFFFFF;
	(pc) =	sbr.abs _section_cstart, $3  }
0xc1: {  	[dreg:$0x1] =	wrdreg $0xFFFFFFFF  }
0xc2: {  	_ =	task.clear_ibuf [dreg:s7], $0x2FFFF;
	_ =	strace $0x9FFFFFFF  }
0xc3: {  	(tm) =	ssettm $0x7FFFFFFF  }
tec
execute0_lowered:
.L_overlay_start_1:
0x0: {  	(tag) =	ssettag $0x1  }
0x1: {  	s1 =	rddreg [dreg:$0x0]  }
0x2: {  	s5 =	rddreg [dreg:$0x1]  }
0x3: {  	s3 =	rddreg [dreg:$0x2]  }
0x4: {  	s0 =	rddreg [dreg:$0x3]  }
0x5: {  	s6 =	srdreg.scid;
	s2 =	stileid.u32;
	s4 =	simm.s32 $0x0  }
0x6: {  	s17 =	simm.s32 $0x5;
	s18 =	simm.s32 $0x1400;
	s19 =	simm.s32 $0xA00  }
0x7: {  	s20 =	simm.s32 $0x1;
	s21 =	simm.s32 $0x1E00;
	s22 =	simm.s32 $0xC800  }
0x8: {  	s23 =	simm.s32 $0x2;
	s24 =	simm.s32 $0x3;
	s25 =	simm.s32 $0x4  }
0x9: {  	s26 =	simm.s32 $0x0;
	s6 =	sand.u32 $0x1, s6;
	s7 =	smul.u32 $0x2780, s2  }
0xa: {  	[smem:$0x7FF] =	sst s4;
	s12 =	sadd.s32 $0x2CA00, s5;
	s9 =	sshll.u32 s6, $0x4  }
0xb: {  	s8 =	smul.u32 $0x27800, s6;
	s6 =	ssub.s32 $0x2, s6;
	s9 =	sor.u32 s2, s9  }
0xc: {  	s13 =	sadd.s32 $0x36A00, s5;
	s31 =	sshrl.u32 s6, $0x1;
	s9 =	smul.u32 $0x2800, s9  }
0xd: {  	_ =	strace $0x8000004A;
	s8 =	sadd.s32 s7, s8;
	s15 =	ssub.s32 s6, s31  }
0xe: {  	s8 =	sshrl.u32 s8, $0x3;
	s15 =	smax.u32 s15, $0x1;
	s16 =	sshrl.u32 s9, $0x3  }
0xf: {  	s14 =	sadd.s32 s8, s5;
	s5 =	sadd.s32 s7, s3;
	s6 =	sadd.s32 s12, s16  }
0x10: {  	s7 =	sadd.s32 s13, s16;
	s9 =	sadd.s32 $0x140, s16;
	s11 =	sadd.s32 $0x280, s16  }
0x11: {  	s16 =	sadd.s32 $0x3C0, s16;
	s14 =	sadd.s32 $0x5800, s14;
	s8 =	sadd.s32 s12, s9  }
0x12: {  	s9 =	sadd.s32 s13, s9;
	s10 =	sadd.s32 s12, s11;
	s11 =	sadd.s32 s13, s11  }
0x13: {  	v0 =	vimm.f32 $0.0e+00;
	s12 =	sadd.s32 s12, s16;
	s13 =	sadd.s32 s13, s16;
	s16 =	simm.s32 $0x2800  }
.LBB2_1:
0x14: {  	s28 =	simm.s32 $0x40;
	s29 =	simm.s32 $0x0  }
.LBB2_2:
0x15: {  	p0 =	sne.s32 s28, $0x9DC0;
	[tilespmem:s29+$0x2800] =	vst v0;
	s29 =	smov.u32 s28;
	s28 =	sadd.s32 $0x40, s28  }
.Ltmp0:
0x16: {  	(pc) =	sbr.rel @p0 .LBB2_2-.Ltmp0, $2  }
0x17: {  	_ =	sdelay $0x2  }
0x18: {  	s29 =	sshra.s32 s29, $0x2  }
0x19: {  	[tilespmem:s29+$0x2800] =	vst v0  }
0x1a: {  	[spmem:s5] =	stream.linear.scatter [tilespmem:s16], [sflag:$0x5], $0x2780, $0x38;
	[tilespmem:$0x18F80] =	vst v63  }
0x1b: {  	_ =	swait.ge [sflag:s17], $0x2780  }
0x1c: {  	[sflag:s17] =	ssyncset.done $0x0  }
0x1d: {  	[sflag:s17] =	ssyncadd.s32 $0xFFFFD880  }
0x1e: {  	[bflag:$0x0] =	sbarrier.arrive $0xFFFF  }
0x1f: {  	[tilespmem:s4], [sflag:$0x5] =	stream.linear.gather [hbm4b:s6+s4], $0xA00, $0x38;
	[tilespmem:$0x18F80] =	vst v63  }
0x20: {  	_ =	swait.ge [sflag:s17], $0xA00  }
0x21: {  	[sflag:s17] =	ssyncset.done $0x0  }
0x22: {  	[sflag:s17] =	ssyncadd.s32 $0xFFFFF600  }
0x23: {  	[tilespmem:s18], [sflag:$0x5] =	stream.linear.gather [hbm4b:s7+s4], $0xA00, $0x38;
	[tilespmem:$0x18F80] =	vst v63  }
0x24: {  	_ =	swait.ge [sflag:s17], $0xA00  }
0x25: {  	[sflag:s17] =	ssyncset.done $0x0  }
0x26: {  	[sflag:s17] =	ssyncadd.s32 $0xFFFFF600  }
0x27: {  	[tilespmem:s16], [sflag:$0x1] =	stream.indirect.gather [hbm4b:s1+s19], $0x10, s4, s19, $0xb8;
	[tilespmem:$0x18F80] =	vst v63  }
0x28: {  	_ =	swait.ge [sflag:s20], $0xA000  }
0x29: {  	[sflag:s20] =	ssyncset.done $0x0  }
0x2a: {  	[sflag:s20] =	ssyncadd.s32 $0xFFFF6000  }
0x2b: {  	[spmem:s3] =	stream.indirect.scatter.add.f32 [tilespmem:s16], [sflag:$0x3], $0x10, s18, s19, $0xb8;
	[tilespmem:$0x18F80] =	vst v63  }
0x2c: {  	_ = 	snop  }
0x2d: {  	[tilespmem:s19], [sflag:$0x5] =	stream.linear.gather [hbm4b:s8+s4], $0xA00, $0x38;
	[tilespmem:$0x18F80] =	vst v63  }
0x2e: {  	_ =	swait.ge [sflag:s17], $0xA00  }
0x2f: {  	[sflag:s17] =	ssyncset.done $0x0  }
0x30: {  	[sflag:s17] =	ssyncadd.s32 $0xFFFFF600  }
0x31: {  	[tilespmem:s21], [sflag:$0x5] =	stream.linear.gather [hbm4b:s9+s4], $0xA00, $0x38;
	[tilespmem:$0x18F80] =	vst v63  }
0x32: {  	_ =	swait.ge [sflag:s17], $0xA00  }
0x33: {  	[sflag:s17] =	ssyncset.done $0x0  }
0x34: {  	[sflag:s17] =	ssyncadd.s32 $0xFFFFF600  }
0x35: {  	[tilespmem:s22], [sflag:$0x2] =	stream.indirect.gather [hbm4b:s1+s19], $0x10, s19, s19, $0xb8;
	[tilespmem:$0x18F80] =	vst v63  }
0x36: {  	_ =	swait.ge [sflag:s23], $0xA000  }
0x37: {  	[sflag:s23] =	ssyncset.done $0x0  }
0x38: {  	[sflag:s23] =	ssyncadd.s32 $0xFFFF6000  }
0x39: {  	[spmem:s3] =	stream.indirect.scatter.add.f32 [tilespmem:s22], [sflag:$0x4], $0x10, s21, s19, $0xb8;
	[tilespmem:$0x18F80] =	vst v63  }
0x3a: {  	_ =	swait.ge [sflag:s24], $0xA000  }
0x3b: {  	[sflag:s24] =	ssyncset.done $0x0  }
0x3c: {  	[sflag:s24] =	ssyncadd.s32 $0xFFFF6000  }
0x3d: {  	[tilespmem:s4], [sflag:$0x5] =	stream.linear.gather [hbm4b:s10+s4], $0xA00, $0x38;
	[tilespmem:$0x18F80] =	vst v63  }
0x3e: {  	_ =	swait.ge [sflag:s17], $0xA00  }
0x3f: {  	[sflag:s17] =	ssyncset.done $0x0  }
0x40: {  	[sflag:s17] =	ssyncadd.s32 $0xFFFFF600  }
0x41: {  	[tilespmem:s18], [sflag:$0x5] =	stream.linear.gather [hbm4b:s11+s4], $0xA00, $0x38;
	[tilespmem:$0x18F80] =	vst v63  }
0x42: {  	_ =	swait.ge [sflag:s17], $0xA00  }
0x43: {  	[sflag:s17] =	ssyncset.done $0x0  }
0x44: {  	[sflag:s17] =	ssyncadd.s32 $0xFFFFF600  }
0x45: {  	[tilespmem:s16], [sflag:$0x1] =	stream.indirect.gather [hbm4b:s1+s19], $0x10, s4, s19, $0xb8;
	[tilespmem:$0x18F80] =	vst v63  }
0x46: {  	_ =	swait.ge [sflag:s20], $0xA000  }
0x47: {  	[sflag:s20] =	ssyncset.done $0x0  }
0x48: {  	[sflag:s20] =	ssyncadd.s32 $0xFFFF6000  }
0x49: {  	[spmem:s3] =	stream.indirect.scatter.add.f32 [tilespmem:s16], [sflag:$0x3], $0x10, s18, s19, $0xb8;
	[tilespmem:$0x18F80] =	vst v63  }
0x4a: {  	_ =	swait.ge [sflag:s25], $0xA000  }
0x4b: {  	[sflag:s25] =	ssyncset.done $0x0  }
0x4c: {  	[sflag:s25] =	ssyncadd.s32 $0xFFFF6000  }
0x4d: {  	[tilespmem:s19], [sflag:$0x5] =	stream.linear.gather [hbm4b:s12+s4], $0xA00, $0x38;
	[tilespmem:$0x18F80] =	vst v63  }
0x4e: {  	_ =	swait.ge [sflag:s17], $0xA00  }
0x4f: {  	[sflag:s17] =	ssyncset.done $0x0  }
0x50: {  	[sflag:s17] =	ssyncadd.s32 $0xFFFFF600  }
0x51: {  	[tilespmem:s21], [sflag:$0x5] =	stream.linear.gather [hbm4b:s13+s4], $0xA00, $0x38;
	[tilespmem:$0x18F80] =	vst v63  }
0x52: {  	_ =	swait.ge [sflag:s17], $0xA00  }
0x53: {  	[sflag:s17] =	ssyncset.done $0x0  }
0x54: {  	[sflag:s17] =	ssyncadd.s32 $0xFFFFF600  }
0x55: {  	[tilespmem:s22], [sflag:$0x2] =	stream.indirect.gather [hbm4b:s1+s19], $0x10, s19, s19, $0xb8;
	[tilespmem:$0x18F80] =	vst v63  }
0x56: {  	_ =	swait.ge [sflag:s23], $0xA000  }
0x57: {  	[sflag:s23] =	ssyncset.done $0x0  }
0x58: {  	[sflag:s23] =	ssyncadd.s32 $0xFFFF6000  }
0x59: {  	[spmem:s3] =	stream.indirect.scatter.add.f32 [tilespmem:s22], [sflag:$0x4], $0x10, s21, s19, $0xb8;
	[tilespmem:$0x18F80] =	vst v63  }
0x5a: {  	_ =	swait.ge [sflag:s24], $0xA000  }
0x5b: {  	[sflag:s24] =	ssyncset.done $0x0  }
0x5c: {  	[sflag:s24] =	ssyncadd.s32 $0xFFFF6000  }
0x5d: {  	_ =	swait.ge [sflag:s25], $0xA000  }
0x5e: {  	s28 =	sshll.u32 s2, $0x6;
	s26 =	sadd.s32 $0x1, s26;
	[sflag:s25] =	ssyncset.done $0x0  }
0x5f: {  	s31 =	sshrl.u32 s5, $0x3;
	p0 =	sne.s32 s26, s15;
	[sflag:s25] =	ssyncadd.s32 $0xFFFF6000  }
.Ltmp1:
0x60: {  	s28 =	sor.u32 $0x1C05, s28;
	[bflag:$0x0] =	sbarrier.arrive $0xFFFF;
	(pc) =	sbr.rel @p0 .LBB2_1-.Ltmp1, $4  }
0x61: {  	[hbm:s14], [sflag:s28] =	dma.local [spmem:s31], $0x4F0  }
0x62: {  	_ =	swait.ge [sflag:s17], $0x4F0  }
0x63: {  	[sflag:s17] =	ssyncset.done $0x0  }
0x64: {  	[sflag:s17] =	ssyncadd.s32 $0xFFFFFB10  }
0x65: {  	_ =	sfence.sel $0x180000  }
0x66: {  	[bflag:$0x0] =	sbarrier.arrive $0xFFFF  }
0x67: {  	p0 =	sne.s32 s2, $0x0;
	_ =	strace $0x9000004A  }
0x68: {  	s0 =	sadd.s32 @!p0 $0x100000, s0;
	[bflag:$0x2] =	sbarrier.arrive $0xFFFF  }
0x69: {  	[sflag:s0] =	ssyncadd.tile.s32 @!p0 $0x1;
	_ =	shalt  }
.Lfunc_end2:
_tile_overlayer_lowered:
.L_overlay_start_2:
0x6a: {  	(tag) =	ssettag $0x2  }
0x6b: {  	s0 =	rddreg [dreg:$0x0];
	s2 =	stileid.u32  }
0x6c: {  	s1 =	rddreg [dreg:$0x1];
	p0 =	sne.s32 s2, $0x0  }
0x6d: {  	s3 =	rddreg [dreg:$0x2];
	[bflag:$0x3] =	sbarrier.arrive $0xFFFF;
	s2 =	simm.s32 @!p0 $0x1C05  }
0x6e: {  	[timem:s3], [sflag:s2] =	dma.local @!p0 [hbm:s0], s1  }
0x6f: {  	s0 =	simm.s32 @!p0 $0x5  }
0x70: {  	_ =	swait.ge @!p0 [sflag:s0], s1  }
0x71: {  	s1 =	ssub.s32 @!p0 $0x0, s1;
	[sflag:s0] =	ssyncset.done @!p0 $0x0  }
0x72: {  	[sflag:s0] =	ssyncadd.s32 @!p0 s1  }
0x73: {  	[bflag:$0x3] =	sbarrier.arrive $0xFFFF  }
0x74: {  	_ =	shalt  }

// kernel: kernel.18.cloned.1.call-start
scs
__scs_entry_jumppad:
0x0: {  	(pc) =	sbr.rel $0x88, $3  }
0x1: {  	(tag) =	ssettag $0x0;
	lr =	simm.s32 $0x1  }
0x2: {  	[smem:$0x3F93] =	sst lr;
	_ =	strace $0xD0000000  }
0x3: {  	_ = 	snop  }
0x4: {  	_ = 	snop  }
0x5: {  	_ = 	snop  }
0x6: {  	_ = 	snop  }
0x7: {  	_ = 	snop  }
__scs_overlays_trampoline_lowered:
0x8: {  	[smem:$0x3FA2] =	sst s0  }
0x9: {  	[smem:$0x3FA3] =	sst s1  }
0xa: {  	[smem:$0x3FA4] =	sst s2  }
0xb: {  	[smem:$0x3FA5] =	sst s3  }
0xc: {  	[smem:$0x3FA6] =	sst s4  }
0xd: {  	[smem:$0x3FA7] =	sst s5  }
0xe: {  	[smem:$0x3FA8] =	sst s6  }
0xf: {  	[smem:$0x3FA9] =	sst s7  }
0x10: {  	[smem:$0x3FAA] =	sst s8  }
0x11: {  	[smem:$0x3FAB] =	sst s9;
	s0 =	simm.s32 @!p0 $0x0  }
0x12: {  	s1 =	sld [smem:$0x3F91];
	s0 =	simm.s32 @p0 $0x1  }
0x13: {  	[smem:$0x3FAC] =	sst s0;
	s0 =	simm.s32 @!p1 $0x0  }
0x14: {  	s2 =	sld [smem:$0x3F90];
	s0 =	simm.s32 @p1 $0x1  }
0x15: {  	[smem:$0x3FAD] =	sst s0;
	s0 =	simm.s32 @!p2 $0x0  }
0x16: {  	s3 =	sld [smem:$0x3FDB];
	s0 =	simm.s32 @p2 $0x1  }
0x17: {  	s4 =	simm.s32 $0x1BF5;
	[smem:$0x3FAF] =	sst s0  }
0x18: {  	s0 =	sld [smem:$0x3F92];
	_ =	swait.ge [sflag:s4], $0x0  }
0x19: {  	s7 =	sld [smem:$0x3F93]  }
0x1a: {  	s8 =	sadd.s32 $0xFFFFE003, lr  }
0x1b: {  	s9 =	sadd.s32 $0xFFFFFEF7, lr;
	s5 =	simm.s32 $0xFFFFFFFF;
	p2 =	slt.u32 s8, $0xFFFFF086  }
0x1c: {  	p1 =	slt.u32 s9, $0xF7A;
	s5 =	simm.s32 @!p2 $0x0  }
0x1d: {  	s5 =	simm.s32 @p1 $0x1;
	p0 =	seq.s32 s7, s2  }
0x1e: {  	s7 =	smul.u32 @!p0 $0xF7A, s2;
	p2 =	seq.s32 @!p0 s5, $0x0  }
0x1f: {  	s9 =	smul.u32 $0xF7A, s1;
	s8 =	simm.s32 @!p0 $0x1BF5;
	p2 =	por !p2, p0  }
0x20: {  	[sflag:s8] =	ssyncset.s32 @!p0 $0xFFFFF086;
	s6 =	sadd.s32 @!p0 s3, s7;
	s7 =	simm.s32 @!p0 $0x108  }
0x21: {  	s3 =	sadd.s32 s3, s9;
	s6 =	sadd.s32 @!p0 $0x88, s6;
	s7 =	simm.s32 @p2 $0x1082  }
0x22: {  	[simem:s7], [sflag:s8] =	dma.local @!p0 [hbm:s6], $0xF7A  }
0x23: {  	s9 =	sor.u32 $0xD0000000, s2;
	s6 =	simm.s32 $0x108;
	_ =	swait.ge @!p0 [sflag:s8], $0x0  }
0x24: {  	s3 =	sadd.s32 $0x88, s3;
	s6 =	simm.s32 @!p1 $0x1082;
	[sflag:s4] =	ssyncset.s32 $0xFFFFF086  }
0x25: {  	[simem:s6], [sflag:s4] =	dma.local [hbm:s3], $0xF7A  }
0x26: {  	[smem:$0x3F93] =	sst s1;
	(tag) =	ssettag s2;
	_ =	strace s9  }
0x27: {  	s1 =	sld [smem:$0x3FA3]  }
0x28: {  	s2 =	sld [smem:$0x3FA4]  }
0x29: {  	s4 =	sld [smem:$0x3FA6]  }
0x2a: {  	p0 =	seq.s32 s5, $0x0;
	s5 =	sld [smem:$0x3FA7]  }
0x2b: {  	s6 =	sld [smem:$0x3FA8]  }
0x2c: {  	s7 =	sld [smem:$0x3FA9]  }
0x2d: {  	s3 =	simm.s32 $0x108;
	s8 =	sld [smem:$0x3FAA]  }
0x2e: {  	s3 =	simm.s32 @!p0 $0x1082;
	s9 =	sld [smem:$0x3FAB]  }
0x2f: {  	lr =	sadd.s32 s0, s3;
	s0 =	sld [smem:$0x3FA2]  }
0x30: {  	s3 =	sld [smem:$0x3FA5]  }
0x31: {  	[smem:$0x3FAE] =	sst s10  }
0x32: {  	s10 =	sld [smem:$0x3FAC];
	_ =	sdelay $0x3  }
0x33: {  	p0 =	seq.s32 s10, $0x1;
	s10 =	sld [smem:$0x3FAE];
	_ =	sdelay $0x3  }
0x34: {  	[smem:$0x3FAE] =	sst s10  }
0x35: {  	s10 =	sld [smem:$0x3FAD];
	_ =	sdelay $0x3  }
0x36: {  	p1 =	seq.s32 s10, $0x1;
	s10 =	sld [smem:$0x3FAE];
	_ =	sdelay $0x3  }
0x37: {  	[smem:$0x3FAE] =	sst s10  }
0x38: {  	s10 =	sld [smem:$0x3FAF]  }
0x39: {  	_ = 	snop;
	(pc) =	sbr.ind lr, $3  }
0x3a: {  	_ = 	snop  }
0x3b: {  	_ = 	snop  }
0x3c: {  	p2 =	seq.s32 s10, $0x1;
	s10 =	sld [smem:$0x3FAE]  }
0x3d: {  	_ =	shalt  }
0x3e: {  	_ =	shalt  }
0x3f: {  	_ =	shalt  }
0x40: {  	_ =	shalt  }
0x41: {  	_ =	shalt  }
0x42: {  	_ =	shalt  }
0x43: {  	_ =	shalt  }
0x44: {  	_ =	shalt  }
0x45: {  	_ =	shalt  }
0x46: {  	_ =	shalt  }
0x47: {  	_ =	shalt  }
0x48: {  	_ =	shalt  }
0x49: {  	_ =	shalt  }
0x4a: {  	_ =	shalt  }
0x4b: {  	_ =	shalt  }
0x4c: {  	_ =	shalt  }
0x4d: {  	_ =	shalt  }
0x4e: {  	_ =	shalt  }
0x4f: {  	_ =	shalt  }
0x50: {  	_ =	shalt  }
0x51: {  	_ =	shalt  }
0x52: {  	_ =	shalt  }
0x53: {  	_ =	shalt  }
0x54: {  	_ =	shalt  }
0x55: {  	_ =	shalt  }
0x56: {  	_ =	shalt  }
0x57: {  	_ =	shalt  }
0x58: {  	_ =	shalt  }
0x59: {  	_ =	shalt  }
0x5a: {  	_ =	shalt  }
0x5b: {  	_ =	shalt  }
0x5c: {  	_ =	shalt  }
0x5d: {  	_ =	shalt  }
0x5e: {  	_ =	shalt  }
0x5f: {  	_ =	shalt  }
0x60: {  	_ =	shalt  }
0x61: {  	_ =	shalt  }
0x62: {  	_ =	shalt  }
0x63: {  	_ =	shalt  }
0x64: {  	_ =	shalt  }
0x65: {  	_ =	shalt  }
0x66: {  	_ =	shalt  }
0x67: {  	_ =	shalt  }
0x68: {  	_ =	shalt  }
0x69: {  	_ =	shalt  }
0x6a: {  	_ =	shalt  }
0x6b: {  	_ =	shalt  }
0x6c: {  	_ =	shalt  }
0x6d: {  	_ =	shalt  }
0x6e: {  	_ =	shalt  }
0x6f: {  	_ =	shalt  }
0x70: {  	_ =	shalt  }
0x71: {  	_ =	shalt  }
0x72: {  	_ =	shalt  }
0x73: {  	_ =	shalt  }
0x74: {  	_ =	shalt  }
0x75: {  	_ =	shalt  }
0x76: {  	_ =	shalt  }
0x77: {  	_ =	shalt  }
0x78: {  	_ =	shalt  }
0x79: {  	_ =	shalt  }
0x7a: {  	_ =	shalt  }
0x7b: {  	_ =	shalt  }
0x7c: {  	_ =	shalt  }
0x7d: {  	_ =	shalt  }
0x7e: {  	_ =	shalt  }
0x7f: {  	_ =	shalt  }
0x80: {  	_ =	shalt  }
0x81: {  	_ =	shalt  }
0x82: {  	_ =	shalt  }
0x83: {  	_ =	shalt  }
0x84: {  	_ =	shalt  }
0x85: {  	_ =	shalt  }
0x86: {  	_ =	shalt  }
0x87: {  	_ =	shalt  }
.Lfunc_end0:
.L_simem_size_0:
called_computation.2_lowered:
.L_overlay_start_0:
0x88: {  	s2 =	sld [smem:$0x3FD9]  }
0x89: {  	s3 =	sld [smem:$0x3FFE];
	_ =	sdelay $0x1  }
0x8a: {  	s1 =	srdreg.scid  }
0x8b: {  	s0 =	sand.u32 $0x1, s1  }
0x8c: {  	s17 =	sshll.u32 s0, $0xA;
	s2 =	sadd.s32 s3, s2  }
0x8d: {  	s2 =	sadd.s32 s2, s17  }
0x8e: {  	[smem:$0x3FBA] =	sst s2  }
0x8f: {  	_ = 	snop  }
0x90: {  	s2 =	sld [smem:$0x3FD0];
	(tm) =	ssettm $0x1  }
0x91: {  	s18 =	sld [smem:$0x3FFB];
	_ =	sdelay $0x3  }
0x92: {  	_ =	strace s18  }
0x93: {  	s3 =	sld [smem:$0x3FFC];
	_ =	sdelay $0x3  }
0x94: {  	_ =	strace s3  }
0x95: {  	s3 =	sld [smem:$0x3FFD];
	_ =	sdelay $0x3  }
0x96: {  	_ =	strace s3  }
0x97: {  	_ =	strace $0x8FFFFFFF  }
0x98: {  	s19 =	sld [smem:$0x3FDB];
	_ =	sdelay $0x1  }
0x99: {  	s4 =	simm.s32 $_scs_section_size  }
0x9a: {  	s5 =	simm.s32 $_size__tile_overlayer_lowered;
	s6 =	simm.s32 $_tile_overlayer_lowered  }
0x9b: {  	s22 =	simm.s32 $0x1BFF;
	s21 =	sshll.u32 s6, $0x1;
	s3 =	sadd.s32 s4, s19  }
0x9c: {  	s7 =	simm.s32 $0x0;
	s20 =	sshll.u32 s5, $0x1;
	s5 =	sadd.s32 s21, s3  }
0x9d: {  	[timem:s7], [sflag:s22] =	dma.local [hbm:s5], s20  }
0x9e: {  	_ =	swait.ge [sflag:s22], s20  }
0x9f: {  	s4 =	ssub.s32 $0x0, s20;
	[sflag:s22] =	ssyncset.done $0x0  }
0xa0: {  	[sflag:s22] =	ssyncadd.s32 s4;
	_ =	sdelay $0x1  }
0xa1: {  	s23 =	simm.s32 $0x1B8B  }
0xa2: {  	_ =	swait.ge [sflag:s23], $0x1  }
0xa3: {  	[sflag:s23] =	ssyncset.done $0x0  }
0xa4: {  	s25 =	simm.s32 $0x1B8E;
	s24 =	sld [smem:$0x3FFE];
	[sflag:s23] =	ssyncadd.s32 $0xFFFFFFFF  }
0xa5: {  	s26 =	simm.s32 $execute0_lowered;
	[smem:$0x3FD2] =	sst s25  }
0xa6: {  	s5 =	sshll.u32 s26, $0x1;
	_ =	strace $0x8000004C;
	[dreg:$0x1] =	wrdreg $0xFFFFFFFF  }
0xa7: {  	s28 =	simm.s32 $_size_execute0_lowered;
	s3 =	sadd.s32 s3, s5;
	[dreg:$0x0] =	wrdreg $0x0  }
0xa8: {  	s5 =	sshll.u32 s28, $0x1;
	[dreg:$0x2] =	wrdreg s3  }
0xa9: {  	[dreg:$0x3] =	wrdreg s5  }
0xaa: {  	[dreg:$0x4] =	wrdreg $0xC0  }
0xab: {  	_ =	task [dreg:s7], $0x5FFFF  }
0xac: {  	[dreg:$0x1] =	wrdreg $0xFFFFFFFF  }
0xad: {  	[dreg:$0x0] =	wrdreg $0x60  }
0xae: {  	[dreg:$0x2] =	wrdreg s2  }
0xaf: {  	[dreg:$0x3] =	wrdreg s24  }
0xb0: {  	[dreg:$0x4] =	wrdreg $0x168000  }
0xb1: {  	[dreg:$0x5] =	wrdreg $0x9  }
0xb2: {  	_ =	task.clear_ibuf [dreg:s7], $0x6FFFF;
	_ =	strace $0x9000004C  }
0xb3: {  	s29 =	simm.s32 $0x9;
	_ =	strace $0x8000004E  }
0xb4: {  	_ =	swait.ge [sflag:s29], $0x1  }
0xb5: {  	[sflag:s29] =	ssyncadd.s32 $0xFFFFFFFF  }
0xb6: {  	_ =	strace $0x9000004E  }
0xb7: {  	_ =	sfence  }
0xb8: {  	s30 =	sld [smem:$0x0];
	_ =	sdelay $0x2  }
0xb9: {  	s31 =	sshll.u32 s1, $0xD;
	s1 =	sshrl.u32 s1, $0x2  }
0xba: {  	s3 =	sand.u32 $0x4000, s31;
	s1 =	sadd.s32 s1, s30  }
0xbb: {  	s0 =	sor.u32 s3, s0;
	s1 =	sshll.u32 s1, $0x11  }
0xbc: {  	s0 =	sor.u32 s1, s0  }
0xbd: {  	s0 =	sadd.s32 $0x8F2B, s0  }
0xbe: {  	[sflag:s0] =	ssyncadd.remote.s32 $0x1  }
0xbf: {  	_ =	sfence.sel $0xFFFF  }
0xc0: {  	[dreg:$0x0] =	wrdreg $0xFFFFFFFF;
	(pc) =	sbr.abs _section_cstart, $3  }
0xc1: {  	[dreg:$0x1] =	wrdreg $0xFFFFFFFF  }
0xc2: {  	_ =	task.clear_ibuf [dreg:s7], $0x2FFFF;
	_ =	strace $0x9FFFFFFF  }
0xc3: {  	(tm) =	ssettm $0x7FFFFFFF  }
tec
execute0_lowered:
.L_overlay_start_1:
0x0: {  	(tag) =	ssettag $0x1  }
0x1: {  	s1 =	rddreg [dreg:$0x0]  }
0x2: {  	s5 =	rddreg [dreg:$0x1]  }
0x3: {  	s3 =	rddreg [dreg:$0x2]  }
0x4: {  	s0 =	rddreg [dreg:$0x3]  }
0x5: {  	s6 =	srdreg.scid;
	s2 =	stileid.u32;
	s4 =	simm.s32 $0x0  }
0x6: {  	s17 =	simm.s32 $0x5;
	s18 =	simm.s32 $0x1400;
	s19 =	simm.s32 $0xA00  }
0x7: {  	s20 =	simm.s32 $0x1;
	s21 =	simm.s32 $0x1E00;
	s22 =	simm.s32 $0xC800  }
0x8: {  	s23 =	simm.s32 $0x2;
	s24 =	simm.s32 $0x3;
	s25 =	simm.s32 $0x4  }
0x9: {  	s26 =	simm.s32 $0x0;
	s6 =	sand.u32 $0x1, s6;
	s7 =	smul.u32 $0x2780, s2  }
0xa: {  	[smem:$0x7FF] =	sst s4;
	s12 =	sadd.s32 $0x2CA00, s5;
	s9 =	sshll.u32 s6, $0x4  }
0xb: {  	s8 =	smul.u32 $0x27800, s6;
	s6 =	ssub.s32 $0x2, s6;
	s9 =	sor.u32 s2, s9  }
0xc: {  	s13 =	sadd.s32 $0x36A00, s5;
	s31 =	sshrl.u32 s6, $0x1;
	s9 =	smul.u32 $0x2800, s9  }
0xd: {  	_ =	strace $0x8000004D;
	s8 =	sadd.s32 s7, s8;
	s15 =	ssub.s32 s6, s31  }
0xe: {  	s8 =	sshrl.u32 s8, $0x3;
	s15 =	smax.u32 s15, $0x1;
	s16 =	sshrl.u32 s9, $0x3  }
0xf: {  	s14 =	sadd.s32 s8, s5;
	s5 =	sadd.s32 s7, s3;
	s6 =	sadd.s32 s12, s16  }
0x10: {  	s7 =	sadd.s32 s13, s16;
	s9 =	sadd.s32 $0x140, s16;
	s11 =	sadd.s32 $0x280, s16  }
0x11: {  	s16 =	sadd.s32 $0x3C0, s16;
	s14 =	sadd.s32 $0x5800, s14;
	s8 =	sadd.s32 s12, s9  }
0x12: {  	s9 =	sadd.s32 s13, s9;
	s10 =	sadd.s32 s12, s11;
	s11 =	sadd.s32 s13, s11  }
0x13: {  	v0 =	vimm.f32 $0.0e+00;
	s12 =	sadd.s32 s12, s16;
	s13 =	sadd.s32 s13, s16;
	s16 =	simm.s32 $0x2800  }
.LBB2_1:
0x14: {  	s28 =	simm.s32 $0x40;
	s29 =	simm.s32 $0x0  }
.LBB2_2:
0x15: {  	p0 =	sne.s32 s28, $0x9DC0;
	[tilespmem:s29+$0x2800] =	vst v0;
	s29 =	smov.u32 s28;
	s28 =	sadd.s32 $0x40, s28  }
.Ltmp0:
0x16: {  	(pc) =	sbr.rel @p0 .LBB2_2-.Ltmp0, $2  }
0x17: {  	_ =	sdelay $0x2  }
0x18: {  	s29 =	sshra.s32 s29, $0x2  }
0x19: {  	[tilespmem:s29+$0x2800] =	vst v0  }
0x1a: {  	[spmem:s5] =	stream.linear.scatter [tilespmem:s16], [sflag:$0x5], $0x2780, $0x38;
	[tilespmem:$0x18F80] =	vst v63  }
0x1b: {  	_ =	swait.ge [sflag:s17], $0x2780  }
0x1c: {  	[sflag:s17] =	ssyncset.done $0x0  }
0x1d: {  	[sflag:s17] =	ssyncadd.s32 $0xFFFFD880  }
0x1e: {  	[bflag:$0x0] =	sbarrier.arrive $0xFFFF  }
0x1f: {  	[tilespmem:s4], [sflag:$0x5] =	stream.linear.gather [hbm4b:s6+s4], $0xA00, $0x38;
	[tilespmem:$0x18F80] =	vst v63  }
0x20: {  	_ =	swait.ge [sflag:s17], $0xA00  }
0x21: {  	[sflag:s17] =	ssyncset.done $0x0  }
0x22: {  	[sflag:s17] =	ssyncadd.s32 $0xFFFFF600  }
0x23: {  	[tilespmem:s18], [sflag:$0x5] =	stream.linear.gather [hbm4b:s7+s4], $0xA00, $0x38;
	[tilespmem:$0x18F80] =	vst v63  }
0x24: {  	_ =	swait.ge [sflag:s17], $0xA00  }
0x25: {  	[sflag:s17] =	ssyncset.done $0x0  }
0x26: {  	[sflag:s17] =	ssyncadd.s32 $0xFFFFF600  }
0x27: {  	[tilespmem:s16], [sflag:$0x1] =	stream.indirect.gather [hbm4b:s1+s19], $0x10, s4, s19, $0xb8;
	[tilespmem:$0x18F80] =	vst v63  }
0x28: {  	_ =	swait.ge [sflag:s20], $0xA000  }
0x29: {  	[sflag:s20] =	ssyncset.done $0x0  }
0x2a: {  	[sflag:s20] =	ssyncadd.s32 $0xFFFF6000  }
0x2b: {  	[spmem:s3] =	stream.indirect.scatter.add.f32 [tilespmem:s16], [sflag:$0x3], $0x10, s18, s19, $0xb8;
	[tilespmem:$0x18F80] =	vst v63  }
0x2c: {  	_ = 	snop  }
0x2d: {  	[tilespmem:s19], [sflag:$0x5] =	stream.linear.gather [hbm4b:s8+s4], $0xA00, $0x38;
	[tilespmem:$0x18F80] =	vst v63  }
0x2e: {  	_ =	swait.ge [sflag:s17], $0xA00  }
0x2f: {  	[sflag:s17] =	ssyncset.done $0x0  }
0x30: {  	[sflag:s17] =	ssyncadd.s32 $0xFFFFF600  }
0x31: {  	[tilespmem:s21], [sflag:$0x5] =	stream.linear.gather [hbm4b:s9+s4], $0xA00, $0x38;
	[tilespmem:$0x18F80] =	vst v63  }
0x32: {  	_ =	swait.ge [sflag:s17], $0xA00  }
0x33: {  	[sflag:s17] =	ssyncset.done $0x0  }
0x34: {  	[sflag:s17] =	ssyncadd.s32 $0xFFFFF600  }
0x35: {  	[tilespmem:s22], [sflag:$0x2] =	stream.indirect.gather [hbm4b:s1+s19], $0x10, s19, s19, $0xb8;
	[tilespmem:$0x18F80] =	vst v63  }
0x36: {  	_ =	swait.ge [sflag:s23], $0xA000  }
0x37: {  	[sflag:s23] =	ssyncset.done $0x0  }
0x38: {  	[sflag:s23] =	ssyncadd.s32 $0xFFFF6000  }
0x39: {  	[spmem:s3] =	stream.indirect.scatter.add.f32 [tilespmem:s22], [sflag:$0x4], $0x10, s21, s19, $0xb8;
	[tilespmem:$0x18F80] =	vst v63  }
0x3a: {  	_ =	swait.ge [sflag:s24], $0xA000  }
0x3b: {  	[sflag:s24] =	ssyncset.done $0x0  }
0x3c: {  	[sflag:s24] =	ssyncadd.s32 $0xFFFF6000  }
0x3d: {  	[tilespmem:s4], [sflag:$0x5] =	stream.linear.gather [hbm4b:s10+s4], $0xA00, $0x38;
	[tilespmem:$0x18F80] =	vst v63  }
0x3e: {  	_ =	swait.ge [sflag:s17], $0xA00  }
0x3f: {  	[sflag:s17] =	ssyncset.done $0x0  }
0x40: {  	[sflag:s17] =	ssyncadd.s32 $0xFFFFF600  }
0x41: {  	[tilespmem:s18], [sflag:$0x5] =	stream.linear.gather [hbm4b:s11+s4], $0xA00, $0x38;
	[tilespmem:$0x18F80] =	vst v63  }
0x42: {  	_ =	swait.ge [sflag:s17], $0xA00  }
0x43: {  	[sflag:s17] =	ssyncset.done $0x0  }
0x44: {  	[sflag:s17] =	ssyncadd.s32 $0xFFFFF600  }
0x45: {  	[tilespmem:s16], [sflag:$0x1] =	stream.indirect.gather [hbm4b:s1+s19], $0x10, s4, s19, $0xb8;
	[tilespmem:$0x18F80] =	vst v63  }
0x46: {  	_ =	swait.ge [sflag:s20], $0xA000  }
0x47: {  	[sflag:s20] =	ssyncset.done $0x0  }
0x48: {  	[sflag:s20] =	ssyncadd.s32 $0xFFFF6000  }
0x49: {  	[spmem:s3] =	stream.indirect.scatter.add.f32 [tilespmem:s16], [sflag:$0x3], $0x10, s18, s19, $0xb8;
	[tilespmem:$0x18F80] =	vst v63  }
0x4a: {  	_ =	swait.ge [sflag:s25], $0xA000  }
0x4b: {  	[sflag:s25] =	ssyncset.done $0x0  }
0x4c: {  	[sflag:s25] =	ssyncadd.s32 $0xFFFF6000  }
0x4d: {  	[tilespmem:s19], [sflag:$0x5] =	stream.linear.gather [hbm4b:s12+s4], $0xA00, $0x38;
	[tilespmem:$0x18F80] =	vst v63  }
0x4e: {  	_ =	swait.ge [sflag:s17], $0xA00  }
0x4f: {  	[sflag:s17] =	ssyncset.done $0x0  }
0x50: {  	[sflag:s17] =	ssyncadd.s32 $0xFFFFF600  }
0x51: {  	[tilespmem:s21], [sflag:$0x5] =	stream.linear.gather [hbm4b:s13+s4], $0xA00, $0x38;
	[tilespmem:$0x18F80] =	vst v63  }
0x52: {  	_ =	swait.ge [sflag:s17], $0xA00  }
0x53: {  	[sflag:s17] =	ssyncset.done $0x0  }
0x54: {  	[sflag:s17] =	ssyncadd.s32 $0xFFFFF600  }
0x55: {  	[tilespmem:s22], [sflag:$0x2] =	stream.indirect.gather [hbm4b:s1+s19], $0x10, s19, s19, $0xb8;
	[tilespmem:$0x18F80] =	vst v63  }
0x56: {  	_ =	swait.ge [sflag:s23], $0xA000  }
0x57: {  	[sflag:s23] =	ssyncset.done $0x0  }
0x58: {  	[sflag:s23] =	ssyncadd.s32 $0xFFFF6000  }
0x59: {  	[spmem:s3] =	stream.indirect.scatter.add.f32 [tilespmem:s22], [sflag:$0x4], $0x10, s21, s19, $0xb8;
	[tilespmem:$0x18F80] =	vst v63  }
0x5a: {  	_ =	swait.ge [sflag:s24], $0xA000  }
0x5b: {  	[sflag:s24] =	ssyncset.done $0x0  }
0x5c: {  	[sflag:s24] =	ssyncadd.s32 $0xFFFF6000  }
0x5d: {  	_ =	swait.ge [sflag:s25], $0xA000  }
0x5e: {  	s28 =	sshll.u32 s2, $0x6;
	s26 =	sadd.s32 $0x1, s26;
	[sflag:s25] =	ssyncset.done $0x0  }
0x5f: {  	s31 =	sshrl.u32 s5, $0x3;
	p0 =	sne.s32 s26, s15;
	[sflag:s25] =	ssyncadd.s32 $0xFFFF6000  }
.Ltmp1:
0x60: {  	s28 =	sor.u32 $0x1C05, s28;
	[bflag:$0x0] =	sbarrier.arrive $0xFFFF;
	(pc) =	sbr.rel @p0 .LBB2_1-.Ltmp1, $4  }
0x61: {  	[hbm:s14], [sflag:s28] =	dma.local [spmem:s31], $0x4F0  }
0x62: {  	_ =	swait.ge [sflag:s17], $0x4F0  }
0x63: {  	[sflag:s17] =	ssyncset.done $0x0  }
0x64: {  	[sflag:s17] =	ssyncadd.s32 $0xFFFFFB10  }
0x65: {  	_ =	sfence.sel $0x180000  }
0x66: {  	[bflag:$0x0] =	sbarrier.arrive $0xFFFF  }
0x67: {  	p0 =	sne.s32 s2, $0x0;
	_ =	strace $0x9000004D  }
0x68: {  	s0 =	sadd.s32 @!p0 $0x100000, s0;
	[bflag:$0x2] =	sbarrier.arrive $0xFFFF  }
0x69: {  	[sflag:s0] =	ssyncadd.tile.s32 @!p0 $0x1;
	_ =	shalt  }
.Lfunc_end2:
_tile_overlayer_lowered:
.L_overlay_start_2:
0x6a: {  	(tag) =	ssettag $0x2  }
0x6b: {  	s0 =	rddreg [dreg:$0x0];
	s2 =	stileid.u32  }
0x6c: {  	s1 =	rddreg [dreg:$0x1];
	p0 =	sne.s32 s2, $0x0  }
0x6d: {  	s3 =	rddreg [dreg:$0x2];
	[bflag:$0x3] =	sbarrier.arrive $0xFFFF;
	s2 =	simm.s32 @!p0 $0x1C05  }
0x6e: {  	[timem:s3], [sflag:s2] =	dma.local @!p0 [hbm:s0], s1  }
0x6f: {  	s0 =	simm.s32 @!p0 $0x5  }
0x70: {  	_ =	swait.ge @!p0 [sflag:s0], s1  }
0x71: {  	s1 =	ssub.s32 @!p0 $0x0, s1;
	[sflag:s0] =	ssyncset.done @!p0 $0x0  }
0x72: {  	[sflag:s0] =	ssyncadd.s32 @!p0 s1  }
0x73: {  	[bflag:$0x3] =	sbarrier.arrive $0xFFFF  }
0x74: {  	_ =	shalt  }

// kernel: kernel.21.cloned.1.call-start
scs
__scs_entry_jumppad:
0x0: {  	(pc) =	sbr.rel $0x88, $3  }
0x1: {  	(tag) =	ssettag $0x0;
	lr =	simm.s32 $0x1  }
0x2: {  	[smem:$0x3F93] =	sst lr;
	_ =	strace $0xD0000000  }
0x3: {  	_ = 	snop  }
0x4: {  	_ = 	snop  }
0x5: {  	_ = 	snop  }
0x6: {  	_ = 	snop  }
0x7: {  	_ = 	snop  }
__scs_overlays_trampoline_lowered:
0x8: {  	[smem:$0x3FA2] =	sst s0  }
0x9: {  	[smem:$0x3FA3] =	sst s1  }
0xa: {  	[smem:$0x3FA4] =	sst s2  }
0xb: {  	[smem:$0x3FA5] =	sst s3  }
0xc: {  	[smem:$0x3FA6] =	sst s4  }
0xd: {  	[smem:$0x3FA7] =	sst s5  }
0xe: {  	[smem:$0x3FA8] =	sst s6  }
0xf: {  	[smem:$0x3FA9] =	sst s7  }
0x10: {  	[smem:$0x3FAA] =	sst s8  }
0x11: {  	[smem:$0x3FAB] =	sst s9;
	s0 =	simm.s32 @!p0 $0x0  }
0x12: {  	s1 =	sld [smem:$0x3F91];
	s0 =	simm.s32 @p0 $0x1  }
0x13: {  	[smem:$0x3FAC] =	sst s0;
	s0 =	simm.s32 @!p1 $0x0  }
0x14: {  	s2 =	sld [smem:$0x3F90];
	s0 =	simm.s32 @p1 $0x1  }
0x15: {  	[smem:$0x3FAD] =	sst s0;
	s0 =	simm.s32 @!p2 $0x0  }
0x16: {  	s3 =	sld [smem:$0x3FDB];
	s0 =	simm.s32 @p2 $0x1  }
0x17: {  	s4 =	simm.s32 $0x1BF5;
	[smem:$0x3FAF] =	sst s0  }
0x18: {  	s0 =	sld [smem:$0x3F92];
	_ =	swait.ge [sflag:s4], $0x0  }
0x19: {  	s7 =	sld [smem:$0x3F93]  }
0x1a: {  	s8 =	sadd.s32 $0xFFFFE003, lr  }
0x1b: {  	s9 =	sadd.s32 $0xFFFFFEF7, lr;
	s5 =	simm.s32 $0xFFFFFFFF;
	p2 =	slt.u32 s8, $0xFFFFF086  }
0x1c: {  	p1 =	slt.u32 s9, $0xF7A;
	s5 =	simm.s32 @!p2 $0x0  }
0x1d: {  	s5 =	simm.s32 @p1 $0x1;
	p0 =	seq.s32 s7, s2  }
0x1e: {  	s7 =	smul.u32 @!p0 $0xF7A, s2;
	p2 =	seq.s32 @!p0 s5, $0x0  }
0x1f: {  	s9 =	smul.u32 $0xF7A, s1;
	s8 =	simm.s32 @!p0 $0x1BF5;
	p2 =	por !p2, p0  }
0x20: {  	[sflag:s8] =	ssyncset.s32 @!p0 $0xFFFFF086;
	s6 =	sadd.s32 @!p0 s3, s7;
	s7 =	simm.s32 @!p0 $0x108  }
0x21: {  	s3 =	sadd.s32 s3, s9;
	s6 =	sadd.s32 @!p0 $0x88, s6;
	s7 =	simm.s32 @p2 $0x1082  }
0x22: {  	[simem:s7], [sflag:s8] =	dma.local @!p0 [hbm:s6], $0xF7A  }
0x23: {  	s9 =	sor.u32 $0xD0000000, s2;
	s6 =	simm.s32 $0x108;
	_ =	swait.ge @!p0 [sflag:s8], $0x0  }
0x24: {  	s3 =	sadd.s32 $0x88, s3;
	s6 =	simm.s32 @!p1 $0x1082;
	[sflag:s4] =	ssyncset.s32 $0xFFFFF086  }
0x25: {  	[simem:s6], [sflag:s4] =	dma.local [hbm:s3], $0xF7A  }
0x26: {  	[smem:$0x3F93] =	sst s1;
	(tag) =	ssettag s2;
	_ =	strace s9  }
0x27: {  	s1 =	sld [smem:$0x3FA3]  }
0x28: {  	s2 =	sld [smem:$0x3FA4]  }
0x29: {  	s4 =	sld [smem:$0x3FA6]  }
0x2a: {  	p0 =	seq.s32 s5, $0x0;
	s5 =	sld [smem:$0x3FA7]  }
0x2b: {  	s6 =	sld [smem:$0x3FA8]  }
0x2c: {  	s7 =	sld [smem:$0x3FA9]  }
0x2d: {  	s3 =	simm.s32 $0x108;
	s8 =	sld [smem:$0x3FAA]  }
0x2e: {  	s3 =	simm.s32 @!p0 $0x1082;
	s9 =	sld [smem:$0x3FAB]  }
0x2f: {  	lr =	sadd.s32 s0, s3;
	s0 =	sld [smem:$0x3FA2]  }
0x30: {  	s3 =	sld [smem:$0x3FA5]  }
0x31: {  	[smem:$0x3FAE] =	sst s10  }
0x32: {  	s10 =	sld [smem:$0x3FAC];
	_ =	sdelay $0x3  }
0x33: {  	p0 =	seq.s32 s10, $0x1;
	s10 =	sld [smem:$0x3FAE];
	_ =	sdelay $0x3  }
0x34: {  	[smem:$0x3FAE] =	sst s10  }
0x35: {  	s10 =	sld [smem:$0x3FAD];
	_ =	sdelay $0x3  }
0x36: {  	p1 =	seq.s32 s10, $0x1;
	s10 =	sld [smem:$0x3FAE];
	_ =	sdelay $0x3  }
0x37: {  	[smem:$0x3FAE] =	sst s10  }
0x38: {  	s10 =	sld [smem:$0x3FAF]  }
0x39: {  	_ = 	snop;
	(pc) =	sbr.ind lr, $3  }
0x3a: {  	_ = 	snop  }
0x3b: {  	_ = 	snop  }
0x3c: {  	p2 =	seq.s32 s10, $0x1;
	s10 =	sld [smem:$0x3FAE]  }
0x3d: {  	_ =	shalt  }
0x3e: {  	_ =	shalt  }
0x3f: {  	_ =	shalt  }
0x40: {  	_ =	shalt  }
0x41: {  	_ =	shalt  }
0x42: {  	_ =	shalt  }
0x43: {  	_ =	shalt  }
0x44: {  	_ =	shalt  }
0x45: {  	_ =	shalt  }
0x46: {  	_ =	shalt  }
0x47: {  	_ =	shalt  }
0x48: {  	_ =	shalt  }
0x49: {  	_ =	shalt  }
0x4a: {  	_ =	shalt  }
0x4b: {  	_ =	shalt  }
0x4c: {  	_ =	shalt  }
0x4d: {  	_ =	shalt  }
0x4e: {  	_ =	shalt  }
0x4f: {  	_ =	shalt  }
0x50: {  	_ =	shalt  }
0x51: {  	_ =	shalt  }
0x52: {  	_ =	shalt  }
0x53: {  	_ =	shalt  }
0x54: {  	_ =	shalt  }
0x55: {  	_ =	shalt  }
0x56: {  	_ =	shalt  }
0x57: {  	_ =	shalt  }
0x58: {  	_ =	shalt  }
0x59: {  	_ =	shalt  }
0x5a: {  	_ =	shalt  }
0x5b: {  	_ =	shalt  }
0x5c: {  	_ =	shalt  }
0x5d: {  	_ =	shalt  }
0x5e: {  	_ =	shalt  }
0x5f: {  	_ =	shalt  }
0x60: {  	_ =	shalt  }
0x61: {  	_ =	shalt  }
0x62: {  	_ =	shalt  }
0x63: {  	_ =	shalt  }
0x64: {  	_ =	shalt  }
0x65: {  	_ =	shalt  }
0x66: {  	_ =	shalt  }
0x67: {  	_ =	shalt  }
0x68: {  	_ =	shalt  }
0x69: {  	_ =	shalt  }
0x6a: {  	_ =	shalt  }
0x6b: {  	_ =	shalt  }
0x6c: {  	_ =	shalt  }
0x6d: {  	_ =	shalt  }
0x6e: {  	_ =	shalt  }
0x6f: {  	_ =	shalt  }
0x70: {  	_ =	shalt  }
0x71: {  	_ =	shalt  }
0x72: {  	_ =	shalt  }
0x73: {  	_ =	shalt  }
0x74: {  	_ =	shalt  }
0x75: {  	_ =	shalt  }
0x76: {  	_ =	shalt  }
0x77: {  	_ =	shalt  }
0x78: {  	_ =	shalt  }
0x79: {  	_ =	shalt  }
0x7a: {  	_ =	shalt  }
0x7b: {  	_ =	shalt  }
0x7c: {  	_ =	shalt  }
0x7d: {  	_ =	shalt  }
0x7e: {  	_ =	shalt  }
0x7f: {  	_ =	shalt  }
0x80: {  	_ =	shalt  }
0x81: {  	_ =	shalt  }
0x82: {  	_ =	shalt  }
0x83: {  	_ =	shalt  }
0x84: {  	_ =	shalt  }
0x85: {  	_ =	shalt  }
0x86: {  	_ =	shalt  }
0x87: {  	_ =	shalt  }
.Lfunc_end0:
.L_simem_size_0:
called_computation.3_lowered:
.L_overlay_start_0:
0x88: {  	s2 =	sld [smem:$0x3FD9]  }
0x89: {  	s3 =	sld [smem:$0x3FFE];
	_ =	sdelay $0x1  }
0x8a: {  	s1 =	srdreg.scid  }
0x8b: {  	s0 =	sand.u32 $0x1, s1  }
0x8c: {  	s17 =	sshll.u32 s0, $0xA;
	s2 =	sadd.s32 s3, s2  }
0x8d: {  	s2 =	sadd.s32 s2, s17  }
0x8e: {  	[smem:$0x3FBA] =	sst s2  }
0x8f: {  	_ = 	snop  }
0x90: {  	s2 =	sld [smem:$0x3FD0];
	(tm) =	ssettm $0x1  }
0x91: {  	s18 =	sld [smem:$0x3FFB];
	_ =	sdelay $0x3  }
0x92: {  	_ =	strace s18  }
0x93: {  	s3 =	sld [smem:$0x3FFC];
	_ =	sdelay $0x3  }
0x94: {  	_ =	strace s3  }
0x95: {  	s3 =	sld [smem:$0x3FFD];
	_ =	sdelay $0x3  }
0x96: {  	_ =	strace s3  }
0x97: {  	_ =	strace $0x8FFFFFFF  }
0x98: {  	s19 =	sld [smem:$0x3FDB];
	_ =	sdelay $0x1  }
0x99: {  	s4 =	simm.s32 $_scs_section_size  }
0x9a: {  	s5 =	simm.s32 $_size__tile_overlayer_lowered;
	s6 =	simm.s32 $_tile_overlayer_lowered  }
0x9b: {  	s22 =	simm.s32 $0x1BFF;
	s21 =	sshll.u32 s6, $0x1;
	s3 =	sadd.s32 s4, s19  }
0x9c: {  	s7 =	simm.s32 $0x0;
	s20 =	sshll.u32 s5, $0x1;
	s5 =	sadd.s32 s21, s3  }
0x9d: {  	[timem:s7], [sflag:s22] =	dma.local [hbm:s5], s20  }
0x9e: {  	_ =	swait.ge [sflag:s22], s20  }
0x9f: {  	s4 =	ssub.s32 $0x0, s20;
	[sflag:s22] =	ssyncset.done $0x0  }
0xa0: {  	[sflag:s22] =	ssyncadd.s32 s4;
	_ =	sdelay $0x1  }
0xa1: {  	s23 =	simm.s32 $0x1B8B  }
0xa2: {  	_ =	swait.ge [sflag:s23], $0x1  }
0xa3: {  	[sflag:s23] =	ssyncset.done $0x0  }
0xa4: {  	s25 =	simm.s32 $0x1B8E;
	s24 =	sld [smem:$0x3FFE];
	[sflag:s23] =	ssyncadd.s32 $0xFFFFFFFF  }
0xa5: {  	s26 =	simm.s32 $execute0_lowered;
	[smem:$0x3FD2] =	sst s25  }
0xa6: {  	s5 =	sshll.u32 s26, $0x1;
	_ =	strace $0x8000004F;
	[dreg:$0x1] =	wrdreg $0xFFFFFFFF  }
0xa7: {  	s28 =	simm.s32 $_size_execute0_lowered;
	s3 =	sadd.s32 s3, s5;
	[dreg:$0x0] =	wrdreg $0x0  }
0xa8: {  	s5 =	sshll.u32 s28, $0x1;
	[dreg:$0x2] =	wrdreg s3  }
0xa9: {  	[dreg:$0x3] =	wrdreg s5  }
0xaa: {  	[dreg:$0x4] =	wrdreg $0xC0  }
0xab: {  	_ =	task [dreg:s7], $0x5FFFF  }
0xac: {  	[dreg:$0x1] =	wrdreg $0xFFFFFFFF  }
0xad: {  	[dreg:$0x0] =	wrdreg $0x60  }
0xae: {  	[dreg:$0x2] =	wrdreg s2  }
0xaf: {  	[dreg:$0x3] =	wrdreg s24  }
0xb0: {  	[dreg:$0x4] =	wrdreg $0x168000  }
0xb1: {  	[dreg:$0x5] =	wrdreg $0x9  }
0xb2: {  	_ =	task.clear_ibuf [dreg:s7], $0x6FFFF;
	_ =	strace $0x9000004F  }
0xb3: {  	s29 =	simm.s32 $0x9;
	_ =	strace $0x80000051  }
0xb4: {  	_ =	swait.ge [sflag:s29], $0x1  }
0xb5: {  	[sflag:s29] =	ssyncadd.s32 $0xFFFFFFFF  }
0xb6: {  	_ =	strace $0x90000051  }
0xb7: {  	_ =	sfence  }
0xb8: {  	s30 =	sld [smem:$0x0];
	_ =	sdelay $0x2  }
0xb9: {  	s31 =	sshll.u32 s1, $0xD;
	s1 =	sshrl.u32 s1, $0x2  }
0xba: {  	s3 =	sand.u32 $0x4000, s31;
	s1 =	sadd.s32 s1, s30  }
0xbb: {  	s0 =	sor.u32 s3, s0;
	s1 =	sshll.u32 s1, $0x11  }
0xbc: {  	s0 =	sor.u32 s1, s0  }
0xbd: {  	s0 =	sadd.s32 $0x8F2B, s0  }
0xbe: {  	[sflag:s0] =	ssyncadd.remote.s32 $0x1  }
0xbf: {  	_ =	sfence.sel $0xFFFF  }
0xc0: {  	[dreg:$0x0] =	wrdreg $0xFFFFFFFF;
	(pc) =	sbr.abs _section_cstart, $3  }
0xc1: {  	[dreg:$0x1] =	wrdreg $0xFFFFFFFF  }
0xc2: {  	_ =	task.clear_ibuf [dreg:s7], $0x2FFFF;
	_ =	strace $0x9FFFFFFF  }
0xc3: {  	(tm) =	ssettm $0x7FFFFFFF  }
tec
execute0_lowered:
.L_overlay_start_1:
0x0: {  	(tag) =	ssettag $0x1  }
0x1: {  	s1 =	rddreg [dreg:$0x0]  }
0x2: {  	s5 =	rddreg [dreg:$0x1]  }
0x3: {  	s3 =	rddreg [dreg:$0x2]  }
0x4: {  	s0 =	rddreg [dreg:$0x3]  }
0x5: {  	s6 =	srdreg.scid;
	s2 =	stileid.u32;
	s4 =	simm.s32 $0x0  }
0x6: {  	s17 =	simm.s32 $0x5;
	s18 =	simm.s32 $0x1400;
	s19 =	simm.s32 $0xA00  }
0x7: {  	s20 =	simm.s32 $0x1;
	s21 =	simm.s32 $0x1E00;
	s22 =	simm.s32 $0xC800  }
0x8: {  	s23 =	simm.s32 $0x2;
	s24 =	simm.s32 $0x3;
	s25 =	simm.s32 $0x4  }
0x9: {  	s26 =	simm.s32 $0x0;
	s6 =	sand.u32 $0x1, s6;
	s7 =	smul.u32 $0x2780, s2  }
0xa: {  	[smem:$0x7FF] =	sst s4;
	s12 =	sadd.s32 $0x2CA00, s5;
	s9 =	sshll.u32 s6, $0x4  }
0xb: {  	s8 =	smul.u32 $0x27800, s6;
	s6 =	ssub.s32 $0x2, s6;
	s9 =	sor.u32 s2, s9  }
0xc: {  	s13 =	sadd.s32 $0x36A00, s5;
	s31 =	sshrl.u32 s6, $0x1;
	s9 =	smul.u32 $0x2800, s9  }
0xd: {  	_ =	strace $0x80000050;
	s8 =	sadd.s32 s7, s8;
	s15 =	ssub.s32 s6, s31  }
0xe: {  	s8 =	sshrl.u32 s8, $0x3;
	s15 =	smax.u32 s15, $0x1;
	s16 =	sshrl.u32 s9, $0x3  }
0xf: {  	s14 =	sadd.s32 s8, s5;
	s5 =	sadd.s32 s7, s3;
	s6 =	sadd.s32 s12, s16  }
0x10: {  	s7 =	sadd.s32 s13, s16;
	s9 =	sadd.s32 $0x140, s16;
	s11 =	sadd.s32 $0x280, s16  }
0x11: {  	s16 =	sadd.s32 $0x3C0, s16;
	s14 =	sadd.s32 $0x5800, s14;
	s8 =	sadd.s32 s12, s9  }
0x12: {  	s9 =	sadd.s32 s13, s9;
	s10 =	sadd.s32 s12, s11;
	s11 =	sadd.s32 s13, s11  }
0x13: {  	v0 =	vimm.f32 $0.0e+00;
	s12 =	sadd.s32 s12, s16;
	s13 =	sadd.s32 s13, s16;
	s16 =	simm.s32 $0x2800  }
.LBB2_1:
0x14: {  	s28 =	simm.s32 $0x40;
	s29 =	simm.s32 $0x0  }
.LBB2_2:
0x15: {  	p0 =	sne.s32 s28, $0x9DC0;
	[tilespmem:s29+$0x2800] =	vst v0;
	s29 =	smov.u32 s28;
	s28 =	sadd.s32 $0x40, s28  }
.Ltmp0:
0x16: {  	(pc) =	sbr.rel @p0 .LBB2_2-.Ltmp0, $2  }
0x17: {  	_ =	sdelay $0x2  }
0x18: {  	s29 =	sshra.s32 s29, $0x2  }
0x19: {  	[tilespmem:s29+$0x2800] =	vst v0  }
0x1a: {  	[spmem:s5] =	stream.linear.scatter [tilespmem:s16], [sflag:$0x5], $0x2780, $0x38;
	[tilespmem:$0x18F80] =	vst v63  }
0x1b: {  	_ =	swait.ge [sflag:s17], $0x2780  }
0x1c: {  	[sflag:s17] =	ssyncset.done $0x0  }
0x1d: {  	[sflag:s17] =	ssyncadd.s32 $0xFFFFD880  }
0x1e: {  	[bflag:$0x0] =	sbarrier.arrive $0xFFFF  }
0x1f: {  	[tilespmem:s4], [sflag:$0x5] =	stream.linear.gather [hbm4b:s6+s4], $0xA00, $0x38;
	[tilespmem:$0x18F80] =	vst v63  }
0x20: {  	_ =	swait.ge [sflag:s17], $0xA00  }
0x21: {  	[sflag:s17] =	ssyncset.done $0x0  }
0x22: {  	[sflag:s17] =	ssyncadd.s32 $0xFFFFF600  }
0x23: {  	[tilespmem:s18], [sflag:$0x5] =	stream.linear.gather [hbm4b:s7+s4], $0xA00, $0x38;
	[tilespmem:$0x18F80] =	vst v63  }
0x24: {  	_ =	swait.ge [sflag:s17], $0xA00  }
0x25: {  	[sflag:s17] =	ssyncset.done $0x0  }
0x26: {  	[sflag:s17] =	ssyncadd.s32 $0xFFFFF600  }
0x27: {  	[tilespmem:s16], [sflag:$0x1] =	stream.indirect.gather [hbm4b:s1+s19], $0x10, s4, s19, $0xb8;
	[tilespmem:$0x18F80] =	vst v63  }
0x28: {  	_ =	swait.ge [sflag:s20], $0xA000  }
0x29: {  	[sflag:s20] =	ssyncset.done $0x0  }
0x2a: {  	[sflag:s20] =	ssyncadd.s32 $0xFFFF6000  }
0x2b: {  	[spmem:s3] =	stream.indirect.scatter.add.f32 [tilespmem:s16], [sflag:$0x3], $0x10, s18, s19, $0xb8;
	[tilespmem:$0x18F80] =	vst v63  }
0x2c: {  	_ = 	snop  }
0x2d: {  	[tilespmem:s19], [sflag:$0x5] =	stream.linear.gather [hbm4b:s8+s4], $0xA00, $0x38;
	[tilespmem:$0x18F80] =	vst v63  }
0x2e: {  	_ =	swait.ge [sflag:s17], $0xA00  }
0x2f: {  	[sflag:s17] =	ssyncset.done $0x0  }
0x30: {  	[sflag:s17] =	ssyncadd.s32 $0xFFFFF600  }
0x31: {  	[tilespmem:s21], [sflag:$0x5] =	stream.linear.gather [hbm4b:s9+s4], $0xA00, $0x38;
	[tilespmem:$0x18F80] =	vst v63  }
0x32: {  	_ =	swait.ge [sflag:s17], $0xA00  }
0x33: {  	[sflag:s17] =	ssyncset.done $0x0  }
0x34: {  	[sflag:s17] =	ssyncadd.s32 $0xFFFFF600  }
0x35: {  	[tilespmem:s22], [sflag:$0x2] =	stream.indirect.gather [hbm4b:s1+s19], $0x10, s19, s19, $0xb8;
	[tilespmem:$0x18F80] =	vst v63  }
0x36: {  	_ =	swait.ge [sflag:s23], $0xA000  }
0x37: {  	[sflag:s23] =	ssyncset.done $0x0  }
0x38: {  	[sflag:s23] =	ssyncadd.s32 $0xFFFF6000  }
0x39: {  	[spmem:s3] =	stream.indirect.scatter.add.f32 [tilespmem:s22], [sflag:$0x4], $0x10, s21, s19, $0xb8;
	[tilespmem:$0x18F80] =	vst v63  }
0x3a: {  	_ =	swait.ge [sflag:s24], $0xA000  }
0x3b: {  	[sflag:s24] =	ssyncset.done $0x0  }
0x3c: {  	[sflag:s24] =	ssyncadd.s32 $0xFFFF6000  }
0x3d: {  	[tilespmem:s4], [sflag:$0x5] =	stream.linear.gather [hbm4b:s10+s4], $0xA00, $0x38;
	[tilespmem:$0x18F80] =	vst v63  }
0x3e: {  	_ =	swait.ge [sflag:s17], $0xA00  }
0x3f: {  	[sflag:s17] =	ssyncset.done $0x0  }
0x40: {  	[sflag:s17] =	ssyncadd.s32 $0xFFFFF600  }
0x41: {  	[tilespmem:s18], [sflag:$0x5] =	stream.linear.gather [hbm4b:s11+s4], $0xA00, $0x38;
	[tilespmem:$0x18F80] =	vst v63  }
0x42: {  	_ =	swait.ge [sflag:s17], $0xA00  }
0x43: {  	[sflag:s17] =	ssyncset.done $0x0  }
0x44: {  	[sflag:s17] =	ssyncadd.s32 $0xFFFFF600  }
0x45: {  	[tilespmem:s16], [sflag:$0x1] =	stream.indirect.gather [hbm4b:s1+s19], $0x10, s4, s19, $0xb8;
	[tilespmem:$0x18F80] =	vst v63  }
0x46: {  	_ =	swait.ge [sflag:s20], $0xA000  }
0x47: {  	[sflag:s20] =	ssyncset.done $0x0  }
0x48: {  	[sflag:s20] =	ssyncadd.s32 $0xFFFF6000  }
0x49: {  	[spmem:s3] =	stream.indirect.scatter.add.f32 [tilespmem:s16], [sflag:$0x3], $0x10, s18, s19, $0xb8;
	[tilespmem:$0x18F80] =	vst v63  }
0x4a: {  	_ =	swait.ge [sflag:s25], $0xA000  }
0x4b: {  	[sflag:s25] =	ssyncset.done $0x0  }
0x4c: {  	[sflag:s25] =	ssyncadd.s32 $0xFFFF6000  }
0x4d: {  	[tilespmem:s19], [sflag:$0x5] =	stream.linear.gather [hbm4b:s12+s4], $0xA00, $0x38;
	[tilespmem:$0x18F80] =	vst v63  }
0x4e: {  	_ =	swait.ge [sflag:s17], $0xA00  }
0x4f: {  	[sflag:s17] =	ssyncset.done $0x0  }
0x50: {  	[sflag:s17] =	ssyncadd.s32 $0xFFFFF600  }
0x51: {  	[tilespmem:s21], [sflag:$0x5] =	stream.linear.gather [hbm4b:s13+s4], $0xA00, $0x38;
	[tilespmem:$0x18F80] =	vst v63  }
0x52: {  	_ =	swait.ge [sflag:s17], $0xA00  }
0x53: {  	[sflag:s17] =	ssyncset.done $0x0  }
0x54: {  	[sflag:s17] =	ssyncadd.s32 $0xFFFFF600  }
0x55: {  	[tilespmem:s22], [sflag:$0x2] =	stream.indirect.gather [hbm4b:s1+s19], $0x10, s19, s19, $0xb8;
	[tilespmem:$0x18F80] =	vst v63  }
0x56: {  	_ =	swait.ge [sflag:s23], $0xA000  }
0x57: {  	[sflag:s23] =	ssyncset.done $0x0  }
0x58: {  	[sflag:s23] =	ssyncadd.s32 $0xFFFF6000  }
0x59: {  	[spmem:s3] =	stream.indirect.scatter.add.f32 [tilespmem:s22], [sflag:$0x4], $0x10, s21, s19, $0xb8;
	[tilespmem:$0x18F80] =	vst v63  }
0x5a: {  	_ =	swait.ge [sflag:s24], $0xA000  }
0x5b: {  	[sflag:s24] =	ssyncset.done $0x0  }
0x5c: {  	[sflag:s24] =	ssyncadd.s32 $0xFFFF6000  }
0x5d: {  	_ =	swait.ge [sflag:s25], $0xA000  }
0x5e: {  	s28 =	sshll.u32 s2, $0x6;
	s26 =	sadd.s32 $0x1, s26;
	[sflag:s25] =	ssyncset.done $0x0  }
0x5f: {  	s31 =	sshrl.u32 s5, $0x3;
	p0 =	sne.s32 s26, s15;
	[sflag:s25] =	ssyncadd.s32 $0xFFFF6000  }
.Ltmp1:
0x60: {  	s28 =	sor.u32 $0x1C05, s28;
	[bflag:$0x0] =	sbarrier.arrive $0xFFFF;
	(pc) =	sbr.rel @p0 .LBB2_1-.Ltmp1, $4  }
0x61: {  	[hbm:s14], [sflag:s28] =	dma.local [spmem:s31], $0x4F0  }
0x62: {  	_ =	swait.ge [sflag:s17], $0x4F0  }
0x63: {  	[sflag:s17] =	ssyncset.done $0x0  }
0x64: {  	[sflag:s17] =	ssyncadd.s32 $0xFFFFFB10  }
0x65: {  	_ =	sfence.sel $0x180000  }
0x66: {  	[bflag:$0x0] =	sbarrier.arrive $0xFFFF  }
0x67: {  	p0 =	sne.s32 s2, $0x0;
	_ =	strace $0x90000050  }
0x68: {  	s0 =	sadd.s32 @!p0 $0x100000, s0;
	[bflag:$0x2] =	sbarrier.arrive $0xFFFF  }
0x69: {  	[sflag:s0] =	ssyncadd.tile.s32 @!p0 $0x1;
	_ =	shalt  }
.Lfunc_end2:
_tile_overlayer_lowered:
.L_overlay_start_2:
0x6a: {  	(tag) =	ssettag $0x2  }
0x6b: {  	s0 =	rddreg [dreg:$0x0];
	s2 =	stileid.u32  }
0x6c: {  	s1 =	rddreg [dreg:$0x1];
	p0 =	sne.s32 s2, $0x0  }
0x6d: {  	s3 =	rddreg [dreg:$0x2];
	[bflag:$0x3] =	sbarrier.arrive $0xFFFF;
	s2 =	simm.s32 @!p0 $0x1C05  }
0x6e: {  	[timem:s3], [sflag:s2] =	dma.local @!p0 [hbm:s0], s1  }
0x6f: {  	s0 =	simm.s32 @!p0 $0x5  }
0x70: {  	_ =	swait.ge @!p0 [sflag:s0], s1  }
0x71: {  	s1 =	ssub.s32 @!p0 $0x0, s1;
	[sflag:s0] =	ssyncset.done @!p0 $0x0  }
0x72: {  	[sflag:s0] =	ssyncadd.s32 @!p0 s1  }
0x73: {  	[bflag:$0x3] =	sbarrier.arrive $0xFFFF  }
0x74: {  	_ =	shalt  }

// kernel: kernel.24.cloned.1.call-start
scs
__scs_entry_jumppad:
0x0: {  	(pc) =	sbr.rel $0x88, $3  }
0x1: {  	(tag) =	ssettag $0x0;
	lr =	simm.s32 $0x1  }
0x2: {  	[smem:$0x3F93] =	sst lr;
	_ =	strace $0xD0000000  }
0x3: {  	_ = 	snop  }
0x4: {  	_ = 	snop  }
0x5: {  	_ = 	snop  }
0x6: {  	_ = 	snop  }
0x7: {  	_ = 	snop  }
__scs_overlays_trampoline_lowered:
0x8: {  	[smem:$0x3FA2] =	sst s0  }
0x9: {  	[smem:$0x3FA3] =	sst s1  }
0xa: {  	[smem:$0x3FA4] =	sst s2  }
0xb: {  	[smem:$0x3FA5] =	sst s3  }
0xc: {  	[smem:$0x3FA6] =	sst s4  }
0xd: {  	[smem:$0x3FA7] =	sst s5  }
0xe: {  	[smem:$0x3FA8] =	sst s6  }
0xf: {  	[smem:$0x3FA9] =	sst s7  }
0x10: {  	[smem:$0x3FAA] =	sst s8  }
0x11: {  	[smem:$0x3FAB] =	sst s9;
	s0 =	simm.s32 @!p0 $0x0  }
0x12: {  	s1 =	sld [smem:$0x3F91];
	s0 =	simm.s32 @p0 $0x1  }
0x13: {  	[smem:$0x3FAC] =	sst s0;
	s0 =	simm.s32 @!p1 $0x0  }
0x14: {  	s2 =	sld [smem:$0x3F90];
	s0 =	simm.s32 @p1 $0x1  }
0x15: {  	[smem:$0x3FAD] =	sst s0;
	s0 =	simm.s32 @!p2 $0x0  }
0x16: {  	s3 =	sld [smem:$0x3FDB];
	s0 =	simm.s32 @p2 $0x1  }
0x17: {  	s4 =	simm.s32 $0x1BF5;
	[smem:$0x3FAF] =	sst s0  }
0x18: {  	s0 =	sld [smem:$0x3F92];
	_ =	swait.ge [sflag:s4], $0x0  }
0x19: {  	s7 =	sld [smem:$0x3F93]  }
0x1a: {  	s8 =	sadd.s32 $0xFFFFE003, lr  }
0x1b: {  	s9 =	sadd.s32 $0xFFFFFEF7, lr;
	s5 =	simm.s32 $0xFFFFFFFF;
	p2 =	slt.u32 s8, $0xFFFFF086  }
0x1c: {  	p1 =	slt.u32 s9, $0xF7A;
	s5 =	simm.s32 @!p2 $0x0  }
0x1d: {  	s5 =	simm.s32 @p1 $0x1;
	p0 =	seq.s32 s7, s2  }
0x1e: {  	s7 =	smul.u32 @!p0 $0xF7A, s2;
	p2 =	seq.s32 @!p0 s5, $0x0  }
0x1f: {  	s9 =	smul.u32 $0xF7A, s1;
	s8 =	simm.s32 @!p0 $0x1BF5;
	p2 =	por !p2, p0  }
0x20: {  	[sflag:s8] =	ssyncset.s32 @!p0 $0xFFFFF086;
	s6 =	sadd.s32 @!p0 s3, s7;
	s7 =	simm.s32 @!p0 $0x108  }
0x21: {  	s3 =	sadd.s32 s3, s9;
	s6 =	sadd.s32 @!p0 $0x88, s6;
	s7 =	simm.s32 @p2 $0x1082  }
0x22: {  	[simem:s7], [sflag:s8] =	dma.local @!p0 [hbm:s6], $0xF7A  }
0x23: {  	s9 =	sor.u32 $0xD0000000, s2;
	s6 =	simm.s32 $0x108;
	_ =	swait.ge @!p0 [sflag:s8], $0x0  }
0x24: {  	s3 =	sadd.s32 $0x88, s3;
	s6 =	simm.s32 @!p1 $0x1082;
	[sflag:s4] =	ssyncset.s32 $0xFFFFF086  }
0x25: {  	[simem:s6], [sflag:s4] =	dma.local [hbm:s3], $0xF7A  }
0x26: {  	[smem:$0x3F93] =	sst s1;
	(tag) =	ssettag s2;
	_ =	strace s9  }
0x27: {  	s1 =	sld [smem:$0x3FA3]  }
0x28: {  	s2 =	sld [smem:$0x3FA4]  }
0x29: {  	s4 =	sld [smem:$0x3FA6]  }
0x2a: {  	p0 =	seq.s32 s5, $0x0;
	s5 =	sld [smem:$0x3FA7]  }
0x2b: {  	s6 =	sld [smem:$0x3FA8]  }
0x2c: {  	s7 =	sld [smem:$0x3FA9]  }
0x2d: {  	s3 =	simm.s32 $0x108;
	s8 =	sld [smem:$0x3FAA]  }
0x2e: {  	s3 =	simm.s32 @!p0 $0x1082;
	s9 =	sld [smem:$0x3FAB]  }
0x2f: {  	lr =	sadd.s32 s0, s3;
	s0 =	sld [smem:$0x3FA2]  }
0x30: {  	s3 =	sld [smem:$0x3FA5]  }
0x31: {  	[smem:$0x3FAE] =	sst s10  }
0x32: {  	s10 =	sld [smem:$0x3FAC];
	_ =	sdelay $0x3  }
0x33: {  	p0 =	seq.s32 s10, $0x1;
	s10 =	sld [smem:$0x3FAE];
	_ =	sdelay $0x3  }
0x34: {  	[smem:$0x3FAE] =	sst s10  }
0x35: {  	s10 =	sld [smem:$0x3FAD];
	_ =	sdelay $0x3  }
0x36: {  	p1 =	seq.s32 s10, $0x1;
	s10 =	sld [smem:$0x3FAE];
	_ =	sdelay $0x3  }
0x37: {  	[smem:$0x3FAE] =	sst s10  }
0x38: {  	s10 =	sld [smem:$0x3FAF]  }
0x39: {  	_ = 	snop;
	(pc) =	sbr.ind lr, $3  }
0x3a: {  	_ = 	snop  }
0x3b: {  	_ = 	snop  }
0x3c: {  	p2 =	seq.s32 s10, $0x1;
	s10 =	sld [smem:$0x3FAE]  }
0x3d: {  	_ =	shalt  }
0x3e: {  	_ =	shalt  }
0x3f: {  	_ =	shalt  }
0x40: {  	_ =	shalt  }
0x41: {  	_ =	shalt  }
0x42: {  	_ =	shalt  }
0x43: {  	_ =	shalt  }
0x44: {  	_ =	shalt  }
0x45: {  	_ =	shalt  }
0x46: {  	_ =	shalt  }
0x47: {  	_ =	shalt  }
0x48: {  	_ =	shalt  }
0x49: {  	_ =	shalt  }
0x4a: {  	_ =	shalt  }
0x4b: {  	_ =	shalt  }
0x4c: {  	_ =	shalt  }
0x4d: {  	_ =	shalt  }
0x4e: {  	_ =	shalt  }
0x4f: {  	_ =	shalt  }
0x50: {  	_ =	shalt  }
0x51: {  	_ =	shalt  }
0x52: {  	_ =	shalt  }
0x53: {  	_ =	shalt  }
0x54: {  	_ =	shalt  }
0x55: {  	_ =	shalt  }
0x56: {  	_ =	shalt  }
0x57: {  	_ =	shalt  }
0x58: {  	_ =	shalt  }
0x59: {  	_ =	shalt  }
0x5a: {  	_ =	shalt  }
0x5b: {  	_ =	shalt  }
0x5c: {  	_ =	shalt  }
0x5d: {  	_ =	shalt  }
0x5e: {  	_ =	shalt  }
0x5f: {  	_ =	shalt  }
0x60: {  	_ =	shalt  }
0x61: {  	_ =	shalt  }
0x62: {  	_ =	shalt  }
0x63: {  	_ =	shalt  }
0x64: {  	_ =	shalt  }
0x65: {  	_ =	shalt  }
0x66: {  	_ =	shalt  }
0x67: {  	_ =	shalt  }
0x68: {  	_ =	shalt  }
0x69: {  	_ =	shalt  }
0x6a: {  	_ =	shalt  }
0x6b: {  	_ =	shalt  }
0x6c: {  	_ =	shalt  }
0x6d: {  	_ =	shalt  }
0x6e: {  	_ =	shalt  }
0x6f: {  	_ =	shalt  }
0x70: {  	_ =	shalt  }
0x71: {  	_ =	shalt  }
0x72: {  	_ =	shalt  }
0x73: {  	_ =	shalt  }
0x74: {  	_ =	shalt  }
0x75: {  	_ =	shalt  }
0x76: {  	_ =	shalt  }
0x77: {  	_ =	shalt  }
0x78: {  	_ =	shalt  }
0x79: {  	_ =	shalt  }
0x7a: {  	_ =	shalt  }
0x7b: {  	_ =	shalt  }
0x7c: {  	_ =	shalt  }
0x7d: {  	_ =	shalt  }
0x7e: {  	_ =	shalt  }
0x7f: {  	_ =	shalt  }
0x80: {  	_ =	shalt  }
0x81: {  	_ =	shalt  }
0x82: {  	_ =	shalt  }
0x83: {  	_ =	shalt  }
0x84: {  	_ =	shalt  }
0x85: {  	_ =	shalt  }
0x86: {  	_ =	shalt  }
0x87: {  	_ =	shalt  }
.Lfunc_end0:
.L_simem_size_0:
called_computation.4_lowered:
.L_overlay_start_0:
0x88: {  	s2 =	sld [smem:$0x3FD9]  }
0x89: {  	s3 =	sld [smem:$0x3FFE];
	_ =	sdelay $0x1  }
0x8a: {  	s1 =	srdreg.scid  }
0x8b: {  	s0 =	sand.u32 $0x1, s1  }
0x8c: {  	s17 =	sshll.u32 s0, $0xA;
	s2 =	sadd.s32 s3, s2  }
0x8d: {  	s2 =	sadd.s32 s2, s17  }
0x8e: {  	[smem:$0x3FBA] =	sst s2  }
0x8f: {  	_ = 	snop  }
0x90: {  	s2 =	sld [smem:$0x3FD0];
	(tm) =	ssettm $0x1  }
0x91: {  	s18 =	sld [smem:$0x3FFB];
	_ =	sdelay $0x3  }
0x92: {  	_ =	strace s18  }
0x93: {  	s3 =	sld [smem:$0x3FFC];
	_ =	sdelay $0x3  }
0x94: {  	_ =	strace s3  }
0x95: {  	s3 =	sld [smem:$0x3FFD];
	_ =	sdelay $0x3  }
0x96: {  	_ =	strace s3  }
0x97: {  	_ =	strace $0x8FFFFFFF  }
0x98: {  	s19 =	sld [smem:$0x3FDB];
	_ =	sdelay $0x1  }
0x99: {  	s4 =	simm.s32 $_scs_section_size  }
0x9a: {  	s5 =	simm.s32 $_size__tile_overlayer_lowered;
	s6 =	simm.s32 $_tile_overlayer_lowered  }
0x9b: {  	s22 =	simm.s32 $0x1BFF;
	s21 =	sshll.u32 s6, $0x1;
	s3 =	sadd.s32 s4, s19  }
0x9c: {  	s7 =	simm.s32 $0x0;
	s20 =	sshll.u32 s5, $0x1;
	s5 =	sadd.s32 s21, s3  }
0x9d: {  	[timem:s7], [sflag:s22] =	dma.local [hbm:s5], s20  }
0x9e: {  	_ =	swait.ge [sflag:s22], s20  }
0x9f: {  	s4 =	ssub.s32 $0x0, s20;
	[sflag:s22] =	ssyncset.done $0x0  }
0xa0: {  	[sflag:s22] =	ssyncadd.s32 s4;
	_ =	sdelay $0x1  }
0xa1: {  	s23 =	simm.s32 $0x1B8B  }
0xa2: {  	_ =	swait.ge [sflag:s23], $0x1  }
0xa3: {  	[sflag:s23] =	ssyncset.done $0x0  }
0xa4: {  	s25 =	simm.s32 $0x1B8E;
	s24 =	sld [smem:$0x3FFE];
	[sflag:s23] =	ssyncadd.s32 $0xFFFFFFFF  }
0xa5: {  	s26 =	simm.s32 $execute0_lowered;
	[smem:$0x3FD2] =	sst s25  }
0xa6: {  	s5 =	sshll.u32 s26, $0x1;
	_ =	strace $0x80000052;
	[dreg:$0x1] =	wrdreg $0xFFFFFFFF  }
0xa7: {  	s28 =	simm.s32 $_size_execute0_lowered;
	s3 =	sadd.s32 s3, s5;
	[dreg:$0x0] =	wrdreg $0x0  }
0xa8: {  	s5 =	sshll.u32 s28, $0x1;
	[dreg:$0x2] =	wrdreg s3  }
0xa9: {  	[dreg:$0x3] =	wrdreg s5  }
0xaa: {  	[dreg:$0x4] =	wrdreg $0xC0  }
0xab: {  	_ =	task [dreg:s7], $0x5FFFF  }
0xac: {  	[dreg:$0x1] =	wrdreg $0xFFFFFFFF  }
0xad: {  	[dreg:$0x0] =	wrdreg $0x60  }
0xae: {  	[dreg:$0x2] =	wrdreg s2  }
0xaf: {  	[dreg:$0x3] =	wrdreg s24  }
0xb0: {  	[dreg:$0x4] =	wrdreg $0x168000  }
0xb1: {  	[dreg:$0x5] =	wrdreg $0x9  }
0xb2: {  	_ =	task.clear_ibuf [dreg:s7], $0x6FFFF;
	_ =	strace $0x90000052  }
0xb3: {  	s29 =	simm.s32 $0x9;
	_ =	strace $0x80000054  }
0xb4: {  	_ =	swait.ge [sflag:s29], $0x1  }
0xb5: {  	[sflag:s29] =	ssyncadd.s32 $0xFFFFFFFF  }
0xb6: {  	_ =	strace $0x90000054  }
0xb7: {  	_ =	sfence  }
0xb8: {  	s30 =	sld [smem:$0x0];
	_ =	sdelay $0x2  }
0xb9: {  	s31 =	sshll.u32 s1, $0xD;
	s1 =	sshrl.u32 s1, $0x2  }
0xba: {  	s3 =	sand.u32 $0x4000, s31;
	s1 =	sadd.s32 s1, s30  }
0xbb: {  	s0 =	sor.u32 s3, s0;
	s1 =	sshll.u32 s1, $0x11  }
0xbc: {  	s0 =	sor.u32 s1, s0  }
0xbd: {  	s0 =	sadd.s32 $0x8F2B, s0  }
0xbe: {  	[sflag:s0] =	ssyncadd.remote.s32 $0x1  }
0xbf: {  	_ =	sfence.sel $0xFFFF  }
0xc0: {  	[dreg:$0x0] =	wrdreg $0xFFFFFFFF;
	(pc) =	sbr.abs _section_cstart, $3  }
0xc1: {  	[dreg:$0x1] =	wrdreg $0xFFFFFFFF  }
0xc2: {  	_ =	task.clear_ibuf [dreg:s7], $0x2FFFF;
	_ =	strace $0x9FFFFFFF  }
0xc3: {  	(tm) =	ssettm $0x7FFFFFFF  }
tec
execute0_lowered:
.L_overlay_start_1:
0x0: {  	(tag) =	ssettag $0x1  }
0x1: {  	s1 =	rddreg [dreg:$0x0]  }
0x2: {  	s5 =	rddreg [dreg:$0x1]  }
0x3: {  	s3 =	rddreg [dreg:$0x2]  }
0x4: {  	s0 =	rddreg [dreg:$0x3]  }
0x5: {  	s6 =	srdreg.scid;
	s2 =	stileid.u32;
	s4 =	simm.s32 $0x0  }
0x6: {  	s17 =	simm.s32 $0x5;
	s18 =	simm.s32 $0x1400;
	s19 =	simm.s32 $0xA00  }
0x7: {  	s20 =	simm.s32 $0x1;
	s21 =	simm.s32 $0x1E00;
	s22 =	simm.s32 $0xC800  }
0x8: {  	s23 =	simm.s32 $0x2;
	s24 =	simm.s32 $0x3;
	s25 =	simm.s32 $0x4  }
0x9: {  	s26 =	simm.s32 $0x0;
	s6 =	sand.u32 $0x1, s6;
	s7 =	smul.u32 $0x2780, s2  }
0xa: {  	[smem:$0x7FF] =	sst s4;
	s12 =	sadd.s32 $0x2CA00, s5;
	s9 =	sshll.u32 s6, $0x4  }
0xb: {  	s8 =	smul.u32 $0x27800, s6;
	s6 =	ssub.s32 $0x2, s6;
	s9 =	sor.u32 s2, s9  }
0xc: {  	s13 =	sadd.s32 $0x36A00, s5;
	s31 =	sshrl.u32 s6, $0x1;
	s9 =	smul.u32 $0x2800, s9  }
0xd: {  	_ =	strace $0x80000053;
	s8 =	sadd.s32 s7, s8;
	s15 =	ssub.s32 s6, s31  }
0xe: {  	s8 =	sshrl.u32 s8, $0x3;
	s15 =	smax.u32 s15, $0x1;
	s16 =	sshrl.u32 s9, $0x3  }
0xf: {  	s14 =	sadd.s32 s8, s5;
	s5 =	sadd.s32 s7, s3;
	s6 =	sadd.s32 s12, s16  }
0x10: {  	s7 =	sadd.s32 s13, s16;
	s9 =	sadd.s32 $0x140, s16;
	s11 =	sadd.s32 $0x280, s16  }
0x11: {  	s16 =	sadd.s32 $0x3C0, s16;
	s14 =	sadd.s32 $0x5800, s14;
	s8 =	sadd.s32 s12, s9  }
0x12: {  	s9 =	sadd.s32 s13, s9;
	s10 =	sadd.s32 s12, s11;
	s11 =	sadd.s32 s13, s11  }
0x13: {  	v0 =	vimm.f32 $0.0e+00;
	s12 =	sadd.s32 s12, s16;
	s13 =	sadd.s32 s13, s16;
	s16 =	simm.s32 $0x2800  }
.LBB2_1:
0x14: {  	s28 =	simm.s32 $0x40;
	s29 =	simm.s32 $0x0  }
.LBB2_2:
0x15: {  	p0 =	sne.s32 s28, $0x9DC0;
	[tilespmem:s29+$0x2800] =	vst v0;
	s29 =	smov.u32 s28;
	s28 =	sadd.s32 $0x40, s28  }
.Ltmp0:
0x16: {  	(pc) =	sbr.rel @p0 .LBB2_2-.Ltmp0, $2  }
0x17: {  	_ =	sdelay $0x2  }
0x18: {  	s29 =	sshra.s32 s29, $0x2  }
0x19: {  	[tilespmem:s29+$0x2800] =	vst v0  }
0x1a: {  	[spmem:s5] =	stream.linear.scatter [tilespmem:s16], [sflag:$0x5], $0x2780, $0x38;
	[tilespmem:$0x18F80] =	vst v63  }
0x1b: {  	_ =	swait.ge [sflag:s17], $0x2780  }
0x1c: {  	[sflag:s17] =	ssyncset.done $0x0  }
0x1d: {  	[sflag:s17] =	ssyncadd.s32 $0xFFFFD880  }
0x1e: {  	[bflag:$0x0] =	sbarrier.arrive $0xFFFF  }
0x1f: {  	[tilespmem:s4], [sflag:$0x5] =	stream.linear.gather [hbm4b:s6+s4], $0xA00, $0x38;
	[tilespmem:$0x18F80] =	vst v63  }
0x20: {  	_ =	swait.ge [sflag:s17], $0xA00  }
0x21: {  	[sflag:s17] =	ssyncset.done $0x0  }
0x22: {  	[sflag:s17] =	ssyncadd.s32 $0xFFFFF600  }
0x23: {  	[tilespmem:s18], [sflag:$0x5] =	stream.linear.gather [hbm4b:s7+s4], $0xA00, $0x38;
	[tilespmem:$0x18F80] =	vst v63  }
0x24: {  	_ =	swait.ge [sflag:s17], $0xA00  }
0x25: {  	[sflag:s17] =	ssyncset.done $0x0  }
0x26: {  	[sflag:s17] =	ssyncadd.s32 $0xFFFFF600  }
0x27: {  	[tilespmem:s16], [sflag:$0x1] =	stream.indirect.gather [hbm4b:s1+s19], $0x10, s4, s19, $0xb8;
	[tilespmem:$0x18F80] =	vst v63  }
0x28: {  	_ =	swait.ge [sflag:s20], $0xA000  }
0x29: {  	[sflag:s20] =	ssyncset.done $0x0  }
0x2a: {  	[sflag:s20] =	ssyncadd.s32 $0xFFFF6000  }
0x2b: {  	[spmem:s3] =	stream.indirect.scatter.add.f32 [tilespmem:s16], [sflag:$0x3], $0x10, s18, s19, $0xb8;
	[tilespmem:$0x18F80] =	vst v63  }
0x2c: {  	_ = 	snop  }
0x2d: {  	[tilespmem:s19], [sflag:$0x5] =	stream.linear.gather [hbm4b:s8+s4], $0xA00, $0x38;
	[tilespmem:$0x18F80] =	vst v63  }
0x2e: {  	_ =	swait.ge [sflag:s17], $0xA00  }
0x2f: {  	[sflag:s17] =	ssyncset.done $0x0  }
0x30: {  	[sflag:s17] =	ssyncadd.s32 $0xFFFFF600  }
0x31: {  	[tilespmem:s21], [sflag:$0x5] =	stream.linear.gather [hbm4b:s9+s4], $0xA00, $0x38;
	[tilespmem:$0x18F80] =	vst v63  }
0x32: {  	_ =	swait.ge [sflag:s17], $0xA00  }
0x33: {  	[sflag:s17] =	ssyncset.done $0x0  }
0x34: {  	[sflag:s17] =	ssyncadd.s32 $0xFFFFF600  }
0x35: {  	[tilespmem:s22], [sflag:$0x2] =	stream.indirect.gather [hbm4b:s1+s19], $0x10, s19, s19, $0xb8;
	[tilespmem:$0x18F80] =	vst v63  }
0x36: {  	_ =	swait.ge [sflag:s23], $0xA000  }
0x37: {  	[sflag:s23] =	ssyncset.done $0x0  }
0x38: {  	[sflag:s23] =	ssyncadd.s32 $0xFFFF6000  }
0x39: {  	[spmem:s3] =	stream.indirect.scatter.add.f32 [tilespmem:s22], [sflag:$0x4], $0x10, s21, s19, $0xb8;
	[tilespmem:$0x18F80] =	vst v63  }
0x3a: {  	_ =	swait.ge [sflag:s24], $0xA000  }
0x3b: {  	[sflag:s24] =	ssyncset.done $0x0  }
0x3c: {  	[sflag:s24] =	ssyncadd.s32 $0xFFFF6000  }
0x3d: {  	[tilespmem:s4], [sflag:$0x5] =	stream.linear.gather [hbm4b:s10+s4], $0xA00, $0x38;
	[tilespmem:$0x18F80] =	vst v63  }
0x3e: {  	_ =	swait.ge [sflag:s17], $0xA00  }
0x3f: {  	[sflag:s17] =	ssyncset.done $0x0  }
0x40: {  	[sflag:s17] =	ssyncadd.s32 $0xFFFFF600  }
0x41: {  	[tilespmem:s18], [sflag:$0x5] =	stream.linear.gather [hbm4b:s11+s4], $0xA00, $0x38;
	[tilespmem:$0x18F80] =	vst v63  }
0x42: {  	_ =	swait.ge [sflag:s17], $0xA00  }
0x43: {  	[sflag:s17] =	ssyncset.done $0x0  }
0x44: {  	[sflag:s17] =	ssyncadd.s32 $0xFFFFF600  }
0x45: {  	[tilespmem:s16], [sflag:$0x1] =	stream.indirect.gather [hbm4b:s1+s19], $0x10, s4, s19, $0xb8;
	[tilespmem:$0x18F80] =	vst v63  }
0x46: {  	_ =	swait.ge [sflag:s20], $0xA000  }
0x47: {  	[sflag:s20] =	ssyncset.done $0x0  }
0x48: {  	[sflag:s20] =	ssyncadd.s32 $0xFFFF6000  }
0x49: {  	[spmem:s3] =	stream.indirect.scatter.add.f32 [tilespmem:s16], [sflag:$0x3], $0x10, s18, s19, $0xb8;
	[tilespmem:$0x18F80] =	vst v63  }
0x4a: {  	_ =	swait.ge [sflag:s25], $0xA000  }
0x4b: {  	[sflag:s25] =	ssyncset.done $0x0  }
0x4c: {  	[sflag:s25] =	ssyncadd.s32 $0xFFFF6000  }
0x4d: {  	[tilespmem:s19], [sflag:$0x5] =	stream.linear.gather [hbm4b:s12+s4], $0xA00, $0x38;
	[tilespmem:$0x18F80] =	vst v63  }
0x4e: {  	_ =	swait.ge [sflag:s17], $0xA00  }
0x4f: {  	[sflag:s17] =	ssyncset.done $0x0  }
0x50: {  	[sflag:s17] =	ssyncadd.s32 $0xFFFFF600  }
0x51: {  	[tilespmem:s21], [sflag:$0x5] =	stream.linear.gather [hbm4b:s13+s4], $0xA00, $0x38;
	[tilespmem:$0x18F80] =	vst v63  }
0x52: {  	_ =	swait.ge [sflag:s17], $0xA00  }
0x53: {  	[sflag:s17] =	ssyncset.done $0x0  }
0x54: {  	[sflag:s17] =	ssyncadd.s32 $0xFFFFF600  }
0x55: {  	[tilespmem:s22], [sflag:$0x2] =	stream.indirect.gather [hbm4b:s1+s19], $0x10, s19, s19, $0xb8;
	[tilespmem:$0x18F80] =	vst v63  }
0x56: {  	_ =	swait.ge [sflag:s23], $0xA000  }
0x57: {  	[sflag:s23] =	ssyncset.done $0x0  }
0x58: {  	[sflag:s23] =	ssyncadd.s32 $0xFFFF6000  }
0x59: {  	[spmem:s3] =	stream.indirect.scatter.add.f32 [tilespmem:s22], [sflag:$0x4], $0x10, s21, s19, $0xb8;
	[tilespmem:$0x18F80] =	vst v63  }
0x5a: {  	_ =	swait.ge [sflag:s24], $0xA000  }
0x5b: {  	[sflag:s24] =	ssyncset.done $0x0  }
0x5c: {  	[sflag:s24] =	ssyncadd.s32 $0xFFFF6000  }
0x5d: {  	_ =	swait.ge [sflag:s25], $0xA000  }
0x5e: {  	s28 =	sshll.u32 s2, $0x6;
	s26 =	sadd.s32 $0x1, s26;
	[sflag:s25] =	ssyncset.done $0x0  }
0x5f: {  	s31 =	sshrl.u32 s5, $0x3;
	p0 =	sne.s32 s26, s15;
	[sflag:s25] =	ssyncadd.s32 $0xFFFF6000  }
.Ltmp1:
0x60: {  	s28 =	sor.u32 $0x1C05, s28;
	[bflag:$0x0] =	sbarrier.arrive $0xFFFF;
	(pc) =	sbr.rel @p0 .LBB2_1-.Ltmp1, $4  }
0x61: {  	[hbm:s14], [sflag:s28] =	dma.local [spmem:s31], $0x4F0  }
0x62: {  	_ =	swait.ge [sflag:s17], $0x4F0  }
0x63: {  	[sflag:s17] =	ssyncset.done $0x0  }
0x64: {  	[sflag:s17] =	ssyncadd.s32 $0xFFFFFB10  }
0x65: {  	_ =	sfence.sel $0x180000  }
0x66: {  	[bflag:$0x0] =	sbarrier.arrive $0xFFFF  }
0x67: {  	p0 =	sne.s32 s2, $0x0;
	_ =	strace $0x90000053  }
0x68: {  	s0 =	sadd.s32 @!p0 $0x100000, s0;
	[bflag:$0x2] =	sbarrier.arrive $0xFFFF  }
0x69: {  	[sflag:s0] =	ssyncadd.tile.s32 @!p0 $0x1;
	_ =	shalt  }
.Lfunc_end2:
_tile_overlayer_lowered:
.L_overlay_start_2:
0x6a: {  	(tag) =	ssettag $0x2  }
0x6b: {  	s0 =	rddreg [dreg:$0x0];
	s2 =	stileid.u32  }
0x6c: {  	s1 =	rddreg [dreg:$0x1];
	p0 =	sne.s32 s2, $0x0  }
0x6d: {  	s3 =	rddreg [dreg:$0x2];
	[bflag:$0x3] =	sbarrier.arrive $0xFFFF;
	s2 =	simm.s32 @!p0 $0x1C05  }
0x6e: {  	[timem:s3], [sflag:s2] =	dma.local @!p0 [hbm:s0], s1  }
0x6f: {  	s0 =	simm.s32 @!p0 $0x5  }
0x70: {  	_ =	swait.ge @!p0 [sflag:s0], s1  }
0x71: {  	s1 =	ssub.s32 @!p0 $0x0, s1;
	[sflag:s0] =	ssyncset.done @!p0 $0x0  }
0x72: {  	[sflag:s0] =	ssyncadd.s32 @!p0 s1  }
0x73: {  	[bflag:$0x3] =	sbarrier.arrive $0xFFFF  }
0x74: {  	_ =	shalt  }

</sc_bundles>
